<compile_context>
chip_gen: v7x
topology: tpu7x:2x2x1
jax: 0.10.2.dev20260603
libtpu: 0.0.44.dev20260713+nightly
codegen_flags: <defaults>
</compile_context>

<pallas_src>
import jax
import jax.numpy as jnp
from jax import lax
from jax.experimental import pallas as pl
from jax.experimental.pallas import tpu as pltpu
from jax.experimental.pallas import tpu_sc as plsc

N_NODES = 10000
N_EDGES = 320000
DIM = 128
N_RELS = 8

N_CHUNKS = 10
CHUNK_NODES = 1000
CHUNK_SLOTS = 1024
N_SLOTS = N_CHUNKS * CHUNK_SLOTS
LOCAL_ROWS = CHUNK_SLOTS * N_RELS
OUT_ROWS = N_CHUNKS * LOCAL_ROWS
STRIPE = LOCAL_ROWS // 16
PASSES = N_CHUNKS // 2
E_PER_TILE = N_EDGES // 16
E_STAGE = 2000
N_STAGE = E_PER_TILE // E_STAGE
VECS_PER_STAGE = E_STAGE // 16
BATCH = 64
COMP_ROWS = 64
DUMMY_ROW = CHUNK_NODES * N_RELS + 100
DUMMY_SRC = CHUNK_NODES

_TC_BLK = 1280


def _sc_scatter_body(gather, x_pad, esrc, edst, ety, z_h, o_h, a_out,
                     est_s, est_d, est_t, csrc, ckey, rowbuf, zbuf, acc,
                     gsem, ssem):
    c = lax.axis_index("c")
    s = lax.axis_index("s")
    iota = lax.iota(jnp.int32, 16)

    pltpu.sync_copy(z_h, zbuf)

    rb0 = rowbuf.at[pl.ds(0, BATCH)]
    rb1 = rowbuf.at[pl.ds(BATCH, BATCH)]

    def drain(lo, hi):
        def gloop(k, carry):
            j0 = lo + 2 * k
            j1 = j0 + 1
            r0 = lax.bitwise_and(j0, COMP_ROWS - 1)
            r1 = lax.bitwise_and(j1, COMP_ROWS - 1)
            if gather:
                g0 = pltpu.async_copy(x_pad.at[csrc.at[r0]], rb0, gsem)

                @pl.when(j1 < hi)
                def _():
                    pltpu.async_copy(x_pad.at[csrc.at[r1]], rb1, gsem)
                g0.wait()
            s0 = pltpu.async_copy(rb0, acc.at[ckey.at[r0]], ssem, add=True)

            @pl.when(j1 < hi)
            def _():
                if gather:
                    pltpu.make_async_copy(
                        x_pad.at[csrc.at[r1]], rb1, gsem).wait()
                    s1 = pltpu.async_copy(
                        rb1, acc.at[ckey.at[r1]], ssem, add=True)
                else:
                    s1 = pltpu.async_copy(
                        rb0, acc.at[ckey.at[r1]], ssem, add=True)
                s1.wait()
            s0.wait()
            return carry
        npair = lax.shift_right_logical(hi - lo + 1, 1)
        lax.fori_loop(0, npair, gloop, 0)

    def pass_body(p, _):
        chunk = c * PASSES + p
        node_base = chunk * CHUNK_NODES
        out_base = chunk * LOCAL_ROWS
        if not gather:
            pltpu.sync_copy(o_h, rowbuf)

        def zloop(k, carry):
            pltpu.sync_copy(zbuf, acc.at[pl.ds(s * STRIPE + k * 32, 32)])
            return carry
        lax.fori_loop(0, STRIPE // 32, zloop, 0)
        plsc.subcore_barrier()

        def stage(b, carry):
            off, drained = carry
            e0 = s * E_PER_TILE + b * E_STAGE
            pltpu.sync_copy(esrc.at[pl.ds(e0, E_STAGE)], est_s)
            pltpu.sync_copy(edst.at[pl.ds(e0, E_STAGE)], est_d)
            pltpu.sync_copy(ety.at[pl.ds(e0, E_STAGE)], est_t)

            def iloop(i, off):
                for u in range(5):
                    sl = pl.ds((i * 5 + u) * 16, 16)
                    sv = est_s[sl]
                    dv = est_d[sl]
                    tv = est_t[sl]
                    dr = dv - node_base
                    m = (dr >= 0) & (dr < CHUNK_NODES)
                    key = dr * N_RELS + tv
                    pos = plsc.cumsum(jnp.where(m, 1, 0).astype(jnp.int32))
                    idx = off + pos - 1
                    row = lax.bitwise_and(
                        lax.shift_right_logical(idx, 6), COMP_ROWS - 1)
                    col = lax.bitwise_and(idx, BATCH - 1)
                    plsc.store_scatter(csrc, [row, col], sv, mask=m)
                    plsc.store_scatter(ckey, [row, col], key, mask=m)
                    off = off + plsc.all_reduce_population_count(m)
                return off
            off = lax.fori_loop(0, VECS_PER_STAGE // 5, iloop, off)
            full = lax.shift_right_logical(jnp.max(off), 6)
            drain(drained, full)
            return (off, full)
        off, drained = lax.fori_loop(
            0, N_STAGE, stage, (jnp.zeros((16,), jnp.int32),
                                jnp.zeros((), jnp.int32)))
        n_edges = jnp.max(off)
        nb = lax.shift_right_logical(n_edges + BATCH - 1, 6)

        def ploop(j, carry):
            posv = n_edges + j * 16 + iota
            pm = posv < nb * BATCH
            row = lax.bitwise_and(
                lax.shift_right_logical(posv, 6), COMP_ROWS - 1)
            col = lax.bitwise_and(posv, BATCH - 1)
            plsc.store_scatter(
                ckey, [row, col],
                jnp.full((16,), DUMMY_ROW, jnp.int32), mask=pm)
            plsc.store_scatter(
                csrc, [row, col],
                jnp.full((16,), DUMMY_SRC, jnp.int32), mask=pm)
            return carry
        lax.fori_loop(0, 4, ploop, 0)
        drain(drained, nb)
        plsc.subcore_barrier()

        def wloop(k, carry):
            r0 = s * STRIPE + k * 128
            w0 = pltpu.async_copy(acc.at[pl.ds(r0, 64)],
                                  a_out.at[pl.ds(out_base + r0, 64)], gsem)
            w1 = pltpu.async_copy(acc.at[pl.ds(r0 + 64, 64)],
                                  a_out.at[pl.ds(out_base + r0 + 64, 64)],
                                  gsem)
            w0.wait()
            w1.wait()
            return carry
        lax.fori_loop(0, STRIPE // 128, wloop, 0)
        return 0

    lax.fori_loop(0, PASSES, pass_body, 0)


def _make_sc_scatter(gather=True):
    mesh = plsc.VectorSubcoreMesh(core_axis_name="c", subcore_axis_name="s",
                                  num_cores=2, num_subcores=16)
    out_type = [jax.ShapeDtypeStruct((OUT_ROWS, DIM), jnp.float32)]
    scratch = [
        pltpu.VMEM((E_STAGE,), jnp.int32),
        pltpu.VMEM((E_STAGE,), jnp.int32),
        pltpu.VMEM((E_STAGE,), jnp.int32),
        pltpu.VMEM((COMP_ROWS, BATCH), jnp.int32),
        pltpu.VMEM((COMP_ROWS, BATCH), jnp.int32),
        pltpu.VMEM((128, DIM), jnp.float32),
        pltpu.VMEM((32, DIM), jnp.float32),
        pltpu.VMEM_SHARED((LOCAL_ROWS, DIM), jnp.float32),
        pltpu.SemaphoreType.DMA,
        pltpu.SemaphoreType.DMA,
    ]
    import functools as _ft
    return pl.kernel(_ft.partial(_sc_scatter_body, gather),
                     out_type=out_type, mesh=mesh, scratch_types=scratch,
                     compiler_params=pltpu.CompilerParams(
                         needs_layout_passes=False))




def _dense_body(x_ref, a_ref, cnt_ref, w_ref, b_ref, o_ref):
    x = x_ref[...]
    acc = jnp.dot(x, w_ref[0:DIM, :], preferred_element_type=jnp.float32)
    acc = acc + b_ref[0, :][None, :]
    for r in range(N_RELS):
        inv = 1.0 / jnp.maximum(cnt_ref[:, r], 1.0)
        ar = a_ref[:, r, :] * inv[:, None]
        acc = acc + jnp.dot(
            ar, w_ref[DIM * (r + 1):DIM * (r + 2), :],
            preferred_element_type=jnp.float32)
    o_ref[...] = jnp.maximum(acc, 0.0)


def _dense_layer(x, a, cnt, wcat, bias, *, interpret=False):
    return pl.pallas_call(
        _dense_body,
        grid=(N_SLOTS // _TC_BLK,),
        in_specs=[
            pl.BlockSpec((_TC_BLK, DIM), lambda i: (i, 0)),
            pl.BlockSpec((_TC_BLK, N_RELS, DIM), lambda i: (i, 0, 0)),
            pl.BlockSpec((_TC_BLK, N_RELS), lambda i: (i, 0)),
            pl.BlockSpec(((N_RELS + 1) * DIM, DIM), lambda i: (0, 0)),
            pl.BlockSpec((1, DIM), lambda i: (0, 0)),
        ],
        out_specs=pl.BlockSpec((_TC_BLK, DIM), lambda i: (i, 0)),
        out_shape=jax.ShapeDtypeStruct((N_SLOTS, DIM), jnp.float32),
        interpret=interpret,
    )(x, a, cnt, wcat, bias)


def kernel(x, edge_index, edge_type, W1, root1, b1, W2, root2, b2):
    src = edge_index[0].astype(jnp.int32)
    dst = edge_index[1].astype(jnp.int32)
    ety = edge_type.astype(jnp.int32)
    src_slot = (src // CHUNK_NODES) * CHUNK_SLOTS + src % CHUNK_NODES

    x_pad = jnp.pad(x.reshape(N_CHUNKS, CHUNK_NODES, DIM),
                    ((0, 0), (0, CHUNK_SLOTS - CHUNK_NODES), (0, 0))
                    ).reshape(N_SLOTS, DIM)

    w1 = jnp.concatenate([root1, W1.reshape(N_RELS * DIM, DIM)], axis=0)
    w2 = jnp.concatenate([root2, W2.reshape(N_RELS * DIM, DIM)], axis=0)
    bias1 = b1.reshape(1, DIM)
    bias2 = b2.reshape(1, DIM)

    z_h = jnp.zeros((32, DIM), jnp.float32)
    o_h = jnp.ones((128, DIM), jnp.float32)

    scat = _make_sc_scatter(True)
    scat_cnt = _make_sc_scatter(False)

    (cnt_wide,) = scat_cnt(x_pad, src_slot, dst, ety, z_h, o_h)
    cnt = cnt_wide[:, 0].reshape(N_SLOTS, N_RELS)

    (a1f,) = scat(x_pad, src_slot, dst, ety, z_h, o_h)
    a1 = a1f.reshape(N_SLOTS, N_RELS, DIM)
    h = _dense_layer(x_pad, a1, cnt, w1, bias1)

    (a2f,) = scat(h, src_slot, dst, ety, z_h, o_h)
    a2 = a2f.reshape(N_SLOTS, N_RELS, DIM)
    h2 = _dense_layer(h, a2, cnt, w2, bias2)

    return h2.reshape(N_CHUNKS, CHUNK_SLOTS, DIM)[:, :CHUNK_NODES].reshape(
        N_NODES, DIM)

# --- scband reference (transcript-rebuilt; emitter-appended) ---
"""Pipeline reference for scband-deep-net-6408091205736 (READ-ONLY COPY).

The authoritative reference and input builder live on the scoring server;
editing this copy changes nothing except your own understanding.
"""

import jax, jax.numpy as jnp
import numpy as np

NUM_NODES = 10000
NUM_EDGES = 320000
D = 128
NUM_RELS = 8


def setup_inputs(seed: int = 0) -> dict:
    key = jax.random.key(seed)
    ks = jax.random.split(key, 10)
    x = jax.random.normal(ks[0], (NUM_NODES, D), dtype=jnp.float32)
    edge_index = jax.random.randint(ks[1], (2, NUM_EDGES), 0, NUM_NODES, dtype=jnp.int64)
    edge_type = jax.random.randint(ks[2], (NUM_EDGES,), 0, NUM_RELS, dtype=jnp.int64)
    s = 1.0 / np.sqrt(D)
    W1 = jax.random.normal(ks[3], (NUM_RELS, D, D), dtype=jnp.float32) * s
    root1 = jax.random.normal(ks[4], (D, D), dtype=jnp.float32) * s
    b1 = jnp.zeros((D,), dtype=jnp.float32)
    W2 = jax.random.normal(ks[5], (NUM_RELS, D, D), dtype=jnp.float32) * s
    root2 = jax.random.normal(ks[6], (D, D), dtype=jnp.float32) * s
    b2 = jnp.zeros((D,), dtype=jnp.float32)
    return {"x": x, "edge_index": edge_index, "edge_type": edge_type,
            "W1": W1, "root1": root1, "b1": b1, "W2": W2, "root2": root2, "b2": b2}


def _rgcn_layer(x, W, root, bias, src, dst, edge_type):
    # RGCNConv: out = x @ root + bias + sum_r mean_{j in N_r(i)} (x_j @ W_r)
    out = x @ root + bias
    xs = jnp.take(x, src, axis=0)
    for r in range(NUM_RELS):
        mask = (edge_type == r).astype(x.dtype)
        m = (xs @ W[r]) * mask[:, None]
        agg = jax.ops.segment_sum(m, dst, num_segments=NUM_NODES)
        cnt = jax.ops.segment_sum(mask, dst, num_segments=NUM_NODES)
        agg = agg / jnp.maximum(cnt, 1.0)[:, None]
        out = out + agg
    return out


def reference(x, edge_index, edge_type, W1, root1, b1, W2, root2, b2):
    src = edge_index[0]
    dst = edge_index[1]
    # layer 1: RGCNConv -> ReLU -> Dropout (identity in eval)
    h = _rgcn_layer(x, W1, root1, b1, src, dst, edge_type)
    h = jax.nn.relu(h)
    # dropout == identity for deterministic reference (eval mode)
    # layer 2: RGCNConv -> ReLU
    h = _rgcn_layer(h, W2, root2, b2, src, dst, edge_type)
    h = jax.nn.relu(h)
    return h

if __name__ == "__main__":
    import jax
    _d = setup_inputs()
    print(jax.jit(kernel)(*tuple(_d.values())))

</pallas_src>

<mosaic_0001>
#map = affine_map<(d0, d1) -> (0, 0)>
#map1 = affine_map<(d0, d1) -> (0)>
module attributes {stable_mosaic.version = 14 : i64} {
  func.func @_sc_scatter_body(%arg0: i32, %arg1: i32, %arg2: memref<10240x128xf32, #tpu.memory_space<hbm>>, %arg3: memref<320000xi32, #tpu.memory_space<hbm>>, %arg4: memref<320000xi32, #tpu.memory_space<hbm>>, %arg5: memref<320000xi32, #tpu.memory_space<hbm>>, %arg6: memref<32x128xf32, #tpu.memory_space<hbm>>, %arg7: memref<128x128xf32, #tpu.memory_space<hbm>>, %arg8: memref<81920x128xf32, #tpu.memory_space<hbm>>, %arg9: memref<2000xi32, #tpu.memory_space<vmem>>, %arg10: memref<2000xi32, #tpu.memory_space<vmem>>, %arg11: memref<2000xi32, #tpu.memory_space<vmem>>, %arg12: memref<64x64xi32, #tpu.memory_space<vmem>>, %arg13: memref<64x64xi32, #tpu.memory_space<vmem>>, %arg14: memref<128x128xf32, #tpu.memory_space<vmem>>, %arg15: memref<32x128xf32, #tpu.memory_space<vmem>>, %arg16: memref<8192x128xf32, #tpu.memory_space<vmem_shared>>, %arg17: memref<!tpu.dma_semaphore, #tpu.memory_space<semaphore_mem>>, %arg18: memref<!tpu.dma_semaphore, #tpu.memory_space<semaphore_mem>>) attributes {dimension_semantics = [#tpu.dimension_semantics<core_parallel>, #tpu.dimension_semantics<subcore_parallel>], iteration_bounds = array<i64: 2, 16>, scalar_prefetch = 0 : i64, scratch_operands = 10 : i64, tpu.core_type = #tpu.core_type<sc_vector_subcore>, window_params = [{transform_indices = #map}, {transform_indices = #map1}, {transform_indices = #map1}, {transform_indices = #map1}, {transform_indices = #map}, {transform_indices = #map}, {transform_indices = #map}]} {
    %iota3A = tpu.iota {dimensions = array<i32: 0>} : vector<16xi32>
    "tpu.region"() ({
      %run_scoped3A = tpu.sem_alloc : memref<!tpu.dma_semaphore, #tpu.memory_space<semaphore_mem>>
      tpu.enqueue_dma source(%arg6 : memref<32x128xf32, #tpu.memory_space<hbm>>) target(%arg15 : memref<32x128xf32, #tpu.memory_space<vmem>>) target_semaphore(%run_scoped3A : memref<!tpu.dma_semaphore, #tpu.memory_space<semaphore_mem>>)
      tpu.wait_dma2 semaphore(%run_scoped3A : memref<!tpu.dma_semaphore, #tpu.memory_space<semaphore_mem>>) src(%arg6 : memref<32x128xf32, #tpu.memory_space<hbm>>) dst(%arg15 : memref<32x128xf32, #tpu.memory_space<vmem>>)
      tpu.yield
    }) : () -> ()
    %scan3A = arith.constant 0 : i32
    %scan3A_0 = arith.constant 0 : i32
    %scan3A_1 = arith.constant 5 : i32
    %scan3A_2 = arith.addi %scan3A_0, %scan3A_1 : i32
    %scan3A_3 = arith.constant 1 : i32
    %scan3A_4 = scf.for %scan3A_6 = %scan3A_0 to %scan3A_2 step %scan3A_3 iter_args(%scan3A_7 = %scan3A) -> (i32)  : i32 {
      %mul3A = arith.constant 5 : i32
      %mul3A_8 = arith.muli %arg0, %mul3A : i32
      %add3A = arith.addi %mul3A_8, %scan3A_6 : i32
      %mul3A_9 = arith.constant 1000 : i32
      %mul3A_10 = arith.muli %add3A, %mul3A_9 : i32
      %mul3A_11 = arith.constant 8192 : i32
      %mul3A_12 = arith.muli %add3A, %mul3A_11 : i32
      %scan3A_13 = arith.constant 0 : i32
      %scan3A_14 = arith.constant 0 : i32
      %scan3A_15 = arith.constant 16 : i32
      %scan3A_16 = arith.addi %scan3A_14, %scan3A_15 : i32
      %scan3A_17 = arith.constant 1 : i32
      scf.for %scan3A_66 = %scan3A_14 to %scan3A_16 step %scan3A_17  : i32 {
        %mul3A_67 = arith.constant 512 : i32
        %mul3A_68 = arith.muli %arg1, %mul3A_67 : i32
        %mul3A_69 = arith.constant 32 : i32
        %mul3A_70 = arith.muli %scan3A_66, %mul3A_69 : i32
        %add3A_71 = arith.addi %mul3A_68, %mul3A_70 : i32
        "tpu.region"() ({
          %run_scoped3A = tpu.sem_alloc : memref<!tpu.dma_semaphore, #tpu.memory_space<semaphore_mem>>
          %dma_start3A = arith.constant 0 : i32
          %dma_start3A_72 = tpu.memref_slice %arg16[%add3A_71, %dma_start3A] : memref<8192x128xf32, #tpu.memory_space<vmem_shared>> -> memref<32x128xf32, #tpu.memory_space<vmem_shared>>
          %dma_start3A_73 = arith.constant 0 : i32
          %dma_start3A_74 = tpu.memref_slice %arg16[%add3A_71, %dma_start3A_73] : memref<8192x128xf32, #tpu.memory_space<vmem_shared>> -> memref<32x128xf32, #tpu.memory_space<vmem_shared>>
          tpu.enqueue_dma source(%arg15 : memref<32x128xf32, #tpu.memory_space<vmem>>) target(%dma_start3A_74 : memref<32x128xf32, #tpu.memory_space<vmem_shared>>) target_semaphore(%run_scoped3A : memref<!tpu.dma_semaphore, #tpu.memory_space<semaphore_mem>>)
          %dma_wait3A = arith.constant 0 : i32
          %dma_wait3A_75 = tpu.memref_slice %arg16[%add3A_71, %dma_wait3A] : memref<8192x128xf32, #tpu.memory_space<vmem_shared>> -> memref<32x128xf32, #tpu.memory_space<vmem_shared>>
          %dma_wait3A_76 = arith.constant 0 : i32
          %dma_wait3A_77 = tpu.memref_slice %arg16[%add3A_71, %dma_wait3A_76] : memref<8192x128xf32, #tpu.memory_space<vmem_shared>> -> memref<32x128xf32, #tpu.memory_space<vmem_shared>>
          tpu.wait_dma2 semaphore(%run_scoped3A : memref<!tpu.dma_semaphore, #tpu.memory_space<semaphore_mem>>) src(%arg15 : memref<32x128xf32, #tpu.memory_space<vmem>>) dst(%dma_wait3A_77 : memref<32x128xf32, #tpu.memory_space<vmem_shared>>)
          tpu.yield
        }) : () -> ()
      }
      %scan3A_18 = arith.constant 16 : i32
      %barrier3A = arith.constant 0 : index
      tpu.barrier barrier_id(%barrier3A)
      %broadcast_in_dim3A = arith.constant 0 : i32
      %broadcast_in_dim3A_19 = vector.broadcast %broadcast_in_dim3A : i32 to vector<16xi32>
      %scan3A_20 = arith.constant 0 : i32
      %scan3A_21 = arith.constant 0 : i32
      %scan3A_22 = arith.constant 10 : i32
      %scan3A_23 = arith.addi %scan3A_21, %scan3A_22 : i32
      %scan3A_24 = arith.constant 1 : i32
      %scan3A_25:2 = scf.for %scan3A_66 = %scan3A_21 to %scan3A_23 step %scan3A_24 iter_args(%scan3A_67 = %broadcast_in_dim3A_19, %scan3A_68 = %scan3A_20) -> (vector<16xi32>, i32)  : i32 {
        %mul3A_69 = arith.constant 20000 : i32
        %mul3A_70 = arith.muli %arg1, %mul3A_69 : i32
        %mul3A_71 = arith.constant 2000 : i32
        %mul3A_72 = arith.muli %scan3A_66, %mul3A_71 : i32
        %add3A_73 = arith.addi %mul3A_70, %mul3A_72 : i32
        "tpu.region"() ({
          %run_scoped3A = tpu.sem_alloc : memref<!tpu.dma_semaphore, #tpu.memory_space<semaphore_mem>>
          %dma_start3A = tpu.memref_slice %arg3[%add3A_73] : memref<320000xi32, #tpu.memory_space<hbm>> -> memref<2000xi32, #tpu.memory_space<hbm>>
          %dma_start3A_105 = tpu.memref_slice %arg3[%add3A_73] : memref<320000xi32, #tpu.memory_space<hbm>> -> memref<2000xi32, #tpu.memory_space<hbm>>
          tpu.enqueue_dma source(%dma_start3A_105 : memref<2000xi32, #tpu.memory_space<hbm>>) target(%arg9 : memref<2000xi32, #tpu.memory_space<vmem>>) target_semaphore(%run_scoped3A : memref<!tpu.dma_semaphore, #tpu.memory_space<semaphore_mem>>)
          %dma_wait3A = tpu.memref_slice %arg3[%add3A_73] : memref<320000xi32, #tpu.memory_space<hbm>> -> memref<2000xi32, #tpu.memory_space<hbm>>
          %dma_wait3A_106 = tpu.memref_slice %arg3[%add3A_73] : memref<320000xi32, #tpu.memory_space<hbm>> -> memref<2000xi32, #tpu.memory_space<hbm>>
          tpu.wait_dma2 semaphore(%run_scoped3A : memref<!tpu.dma_semaphore, #tpu.memory_space<semaphore_mem>>) src(%dma_wait3A_106 : memref<2000xi32, #tpu.memory_space<hbm>>) dst(%arg9 : memref<2000xi32, #tpu.memory_space<vmem>>)
          tpu.yield
        }) : () -> ()
        "tpu.region"() ({
          %run_scoped3A = tpu.sem_alloc : memref<!tpu.dma_semaphore, #tpu.memory_space<semaphore_mem>>
          %dma_start3A = tpu.memref_slice %arg4[%add3A_73] : memref<320000xi32, #tpu.memory_space<hbm>> -> memref<2000xi32, #tpu.memory_space<hbm>>
          %dma_start3A_105 = tpu.memref_slice %arg4[%add3A_73] : memref<320000xi32, #tpu.memory_space<hbm>> -> memref<2000xi32, #tpu.memory_space<hbm>>
          tpu.enqueue_dma source(%dma_start3A_105 : memref<2000xi32, #tpu.memory_space<hbm>>) target(%arg10 : memref<2000xi32, #tpu.memory_space<vmem>>) target_semaphore(%run_scoped3A : memref<!tpu.dma_semaphore, #tpu.memory_space<semaphore_mem>>)
          %dma_wait3A = tpu.memref_slice %arg4[%add3A_73] : memref<320000xi32, #tpu.memory_space<hbm>> -> memref<2000xi32, #tpu.memory_space<hbm>>
          %dma_wait3A_106 = tpu.memref_slice %arg4[%add3A_73] : memref<320000xi32, #tpu.memory_space<hbm>> -> memref<2000xi32, #tpu.memory_space<hbm>>
          tpu.wait_dma2 semaphore(%run_scoped3A : memref<!tpu.dma_semaphore, #tpu.memory_space<semaphore_mem>>) src(%dma_wait3A_106 : memref<2000xi32, #tpu.memory_space<hbm>>) dst(%arg10 : memref<2000xi32, #tpu.memory_space<vmem>>)
          tpu.yield
        }) : () -> ()
        "tpu.region"() ({
          %run_scoped3A = tpu.sem_alloc : memref<!tpu.dma_semaphore, #tpu.memory_space<semaphore_mem>>
          %dma_start3A = tpu.memref_slice %arg5[%add3A_73] : memref<320000xi32, #tpu.memory_space<hbm>> -> memref<2000xi32, #tpu.memory_space<hbm>>
          %dma_start3A_105 = tpu.memref_slice %arg5[%add3A_73] : memref<320000xi32, #tpu.memory_space<hbm>> -> memref<2000xi32, #tpu.memory_space<hbm>>
          tpu.enqueue_dma source(%dma_start3A_105 : memref<2000xi32, #tpu.memory_space<hbm>>) target(%arg11 : memref<2000xi32, #tpu.memory_space<vmem>>) target_semaphore(%run_scoped3A : memref<!tpu.dma_semaphore, #tpu.memory_space<semaphore_mem>>)
          %dma_wait3A = tpu.memref_slice %arg5[%add3A_73] : memref<320000xi32, #tpu.memory_space<hbm>> -> memref<2000xi32, #tpu.memory_space<hbm>>
          %dma_wait3A_106 = tpu.memref_slice %arg5[%add3A_73] : memref<320000xi32, #tpu.memory_space<hbm>> -> memref<2000xi32, #tpu.memory_space<hbm>>
          tpu.wait_dma2 semaphore(%run_scoped3A : memref<!tpu.dma_semaphore, #tpu.memory_space<semaphore_mem>>) src(%dma_wait3A_106 : memref<2000xi32, #tpu.memory_space<hbm>>) dst(%arg11 : memref<2000xi32, #tpu.memory_space<vmem>>)
          tpu.yield
        }) : () -> ()
        %scan3A_74 = arith.constant 0 : i32
        %scan3A_75 = arith.constant 25 : i32
        %scan3A_76 = arith.addi %scan3A_74, %scan3A_75 : i32
        %scan3A_77 = arith.constant 1 : i32
        %scan3A_78 = scf.for %scan3A_105 = %scan3A_74 to %scan3A_76 step %scan3A_77 iter_args(%scan3A_106 = %scan3A_67) -> (vector<16xi32>)  : i32 {
          %mul3A_107 = arith.constant 5 : i32
          %mul3A_108 = arith.muli %scan3A_105, %mul3A_107 : i32
          %add3A_109 = arith.constant 0 : i32
          %add3A_110 = arith.addi %mul3A_108, %add3A_109 : i32
          %mul3A_111 = arith.constant 16 : i32
          %mul3A_112 = arith.muli %add3A_110, %mul3A_111 : i32
          %get3A = arith.index_cast %mul3A_112 : i32 to index
          %get3A_113 = tpu.vector_load %arg9[%get3A] {strides = array<i32>} : memref<2000xi32, #tpu.memory_space<vmem>>, vector<16xi32>,
          %get3A_114 = arith.index_cast %mul3A_112 : i32 to index
          %get3A_115 = tpu.vector_load %arg10[%get3A_114] {strides = array<i32>} : memref<2000xi32, #tpu.memory_space<vmem>>, vector<16xi32>,
          %get3A_116 = arith.index_cast %mul3A_112 : i32 to index
          %get3A_117 = tpu.vector_load %arg11[%get3A_116] {strides = array<i32>} : memref<2000xi32, #tpu.memory_space<vmem>>, vector<16xi32>,
          %sub3A_118 = vector.broadcast %mul3A_10 : i32 to vector<16xi32>
          %sub3A_119 = arith.subi %get3A_115, %sub3A_118 : vector<16xi32>
          %ge3A = arith.constant 0 : i32
          %ge3A_120 = vector.broadcast %ge3A : i32 to vector<16xi32>
          %ge3A_121 = arith.cmpi sge, %sub3A_119, %ge3A_120 : vector<16xi32>
          %lt3A = arith.constant 1000 : i32
          %lt3A_122 = vector.broadcast %lt3A : i32 to vector<16xi32>
          %lt3A_123 = arith.cmpi slt, %sub3A_119, %lt3A_122 : vector<16xi32>
          %and3A = arith.andi %ge3A_121, %lt3A_123 : vector<16xi1>
          %mul3A_124 = arith.constant 8 : i32
          %mul3A_125 = vector.broadcast %mul3A_124 : i32 to vector<16xi32>
          %mul3A_126 = arith.muli %sub3A_119, %mul3A_125 : vector<16xi32>
          %add3A_127 = arith.addi %mul3A_126, %get3A_117 : vector<16xi32>
          %jit3A = arith.constant 1 : i32
          %jit3A_128 = arith.constant 0 : i32
          %broadcast_in_dim3A_129 = vector.broadcast %jit3A : i32 to vector<16xi32>
          %broadcast_in_dim3A_130 = vector.broadcast %jit3A_128 : i32 to vector<16xi32>
          %select_n3A = arith.select %and3A, %broadcast_in_dim3A_129, %broadcast_in_dim3A_130 : vector<16xi1>, vector<16xi32>
          %broadcast_in_dim3A_131 = arith.constant true
          %broadcast_in_dim3A_132 = vector.broadcast %broadcast_in_dim3A_131 : i1 to vector<16xi1>
          %masked_cumsum3A = tpu.scan <sum>, %select_n3A masked %broadcast_in_dim3A_132 : vector<16xi32>, vector<16xi1> -> vector<16xi32>
          %add3A_133 = arith.addi %scan3A_106, %masked_cumsum3A : vector<16xi32>
          %sub3A_134 = arith.constant 1 : i32
          %sub3A_135 = vector.broadcast %sub3A_134 : i32 to vector<16xi32>
          %sub3A_136 = arith.subi %add3A_133, %sub3A_135 : vector<16xi32>
          %shift_right_logical3A_137 = arith.constant 6 : i32
          %shift_right_logical3A_138 = vector.broadcast %shift_right_logical3A_137 : i32 to vector<16xi32>
          %shift_right_logical3A_139 = arith.shrui %sub3A_136, %shift_right_logical3A_138 : vector<16xi32>
          %and3A_140 = arith.constant 63 : i32
          %and3A_141 = vector.broadcast %and3A_140 : i32 to vector<16xi32>
          %and3A_142 = arith.andi %shift_right_logical3A_139, %and3A_141 : vector<16xi32>
          %and3A_143 = arith.constant 63 : i32
          %and3A_144 = vector.broadcast %and3A_143 : i32 to vector<16xi32>
          %and3A_145 = arith.andi %sub3A_136, %and3A_144 : vector<16xi32>
          tpu.vector_store_idx %arg12[%and3A_142, %and3A_145], %get3A_113 masked %and3A : memref<64x64xi32, #tpu.memory_space<vmem>>[vector<16xi32>, vector<16xi32>], vector<16xi32>, vector<16xi1>
          tpu.vector_store_idx %arg13[%and3A_142, %and3A_145], %add3A_127 masked %and3A : memref<64x64xi32, #tpu.memory_space<vmem>>[vector<16xi32>, vector<16xi32>], vector<16xi32>, vector<16xi1>
          %all_reduce_population_count3A = tpu.all_reduce %and3A {dim = 0 : i64, kind = #tpu.reduction_kind<sum>} : vector<16xi1> -> vector<16xi32>
          %add3A_146 = arith.addi %scan3A_106, %all_reduce_population_count3A : vector<16xi32>
          %mul3A_147 = arith.constant 5 : i32
          %mul3A_148 = arith.muli %scan3A_105, %mul3A_147 : i32
          %add3A_149 = arith.constant 1 : i32
          %add3A_150 = arith.addi %mul3A_148, %add3A_149 : i32
          %mul3A_151 = arith.constant 16 : i32
          %mul3A_152 = arith.muli %add3A_150, %mul3A_151 : i32
          %get3A_153 = arith.index_cast %mul3A_152 : i32 to index
          %get3A_154 = tpu.vector_load %arg9[%get3A_153] {strides = array<i32>} : memref<2000xi32, #tpu.memory_space<vmem>>, vector<16xi32>,
          %get3A_155 = arith.index_cast %mul3A_152 : i32 to index
          %get3A_156 = tpu.vector_load %arg10[%get3A_155] {strides = array<i32>} : memref<2000xi32, #tpu.memory_space<vmem>>, vector<16xi32>,
          %get3A_157 = arith.index_cast %mul3A_152 : i32 to index
          %get3A_158 = tpu.vector_load %arg11[%get3A_157] {strides = array<i32>} : memref<2000xi32, #tpu.memory_space<vmem>>, vector<16xi32>,
          %sub3A_159 = vector.broadcast %mul3A_10 : i32 to vector<16xi32>
          %sub3A_160 = arith.subi %get3A_156, %sub3A_159 : vector<16xi32>
          %ge3A_161 = arith.constant 0 : i32
          %ge3A_162 = vector.broadcast %ge3A_161 : i32 to vector<16xi32>
          %ge3A_163 = arith.cmpi sge, %sub3A_160, %ge3A_162 : vector<16xi32>
          %lt3A_164 = arith.constant 1000 : i32
          %lt3A_165 = vector.broadcast %lt3A_164 : i32 to vector<16xi32>
          %lt3A_166 = arith.cmpi slt, %sub3A_160, %lt3A_165 : vector<16xi32>
          %and3A_167 = arith.andi %ge3A_163, %lt3A_166 : vector<16xi1>
          %mul3A_168 = arith.constant 8 : i32
          %mul3A_169 = vector.broadcast %mul3A_168 : i32 to vector<16xi32>
          %mul3A_170 = arith.muli %sub3A_160, %mul3A_169 : vector<16xi32>
          %add3A_171 = arith.addi %mul3A_170, %get3A_158 : vector<16xi32>
          %jit3A_172 = arith.constant 1 : i32
          %jit3A_173 = arith.constant 0 : i32
          %broadcast_in_dim3A_174 = vector.broadcast %jit3A_172 : i32 to vector<16xi32>
          %broadcast_in_dim3A_175 = vector.broadcast %jit3A_173 : i32 to vector<16xi32>
          %select_n3A_176 = arith.select %and3A_167, %broadcast_in_dim3A_174, %broadcast_in_dim3A_175 : vector<16xi1>, vector<16xi32>
          %broadcast_in_dim3A_177 = arith.constant true
          %broadcast_in_dim3A_178 = vector.broadcast %broadcast_in_dim3A_177 : i1 to vector<16xi1>
          %masked_cumsum3A_179 = tpu.scan <sum>, %select_n3A_176 masked %broadcast_in_dim3A_178 : vector<16xi32>, vector<16xi1> -> vector<16xi32>
          %add3A_180 = arith.addi %add3A_146, %masked_cumsum3A_179 : vector<16xi32>
          %sub3A_181 = arith.constant 1 : i32
          %sub3A_182 = vector.broadcast %sub3A_181 : i32 to vector<16xi32>
          %sub3A_183 = arith.subi %add3A_180, %sub3A_182 : vector<16xi32>
          %shift_right_logical3A_184 = arith.constant 6 : i32
          %shift_right_logical3A_185 = vector.broadcast %shift_right_logical3A_184 : i32 to vector<16xi32>
          %shift_right_logical3A_186 = arith.shrui %sub3A_183, %shift_right_logical3A_185 : vector<16xi32>
          %and3A_187 = arith.constant 63 : i32
          %and3A_188 = vector.broadcast %and3A_187 : i32 to vector<16xi32>
          %and3A_189 = arith.andi %shift_right_logical3A_186, %and3A_188 : vector<16xi32>
          %and3A_190 = arith.constant 63 : i32
          %and3A_191 = vector.broadcast %and3A_190 : i32 to vector<16xi32>
          %and3A_192 = arith.andi %sub3A_183, %and3A_191 : vector<16xi32>
          tpu.vector_store_idx %arg12[%and3A_189, %and3A_192], %get3A_154 masked %and3A_167 : memref<64x64xi32, #tpu.memory_space<vmem>>[vector<16xi32>, vector<16xi32>], vector<16xi32>, vector<16xi1>
          tpu.vector_store_idx %arg13[%and3A_189, %and3A_192], %add3A_171 masked %and3A_167 : memref<64x64xi32, #tpu.memory_space<vmem>>[vector<16xi32>, vector<16xi32>], vector<16xi32>, vector<16xi1>
          %all_reduce_population_count3A_193 = tpu.all_reduce %and3A_167 {dim = 0 : i64, kind = #tpu.reduction_kind<sum>} : vector<16xi1> -> vector<16xi32>
          %add3A_194 = arith.addi %add3A_146, %all_reduce_population_count3A_193 : vector<16xi32>
          %mul3A_195 = arith.constant 5 : i32
          %mul3A_196 = arith.muli %scan3A_105, %mul3A_195 : i32
          %add3A_197 = arith.constant 2 : i32
          %add3A_198 = arith.addi %mul3A_196, %add3A_197 : i32
          %mul3A_199 = arith.constant 16 : i32
          %mul3A_200 = arith.muli %add3A_198, %mul3A_199 : i32
          %get3A_201 = arith.index_cast %mul3A_200 : i32 to index
          %get3A_202 = tpu.vector_load %arg9[%get3A_201] {strides = array<i32>} : memref<2000xi32, #tpu.memory_space<vmem>>, vector<16xi32>,
          %get3A_203 = arith.index_cast %mul3A_200 : i32 to index
          %get3A_204 = tpu.vector_load %arg10[%get3A_203] {strides = array<i32>} : memref<2000xi32, #tpu.memory_space<vmem>>, vector<16xi32>,
          %get3A_205 = arith.index_cast %mul3A_200 : i32 to index
          %get3A_206 = tpu.vector_load %arg11[%get3A_205] {strides = array<i32>} : memref<2000xi32, #tpu.memory_space<vmem>>, vector<16xi32>,
          %sub3A_207 = vector.broadcast %mul3A_10 : i32 to vector<16xi32>
          %sub3A_208 = arith.subi %get3A_204, %sub3A_207 : vector<16xi32>
          %ge3A_209 = arith.constant 0 : i32
          %ge3A_210 = vector.broadcast %ge3A_209 : i32 to vector<16xi32>
          %ge3A_211 = arith.cmpi sge, %sub3A_208, %ge3A_210 : vector<16xi32>
          %lt3A_212 = arith.constant 1000 : i32
          %lt3A_213 = vector.broadcast %lt3A_212 : i32 to vector<16xi32>
          %lt3A_214 = arith.cmpi slt, %sub3A_208, %lt3A_213 : vector<16xi32>
          %and3A_215 = arith.andi %ge3A_211, %lt3A_214 : vector<16xi1>
          %mul3A_216 = arith.constant 8 : i32
          %mul3A_217 = vector.broadcast %mul3A_216 : i32 to vector<16xi32>
          %mul3A_218 = arith.muli %sub3A_208, %mul3A_217 : vector<16xi32>
          %add3A_219 = arith.addi %mul3A_218, %get3A_206 : vector<16xi32>
          %jit3A_220 = arith.constant 1 : i32
          %jit3A_221 = arith.constant 0 : i32
          %broadcast_in_dim3A_222 = vector.broadcast %jit3A_220 : i32 to vector<16xi32>
          %broadcast_in_dim3A_223 = vector.broadcast %jit3A_221 : i32 to vector<16xi32>
          %select_n3A_224 = arith.select %and3A_215, %broadcast_in_dim3A_222, %broadcast_in_dim3A_223 : vector<16xi1>, vector<16xi32>
          %broadcast_in_dim3A_225 = arith.constant true
          %broadcast_in_dim3A_226 = vector.broadcast %broadcast_in_dim3A_225 : i1 to vector<16xi1>
          %masked_cumsum3A_227 = tpu.scan <sum>, %select_n3A_224 masked %broadcast_in_dim3A_226 : vector<16xi32>, vector<16xi1> -> vector<16xi32>
          %add3A_228 = arith.addi %add3A_194, %masked_cumsum3A_227 : vector<16xi32>
          %sub3A_229 = arith.constant 1 : i32
          %sub3A_230 = vector.broadcast %sub3A_229 : i32 to vector<16xi32>
          %sub3A_231 = arith.subi %add3A_228, %sub3A_230 : vector<16xi32>
          %shift_right_logical3A_232 = arith.constant 6 : i32
          %shift_right_logical3A_233 = vector.broadcast %shift_right_logical3A_232 : i32 to vector<16xi32>
          %shift_right_logical3A_234 = arith.shrui %sub3A_231, %shift_right_logical3A_233 : vector<16xi32>
          %and3A_235 = arith.constant 63 : i32
          %and3A_236 = vector.broadcast %and3A_235 : i32 to vector<16xi32>
          %and3A_237 = arith.andi %shift_right_logical3A_234, %and3A_236 : vector<16xi32>
          %and3A_238 = arith.constant 63 : i32
          %and3A_239 = vector.broadcast %and3A_238 : i32 to vector<16xi32>
          %and3A_240 = arith.andi %sub3A_231, %and3A_239 : vector<16xi32>
          tpu.vector_store_idx %arg12[%and3A_237, %and3A_240], %get3A_202 masked %and3A_215 : memref<64x64xi32, #tpu.memory_space<vmem>>[vector<16xi32>, vector<16xi32>], vector<16xi32>, vector<16xi1>
          tpu.vector_store_idx %arg13[%and3A_237, %and3A_240], %add3A_219 masked %and3A_215 : memref<64x64xi32, #tpu.memory_space<vmem>>[vector<16xi32>, vector<16xi32>], vector<16xi32>, vector<16xi1>
          %all_reduce_population_count3A_241 = tpu.all_reduce %and3A_215 {dim = 0 : i64, kind = #tpu.reduction_kind<sum>} : vector<16xi1> -> vector<16xi32>
          %add3A_242 = arith.addi %add3A_194, %all_reduce_population_count3A_241 : vector<16xi32>
          %mul3A_243 = arith.constant 5 : i32
          %mul3A_244 = arith.muli %scan3A_105, %mul3A_243 : i32
          %add3A_245 = arith.constant 3 : i32
          %add3A_246 = arith.addi %mul3A_244, %add3A_245 : i32
          %mul3A_247 = arith.constant 16 : i32
          %mul3A_248 = arith.muli %add3A_246, %mul3A_247 : i32
          %get3A_249 = arith.index_cast %mul3A_248 : i32 to index
          %get3A_250 = tpu.vector_load %arg9[%get3A_249] {strides = array<i32>} : memref<2000xi32, #tpu.memory_space<vmem>>, vector<16xi32>,
          %get3A_251 = arith.index_cast %mul3A_248 : i32 to index
          %get3A_252 = tpu.vector_load %arg10[%get3A_251] {strides = array<i32>} : memref<2000xi32, #tpu.memory_space<vmem>>, vector<16xi32>,
          %get3A_253 = arith.index_cast %mul3A_248 : i32 to index
          %get3A_254 = tpu.vector_load %arg11[%get3A_253] {strides = array<i32>} : memref<2000xi32, #tpu.memory_space<vmem>>, vector<16xi32>,
          %sub3A_255 = vector.broadcast %mul3A_10 : i32 to vector<16xi32>
          %sub3A_256 = arith.subi %get3A_252, %sub3A_255 : vector<16xi32>
          %ge3A_257 = arith.constant 0 : i32
          %ge3A_258 = vector.broadcast %ge3A_257 : i32 to vector<16xi32>
          %ge3A_259 = arith.cmpi sge, %sub3A_256, %ge3A_258 : vector<16xi32>
          %lt3A_260 = arith.constant 1000 : i32
          %lt3A_261 = vector.broadcast %lt3A_260 : i32 to vector<16xi32>
          %lt3A_262 = arith.cmpi slt, %sub3A_256, %lt3A_261 : vector<16xi32>
          %and3A_263 = arith.andi %ge3A_259, %lt3A_262 : vector<16xi1>
          %mul3A_264 = arith.constant 8 : i32
          %mul3A_265 = vector.broadcast %mul3A_264 : i32 to vector<16xi32>
          %mul3A_266 = arith.muli %sub3A_256, %mul3A_265 : vector<16xi32>
          %add3A_267 = arith.addi %mul3A_266, %get3A_254 : vector<16xi32>
          %jit3A_268 = arith.constant 1 : i32
          %jit3A_269 = arith.constant 0 : i32
          %broadcast_in_dim3A_270 = vector.broadcast %jit3A_268 : i32 to vector<16xi32>
          %broadcast_in_dim3A_271 = vector.broadcast %jit3A_269 : i32 to vector<16xi32>
          %select_n3A_272 = arith.select %and3A_263, %broadcast_in_dim3A_270, %broadcast_in_dim3A_271 : vector<16xi1>, vector<16xi32>
          %broadcast_in_dim3A_273 = arith.constant true
          %broadcast_in_dim3A_274 = vector.broadcast %broadcast_in_dim3A_273 : i1 to vector<16xi1>
          %masked_cumsum3A_275 = tpu.scan <sum>, %select_n3A_272 masked %broadcast_in_dim3A_274 : vector<16xi32>, vector<16xi1> -> vector<16xi32>
          %add3A_276 = arith.addi %add3A_242, %masked_cumsum3A_275 : vector<16xi32>
          %sub3A_277 = arith.constant 1 : i32
          %sub3A_278 = vector.broadcast %sub3A_277 : i32 to vector<16xi32>
          %sub3A_279 = arith.subi %add3A_276, %sub3A_278 : vector<16xi32>
          %shift_right_logical3A_280 = arith.constant 6 : i32
          %shift_right_logical3A_281 = vector.broadcast %shift_right_logical3A_280 : i32 to vector<16xi32>
          %shift_right_logical3A_282 = arith.shrui %sub3A_279, %shift_right_logical3A_281 : vector<16xi32>
          %and3A_283 = arith.constant 63 : i32
          %and3A_284 = vector.broadcast %and3A_283 : i32 to vector<16xi32>
          %and3A_285 = arith.andi %shift_right_logical3A_282, %and3A_284 : vector<16xi32>
          %and3A_286 = arith.constant 63 : i32
          %and3A_287 = vector.broadcast %and3A_286 : i32 to vector<16xi32>
          %and3A_288 = arith.andi %sub3A_279, %and3A_287 : vector<16xi32>
          tpu.vector_store_idx %arg12[%and3A_285, %and3A_288], %get3A_250 masked %and3A_263 : memref<64x64xi32, #tpu.memory_space<vmem>>[vector<16xi32>, vector<16xi32>], vector<16xi32>, vector<16xi1>
          tpu.vector_store_idx %arg13[%and3A_285, %and3A_288], %add3A_267 masked %and3A_263 : memref<64x64xi32, #tpu.memory_space<vmem>>[vector<16xi32>, vector<16xi32>], vector<16xi32>, vector<16xi1>
          %all_reduce_population_count3A_289 = tpu.all_reduce %and3A_263 {dim = 0 : i64, kind = #tpu.reduction_kind<sum>} : vector<16xi1> -> vector<16xi32>
          %add3A_290 = arith.addi %add3A_242, %all_reduce_population_count3A_289 : vector<16xi32>
          %mul3A_291 = arith.constant 5 : i32
          %mul3A_292 = arith.muli %scan3A_105, %mul3A_291 : i32
          %add3A_293 = arith.constant 4 : i32
          %add3A_294 = arith.addi %mul3A_292, %add3A_293 : i32
          %mul3A_295 = arith.constant 16 : i32
          %mul3A_296 = arith.muli %add3A_294, %mul3A_295 : i32
          %get3A_297 = arith.index_cast %mul3A_296 : i32 to index
          %get3A_298 = tpu.vector_load %arg9[%get3A_297] {strides = array<i32>} : memref<2000xi32, #tpu.memory_space<vmem>>, vector<16xi32>,
          %get3A_299 = arith.index_cast %mul3A_296 : i32 to index
          %get3A_300 = tpu.vector_load %arg10[%get3A_299] {strides = array<i32>} : memref<2000xi32, #tpu.memory_space<vmem>>, vector<16xi32>,
          %get3A_301 = arith.index_cast %mul3A_296 : i32 to index
          %get3A_302 = tpu.vector_load %arg11[%get3A_301] {strides = array<i32>} : memref<2000xi32, #tpu.memory_space<vmem>>, vector<16xi32>,
          %sub3A_303 = vector.broadcast %mul3A_10 : i32 to vector<16xi32>
          %sub3A_304 = arith.subi %get3A_300, %sub3A_303 : vector<16xi32>
          %ge3A_305 = arith.constant 0 : i32
          %ge3A_306 = vector.broadcast %ge3A_305 : i32 to vector<16xi32>
          %ge3A_307 = arith.cmpi sge, %sub3A_304, %ge3A_306 : vector<16xi32>
          %lt3A_308 = arith.constant 1000 : i32
          %lt3A_309 = vector.broadcast %lt3A_308 : i32 to vector<16xi32>
          %lt3A_310 = arith.cmpi slt, %sub3A_304, %lt3A_309 : vector<16xi32>
          %and3A_311 = arith.andi %ge3A_307, %lt3A_310 : vector<16xi1>
          %mul3A_312 = arith.constant 8 : i32
          %mul3A_313 = vector.broadcast %mul3A_312 : i32 to vector<16xi32>
          %mul3A_314 = arith.muli %sub3A_304, %mul3A_313 : vector<16xi32>
          %add3A_315 = arith.addi %mul3A_314, %get3A_302 : vector<16xi32>
          %jit3A_316 = arith.constant 1 : i32
          %jit3A_317 = arith.constant 0 : i32
          %broadcast_in_dim3A_318 = vector.broadcast %jit3A_316 : i32 to vector<16xi32>
          %broadcast_in_dim3A_319 = vector.broadcast %jit3A_317 : i32 to vector<16xi32>
          %select_n3A_320 = arith.select %and3A_311, %broadcast_in_dim3A_318, %broadcast_in_dim3A_319 : vector<16xi1>, vector<16xi32>
          %broadcast_in_dim3A_321 = arith.constant true
          %broadcast_in_dim3A_322 = vector.broadcast %broadcast_in_dim3A_321 : i1 to vector<16xi1>
          %masked_cumsum3A_323 = tpu.scan <sum>, %select_n3A_320 masked %broadcast_in_dim3A_322 : vector<16xi32>, vector<16xi1> -> vector<16xi32>
          %add3A_324 = arith.addi %add3A_290, %masked_cumsum3A_323 : vector<16xi32>
          %sub3A_325 = arith.constant 1 : i32
          %sub3A_326 = vector.broadcast %sub3A_325 : i32 to vector<16xi32>
          %sub3A_327 = arith.subi %add3A_324, %sub3A_326 : vector<16xi32>
          %shift_right_logical3A_328 = arith.constant 6 : i32
          %shift_right_logical3A_329 = vector.broadcast %shift_right_logical3A_328 : i32 to vector<16xi32>
          %shift_right_logical3A_330 = arith.shrui %sub3A_327, %shift_right_logical3A_329 : vector<16xi32>
          %and3A_331 = arith.constant 63 : i32
          %and3A_332 = vector.broadcast %and3A_331 : i32 to vector<16xi32>
          %and3A_333 = arith.andi %shift_right_logical3A_330, %and3A_332 : vector<16xi32>
          %and3A_334 = arith.constant 63 : i32
          %and3A_335 = vector.broadcast %and3A_334 : i32 to vector<16xi32>
          %and3A_336 = arith.andi %sub3A_327, %and3A_335 : vector<16xi32>
          tpu.vector_store_idx %arg12[%and3A_333, %and3A_336], %get3A_298 masked %and3A_311 : memref<64x64xi32, #tpu.memory_space<vmem>>[vector<16xi32>, vector<16xi32>], vector<16xi32>, vector<16xi1>
          tpu.vector_store_idx %arg13[%and3A_333, %and3A_336], %add3A_315 masked %and3A_311 : memref<64x64xi32, #tpu.memory_space<vmem>>[vector<16xi32>, vector<16xi32>], vector<16xi32>, vector<16xi1>
          %all_reduce_population_count3A_337 = tpu.all_reduce %and3A_311 {dim = 0 : i64, kind = #tpu.reduction_kind<sum>} : vector<16xi1> -> vector<16xi32>
          %add3A_338 = arith.addi %add3A_290, %all_reduce_population_count3A_337 : vector<16xi32>
          scf.yield %add3A_338 : vector<16xi32>
        }
        %scan3A_79 = arith.constant 25 : i32
        %reduce_max3A_80 = arith.constant true
        %reduce_max3A_81 = vector.broadcast %reduce_max3A_80 : i1 to vector<16xi1>
        %reduce_max3A_82 = arith.constant -2147483648 : i32
        %reduce_max3A_83 = vector.broadcast %reduce_max3A_82 : i32 to vector<16xi32>
        %reduce_max3A_84 = arith.xori %scan3A_78, %reduce_max3A_83 : vector<16xi32>
        %reduce_max3A_85 = tpu.scan <max>, %reduce_max3A_84 masked %reduce_max3A_81 : vector<16xi32>, vector<16xi1> -> vector<16xi32>
        %reduce_max3A_86 = arith.xori %reduce_max3A_85, %reduce_max3A_83 : vector<16xi32>
        %reduce_max3A_87 = vector.extract %reduce_max3A_86[15] : i32 from vector<16xi32>
        %shift_right_logical3A_88 = arith.constant 6 : i32
        %shift_right_logical3A_89 = arith.shrui %reduce_max3A_87, %shift_right_logical3A_88 : i32
        %sub3A_90 = arith.subi %shift_right_logical3A_89, %scan3A_68 : i32
        %add3A_91 = arith.constant 1 : i32
        %add3A_92 = arith.addi %sub3A_90, %add3A_91 : i32
        %shift_right_logical3A_93 = arith.constant 1 : i32
        %shift_right_logical3A_94 = arith.shrui %add3A_92, %shift_right_logical3A_93 : i32
        %while3A_95 = arith.constant 0 : i32
        %while3A_96 = arith.constant 0 : i32
        %while3A_97 = arith.subi %shift_right_logical3A_94, %while3A_96 : i32
        %while3A_98 = arith.addi %while3A_96, %while3A_97 : i32
        %while3A_99 = arith.constant 1 : i32
        %while3A_100 = arith.divsi %while3A_97, %while3A_99 : i32
        %while3A_101 = arith.muli %while3A_100, %while3A_99 : i32
        %while3A_102 = arith.addi %while3A_96, %while3A_101 : i32
        %while3A_103 = arith.constant 1 : i32
        scf.for %while3A_105 = %while3A_96 to %while3A_102 step %while3A_103  : i32 {
          %mul3A_106 = arith.constant 2 : i32
          %mul3A_107 = arith.muli %mul3A_106, %while3A_105 : i32
          %add3A_108 = arith.addi %scan3A_68, %mul3A_107 : i32
          %add3A_109 = arith.constant 1 : i32
          %add3A_110 = arith.addi %add3A_108, %add3A_109 : i32
          %and3A = arith.constant 63 : i32
          %and3A_111 = arith.andi %add3A_108, %and3A : i32
          %and3A_112 = arith.constant 63 : i32
          %and3A_113 = arith.andi %add3A_110, %and3A_112 : i32
          %dma_start3A = arith.constant 0 : i32
          %dma_start3A_114 = arith.constant 0 : i32
          %dma_start3A_115 = tpu.memref_slice %arg14[%dma_start3A, %dma_start3A_114] : memref<128x128xf32, #tpu.memory_space<vmem>> -> memref<64x128xf32, #tpu.memory_space<vmem>>
          %dma_start3A_116 = arith.constant 0 : i32
          %dma_start3A_117 = tpu.memref_slice %arg12[%and3A_111, %dma_start3A_116] : memref<64x64xi32, #tpu.memory_space<vmem>> -> memref<1x64xi32, #tpu.memory_space<vmem>>
          %dma_start3A_118 = tpu.memref_squeeze %dma_start3A_117 : memref<1x64xi32, #tpu.memory_space<vmem>> -> memref<64xi32, #tpu.memory_space<vmem>>
          %dma_start3A_119 = arith.constant 0 : i32
          %dma_start3A_120 = arith.constant 0 : i32
          %dma_start3A_121 = tpu.memref_slice %arg2[%dma_start3A_119, %dma_start3A_120] : memref<10240x128xf32, #tpu.memory_space<hbm>> -> memref<10240x128xf32, #tpu.memory_space<hbm>>
          tpu.enqueue_indirect_dma source(%dma_start3A_121 : memref<10240x128xf32, #tpu.memory_space<hbm>>) target(%dma_start3A_115 : memref<64x128xf32, #tpu.memory_space<vmem>>) offsets(%dma_start3A_118 : memref<64xi32, #tpu.memory_space<vmem>>) semaphore(%arg17 : memref<!tpu.dma_semaphore, #tpu.memory_space<semaphore_mem>>)
          %lt3A = arith.cmpi slt, %add3A_110, %shift_right_logical3A_89 : i32
          %convert_element_type3A = arith.extui %lt3A : i1 to i32
          %cond3A = arith.constant 0 : i32
          %cond3A_122 = arith.cmpi ne, %convert_element_type3A, %cond3A : i32
          scf.if %cond3A_122 {
            %dma_start3A_153 = arith.constant 64 : i32
            %dma_start3A_154 = arith.constant 0 : i32
            %dma_start3A_155 = tpu.memref_slice %arg14[%dma_start3A_153, %dma_start3A_154] : memref<128x128xf32, #tpu.memory_space<vmem>> -> memref<64x128xf32, #tpu.memory_space<vmem>>
            %dma_start3A_156 = arith.constant 0 : i32
            %dma_start3A_157 = tpu.memref_slice %arg12[%and3A_113, %dma_start3A_156] : memref<64x64xi32, #tpu.memory_space<vmem>> -> memref<1x64xi32, #tpu.memory_space<vmem>>
            %dma_start3A_158 = tpu.memref_squeeze %dma_start3A_157 : memref<1x64xi32, #tpu.memory_space<vmem>> -> memref<64xi32, #tpu.memory_space<vmem>>
            %dma_start3A_159 = arith.constant 0 : i32
            %dma_start3A_160 = arith.constant 0 : i32
            %dma_start3A_161 = tpu.memref_slice %arg2[%dma_start3A_159, %dma_start3A_160] : memref<10240x128xf32, #tpu.memory_space<hbm>> -> memref<10240x128xf32, #tpu.memory_space<hbm>>
            tpu.enqueue_indirect_dma source(%dma_start3A_161 : memref<10240x128xf32, #tpu.memory_space<hbm>>) target(%dma_start3A_155 : memref<64x128xf32, #tpu.memory_space<vmem>>) offsets(%dma_start3A_158 : memref<64xi32, #tpu.memory_space<vmem>>) semaphore(%arg17 : memref<!tpu.dma_semaphore, #tpu.memory_space<semaphore_mem>>)
          } else {
          }
          %dma_wait3A = arith.constant 0 : i32
          %dma_wait3A_123 = arith.constant 0 : i32
          %dma_wait3A_124 = tpu.memref_slice %arg14[%dma_wait3A, %dma_wait3A_123] : memref<128x128xf32, #tpu.memory_space<vmem>> -> memref<64x128xf32, #tpu.memory_space<vmem>>
          %dma_wait3A_125 = arith.constant 0 : i32
          %dma_wait3A_126 = tpu.memref_slice %arg12[%and3A_111, %dma_wait3A_125] : memref<64x64xi32, #tpu.memory_space<vmem>> -> memref<1x64xi32, #tpu.memory_space<vmem>>
          %dma_wait3A_127 = tpu.memref_squeeze %dma_wait3A_126 : memref<1x64xi32, #tpu.memory_space<vmem>> -> memref<64xi32, #tpu.memory_space<vmem>>
          %dma_wait3A_128 = arith.constant 0 : i32
          %dma_wait3A_129 = arith.constant 0 : i32
          %dma_wait3A_130 = tpu.memref_slice %arg2[%dma_wait3A_128, %dma_wait3A_129] : memref<10240x128xf32, #tpu.memory_space<hbm>> -> memref<10240x128xf32, #tpu.memory_space<hbm>>
          tpu.wait_indirect_dma semaphore(%arg17 : memref<!tpu.dma_semaphore, #tpu.memory_space<semaphore_mem>>) src(%dma_wait3A_130 : memref<10240x128xf32, #tpu.memory_space<hbm>>) dst(%dma_wait3A_124 : memref<64x128xf32, #tpu.memory_space<vmem>>)
          %dma_start3A_131 = arith.constant 0 : i32
          %dma_start3A_132 = arith.constant 0 : i32
          %dma_start3A_133 = tpu.memref_slice %arg14[%dma_start3A_131, %dma_start3A_132] : memref<128x128xf32, #tpu.memory_space<vmem>> -> memref<64x128xf32, #tpu.memory_space<vmem>>
          %dma_start3A_134 = arith.constant 0 : i32
          %dma_start3A_135 = tpu.memref_slice %arg13[%and3A_111, %dma_start3A_134] : memref<64x64xi32, #tpu.memory_space<vmem>> -> memref<1x64xi32, #tpu.memory_space<vmem>>
          %dma_start3A_136 = tpu.memref_squeeze %dma_start3A_135 : memref<1x64xi32, #tpu.memory_space<vmem>> -> memref<64xi32, #tpu.memory_space<vmem>>
          %dma_start3A_137 = arith.constant 0 : i32
          %dma_start3A_138 = arith.constant 0 : i32
          %dma_start3A_139 = tpu.memref_slice %arg16[%dma_start3A_137, %dma_start3A_138] : memref<8192x128xf32, #tpu.memory_space<vmem_shared>> -> memref<8192x128xf32, #tpu.memory_space<vmem_shared>>
          tpu.enqueue_indirect_dma source(%dma_start3A_133 : memref<64x128xf32, #tpu.memory_space<vmem>>) target(%dma_start3A_139 : memref<8192x128xf32, #tpu.memory_space<vmem_shared>>) offsets(%dma_start3A_136 : memref<64xi32, #tpu.memory_space<vmem>>) semaphore(%arg18 : memref<!tpu.dma_semaphore, #tpu.memory_space<semaphore_mem>>) {add = true}
          %lt3A_140 = arith.cmpi slt, %add3A_110, %shift_right_logical3A_89 : i32
          %convert_element_type3A_141 = arith.extui %lt3A_140 : i1 to i32
          %cond3A_142 = arith.constant 0 : i32
          %cond3A_143 = arith.cmpi ne, %convert_element_type3A_141, %cond3A_142 : i32
          scf.if %cond3A_143 {
            %dma_wait3A_153 = arith.constant 64 : i32
            %dma_wait3A_154 = arith.constant 0 : i32
            %dma_wait3A_155 = tpu.memref_slice %arg14[%dma_wait3A_153, %dma_wait3A_154] : memref<128x128xf32, #tpu.memory_space<vmem>> -> memref<64x128xf32, #tpu.memory_space<vmem>>
            %dma_wait3A_156 = arith.constant 0 : i32
            %dma_wait3A_157 = tpu.memref_slice %arg12[%and3A_113, %dma_wait3A_156] : memref<64x64xi32, #tpu.memory_space<vmem>> -> memref<1x64xi32, #tpu.memory_space<vmem>>
            %dma_wait3A_158 = tpu.memref_squeeze %dma_wait3A_157 : memref<1x64xi32, #tpu.memory_space<vmem>> -> memref<64xi32, #tpu.memory_space<vmem>>
            %dma_wait3A_159 = arith.constant 0 : i32
            %dma_wait3A_160 = arith.constant 0 : i32
            %dma_wait3A_161 = tpu.memref_slice %arg2[%dma_wait3A_159, %dma_wait3A_160] : memref<10240x128xf32, #tpu.memory_space<hbm>> -> memref<10240x128xf32, #tpu.memory_space<hbm>>
            tpu.wait_indirect_dma semaphore(%arg17 : memref<!tpu.dma_semaphore, #tpu.memory_space<semaphore_mem>>) src(%dma_wait3A_161 : memref<10240x128xf32, #tpu.memory_space<hbm>>) dst(%dma_wait3A_155 : memref<64x128xf32, #tpu.memory_space<vmem>>)
            %dma_start3A_162 = arith.constant 64 : i32
            %dma_start3A_163 = arith.constant 0 : i32
            %dma_start3A_164 = tpu.memref_slice %arg14[%dma_start3A_162, %dma_start3A_163] : memref<128x128xf32, #tpu.memory_space<vmem>> -> memref<64x128xf32, #tpu.memory_space<vmem>>
            %dma_start3A_165 = arith.constant 0 : i32
            %dma_start3A_166 = tpu.memref_slice %arg13[%and3A_113, %dma_start3A_165] : memref<64x64xi32, #tpu.memory_space<vmem>> -> memref<1x64xi32, #tpu.memory_space<vmem>>
            %dma_start3A_167 = tpu.memref_squeeze %dma_start3A_166 : memref<1x64xi32, #tpu.memory_space<vmem>> -> memref<64xi32, #tpu.memory_space<vmem>>
            %dma_start3A_168 = arith.constant 0 : i32
            %dma_start3A_169 = arith.constant 0 : i32
            %dma_start3A_170 = tpu.memref_slice %arg16[%dma_start3A_168, %dma_start3A_169] : memref<8192x128xf32, #tpu.memory_space<vmem_shared>> -> memref<8192x128xf32, #tpu.memory_space<vmem_shared>>
            tpu.enqueue_indirect_dma source(%dma_start3A_164 : memref<64x128xf32, #tpu.memory_space<vmem>>) target(%dma_start3A_170 : memref<8192x128xf32, #tpu.memory_space<vmem_shared>>) offsets(%dma_start3A_167 : memref<64xi32, #tpu.memory_space<vmem>>) semaphore(%arg18 : memref<!tpu.dma_semaphore, #tpu.memory_space<semaphore_mem>>) {add = true}
            %dma_wait3A_171 = arith.constant 64 : i32
            %dma_wait3A_172 = arith.constant 0 : i32
            %dma_wait3A_173 = tpu.memref_slice %arg14[%dma_wait3A_171, %dma_wait3A_172] : memref<128x128xf32, #tpu.memory_space<vmem>> -> memref<64x128xf32, #tpu.memory_space<vmem>>
            %dma_wait3A_174 = arith.constant 0 : i32
            %dma_wait3A_175 = tpu.memref_slice %arg13[%and3A_113, %dma_wait3A_174] : memref<64x64xi32, #tpu.memory_space<vmem>> -> memref<1x64xi32, #tpu.memory_space<vmem>>
            %dma_wait3A_176 = tpu.memref_squeeze %dma_wait3A_175 : memref<1x64xi32, #tpu.memory_space<vmem>> -> memref<64xi32, #tpu.memory_space<vmem>>
            %dma_wait3A_177 = arith.constant 0 : i32
            %dma_wait3A_178 = arith.constant 0 : i32
            %dma_wait3A_179 = tpu.memref_slice %arg16[%dma_wait3A_177, %dma_wait3A_178] : memref<8192x128xf32, #tpu.memory_space<vmem_shared>> -> memref<8192x128xf32, #tpu.memory_space<vmem_shared>>
            tpu.wait_indirect_dma semaphore(%arg18 : memref<!tpu.dma_semaphore, #tpu.memory_space<semaphore_mem>>) src(%dma_wait3A_173 : memref<64x128xf32, #tpu.memory_space<vmem>>) dst(%dma_wait3A_179 : memref<8192x128xf32, #tpu.memory_space<vmem_shared>>)
          } else {
          }
          %dma_wait3A_144 = arith.constant 0 : i32
          %dma_wait3A_145 = arith.constant 0 : i32
          %dma_wait3A_146 = tpu.memref_slice %arg14[%dma_wait3A_144, %dma_wait3A_145] : memref<128x128xf32, #tpu.memory_space<vmem>> -> memref<64x128xf32, #tpu.memory_space<vmem>>
          %dma_wait3A_147 = arith.constant 0 : i32
          %dma_wait3A_148 = tpu.memref_slice %arg13[%and3A_111, %dma_wait3A_147] : memref<64x64xi32, #tpu.memory_space<vmem>> -> memref<1x64xi32, #tpu.memory_space<vmem>>
          %dma_wait3A_149 = tpu.memref_squeeze %dma_wait3A_148 : memref<1x64xi32, #tpu.memory_space<vmem>> -> memref<64xi32, #tpu.memory_space<vmem>>
          %dma_wait3A_150 = arith.constant 0 : i32
          %dma_wait3A_151 = arith.constant 0 : i32
          %dma_wait3A_152 = tpu.memref_slice %arg16[%dma_wait3A_150, %dma_wait3A_151] : memref<8192x128xf32, #tpu.memory_space<vmem_shared>> -> memref<8192x128xf32, #tpu.memory_space<vmem_shared>>
          tpu.wait_indirect_dma semaphore(%arg18 : memref<!tpu.dma_semaphore, #tpu.memory_space<semaphore_mem>>) src(%dma_wait3A_146 : memref<64x128xf32, #tpu.memory_space<vmem>>) dst(%dma_wait3A_152 : memref<8192x128xf32, #tpu.memory_space<vmem_shared>>)
        }
        %while3A_104 = arith.constant 1 : i32
        scf.for %while3A_105 = %while3A_102 to %while3A_98 step %while3A_104  : i32 {
          %mul3A_106 = arith.constant 2 : i32
          %mul3A_107 = arith.muli %mul3A_106, %while3A_105 : i32
          %add3A_108 = arith.addi %scan3A_68, %mul3A_107 : i32
          %add3A_109 = arith.constant 1 : i32
          %add3A_110 = arith.addi %add3A_108, %add3A_109 : i32
          %and3A = arith.constant 63 : i32
          %and3A_111 = arith.andi %add3A_108, %and3A : i32
          %and3A_112 = arith.constant 63 : i32
          %and3A_113 = arith.andi %add3A_110, %and3A_112 : i32
          %dma_start3A = arith.constant 0 : i32
          %dma_start3A_114 = arith.constant 0 : i32
          %dma_start3A_115 = tpu.memref_slice %arg14[%dma_start3A, %dma_start3A_114] : memref<128x128xf32, #tpu.memory_space<vmem>> -> memref<64x128xf32, #tpu.memory_space<vmem>>
          %dma_start3A_116 = arith.constant 0 : i32
          %dma_start3A_117 = tpu.memref_slice %arg12[%and3A_111, %dma_start3A_116] : memref<64x64xi32, #tpu.memory_space<vmem>> -> memref<1x64xi32, #tpu.memory_space<vmem>>
          %dma_start3A_118 = tpu.memref_squeeze %dma_start3A_117 : memref<1x64xi32, #tpu.memory_space<vmem>> -> memref<64xi32, #tpu.memory_space<vmem>>
          %dma_start3A_119 = arith.constant 0 : i32
          %dma_start3A_120 = arith.constant 0 : i32
          %dma_start3A_121 = tpu.memref_slice %arg2[%dma_start3A_119, %dma_start3A_120] : memref<10240x128xf32, #tpu.memory_space<hbm>> -> memref<10240x128xf32, #tpu.memory_space<hbm>>
          tpu.enqueue_indirect_dma source(%dma_start3A_121 : memref<10240x128xf32, #tpu.memory_space<hbm>>) target(%dma_start3A_115 : memref<64x128xf32, #tpu.memory_space<vmem>>) offsets(%dma_start3A_118 : memref<64xi32, #tpu.memory_space<vmem>>) semaphore(%arg17 : memref<!tpu.dma_semaphore, #tpu.memory_space<semaphore_mem>>)
          %lt3A = arith.cmpi slt, %add3A_110, %shift_right_logical3A_89 : i32
          %convert_element_type3A = arith.extui %lt3A : i1 to i32
          %cond3A = arith.constant 0 : i32
          %cond3A_122 = arith.cmpi ne, %convert_element_type3A, %cond3A : i32
          scf.if %cond3A_122 {
            %dma_start3A_153 = arith.constant 64 : i32
            %dma_start3A_154 = arith.constant 0 : i32
            %dma_start3A_155 = tpu.memref_slice %arg14[%dma_start3A_153, %dma_start3A_154] : memref<128x128xf32, #tpu.memory_space<vmem>> -> memref<64x128xf32, #tpu.memory_space<vmem>>
            %dma_start3A_156 = arith.constant 0 : i32
            %dma_start3A_157 = tpu.memref_slice %arg12[%and3A_113, %dma_start3A_156] : memref<64x64xi32, #tpu.memory_space<vmem>> -> memref<1x64xi32, #tpu.memory_space<vmem>>
            %dma_start3A_158 = tpu.memref_squeeze %dma_start3A_157 : memref<1x64xi32, #tpu.memory_space<vmem>> -> memref<64xi32, #tpu.memory_space<vmem>>
            %dma_start3A_159 = arith.constant 0 : i32
            %dma_start3A_160 = arith.constant 0 : i32
            %dma_start3A_161 = tpu.memref_slice %arg2[%dma_start3A_159, %dma_start3A_160] : memref<10240x128xf32, #tpu.memory_space<hbm>> -> memref<10240x128xf32, #tpu.memory_space<hbm>>
            tpu.enqueue_indirect_dma source(%dma_start3A_161 : memref<10240x128xf32, #tpu.memory_space<hbm>>) target(%dma_start3A_155 : memref<64x128xf32, #tpu.memory_space<vmem>>) offsets(%dma_start3A_158 : memref<64xi32, #tpu.memory_space<vmem>>) semaphore(%arg17 : memref<!tpu.dma_semaphore, #tpu.memory_space<semaphore_mem>>)
          } else {
          }
          %dma_wait3A = arith.constant 0 : i32
          %dma_wait3A_123 = arith.constant 0 : i32
          %dma_wait3A_124 = tpu.memref_slice %arg14[%dma_wait3A, %dma_wait3A_123] : memref<128x128xf32, #tpu.memory_space<vmem>> -> memref<64x128xf32, #tpu.memory_space<vmem>>
          %dma_wait3A_125 = arith.constant 0 : i32
          %dma_wait3A_126 = tpu.memref_slice %arg12[%and3A_111, %dma_wait3A_125] : memref<64x64xi32, #tpu.memory_space<vmem>> -> memref<1x64xi32, #tpu.memory_space<vmem>>
          %dma_wait3A_127 = tpu.memref_squeeze %dma_wait3A_126 : memref<1x64xi32, #tpu.memory_space<vmem>> -> memref<64xi32, #tpu.memory_space<vmem>>
          %dma_wait3A_128 = arith.constant 0 : i32
          %dma_wait3A_129 = arith.constant 0 : i32
          %dma_wait3A_130 = tpu.memref_slice %arg2[%dma_wait3A_128, %dma_wait3A_129] : memref<10240x128xf32, #tpu.memory_space<hbm>> -> memref<10240x128xf32, #tpu.memory_space<hbm>>
          tpu.wait_indirect_dma semaphore(%arg17 : memref<!tpu.dma_semaphore, #tpu.memory_space<semaphore_mem>>) src(%dma_wait3A_130 : memref<10240x128xf32, #tpu.memory_space<hbm>>) dst(%dma_wait3A_124 : memref<64x128xf32, #tpu.memory_space<vmem>>)
          %dma_start3A_131 = arith.constant 0 : i32
          %dma_start3A_132 = arith.constant 0 : i32
          %dma_start3A_133 = tpu.memref_slice %arg14[%dma_start3A_131, %dma_start3A_132] : memref<128x128xf32, #tpu.memory_space<vmem>> -> memref<64x128xf32, #tpu.memory_space<vmem>>
          %dma_start3A_134 = arith.constant 0 : i32
          %dma_start3A_135 = tpu.memref_slice %arg13[%and3A_111, %dma_start3A_134] : memref<64x64xi32, #tpu.memory_space<vmem>> -> memref<1x64xi32, #tpu.memory_space<vmem>>
          %dma_start3A_136 = tpu.memref_squeeze %dma_start3A_135 : memref<1x64xi32, #tpu.memory_space<vmem>> -> memref<64xi32, #tpu.memory_space<vmem>>
          %dma_start3A_137 = arith.constant 0 : i32
          %dma_start3A_138 = arith.constant 0 : i32
          %dma_start3A_139 = tpu.memref_slice %arg16[%dma_start3A_137, %dma_start3A_138] : memref<8192x128xf32, #tpu.memory_space<vmem_shared>> -> memref<8192x128xf32, #tpu.memory_space<vmem_shared>>
          tpu.enqueue_indirect_dma source(%dma_start3A_133 : memref<64x128xf32, #tpu.memory_space<vmem>>) target(%dma_start3A_139 : memref<8192x128xf32, #tpu.memory_space<vmem_shared>>) offsets(%dma_start3A_136 : memref<64xi32, #tpu.memory_space<vmem>>) semaphore(%arg18 : memref<!tpu.dma_semaphore, #tpu.memory_space<semaphore_mem>>) {add = true}
          %lt3A_140 = arith.cmpi slt, %add3A_110, %shift_right_logical3A_89 : i32
          %convert_element_type3A_141 = arith.extui %lt3A_140 : i1 to i32
          %cond3A_142 = arith.constant 0 : i32
          %cond3A_143 = arith.cmpi ne, %convert_element_type3A_141, %cond3A_142 : i32
          scf.if %cond3A_143 {
            %dma_wait3A_153 = arith.constant 64 : i32
            %dma_wait3A_154 = arith.constant 0 : i32
            %dma_wait3A_155 = tpu.memref_slice %arg14[%dma_wait3A_153, %dma_wait3A_154] : memref<128x128xf32, #tpu.memory_space<vmem>> -> memref<64x128xf32, #tpu.memory_space<vmem>>
            %dma_wait3A_156 = arith.constant 0 : i32
            %dma_wait3A_157 = tpu.memref_slice %arg12[%and3A_113, %dma_wait3A_156] : memref<64x64xi32, #tpu.memory_space<vmem>> -> memref<1x64xi32, #tpu.memory_space<vmem>>
            %dma_wait3A_158 = tpu.memref_squeeze %dma_wait3A_157 : memref<1x64xi32, #tpu.memory_space<vmem>> -> memref<64xi32, #tpu.memory_space<vmem>>
            %dma_wait3A_159 = arith.constant 0 : i32
            %dma_wait3A_160 = arith.constant 0 : i32
            %dma_wait3A_161 = tpu.memref_slice %arg2[%dma_wait3A_159, %dma_wait3A_160] : memref<10240x128xf32, #tpu.memory_space<hbm>> -> memref<10240x128xf32, #tpu.memory_space<hbm>>
            tpu.wait_indirect_dma semaphore(%arg17 : memref<!tpu.dma_semaphore, #tpu.memory_space<semaphore_mem>>) src(%dma_wait3A_161 : memref<10240x128xf32, #tpu.memory_space<hbm>>) dst(%dma_wait3A_155 : memref<64x128xf32, #tpu.memory_space<vmem>>)
            %dma_start3A_162 = arith.constant 64 : i32
            %dma_start3A_163 = arith.constant 0 : i32
            %dma_start3A_164 = tpu.memref_slice %arg14[%dma_start3A_162, %dma_start3A_163] : memref<128x128xf32, #tpu.memory_space<vmem>> -> memref<64x128xf32, #tpu.memory_space<vmem>>
            %dma_start3A_165 = arith.constant 0 : i32
            %dma_start3A_166 = tpu.memref_slice %arg13[%and3A_113, %dma_start3A_165] : memref<64x64xi32, #tpu.memory_space<vmem>> -> memref<1x64xi32, #tpu.memory_space<vmem>>
            %dma_start3A_167 = tpu.memref_squeeze %dma_start3A_166 : memref<1x64xi32, #tpu.memory_space<vmem>> -> memref<64xi32, #tpu.memory_space<vmem>>
            %dma_start3A_168 = arith.constant 0 : i32
            %dma_start3A_169 = arith.constant 0 : i32
            %dma_start3A_170 = tpu.memref_slice %arg16[%dma_start3A_168, %dma_start3A_169] : memref<8192x128xf32, #tpu.memory_space<vmem_shared>> -> memref<8192x128xf32, #tpu.memory_space<vmem_shared>>
            tpu.enqueue_indirect_dma source(%dma_start3A_164 : memref<64x128xf32, #tpu.memory_space<vmem>>) target(%dma_start3A_170 : memref<8192x128xf32, #tpu.memory_space<vmem_shared>>) offsets(%dma_start3A_167 : memref<64xi32, #tpu.memory_space<vmem>>) semaphore(%arg18 : memref<!tpu.dma_semaphore, #tpu.memory_space<semaphore_mem>>) {add = true}
            %dma_wait3A_171 = arith.constant 64 : i32
            %dma_wait3A_172 = arith.constant 0 : i32
            %dma_wait3A_173 = tpu.memref_slice %arg14[%dma_wait3A_171, %dma_wait3A_172] : memref<128x128xf32, #tpu.memory_space<vmem>> -> memref<64x128xf32, #tpu.memory_space<vmem>>
            %dma_wait3A_174 = arith.constant 0 : i32
            %dma_wait3A_175 = tpu.memref_slice %arg13[%and3A_113, %dma_wait3A_174] : memref<64x64xi32, #tpu.memory_space<vmem>> -> memref<1x64xi32, #tpu.memory_space<vmem>>
            %dma_wait3A_176 = tpu.memref_squeeze %dma_wait3A_175 : memref<1x64xi32, #tpu.memory_space<vmem>> -> memref<64xi32, #tpu.memory_space<vmem>>
            %dma_wait3A_177 = arith.constant 0 : i32
            %dma_wait3A_178 = arith.constant 0 : i32
            %dma_wait3A_179 = tpu.memref_slice %arg16[%dma_wait3A_177, %dma_wait3A_178] : memref<8192x128xf32, #tpu.memory_space<vmem_shared>> -> memref<8192x128xf32, #tpu.memory_space<vmem_shared>>
            tpu.wait_indirect_dma semaphore(%arg18 : memref<!tpu.dma_semaphore, #tpu.memory_space<semaphore_mem>>) src(%dma_wait3A_173 : memref<64x128xf32, #tpu.memory_space<vmem>>) dst(%dma_wait3A_179 : memref<8192x128xf32, #tpu.memory_space<vmem_shared>>)
          } else {
          }
          %dma_wait3A_144 = arith.constant 0 : i32
          %dma_wait3A_145 = arith.constant 0 : i32
          %dma_wait3A_146 = tpu.memref_slice %arg14[%dma_wait3A_144, %dma_wait3A_145] : memref<128x128xf32, #tpu.memory_space<vmem>> -> memref<64x128xf32, #tpu.memory_space<vmem>>
          %dma_wait3A_147 = arith.constant 0 : i32
          %dma_wait3A_148 = tpu.memref_slice %arg13[%and3A_111, %dma_wait3A_147] : memref<64x64xi32, #tpu.memory_space<vmem>> -> memref<1x64xi32, #tpu.memory_space<vmem>>
          %dma_wait3A_149 = tpu.memref_squeeze %dma_wait3A_148 : memref<1x64xi32, #tpu.memory_space<vmem>> -> memref<64xi32, #tpu.memory_space<vmem>>
          %dma_wait3A_150 = arith.constant 0 : i32
          %dma_wait3A_151 = arith.constant 0 : i32
          %dma_wait3A_152 = tpu.memref_slice %arg16[%dma_wait3A_150, %dma_wait3A_151] : memref<8192x128xf32, #tpu.memory_space<vmem_shared>> -> memref<8192x128xf32, #tpu.memory_space<vmem_shared>>
          tpu.wait_indirect_dma semaphore(%arg18 : memref<!tpu.dma_semaphore, #tpu.memory_space<semaphore_mem>>) src(%dma_wait3A_146 : memref<64x128xf32, #tpu.memory_space<vmem>>) dst(%dma_wait3A_152 : memref<8192x128xf32, #tpu.memory_space<vmem_shared>>)
        }
        scf.yield %scan3A_78, %shift_right_logical3A_89 : vector<16xi32>, i32
      }
      %scan3A_26 = arith.constant 10 : i32
      %reduce_max3A = arith.constant true
      %reduce_max3A_27 = vector.broadcast %reduce_max3A : i1 to vector<16xi1>
      %reduce_max3A_28 = arith.constant -2147483648 : i32
      %reduce_max3A_29 = vector.broadcast %reduce_max3A_28 : i32 to vector<16xi32>
      %reduce_max3A_30 = arith.xori %scan3A_25#0, %reduce_max3A_29 : vector<16xi32>
      %reduce_max3A_31 = tpu.scan <max>, %reduce_max3A_30 masked %reduce_max3A_27 : vector<16xi32>, vector<16xi1> -> vector<16xi32>
      %reduce_max3A_32 = arith.xori %reduce_max3A_31, %reduce_max3A_29 : vector<16xi32>
      %reduce_max3A_33 = vector.extract %reduce_max3A_32[15] : i32 from vector<16xi32>
      %add3A_34 = arith.constant 64 : i32
      %add3A_35 = arith.addi %reduce_max3A_33, %add3A_34 : i32
      %sub3A = arith.constant 1 : i32
      %sub3A_36 = arith.subi %add3A_35, %sub3A : i32
      %shift_right_logical3A = arith.constant 6 : i32
      %shift_right_logical3A_37 = arith.shrui %sub3A_36, %shift_right_logical3A : i32
      %scan3A_38 = arith.constant 0 : i32
      %scan3A_39 = arith.constant 0 : i32
      %scan3A_40 = arith.constant 4 : i32
      %scan3A_41 = arith.addi %scan3A_39, %scan3A_40 : i32
      %scan3A_42 = arith.constant 1 : i32
      scf.for %scan3A_66 = %scan3A_39 to %scan3A_41 step %scan3A_42  : i32 {
        %mul3A_67 = arith.constant 16 : i32
        %mul3A_68 = arith.muli %scan3A_66, %mul3A_67 : i32
        %add3A_69 = arith.addi %reduce_max3A_33, %mul3A_68 : i32
        %add3A_70 = vector.broadcast %add3A_69 : i32 to vector<16xi32>
        %add3A_71 = arith.addi %add3A_70, %iota3A : vector<16xi32>
        %mul3A_72 = arith.constant 64 : i32
        %mul3A_73 = arith.muli %shift_right_logical3A_37, %mul3A_72 : i32
        %lt3A = vector.broadcast %mul3A_73 : i32 to vector<16xi32>
        %lt3A_74 = arith.cmpi slt, %add3A_71, %lt3A : vector<16xi32>
        %shift_right_logical3A_75 = arith.constant 6 : i32
        %shift_right_logical3A_76 = vector.broadcast %shift_right_logical3A_75 : i32 to vector<16xi32>
        %shift_right_logical3A_77 = arith.shrui %add3A_71, %shift_right_logical3A_76 : vector<16xi32>
        %and3A = arith.constant 63 : i32
        %and3A_78 = vector.broadcast %and3A : i32 to vector<16xi32>
        %and3A_79 = arith.andi %shift_right_logical3A_77, %and3A_78 : vector<16xi32>
        %and3A_80 = arith.constant 63 : i32
        %and3A_81 = vector.broadcast %and3A_80 : i32 to vector<16xi32>
        %and3A_82 = arith.andi %add3A_71, %and3A_81 : vector<16xi32>
        %broadcast_in_dim3A_83 = arith.constant 8100 : i32
        %broadcast_in_dim3A_84 = vector.broadcast %broadcast_in_dim3A_83 : i32 to vector<16xi32>
        tpu.vector_store_idx %arg13[%and3A_79, %and3A_82], %broadcast_in_dim3A_84 masked %lt3A_74 : memref<64x64xi32, #tpu.memory_space<vmem>>[vector<16xi32>, vector<16xi32>], vector<16xi32>, vector<16xi1>
        %broadcast_in_dim3A_85 = arith.constant 1000 : i32
        %broadcast_in_dim3A_86 = vector.broadcast %broadcast_in_dim3A_85 : i32 to vector<16xi32>
        tpu.vector_store_idx %arg12[%and3A_79, %and3A_82], %broadcast_in_dim3A_86 masked %lt3A_74 : memref<64x64xi32, #tpu.memory_space<vmem>>[vector<16xi32>, vector<16xi32>], vector<16xi32>, vector<16xi1>
      }
      %scan3A_43 = arith.constant 4 : i32
      %sub3A_44 = arith.subi %shift_right_logical3A_37, %scan3A_25#1 : i32
      %add3A_45 = arith.constant 1 : i32
      %add3A_46 = arith.addi %sub3A_44, %add3A_45 : i32
      %shift_right_logical3A_47 = arith.constant 1 : i32
      %shift_right_logical3A_48 = arith.shrui %add3A_46, %shift_right_logical3A_47 : i32
      %while3A = arith.constant 0 : i32
      %while3A_49 = arith.constant 0 : i32
      %while3A_50 = arith.subi %shift_right_logical3A_48, %while3A_49 : i32
      %while3A_51 = arith.addi %while3A_49, %while3A_50 : i32
      %while3A_52 = arith.constant 1 : i32
      %while3A_53 = arith.divsi %while3A_50, %while3A_52 : i32
      %while3A_54 = arith.muli %while3A_53, %while3A_52 : i32
      %while3A_55 = arith.addi %while3A_49, %while3A_54 : i32
      %while3A_56 = arith.constant 1 : i32
      scf.for %while3A_66 = %while3A_49 to %while3A_55 step %while3A_56  : i32 {
        %mul3A_67 = arith.constant 2 : i32
        %mul3A_68 = arith.muli %mul3A_67, %while3A_66 : i32
        %add3A_69 = arith.addi %scan3A_25#1, %mul3A_68 : i32
        %add3A_70 = arith.constant 1 : i32
        %add3A_71 = arith.addi %add3A_69, %add3A_70 : i32
        %and3A = arith.constant 63 : i32
        %and3A_72 = arith.andi %add3A_69, %and3A : i32
        %and3A_73 = arith.constant 63 : i32
        %and3A_74 = arith.andi %add3A_71, %and3A_73 : i32
        %dma_start3A = arith.constant 0 : i32
        %dma_start3A_75 = arith.constant 0 : i32
        %dma_start3A_76 = tpu.memref_slice %arg14[%dma_start3A, %dma_start3A_75] : memref<128x128xf32, #tpu.memory_space<vmem>> -> memref<64x128xf32, #tpu.memory_space<vmem>>
        %dma_start3A_77 = arith.constant 0 : i32
        %dma_start3A_78 = tpu.memref_slice %arg12[%and3A_72, %dma_start3A_77] : memref<64x64xi32, #tpu.memory_space<vmem>> -> memref<1x64xi32, #tpu.memory_space<vmem>>
        %dma_start3A_79 = tpu.memref_squeeze %dma_start3A_78 : memref<1x64xi32, #tpu.memory_space<vmem>> -> memref<64xi32, #tpu.memory_space<vmem>>
        %dma_start3A_80 = arith.constant 0 : i32
        %dma_start3A_81 = arith.constant 0 : i32
        %dma_start3A_82 = tpu.memref_slice %arg2[%dma_start3A_80, %dma_start3A_81] : memref<10240x128xf32, #tpu.memory_space<hbm>> -> memref<10240x128xf32, #tpu.memory_space<hbm>>
        tpu.enqueue_indirect_dma source(%dma_start3A_82 : memref<10240x128xf32, #tpu.memory_space<hbm>>) target(%dma_start3A_76 : memref<64x128xf32, #tpu.memory_space<vmem>>) offsets(%dma_start3A_79 : memref<64xi32, #tpu.memory_space<vmem>>) semaphore(%arg17 : memref<!tpu.dma_semaphore, #tpu.memory_space<semaphore_mem>>)
        %lt3A = arith.cmpi slt, %add3A_71, %shift_right_logical3A_37 : i32
        %convert_element_type3A = arith.extui %lt3A : i1 to i32
        %cond3A = arith.constant 0 : i32
        %cond3A_83 = arith.cmpi ne, %convert_element_type3A, %cond3A : i32
        scf.if %cond3A_83 {
          %dma_start3A_114 = arith.constant 64 : i32
          %dma_start3A_115 = arith.constant 0 : i32
          %dma_start3A_116 = tpu.memref_slice %arg14[%dma_start3A_114, %dma_start3A_115] : memref<128x128xf32, #tpu.memory_space<vmem>> -> memref<64x128xf32, #tpu.memory_space<vmem>>
          %dma_start3A_117 = arith.constant 0 : i32
          %dma_start3A_118 = tpu.memref_slice %arg12[%and3A_74, %dma_start3A_117] : memref<64x64xi32, #tpu.memory_space<vmem>> -> memref<1x64xi32, #tpu.memory_space<vmem>>
          %dma_start3A_119 = tpu.memref_squeeze %dma_start3A_118 : memref<1x64xi32, #tpu.memory_space<vmem>> -> memref<64xi32, #tpu.memory_space<vmem>>
          %dma_start3A_120 = arith.constant 0 : i32
          %dma_start3A_121 = arith.constant 0 : i32
          %dma_start3A_122 = tpu.memref_slice %arg2[%dma_start3A_120, %dma_start3A_121] : memref<10240x128xf32, #tpu.memory_space<hbm>> -> memref<10240x128xf32, #tpu.memory_space<hbm>>
          tpu.enqueue_indirect_dma source(%dma_start3A_122 : memref<10240x128xf32, #tpu.memory_space<hbm>>) target(%dma_start3A_116 : memref<64x128xf32, #tpu.memory_space<vmem>>) offsets(%dma_start3A_119 : memref<64xi32, #tpu.memory_space<vmem>>) semaphore(%arg17 : memref<!tpu.dma_semaphore, #tpu.memory_space<semaphore_mem>>)
        } else {
        }
        %dma_wait3A = arith.constant 0 : i32
        %dma_wait3A_84 = arith.constant 0 : i32
        %dma_wait3A_85 = tpu.memref_slice %arg14[%dma_wait3A, %dma_wait3A_84] : memref<128x128xf32, #tpu.memory_space<vmem>> -> memref<64x128xf32, #tpu.memory_space<vmem>>
        %dma_wait3A_86 = arith.constant 0 : i32
        %dma_wait3A_87 = tpu.memref_slice %arg12[%and3A_72, %dma_wait3A_86] : memref<64x64xi32, #tpu.memory_space<vmem>> -> memref<1x64xi32, #tpu.memory_space<vmem>>
        %dma_wait3A_88 = tpu.memref_squeeze %dma_wait3A_87 : memref<1x64xi32, #tpu.memory_space<vmem>> -> memref<64xi32, #tpu.memory_space<vmem>>
        %dma_wait3A_89 = arith.constant 0 : i32
        %dma_wait3A_90 = arith.constant 0 : i32
        %dma_wait3A_91 = tpu.memref_slice %arg2[%dma_wait3A_89, %dma_wait3A_90] : memref<10240x128xf32, #tpu.memory_space<hbm>> -> memref<10240x128xf32, #tpu.memory_space<hbm>>
        tpu.wait_indirect_dma semaphore(%arg17 : memref<!tpu.dma_semaphore, #tpu.memory_space<semaphore_mem>>) src(%dma_wait3A_91 : memref<10240x128xf32, #tpu.memory_space<hbm>>) dst(%dma_wait3A_85 : memref<64x128xf32, #tpu.memory_space<vmem>>)
        %dma_start3A_92 = arith.constant 0 : i32
        %dma_start3A_93 = arith.constant 0 : i32
        %dma_start3A_94 = tpu.memref_slice %arg14[%dma_start3A_92, %dma_start3A_93] : memref<128x128xf32, #tpu.memory_space<vmem>> -> memref<64x128xf32, #tpu.memory_space<vmem>>
        %dma_start3A_95 = arith.constant 0 : i32
        %dma_start3A_96 = tpu.memref_slice %arg13[%and3A_72, %dma_start3A_95] : memref<64x64xi32, #tpu.memory_space<vmem>> -> memref<1x64xi32, #tpu.memory_space<vmem>>
        %dma_start3A_97 = tpu.memref_squeeze %dma_start3A_96 : memref<1x64xi32, #tpu.memory_space<vmem>> -> memref<64xi32, #tpu.memory_space<vmem>>
        %dma_start3A_98 = arith.constant 0 : i32
        %dma_start3A_99 = arith.constant 0 : i32
        %dma_start3A_100 = tpu.memref_slice %arg16[%dma_start3A_98, %dma_start3A_99] : memref<8192x128xf32, #tpu.memory_space<vmem_shared>> -> memref<8192x128xf32, #tpu.memory_space<vmem_shared>>
        tpu.enqueue_indirect_dma source(%dma_start3A_94 : memref<64x128xf32, #tpu.memory_space<vmem>>) target(%dma_start3A_100 : memref<8192x128xf32, #tpu.memory_space<vmem_shared>>) offsets(%dma_start3A_97 : memref<64xi32, #tpu.memory_space<vmem>>) semaphore(%arg18 : memref<!tpu.dma_semaphore, #tpu.memory_space<semaphore_mem>>) {add = true}
        %lt3A_101 = arith.cmpi slt, %add3A_71, %shift_right_logical3A_37 : i32
        %convert_element_type3A_102 = arith.extui %lt3A_101 : i1 to i32
        %cond3A_103 = arith.constant 0 : i32
        %cond3A_104 = arith.cmpi ne, %convert_element_type3A_102, %cond3A_103 : i32
        scf.if %cond3A_104 {
          %dma_wait3A_114 = arith.constant 64 : i32
          %dma_wait3A_115 = arith.constant 0 : i32
          %dma_wait3A_116 = tpu.memref_slice %arg14[%dma_wait3A_114, %dma_wait3A_115] : memref<128x128xf32, #tpu.memory_space<vmem>> -> memref<64x128xf32, #tpu.memory_space<vmem>>
          %dma_wait3A_117 = arith.constant 0 : i32
          %dma_wait3A_118 = tpu.memref_slice %arg12[%and3A_74, %dma_wait3A_117] : memref<64x64xi32, #tpu.memory_space<vmem>> -> memref<1x64xi32, #tpu.memory_space<vmem>>
          %dma_wait3A_119 = tpu.memref_squeeze %dma_wait3A_118 : memref<1x64xi32, #tpu.memory_space<vmem>> -> memref<64xi32, #tpu.memory_space<vmem>>
          %dma_wait3A_120 = arith.constant 0 : i32
          %dma_wait3A_121 = arith.constant 0 : i32
          %dma_wait3A_122 = tpu.memref_slice %arg2[%dma_wait3A_120, %dma_wait3A_121] : memref<10240x128xf32, #tpu.memory_space<hbm>> -> memref<10240x128xf32, #tpu.memory_space<hbm>>
          tpu.wait_indirect_dma semaphore(%arg17 : memref<!tpu.dma_semaphore, #tpu.memory_space<semaphore_mem>>) src(%dma_wait3A_122 : memref<10240x128xf32, #tpu.memory_space<hbm>>) dst(%dma_wait3A_116 : memref<64x128xf32, #tpu.memory_space<vmem>>)
          %dma_start3A_123 = arith.constant 64 : i32
          %dma_start3A_124 = arith.constant 0 : i32
          %dma_start3A_125 = tpu.memref_slice %arg14[%dma_start3A_123, %dma_start3A_124] : memref<128x128xf32, #tpu.memory_space<vmem>> -> memref<64x128xf32, #tpu.memory_space<vmem>>
          %dma_start3A_126 = arith.constant 0 : i32
          %dma_start3A_127 = tpu.memref_slice %arg13[%and3A_74, %dma_start3A_126] : memref<64x64xi32, #tpu.memory_space<vmem>> -> memref<1x64xi32, #tpu.memory_space<vmem>>
          %dma_start3A_128 = tpu.memref_squeeze %dma_start3A_127 : memref<1x64xi32, #tpu.memory_space<vmem>> -> memref<64xi32, #tpu.memory_space<vmem>>
          %dma_start3A_129 = arith.constant 0 : i32
          %dma_start3A_130 = arith.constant 0 : i32
          %dma_start3A_131 = tpu.memref_slice %arg16[%dma_start3A_129, %dma_start3A_130] : memref<8192x128xf32, #tpu.memory_space<vmem_shared>> -> memref<8192x128xf32, #tpu.memory_space<vmem_shared>>
          tpu.enqueue_indirect_dma source(%dma_start3A_125 : memref<64x128xf32, #tpu.memory_space<vmem>>) target(%dma_start3A_131 : memref<8192x128xf32, #tpu.memory_space<vmem_shared>>) offsets(%dma_start3A_128 : memref<64xi32, #tpu.memory_space<vmem>>) semaphore(%arg18 : memref<!tpu.dma_semaphore, #tpu.memory_space<semaphore_mem>>) {add = true}
          %dma_wait3A_132 = arith.constant 64 : i32
          %dma_wait3A_133 = arith.constant 0 : i32
          %dma_wait3A_134 = tpu.memref_slice %arg14[%dma_wait3A_132, %dma_wait3A_133] : memref<128x128xf32, #tpu.memory_space<vmem>> -> memref<64x128xf32, #tpu.memory_space<vmem>>
          %dma_wait3A_135 = arith.constant 0 : i32
          %dma_wait3A_136 = tpu.memref_slice %arg13[%and3A_74, %dma_wait3A_135] : memref<64x64xi32, #tpu.memory_space<vmem>> -> memref<1x64xi32, #tpu.memory_space<vmem>>
          %dma_wait3A_137 = tpu.memref_squeeze %dma_wait3A_136 : memref<1x64xi32, #tpu.memory_space<vmem>> -> memref<64xi32, #tpu.memory_space<vmem>>
          %dma_wait3A_138 = arith.constant 0 : i32
          %dma_wait3A_139 = arith.constant 0 : i32
          %dma_wait3A_140 = tpu.memref_slice %arg16[%dma_wait3A_138, %dma_wait3A_139] : memref<8192x128xf32, #tpu.memory_space<vmem_shared>> -> memref<8192x128xf32, #tpu.memory_space<vmem_shared>>
          tpu.wait_indirect_dma semaphore(%arg18 : memref<!tpu.dma_semaphore, #tpu.memory_space<semaphore_mem>>) src(%dma_wait3A_134 : memref<64x128xf32, #tpu.memory_space<vmem>>) dst(%dma_wait3A_140 : memref<8192x128xf32, #tpu.memory_space<vmem_shared>>)
        } else {
        }
        %dma_wait3A_105 = arith.constant 0 : i32
        %dma_wait3A_106 = arith.constant 0 : i32
        %dma_wait3A_107 = tpu.memref_slice %arg14[%dma_wait3A_105, %dma_wait3A_106] : memref<128x128xf32, #tpu.memory_space<vmem>> -> memref<64x128xf32, #tpu.memory_space<vmem>>
        %dma_wait3A_108 = arith.constant 0 : i32
        %dma_wait3A_109 = tpu.memref_slice %arg13[%and3A_72, %dma_wait3A_108] : memref<64x64xi32, #tpu.memory_space<vmem>> -> memref<1x64xi32, #tpu.memory_space<vmem>>
        %dma_wait3A_110 = tpu.memref_squeeze %dma_wait3A_109 : memref<1x64xi32, #tpu.memory_space<vmem>> -> memref<64xi32, #tpu.memory_space<vmem>>
        %dma_wait3A_111 = arith.constant 0 : i32
        %dma_wait3A_112 = arith.constant 0 : i32
        %dma_wait3A_113 = tpu.memref_slice %arg16[%dma_wait3A_111, %dma_wait3A_112] : memref<8192x128xf32, #tpu.memory_space<vmem_shared>> -> memref<8192x128xf32, #tpu.memory_space<vmem_shared>>
        tpu.wait_indirect_dma semaphore(%arg18 : memref<!tpu.dma_semaphore, #tpu.memory_space<semaphore_mem>>) src(%dma_wait3A_107 : memref<64x128xf32, #tpu.memory_space<vmem>>) dst(%dma_wait3A_113 : memref<8192x128xf32, #tpu.memory_space<vmem_shared>>)
      }
      %while3A_57 = arith.constant 1 : i32
      scf.for %while3A_66 = %while3A_55 to %while3A_51 step %while3A_57  : i32 {
        %mul3A_67 = arith.constant 2 : i32
        %mul3A_68 = arith.muli %mul3A_67, %while3A_66 : i32
        %add3A_69 = arith.addi %scan3A_25#1, %mul3A_68 : i32
        %add3A_70 = arith.constant 1 : i32
        %add3A_71 = arith.addi %add3A_69, %add3A_70 : i32
        %and3A = arith.constant 63 : i32
        %and3A_72 = arith.andi %add3A_69, %and3A : i32
        %and3A_73 = arith.constant 63 : i32
        %and3A_74 = arith.andi %add3A_71, %and3A_73 : i32
        %dma_start3A = arith.constant 0 : i32
        %dma_start3A_75 = arith.constant 0 : i32
        %dma_start3A_76 = tpu.memref_slice %arg14[%dma_start3A, %dma_start3A_75] : memref<128x128xf32, #tpu.memory_space<vmem>> -> memref<64x128xf32, #tpu.memory_space<vmem>>
        %dma_start3A_77 = arith.constant 0 : i32
        %dma_start3A_78 = tpu.memref_slice %arg12[%and3A_72, %dma_start3A_77] : memref<64x64xi32, #tpu.memory_space<vmem>> -> memref<1x64xi32, #tpu.memory_space<vmem>>
        %dma_start3A_79 = tpu.memref_squeeze %dma_start3A_78 : memref<1x64xi32, #tpu.memory_space<vmem>> -> memref<64xi32, #tpu.memory_space<vmem>>
        %dma_start3A_80 = arith.constant 0 : i32
        %dma_start3A_81 = arith.constant 0 : i32
        %dma_start3A_82 = tpu.memref_slice %arg2[%dma_start3A_80, %dma_start3A_81] : memref<10240x128xf32, #tpu.memory_space<hbm>> -> memref<10240x128xf32, #tpu.memory_space<hbm>>
        tpu.enqueue_indirect_dma source(%dma_start3A_82 : memref<10240x128xf32, #tpu.memory_space<hbm>>) target(%dma_start3A_76 : memref<64x128xf32, #tpu.memory_space<vmem>>) offsets(%dma_start3A_79 : memref<64xi32, #tpu.memory_space<vmem>>) semaphore(%arg17 : memref<!tpu.dma_semaphore, #tpu.memory_space<semaphore_mem>>)
        %lt3A = arith.cmpi slt, %add3A_71, %shift_right_logical3A_37 : i32
        %convert_element_type3A = arith.extui %lt3A : i1 to i32
        %cond3A = arith.constant 0 : i32
        %cond3A_83 = arith.cmpi ne, %convert_element_type3A, %cond3A : i32
        scf.if %cond3A_83 {
          %dma_start3A_114 = arith.constant 64 : i32
          %dma_start3A_115 = arith.constant 0 : i32
          %dma_start3A_116 = tpu.memref_slice %arg14[%dma_start3A_114, %dma_start3A_115] : memref<128x128xf32, #tpu.memory_space<vmem>> -> memref<64x128xf32, #tpu.memory_space<vmem>>
          %dma_start3A_117 = arith.constant 0 : i32
          %dma_start3A_118 = tpu.memref_slice %arg12[%and3A_74, %dma_start3A_117] : memref<64x64xi32, #tpu.memory_space<vmem>> -> memref<1x64xi32, #tpu.memory_space<vmem>>
          %dma_start3A_119 = tpu.memref_squeeze %dma_start3A_118 : memref<1x64xi32, #tpu.memory_space<vmem>> -> memref<64xi32, #tpu.memory_space<vmem>>
          %dma_start3A_120 = arith.constant 0 : i32
          %dma_start3A_121 = arith.constant 0 : i32
          %dma_start3A_122 = tpu.memref_slice %arg2[%dma_start3A_120, %dma_start3A_121] : memref<10240x128xf32, #tpu.memory_space<hbm>> -> memref<10240x128xf32, #tpu.memory_space<hbm>>
          tpu.enqueue_indirect_dma source(%dma_start3A_122 : memref<10240x128xf32, #tpu.memory_space<hbm>>) target(%dma_start3A_116 : memref<64x128xf32, #tpu.memory_space<vmem>>) offsets(%dma_start3A_119 : memref<64xi32, #tpu.memory_space<vmem>>) semaphore(%arg17 : memref<!tpu.dma_semaphore, #tpu.memory_space<semaphore_mem>>)
        } else {
        }
        %dma_wait3A = arith.constant 0 : i32
        %dma_wait3A_84 = arith.constant 0 : i32
        %dma_wait3A_85 = tpu.memref_slice %arg14[%dma_wait3A, %dma_wait3A_84] : memref<128x128xf32, #tpu.memory_space<vmem>> -> memref<64x128xf32, #tpu.memory_space<vmem>>
        %dma_wait3A_86 = arith.constant 0 : i32
        %dma_wait3A_87 = tpu.memref_slice %arg12[%and3A_72, %dma_wait3A_86] : memref<64x64xi32, #tpu.memory_space<vmem>> -> memref<1x64xi32, #tpu.memory_space<vmem>>
        %dma_wait3A_88 = tpu.memref_squeeze %dma_wait3A_87 : memref<1x64xi32, #tpu.memory_space<vmem>> -> memref<64xi32, #tpu.memory_space<vmem>>
        %dma_wait3A_89 = arith.constant 0 : i32
        %dma_wait3A_90 = arith.constant 0 : i32
        %dma_wait3A_91 = tpu.memref_slice %arg2[%dma_wait3A_89, %dma_wait3A_90] : memref<10240x128xf32, #tpu.memory_space<hbm>> -> memref<10240x128xf32, #tpu.memory_space<hbm>>
        tpu.wait_indirect_dma semaphore(%arg17 : memref<!tpu.dma_semaphore, #tpu.memory_space<semaphore_mem>>) src(%dma_wait3A_91 : memref<10240x128xf32, #tpu.memory_space<hbm>>) dst(%dma_wait3A_85 : memref<64x128xf32, #tpu.memory_space<vmem>>)
        %dma_start3A_92 = arith.constant 0 : i32
        %dma_start3A_93 = arith.constant 0 : i32
        %dma_start3A_94 = tpu.memref_slice %arg14[%dma_start3A_92, %dma_start3A_93] : memref<128x128xf32, #tpu.memory_space<vmem>> -> memref<64x128xf32, #tpu.memory_space<vmem>>
        %dma_start3A_95 = arith.constant 0 : i32
        %dma_start3A_96 = tpu.memref_slice %arg13[%and3A_72, %dma_start3A_95] : memref<64x64xi32, #tpu.memory_space<vmem>> -> memref<1x64xi32, #tpu.memory_space<vmem>>
        %dma_start3A_97 = tpu.memref_squeeze %dma_start3A_96 : memref<1x64xi32, #tpu.memory_space<vmem>> -> memref<64xi32, #tpu.memory_space<vmem>>
        %dma_start3A_98 = arith.constant 0 : i32
        %dma_start3A_99 = arith.constant 0 : i32
        %dma_start3A_100 = tpu.memref_slice %arg16[%dma_start3A_98, %dma_start3A_99] : memref<8192x128xf32, #tpu.memory_space<vmem_shared>> -> memref<8192x128xf32, #tpu.memory_space<vmem_shared>>
        tpu.enqueue_indirect_dma source(%dma_start3A_94 : memref<64x128xf32, #tpu.memory_space<vmem>>) target(%dma_start3A_100 : memref<8192x128xf32, #tpu.memory_space<vmem_shared>>) offsets(%dma_start3A_97 : memref<64xi32, #tpu.memory_space<vmem>>) semaphore(%arg18 : memref<!tpu.dma_semaphore, #tpu.memory_space<semaphore_mem>>) {add = true}
        %lt3A_101 = arith.cmpi slt, %add3A_71, %shift_right_logical3A_37 : i32
        %convert_element_type3A_102 = arith.extui %lt3A_101 : i1 to i32
        %cond3A_103 = arith.constant 0 : i32
        %cond3A_104 = arith.cmpi ne, %convert_element_type3A_102, %cond3A_103 : i32
        scf.if %cond3A_104 {
          %dma_wait3A_114 = arith.constant 64 : i32
          %dma_wait3A_115 = arith.constant 0 : i32
          %dma_wait3A_116 = tpu.memref_slice %arg14[%dma_wait3A_114, %dma_wait3A_115] : memref<128x128xf32, #tpu.memory_space<vmem>> -> memref<64x128xf32, #tpu.memory_space<vmem>>
          %dma_wait3A_117 = arith.constant 0 : i32
          %dma_wait3A_118 = tpu.memref_slice %arg12[%and3A_74, %dma_wait3A_117] : memref<64x64xi32, #tpu.memory_space<vmem>> -> memref<1x64xi32, #tpu.memory_space<vmem>>
          %dma_wait3A_119 = tpu.memref_squeeze %dma_wait3A_118 : memref<1x64xi32, #tpu.memory_space<vmem>> -> memref<64xi32, #tpu.memory_space<vmem>>
          %dma_wait3A_120 = arith.constant 0 : i32
          %dma_wait3A_121 = arith.constant 0 : i32
          %dma_wait3A_122 = tpu.memref_slice %arg2[%dma_wait3A_120, %dma_wait3A_121] : memref<10240x128xf32, #tpu.memory_space<hbm>> -> memref<10240x128xf32, #tpu.memory_space<hbm>>
          tpu.wait_indirect_dma semaphore(%arg17 : memref<!tpu.dma_semaphore, #tpu.memory_space<semaphore_mem>>) src(%dma_wait3A_122 : memref<10240x128xf32, #tpu.memory_space<hbm>>) dst(%dma_wait3A_116 : memref<64x128xf32, #tpu.memory_space<vmem>>)
          %dma_start3A_123 = arith.constant 64 : i32
          %dma_start3A_124 = arith.constant 0 : i32
          %dma_start3A_125 = tpu.memref_slice %arg14[%dma_start3A_123, %dma_start3A_124] : memref<128x128xf32, #tpu.memory_space<vmem>> -> memref<64x128xf32, #tpu.memory_space<vmem>>
          %dma_start3A_126 = arith.constant 0 : i32
          %dma_start3A_127 = tpu.memref_slice %arg13[%and3A_74, %dma_start3A_126] : memref<64x64xi32, #tpu.memory_space<vmem>> -> memref<1x64xi32, #tpu.memory_space<vmem>>
          %dma_start3A_128 = tpu.memref_squeeze %dma_start3A_127 : memref<1x64xi32, #tpu.memory_space<vmem>> -> memref<64xi32, #tpu.memory_space<vmem>>
          %dma_start3A_129 = arith.constant 0 : i32
          %dma_start3A_130 = arith.constant 0 : i32
          %dma_start3A_131 = tpu.memref_slice %arg16[%dma_start3A_129, %dma_start3A_130] : memref<8192x128xf32, #tpu.memory_space<vmem_shared>> -> memref<8192x128xf32, #tpu.memory_space<vmem_shared>>
          tpu.enqueue_indirect_dma source(%dma_start3A_125 : memref<64x128xf32, #tpu.memory_space<vmem>>) target(%dma_start3A_131 : memref<8192x128xf32, #tpu.memory_space<vmem_shared>>) offsets(%dma_start3A_128 : memref<64xi32, #tpu.memory_space<vmem>>) semaphore(%arg18 : memref<!tpu.dma_semaphore, #tpu.memory_space<semaphore_mem>>) {add = true}
          %dma_wait3A_132 = arith.constant 64 : i32
          %dma_wait3A_133 = arith.constant 0 : i32
          %dma_wait3A_134 = tpu.memref_slice %arg14[%dma_wait3A_132, %dma_wait3A_133] : memref<128x128xf32, #tpu.memory_space<vmem>> -> memref<64x128xf32, #tpu.memory_space<vmem>>
          %dma_wait3A_135 = arith.constant 0 : i32
          %dma_wait3A_136 = tpu.memref_slice %arg13[%and3A_74, %dma_wait3A_135] : memref<64x64xi32, #tpu.memory_space<vmem>> -> memref<1x64xi32, #tpu.memory_space<vmem>>
          %dma_wait3A_137 = tpu.memref_squeeze %dma_wait3A_136 : memref<1x64xi32, #tpu.memory_space<vmem>> -> memref<64xi32, #tpu.memory_space<vmem>>
          %dma_wait3A_138 = arith.constant 0 : i32
          %dma_wait3A_139 = arith.constant 0 : i32
          %dma_wait3A_140 = tpu.memref_slice %arg16[%dma_wait3A_138, %dma_wait3A_139] : memref<8192x128xf32, #tpu.memory_space<vmem_shared>> -> memref<8192x128xf32, #tpu.memory_space<vmem_shared>>
          tpu.wait_indirect_dma semaphore(%arg18 : memref<!tpu.dma_semaphore, #tpu.memory_space<semaphore_mem>>) src(%dma_wait3A_134 : memref<64x128xf32, #tpu.memory_space<vmem>>) dst(%dma_wait3A_140 : memref<8192x128xf32, #tpu.memory_space<vmem_shared>>)
        } else {
        }
        %dma_wait3A_105 = arith.constant 0 : i32
        %dma_wait3A_106 = arith.constant 0 : i32
        %dma_wait3A_107 = tpu.memref_slice %arg14[%dma_wait3A_105, %dma_wait3A_106] : memref<128x128xf32, #tpu.memory_space<vmem>> -> memref<64x128xf32, #tpu.memory_space<vmem>>
        %dma_wait3A_108 = arith.constant 0 : i32
        %dma_wait3A_109 = tpu.memref_slice %arg13[%and3A_72, %dma_wait3A_108] : memref<64x64xi32, #tpu.memory_space<vmem>> -> memref<1x64xi32, #tpu.memory_space<vmem>>
        %dma_wait3A_110 = tpu.memref_squeeze %dma_wait3A_109 : memref<1x64xi32, #tpu.memory_space<vmem>> -> memref<64xi32, #tpu.memory_space<vmem>>
        %dma_wait3A_111 = arith.constant 0 : i32
        %dma_wait3A_112 = arith.constant 0 : i32
        %dma_wait3A_113 = tpu.memref_slice %arg16[%dma_wait3A_111, %dma_wait3A_112] : memref<8192x128xf32, #tpu.memory_space<vmem_shared>> -> memref<8192x128xf32, #tpu.memory_space<vmem_shared>>
        tpu.wait_indirect_dma semaphore(%arg18 : memref<!tpu.dma_semaphore, #tpu.memory_space<semaphore_mem>>) src(%dma_wait3A_107 : memref<64x128xf32, #tpu.memory_space<vmem>>) dst(%dma_wait3A_113 : memref<8192x128xf32, #tpu.memory_space<vmem_shared>>)
      }
      %barrier3A_58 = arith.constant 0 : index
      tpu.barrier barrier_id(%barrier3A_58)
      %scan3A_59 = arith.constant 0 : i32
      %scan3A_60 = arith.constant 0 : i32
      %scan3A_61 = arith.constant 4 : i32
      %scan3A_62 = arith.addi %scan3A_60, %scan3A_61 : i32
      %scan3A_63 = arith.constant 1 : i32
      scf.for %scan3A_66 = %scan3A_60 to %scan3A_62 step %scan3A_63  : i32 {
        %mul3A_67 = arith.constant 512 : i32
        %mul3A_68 = arith.muli %arg1, %mul3A_67 : i32
        %mul3A_69 = arith.constant 128 : i32
        %mul3A_70 = arith.muli %scan3A_66, %mul3A_69 : i32
        %add3A_71 = arith.addi %mul3A_68, %mul3A_70 : i32
        %add3A_72 = arith.addi %mul3A_12, %add3A_71 : i32
        %dma_start3A = arith.constant 0 : i32
        %dma_start3A_73 = tpu.memref_slice %arg8[%add3A_72, %dma_start3A] : memref<81920x128xf32, #tpu.memory_space<hbm>> -> memref<64x128xf32, #tpu.memory_space<hbm>>
        %dma_start3A_74 = arith.constant 0 : i32
        %dma_start3A_75 = tpu.memref_slice %arg16[%add3A_71, %dma_start3A_74] : memref<8192x128xf32, #tpu.memory_space<vmem_shared>> -> memref<64x128xf32, #tpu.memory_space<vmem_shared>>
        tpu.enqueue_dma source(%dma_start3A_75 : memref<64x128xf32, #tpu.memory_space<vmem_shared>>) target(%dma_start3A_73 : memref<64x128xf32, #tpu.memory_space<hbm>>) target_semaphore(%arg17 : memref<!tpu.dma_semaphore, #tpu.memory_space<semaphore_mem>>)
        %add3A_76 = arith.constant 64 : i32
        %add3A_77 = arith.addi %add3A_71, %add3A_76 : i32
        %add3A_78 = arith.addi %mul3A_12, %add3A_71 : i32
        %add3A_79 = arith.constant 64 : i32
        %add3A_80 = arith.addi %add3A_78, %add3A_79 : i32
        %dma_start3A_81 = arith.constant 0 : i32
        %dma_start3A_82 = tpu.memref_slice %arg8[%add3A_80, %dma_start3A_81] : memref<81920x128xf32, #tpu.memory_space<hbm>> -> memref<64x128xf32, #tpu.memory_space<hbm>>
        %dma_start3A_83 = arith.constant 0 : i32
        %dma_start3A_84 = tpu.memref_slice %arg16[%add3A_77, %dma_start3A_83] : memref<8192x128xf32, #tpu.memory_space<vmem_shared>> -> memref<64x128xf32, #tpu.memory_space<vmem_shared>>
        tpu.enqueue_dma source(%dma_start3A_84 : memref<64x128xf32, #tpu.memory_space<vmem_shared>>) target(%dma_start3A_82 : memref<64x128xf32, #tpu.memory_space<hbm>>) target_semaphore(%arg17 : memref<!tpu.dma_semaphore, #tpu.memory_space<semaphore_mem>>)
        %dma_wait3A = arith.constant 0 : i32
        %dma_wait3A_85 = tpu.memref_slice %arg8[%add3A_72, %dma_wait3A] : memref<81920x128xf32, #tpu.memory_space<hbm>> -> memref<64x128xf32, #tpu.memory_space<hbm>>
        %dma_wait3A_86 = arith.constant 0 : i32
        %dma_wait3A_87 = tpu.memref_slice %arg16[%add3A_71, %dma_wait3A_86] : memref<8192x128xf32, #tpu.memory_space<vmem_shared>> -> memref<64x128xf32, #tpu.memory_space<vmem_shared>>
        tpu.wait_dma2 semaphore(%arg17 : memref<!tpu.dma_semaphore, #tpu.memory_space<semaphore_mem>>) src(%dma_wait3A_87 : memref<64x128xf32, #tpu.memory_space<vmem_shared>>) dst(%dma_wait3A_85 : memref<64x128xf32, #tpu.memory_space<hbm>>)
        %dma_wait3A_88 = arith.constant 0 : i32
        %dma_wait3A_89 = tpu.memref_slice %arg8[%add3A_80, %dma_wait3A_88] : memref<81920x128xf32, #tpu.memory_space<hbm>> -> memref<64x128xf32, #tpu.memory_space<hbm>>
        %dma_wait3A_90 = arith.constant 0 : i32
        %dma_wait3A_91 = tpu.memref_slice %arg16[%add3A_77, %dma_wait3A_90] : memref<8192x128xf32, #tpu.memory_space<vmem_shared>> -> memref<64x128xf32, #tpu.memory_space<vmem_shared>>
        tpu.wait_dma2 semaphore(%arg17 : memref<!tpu.dma_semaphore, #tpu.memory_space<semaphore_mem>>) src(%dma_wait3A_91 : memref<64x128xf32, #tpu.memory_space<vmem_shared>>) dst(%dma_wait3A_89 : memref<64x128xf32, #tpu.memory_space<hbm>>)
      }
      %scan3A_64 = arith.constant 4 : i32
      %scan3A_65 = arith.constant 0 : i32
      scf.yield %scan3A_65 : i32
    }
    %scan3A_5 = arith.constant 5 : i32
    return
  }
}

#map = affine_map<(d0, d1) -> (0, 0)>
#map1 = affine_map<(d0, d1) -> (0)>
module attributes {stable_mosaic.version = 14 : i64} {
  func.func @_sc_scatter_body(%arg0: i32, %arg1: i32, %arg2: memref<10240x128xf32, #tpu.memory_space<hbm>>, %arg3: memref<320000xi32, #tpu.memory_space<hbm>>, %arg4: memref<320000xi32, #tpu.memory_space<hbm>>, %arg5: memref<320000xi32, #tpu.memory_space<hbm>>, %arg6: memref<32x128xf32, #tpu.memory_space<hbm>>, %arg7: memref<128x128xf32, #tpu.memory_space<hbm>>, %arg8: memref<81920x128xf32, #tpu.memory_space<hbm>>, %arg9: memref<2000xi32, #tpu.memory_space<vmem>>, %arg10: memref<2000xi32, #tpu.memory_space<vmem>>, %arg11: memref<2000xi32, #tpu.memory_space<vmem>>, %arg12: memref<64x64xi32, #tpu.memory_space<vmem>>, %arg13: memref<64x64xi32, #tpu.memory_space<vmem>>, %arg14: memref<128x128xf32, #tpu.memory_space<vmem>>, %arg15: memref<32x128xf32, #tpu.memory_space<vmem>>, %arg16: memref<8192x128xf32, #tpu.memory_space<vmem_shared>>, %arg17: memref<!tpu.dma_semaphore, #tpu.memory_space<semaphore_mem>>, %arg18: memref<!tpu.dma_semaphore, #tpu.memory_space<semaphore_mem>>) attributes {dimension_semantics = [#tpu.dimension_semantics<core_parallel>, #tpu.dimension_semantics<subcore_parallel>], iteration_bounds = array<i64: 2, 16>, scalar_prefetch = 0 : i64, scratch_operands = 10 : i64, tpu.core_type = #tpu.core_type<sc_vector_subcore>, window_params = [{transform_indices = #map}, {transform_indices = #map1}, {transform_indices = #map1}, {transform_indices = #map1}, {transform_indices = #map}, {transform_indices = #map}, {transform_indices = #map}]} {
    %iota3A = tpu.iota {dimensions = array<i32: 0>} : vector<16xi32>
    "tpu.region"() ({
      %run_scoped3A = tpu.sem_alloc : memref<!tpu.dma_semaphore, #tpu.memory_space<semaphore_mem>>
      tpu.enqueue_dma source(%arg6 : memref<32x128xf32, #tpu.memory_space<hbm>>) target(%arg15 : memref<32x128xf32, #tpu.memory_space<vmem>>) target_semaphore(%run_scoped3A : memref<!tpu.dma_semaphore, #tpu.memory_space<semaphore_mem>>)
      tpu.wait_dma2 semaphore(%run_scoped3A : memref<!tpu.dma_semaphore, #tpu.memory_space<semaphore_mem>>) src(%arg6 : memref<32x128xf32, #tpu.memory_space<hbm>>) dst(%arg15 : memref<32x128xf32, #tpu.memory_space<vmem>>)
      tpu.yield
    }) : () -> ()
    %scan3A = arith.constant 0 : i32
    %scan3A_0 = arith.constant 0 : i32
    %scan3A_1 = arith.constant 5 : i32
    %scan3A_2 = arith.addi %scan3A_0, %scan3A_1 : i32
    %scan3A_3 = arith.constant 1 : i32
    %scan3A_4 = scf.for %scan3A_6 = %scan3A_0 to %scan3A_2 step %scan3A_3 iter_args(%scan3A_7 = %scan3A) -> (i32)  : i32 {
      %mul3A = arith.constant 5 : i32
      %mul3A_8 = arith.muli %arg0, %mul3A : i32
      %add3A = arith.addi %mul3A_8, %scan3A_6 : i32
      %mul3A_9 = arith.constant 1000 : i32
      %mul3A_10 = arith.muli %add3A, %mul3A_9 : i32
      %mul3A_11 = arith.constant 8192 : i32
      %mul3A_12 = arith.muli %add3A, %mul3A_11 : i32
      "tpu.region"() ({
        %run_scoped3A = tpu.sem_alloc : memref<!tpu.dma_semaphore, #tpu.memory_space<semaphore_mem>>
        tpu.enqueue_dma source(%arg7 : memref<128x128xf32, #tpu.memory_space<hbm>>) target(%arg14 : memref<128x128xf32, #tpu.memory_space<vmem>>) target_semaphore(%run_scoped3A : memref<!tpu.dma_semaphore, #tpu.memory_space<semaphore_mem>>)
        tpu.wait_dma2 semaphore(%run_scoped3A : memref<!tpu.dma_semaphore, #tpu.memory_space<semaphore_mem>>) src(%arg7 : memref<128x128xf32, #tpu.memory_space<hbm>>) dst(%arg14 : memref<128x128xf32, #tpu.memory_space<vmem>>)
        tpu.yield
      }) : () -> ()
      %scan3A_13 = arith.constant 0 : i32
      %scan3A_14 = arith.constant 0 : i32
      %scan3A_15 = arith.constant 16 : i32
      %scan3A_16 = arith.addi %scan3A_14, %scan3A_15 : i32
      %scan3A_17 = arith.constant 1 : i32
      scf.for %scan3A_66 = %scan3A_14 to %scan3A_16 step %scan3A_17  : i32 {
        %mul3A_67 = arith.constant 512 : i32
        %mul3A_68 = arith.muli %arg1, %mul3A_67 : i32
        %mul3A_69 = arith.constant 32 : i32
        %mul3A_70 = arith.muli %scan3A_66, %mul3A_69 : i32
        %add3A_71 = arith.addi %mul3A_68, %mul3A_70 : i32
        "tpu.region"() ({
          %run_scoped3A = tpu.sem_alloc : memref<!tpu.dma_semaphore, #tpu.memory_space<semaphore_mem>>
          %dma_start3A = arith.constant 0 : i32
          %dma_start3A_72 = tpu.memref_slice %arg16[%add3A_71, %dma_start3A] : memref<8192x128xf32, #tpu.memory_space<vmem_shared>> -> memref<32x128xf32, #tpu.memory_space<vmem_shared>>
          %dma_start3A_73 = arith.constant 0 : i32
          %dma_start3A_74 = tpu.memref_slice %arg16[%add3A_71, %dma_start3A_73] : memref<8192x128xf32, #tpu.memory_space<vmem_shared>> -> memref<32x128xf32, #tpu.memory_space<vmem_shared>>
          tpu.enqueue_dma source(%arg15 : memref<32x128xf32, #tpu.memory_space<vmem>>) target(%dma_start3A_74 : memref<32x128xf32, #tpu.memory_space<vmem_shared>>) target_semaphore(%run_scoped3A : memref<!tpu.dma_semaphore, #tpu.memory_space<semaphore_mem>>)
          %dma_wait3A = arith.constant 0 : i32
          %dma_wait3A_75 = tpu.memref_slice %arg16[%add3A_71, %dma_wait3A] : memref<8192x128xf32, #tpu.memory_space<vmem_shared>> -> memref<32x128xf32, #tpu.memory_space<vmem_shared>>
          %dma_wait3A_76 = arith.constant 0 : i32
          %dma_wait3A_77 = tpu.memref_slice %arg16[%add3A_71, %dma_wait3A_76] : memref<8192x128xf32, #tpu.memory_space<vmem_shared>> -> memref<32x128xf32, #tpu.memory_space<vmem_shared>>
          tpu.wait_dma2 semaphore(%run_scoped3A : memref<!tpu.dma_semaphore, #tpu.memory_space<semaphore_mem>>) src(%arg15 : memref<32x128xf32, #tpu.memory_space<vmem>>) dst(%dma_wait3A_77 : memref<32x128xf32, #tpu.memory_space<vmem_shared>>)
          tpu.yield
        }) : () -> ()
      }
      %scan3A_18 = arith.constant 16 : i32
      %barrier3A = arith.constant 0 : index
      tpu.barrier barrier_id(%barrier3A)
      %broadcast_in_dim3A = arith.constant 0 : i32
      %broadcast_in_dim3A_19 = vector.broadcast %broadcast_in_dim3A : i32 to vector<16xi32>
      %scan3A_20 = arith.constant 0 : i32
      %scan3A_21 = arith.constant 0 : i32
      %scan3A_22 = arith.constant 10 : i32
      %scan3A_23 = arith.addi %scan3A_21, %scan3A_22 : i32
      %scan3A_24 = arith.constant 1 : i32
      %scan3A_25:2 = scf.for %scan3A_66 = %scan3A_21 to %scan3A_23 step %scan3A_24 iter_args(%scan3A_67 = %broadcast_in_dim3A_19, %scan3A_68 = %scan3A_20) -> (vector<16xi32>, i32)  : i32 {
        %mul3A_69 = arith.constant 20000 : i32
        %mul3A_70 = arith.muli %arg1, %mul3A_69 : i32
        %mul3A_71 = arith.constant 2000 : i32
        %mul3A_72 = arith.muli %scan3A_66, %mul3A_71 : i32
        %add3A_73 = arith.addi %mul3A_70, %mul3A_72 : i32
        "tpu.region"() ({
          %run_scoped3A = tpu.sem_alloc : memref<!tpu.dma_semaphore, #tpu.memory_space<semaphore_mem>>
          %dma_start3A = tpu.memref_slice %arg3[%add3A_73] : memref<320000xi32, #tpu.memory_space<hbm>> -> memref<2000xi32, #tpu.memory_space<hbm>>
          %dma_start3A_105 = tpu.memref_slice %arg3[%add3A_73] : memref<320000xi32, #tpu.memory_space<hbm>> -> memref<2000xi32, #tpu.memory_space<hbm>>
          tpu.enqueue_dma source(%dma_start3A_105 : memref<2000xi32, #tpu.memory_space<hbm>>) target(%arg9 : memref<2000xi32, #tpu.memory_space<vmem>>) target_semaphore(%run_scoped3A : memref<!tpu.dma_semaphore, #tpu.memory_space<semaphore_mem>>)
          %dma_wait3A = tpu.memref_slice %arg3[%add3A_73] : memref<320000xi32, #tpu.memory_space<hbm>> -> memref<2000xi32, #tpu.memory_space<hbm>>
          %dma_wait3A_106 = tpu.memref_slice %arg3[%add3A_73] : memref<320000xi32, #tpu.memory_space<hbm>> -> memref<2000xi32, #tpu.memory_space<hbm>>
          tpu.wait_dma2 semaphore(%run_scoped3A : memref<!tpu.dma_semaphore, #tpu.memory_space<semaphore_mem>>) src(%dma_wait3A_106 : memref<2000xi32, #tpu.memory_space<hbm>>) dst(%arg9 : memref<2000xi32, #tpu.memory_space<vmem>>)
          tpu.yield
        }) : () -> ()
        "tpu.region"() ({
          %run_scoped3A = tpu.sem_alloc : memref<!tpu.dma_semaphore, #tpu.memory_space<semaphore_mem>>
          %dma_start3A = tpu.memref_slice %arg4[%add3A_73] : memref<320000xi32, #tpu.memory_space<hbm>> -> memref<2000xi32, #tpu.memory_space<hbm>>
          %dma_start3A_105 = tpu.memref_slice %arg4[%add3A_73] : memref<320000xi32, #tpu.memory_space<hbm>> -> memref<2000xi32, #tpu.memory_space<hbm>>
          tpu.enqueue_dma source(%dma_start3A_105 : memref<2000xi32, #tpu.memory_space<hbm>>) target(%arg10 : memref<2000xi32, #tpu.memory_space<vmem>>) target_semaphore(%run_scoped3A : memref<!tpu.dma_semaphore, #tpu.memory_space<semaphore_mem>>)
          %dma_wait3A = tpu.memref_slice %arg4[%add3A_73] : memref<320000xi32, #tpu.memory_space<hbm>> -> memref<2000xi32, #tpu.memory_space<hbm>>
          %dma_wait3A_106 = tpu.memref_slice %arg4[%add3A_73] : memref<320000xi32, #tpu.memory_space<hbm>> -> memref<2000xi32, #tpu.memory_space<hbm>>
          tpu.wait_dma2 semaphore(%run_scoped3A : memref<!tpu.dma_semaphore, #tpu.memory_space<semaphore_mem>>) src(%dma_wait3A_106 : memref<2000xi32, #tpu.memory_space<hbm>>) dst(%arg10 : memref<2000xi32, #tpu.memory_space<vmem>>)
          tpu.yield
        }) : () -> ()
        "tpu.region"() ({
          %run_scoped3A = tpu.sem_alloc : memref<!tpu.dma_semaphore, #tpu.memory_space<semaphore_mem>>
          %dma_start3A = tpu.memref_slice %arg5[%add3A_73] : memref<320000xi32, #tpu.memory_space<hbm>> -> memref<2000xi32, #tpu.memory_space<hbm>>
          %dma_start3A_105 = tpu.memref_slice %arg5[%add3A_73] : memref<320000xi32, #tpu.memory_space<hbm>> -> memref<2000xi32, #tpu.memory_space<hbm>>
          tpu.enqueue_dma source(%dma_start3A_105 : memref<2000xi32, #tpu.memory_space<hbm>>) target(%arg11 : memref<2000xi32, #tpu.memory_space<vmem>>) target_semaphore(%run_scoped3A : memref<!tpu.dma_semaphore, #tpu.memory_space<semaphore_mem>>)
          %dma_wait3A = tpu.memref_slice %arg5[%add3A_73] : memref<320000xi32, #tpu.memory_space<hbm>> -> memref<2000xi32, #tpu.memory_space<hbm>>
          %dma_wait3A_106 = tpu.memref_slice %arg5[%add3A_73] : memref<320000xi32, #tpu.memory_space<hbm>> -> memref<2000xi32, #tpu.memory_space<hbm>>
          tpu.wait_dma2 semaphore(%run_scoped3A : memref<!tpu.dma_semaphore, #tpu.memory_space<semaphore_mem>>) src(%dma_wait3A_106 : memref<2000xi32, #tpu.memory_space<hbm>>) dst(%arg11 : memref<2000xi32, #tpu.memory_space<vmem>>)
          tpu.yield
        }) : () -> ()
        %scan3A_74 = arith.constant 0 : i32
        %scan3A_75 = arith.constant 25 : i32
        %scan3A_76 = arith.addi %scan3A_74, %scan3A_75 : i32
        %scan3A_77 = arith.constant 1 : i32
        %scan3A_78 = scf.for %scan3A_105 = %scan3A_74 to %scan3A_76 step %scan3A_77 iter_args(%scan3A_106 = %scan3A_67) -> (vector<16xi32>)  : i32 {
          %mul3A_107 = arith.constant 5 : i32
          %mul3A_108 = arith.muli %scan3A_105, %mul3A_107 : i32
          %add3A_109 = arith.constant 0 : i32
          %add3A_110 = arith.addi %mul3A_108, %add3A_109 : i32
          %mul3A_111 = arith.constant 16 : i32
          %mul3A_112 = arith.muli %add3A_110, %mul3A_111 : i32
          %get3A = arith.index_cast %mul3A_112 : i32 to index
          %get3A_113 = tpu.vector_load %arg9[%get3A] {strides = array<i32>} : memref<2000xi32, #tpu.memory_space<vmem>>, vector<16xi32>,
          %get3A_114 = arith.index_cast %mul3A_112 : i32 to index
          %get3A_115 = tpu.vector_load %arg10[%get3A_114] {strides = array<i32>} : memref<2000xi32, #tpu.memory_space<vmem>>, vector<16xi32>,
          %get3A_116 = arith.index_cast %mul3A_112 : i32 to index
          %get3A_117 = tpu.vector_load %arg11[%get3A_116] {strides = array<i32>} : memref<2000xi32, #tpu.memory_space<vmem>>, vector<16xi32>,
          %sub3A_118 = vector.broadcast %mul3A_10 : i32 to vector<16xi32>
          %sub3A_119 = arith.subi %get3A_115, %sub3A_118 : vector<16xi32>
          %ge3A = arith.constant 0 : i32
          %ge3A_120 = vector.broadcast %ge3A : i32 to vector<16xi32>
          %ge3A_121 = arith.cmpi sge, %sub3A_119, %ge3A_120 : vector<16xi32>
          %lt3A = arith.constant 1000 : i32
          %lt3A_122 = vector.broadcast %lt3A : i32 to vector<16xi32>
          %lt3A_123 = arith.cmpi slt, %sub3A_119, %lt3A_122 : vector<16xi32>
          %and3A = arith.andi %ge3A_121, %lt3A_123 : vector<16xi1>
          %mul3A_124 = arith.constant 8 : i32
          %mul3A_125 = vector.broadcast %mul3A_124 : i32 to vector<16xi32>
          %mul3A_126 = arith.muli %sub3A_119, %mul3A_125 : vector<16xi32>
          %add3A_127 = arith.addi %mul3A_126, %get3A_117 : vector<16xi32>
          %jit3A = arith.constant 1 : i32
          %jit3A_128 = arith.constant 0 : i32
          %broadcast_in_dim3A_129 = vector.broadcast %jit3A : i32 to vector<16xi32>
          %broadcast_in_dim3A_130 = vector.broadcast %jit3A_128 : i32 to vector<16xi32>
          %select_n3A = arith.select %and3A, %broadcast_in_dim3A_129, %broadcast_in_dim3A_130 : vector<16xi1>, vector<16xi32>
          %broadcast_in_dim3A_131 = arith.constant true
          %broadcast_in_dim3A_132 = vector.broadcast %broadcast_in_dim3A_131 : i1 to vector<16xi1>
          %masked_cumsum3A = tpu.scan <sum>, %select_n3A masked %broadcast_in_dim3A_132 : vector<16xi32>, vector<16xi1> -> vector<16xi32>
          %add3A_133 = arith.addi %scan3A_106, %masked_cumsum3A : vector<16xi32>
          %sub3A_134 = arith.constant 1 : i32
          %sub3A_135 = vector.broadcast %sub3A_134 : i32 to vector<16xi32>
          %sub3A_136 = arith.subi %add3A_133, %sub3A_135 : vector<16xi32>
          %shift_right_logical3A_137 = arith.constant 6 : i32
          %shift_right_logical3A_138 = vector.broadcast %shift_right_logical3A_137 : i32 to vector<16xi32>
          %shift_right_logical3A_139 = arith.shrui %sub3A_136, %shift_right_logical3A_138 : vector<16xi32>
          %and3A_140 = arith.constant 63 : i32
          %and3A_141 = vector.broadcast %and3A_140 : i32 to vector<16xi32>
          %and3A_142 = arith.andi %shift_right_logical3A_139, %and3A_141 : vector<16xi32>
          %and3A_143 = arith.constant 63 : i32
          %and3A_144 = vector.broadcast %and3A_143 : i32 to vector<16xi32>
          %and3A_145 = arith.andi %sub3A_136, %and3A_144 : vector<16xi32>
          tpu.vector_store_idx %arg12[%and3A_142, %and3A_145], %get3A_113 masked %and3A : memref<64x64xi32, #tpu.memory_space<vmem>>[vector<16xi32>, vector<16xi32>], vector<16xi32>, vector<16xi1>
          tpu.vector_store_idx %arg13[%and3A_142, %and3A_145], %add3A_127 masked %and3A : memref<64x64xi32, #tpu.memory_space<vmem>>[vector<16xi32>, vector<16xi32>], vector<16xi32>, vector<16xi1>
          %all_reduce_population_count3A = tpu.all_reduce %and3A {dim = 0 : i64, kind = #tpu.reduction_kind<sum>} : vector<16xi1> -> vector<16xi32>
          %add3A_146 = arith.addi %scan3A_106, %all_reduce_population_count3A : vector<16xi32>
          %mul3A_147 = arith.constant 5 : i32
          %mul3A_148 = arith.muli %scan3A_105, %mul3A_147 : i32
          %add3A_149 = arith.constant 1 : i32
          %add3A_150 = arith.addi %mul3A_148, %add3A_149 : i32
          %mul3A_151 = arith.constant 16 : i32
          %mul3A_152 = arith.muli %add3A_150, %mul3A_151 : i32
          %get3A_153 = arith.index_cast %mul3A_152 : i32 to index
          %get3A_154 = tpu.vector_load %arg9[%get3A_153] {strides = array<i32>} : memref<2000xi32, #tpu.memory_space<vmem>>, vector<16xi32>,
          %get3A_155 = arith.index_cast %mul3A_152 : i32 to index
          %get3A_156 = tpu.vector_load %arg10[%get3A_155] {strides = array<i32>} : memref<2000xi32, #tpu.memory_space<vmem>>, vector<16xi32>,
          %get3A_157 = arith.index_cast %mul3A_152 : i32 to index
          %get3A_158 = tpu.vector_load %arg11[%get3A_157] {strides = array<i32>} : memref<2000xi32, #tpu.memory_space<vmem>>, vector<16xi32>,
          %sub3A_159 = vector.broadcast %mul3A_10 : i32 to vector<16xi32>
          %sub3A_160 = arith.subi %get3A_156, %sub3A_159 : vector<16xi32>
          %ge3A_161 = arith.constant 0 : i32
          %ge3A_162 = vector.broadcast %ge3A_161 : i32 to vector<16xi32>
          %ge3A_163 = arith.cmpi sge, %sub3A_160, %ge3A_162 : vector<16xi32>
          %lt3A_164 = arith.constant 1000 : i32
          %lt3A_165 = vector.broadcast %lt3A_164 : i32 to vector<16xi32>
          %lt3A_166 = arith.cmpi slt, %sub3A_160, %lt3A_165 : vector<16xi32>
          %and3A_167 = arith.andi %ge3A_163, %lt3A_166 : vector<16xi1>
          %mul3A_168 = arith.constant 8 : i32
          %mul3A_169 = vector.broadcast %mul3A_168 : i32 to vector<16xi32>
          %mul3A_170 = arith.muli %sub3A_160, %mul3A_169 : vector<16xi32>
          %add3A_171 = arith.addi %mul3A_170, %get3A_158 : vector<16xi32>
          %jit3A_172 = arith.constant 1 : i32
          %jit3A_173 = arith.constant 0 : i32
          %broadcast_in_dim3A_174 = vector.broadcast %jit3A_172 : i32 to vector<16xi32>
          %broadcast_in_dim3A_175 = vector.broadcast %jit3A_173 : i32 to vector<16xi32>
          %select_n3A_176 = arith.select %and3A_167, %broadcast_in_dim3A_174, %broadcast_in_dim3A_175 : vector<16xi1>, vector<16xi32>
          %broadcast_in_dim3A_177 = arith.constant true
          %broadcast_in_dim3A_178 = vector.broadcast %broadcast_in_dim3A_177 : i1 to vector<16xi1>
          %masked_cumsum3A_179 = tpu.scan <sum>, %select_n3A_176 masked %broadcast_in_dim3A_178 : vector<16xi32>, vector<16xi1> -> vector<16xi32>
          %add3A_180 = arith.addi %add3A_146, %masked_cumsum3A_179 : vector<16xi32>
          %sub3A_181 = arith.constant 1 : i32
          %sub3A_182 = vector.broadcast %sub3A_181 : i32 to vector<16xi32>
          %sub3A_183 = arith.subi %add3A_180, %sub3A_182 : vector<16xi32>
          %shift_right_logical3A_184 = arith.constant 6 : i32
          %shift_right_logical3A_185 = vector.broadcast %shift_right_logical3A_184 : i32 to vector<16xi32>
          %shift_right_logical3A_186 = arith.shrui %sub3A_183, %shift_right_logical3A_185 : vector<16xi32>
          %and3A_187 = arith.constant 63 : i32
          %and3A_188 = vector.broadcast %and3A_187 : i32 to vector<16xi32>
          %and3A_189 = arith.andi %shift_right_logical3A_186, %and3A_188 : vector<16xi32>
          %and3A_190 = arith.constant 63 : i32
          %and3A_191 = vector.broadcast %and3A_190 : i32 to vector<16xi32>
          %and3A_192 = arith.andi %sub3A_183, %and3A_191 : vector<16xi32>
          tpu.vector_store_idx %arg12[%and3A_189, %and3A_192], %get3A_154 masked %and3A_167 : memref<64x64xi32, #tpu.memory_space<vmem>>[vector<16xi32>, vector<16xi32>], vector<16xi32>, vector<16xi1>
          tpu.vector_store_idx %arg13[%and3A_189, %and3A_192], %add3A_171 masked %and3A_167 : memref<64x64xi32, #tpu.memory_space<vmem>>[vector<16xi32>, vector<16xi32>], vector<16xi32>, vector<16xi1>
          %all_reduce_population_count3A_193 = tpu.all_reduce %and3A_167 {dim = 0 : i64, kind = #tpu.reduction_kind<sum>} : vector<16xi1> -> vector<16xi32>
          %add3A_194 = arith.addi %add3A_146, %all_reduce_population_count3A_193 : vector<16xi32>
          %mul3A_195 = arith.constant 5 : i32
          %mul3A_196 = arith.muli %scan3A_105, %mul3A_195 : i32
          %add3A_197 = arith.constant 2 : i32
          %add3A_198 = arith.addi %mul3A_196, %add3A_197 : i32
          %mul3A_199 = arith.constant 16 : i32
          %mul3A_200 = arith.muli %add3A_198, %mul3A_199 : i32
          %get3A_201 = arith.index_cast %mul3A_200 : i32 to index
          %get3A_202 = tpu.vector_load %arg9[%get3A_201] {strides = array<i32>} : memref<2000xi32, #tpu.memory_space<vmem>>, vector<16xi32>,
          %get3A_203 = arith.index_cast %mul3A_200 : i32 to index
          %get3A_204 = tpu.vector_load %arg10[%get3A_203] {strides = array<i32>} : memref<2000xi32, #tpu.memory_space<vmem>>, vector<16xi32>,
          %get3A_205 = arith.index_cast %mul3A_200 : i32 to index
          %get3A_206 = tpu.vector_load %arg11[%get3A_205] {strides = array<i32>} : memref<2000xi32, #tpu.memory_space<vmem>>, vector<16xi32>,
          %sub3A_207 = vector.broadcast %mul3A_10 : i32 to vector<16xi32>
          %sub3A_208 = arith.subi %get3A_204, %sub3A_207 : vector<16xi32>
          %ge3A_209 = arith.constant 0 : i32
          %ge3A_210 = vector.broadcast %ge3A_209 : i32 to vector<16xi32>
          %ge3A_211 = arith.cmpi sge, %sub3A_208, %ge3A_210 : vector<16xi32>
          %lt3A_212 = arith.constant 1000 : i32
          %lt3A_213 = vector.broadcast %lt3A_212 : i32 to vector<16xi32>
          %lt3A_214 = arith.cmpi slt, %sub3A_208, %lt3A_213 : vector<16xi32>
          %and3A_215 = arith.andi %ge3A_211, %lt3A_214 : vector<16xi1>
          %mul3A_216 = arith.constant 8 : i32
          %mul3A_217 = vector.broadcast %mul3A_216 : i32 to vector<16xi32>
          %mul3A_218 = arith.muli %sub3A_208, %mul3A_217 : vector<16xi32>
          %add3A_219 = arith.addi %mul3A_218, %get3A_206 : vector<16xi32>
          %jit3A_220 = arith.constant 1 : i32
          %jit3A_221 = arith.constant 0 : i32
          %broadcast_in_dim3A_222 = vector.broadcast %jit3A_220 : i32 to vector<16xi32>
          %broadcast_in_dim3A_223 = vector.broadcast %jit3A_221 : i32 to vector<16xi32>
          %select_n3A_224 = arith.select %and3A_215, %broadcast_in_dim3A_222, %broadcast_in_dim3A_223 : vector<16xi1>, vector<16xi32>
          %broadcast_in_dim3A_225 = arith.constant true
          %broadcast_in_dim3A_226 = vector.broadcast %broadcast_in_dim3A_225 : i1 to vector<16xi1>
          %masked_cumsum3A_227 = tpu.scan <sum>, %select_n3A_224 masked %broadcast_in_dim3A_226 : vector<16xi32>, vector<16xi1> -> vector<16xi32>
          %add3A_228 = arith.addi %add3A_194, %masked_cumsum3A_227 : vector<16xi32>
          %sub3A_229 = arith.constant 1 : i32
          %sub3A_230 = vector.broadcast %sub3A_229 : i32 to vector<16xi32>
          %sub3A_231 = arith.subi %add3A_228, %sub3A_230 : vector<16xi32>
          %shift_right_logical3A_232 = arith.constant 6 : i32
          %shift_right_logical3A_233 = vector.broadcast %shift_right_logical3A_232 : i32 to vector<16xi32>
          %shift_right_logical3A_234 = arith.shrui %sub3A_231, %shift_right_logical3A_233 : vector<16xi32>
          %and3A_235 = arith.constant 63 : i32
          %and3A_236 = vector.broadcast %and3A_235 : i32 to vector<16xi32>
          %and3A_237 = arith.andi %shift_right_logical3A_234, %and3A_236 : vector<16xi32>
          %and3A_238 = arith.constant 63 : i32
          %and3A_239 = vector.broadcast %and3A_238 : i32 to vector<16xi32>
          %and3A_240 = arith.andi %sub3A_231, %and3A_239 : vector<16xi32>
          tpu.vector_store_idx %arg12[%and3A_237, %and3A_240], %get3A_202 masked %and3A_215 : memref<64x64xi32, #tpu.memory_space<vmem>>[vector<16xi32>, vector<16xi32>], vector<16xi32>, vector<16xi1>
          tpu.vector_store_idx %arg13[%and3A_237, %and3A_240], %add3A_219 masked %and3A_215 : memref<64x64xi32, #tpu.memory_space<vmem>>[vector<16xi32>, vector<16xi32>], vector<16xi32>, vector<16xi1>
          %all_reduce_population_count3A_241 = tpu.all_reduce %and3A_215 {dim = 0 : i64, kind = #tpu.reduction_kind<sum>} : vector<16xi1> -> vector<16xi32>
          %add3A_242 = arith.addi %add3A_194, %all_reduce_population_count3A_241 : vector<16xi32>
          %mul3A_243 = arith.constant 5 : i32
          %mul3A_244 = arith.muli %scan3A_105, %mul3A_243 : i32
          %add3A_245 = arith.constant 3 : i32
          %add3A_246 = arith.addi %mul3A_244, %add3A_245 : i32
          %mul3A_247 = arith.constant 16 : i32
          %mul3A_248 = arith.muli %add3A_246, %mul3A_247 : i32
          %get3A_249 = arith.index_cast %mul3A_248 : i32 to index
          %get3A_250 = tpu.vector_load %arg9[%get3A_249] {strides = array<i32>} : memref<2000xi32, #tpu.memory_space<vmem>>, vector<16xi32>,
          %get3A_251 = arith.index_cast %mul3A_248 : i32 to index
          %get3A_252 = tpu.vector_load %arg10[%get3A_251] {strides = array<i32>} : memref<2000xi32, #tpu.memory_space<vmem>>, vector<16xi32>,
          %get3A_253 = arith.index_cast %mul3A_248 : i32 to index
          %get3A_254 = tpu.vector_load %arg11[%get3A_253] {strides = array<i32>} : memref<2000xi32, #tpu.memory_space<vmem>>, vector<16xi32>,
          %sub3A_255 = vector.broadcast %mul3A_10 : i32 to vector<16xi32>
          %sub3A_256 = arith.subi %get3A_252, %sub3A_255 : vector<16xi32>
          %ge3A_257 = arith.constant 0 : i32
          %ge3A_258 = vector.broadcast %ge3A_257 : i32 to vector<16xi32>
          %ge3A_259 = arith.cmpi sge, %sub3A_256, %ge3A_258 : vector<16xi32>
          %lt3A_260 = arith.constant 1000 : i32
          %lt3A_261 = vector.broadcast %lt3A_260 : i32 to vector<16xi32>
          %lt3A_262 = arith.cmpi slt, %sub3A_256, %lt3A_261 : vector<16xi32>
          %and3A_263 = arith.andi %ge3A_259, %lt3A_262 : vector<16xi1>
          %mul3A_264 = arith.constant 8 : i32
          %mul3A_265 = vector.broadcast %mul3A_264 : i32 to vector<16xi32>
          %mul3A_266 = arith.muli %sub3A_256, %mul3A_265 : vector<16xi32>
          %add3A_267 = arith.addi %mul3A_266, %get3A_254 : vector<16xi32>
          %jit3A_268 = arith.constant 1 : i32
          %jit3A_269 = arith.constant 0 : i32
          %broadcast_in_dim3A_270 = vector.broadcast %jit3A_268 : i32 to vector<16xi32>
          %broadcast_in_dim3A_271 = vector.broadcast %jit3A_269 : i32 to vector<16xi32>
          %select_n3A_272 = arith.select %and3A_263, %broadcast_in_dim3A_270, %broadcast_in_dim3A_271 : vector<16xi1>, vector<16xi32>
          %broadcast_in_dim3A_273 = arith.constant true
          %broadcast_in_dim3A_274 = vector.broadcast %broadcast_in_dim3A_273 : i1 to vector<16xi1>
          %masked_cumsum3A_275 = tpu.scan <sum>, %select_n3A_272 masked %broadcast_in_dim3A_274 : vector<16xi32>, vector<16xi1> -> vector<16xi32>
          %add3A_276 = arith.addi %add3A_242, %masked_cumsum3A_275 : vector<16xi32>
          %sub3A_277 = arith.constant 1 : i32
          %sub3A_278 = vector.broadcast %sub3A_277 : i32 to vector<16xi32>
          %sub3A_279 = arith.subi %add3A_276, %sub3A_278 : vector<16xi32>
          %shift_right_logical3A_280 = arith.constant 6 : i32
          %shift_right_logical3A_281 = vector.broadcast %shift_right_logical3A_280 : i32 to vector<16xi32>
          %shift_right_logical3A_282 = arith.shrui %sub3A_279, %shift_right_logical3A_281 : vector<16xi32>
          %and3A_283 = arith.constant 63 : i32
          %and3A_284 = vector.broadcast %and3A_283 : i32 to vector<16xi32>
          %and3A_285 = arith.andi %shift_right_logical3A_282, %and3A_284 : vector<16xi32>
          %and3A_286 = arith.constant 63 : i32
          %and3A_287 = vector.broadcast %and3A_286 : i32 to vector<16xi32>
          %and3A_288 = arith.andi %sub3A_279, %and3A_287 : vector<16xi32>
          tpu.vector_store_idx %arg12[%and3A_285, %and3A_288], %get3A_250 masked %and3A_263 : memref<64x64xi32, #tpu.memory_space<vmem>>[vector<16xi32>, vector<16xi32>], vector<16xi32>, vector<16xi1>
          tpu.vector_store_idx %arg13[%and3A_285, %and3A_288], %add3A_267 masked %and3A_263 : memref<64x64xi32, #tpu.memory_space<vmem>>[vector<16xi32>, vector<16xi32>], vector<16xi32>, vector<16xi1>
          %all_reduce_population_count3A_289 = tpu.all_reduce %and3A_263 {dim = 0 : i64, kind = #tpu.reduction_kind<sum>} : vector<16xi1> -> vector<16xi32>
          %add3A_290 = arith.addi %add3A_242, %all_reduce_population_count3A_289 : vector<16xi32>
          %mul3A_291 = arith.constant 5 : i32
          %mul3A_292 = arith.muli %scan3A_105, %mul3A_291 : i32
          %add3A_293 = arith.constant 4 : i32
          %add3A_294 = arith.addi %mul3A_292, %add3A_293 : i32
          %mul3A_295 = arith.constant 16 : i32
          %mul3A_296 = arith.muli %add3A_294, %mul3A_295 : i32
          %get3A_297 = arith.index_cast %mul3A_296 : i32 to index
          %get3A_298 = tpu.vector_load %arg9[%get3A_297] {strides = array<i32>} : memref<2000xi32, #tpu.memory_space<vmem>>, vector<16xi32>,
          %get3A_299 = arith.index_cast %mul3A_296 : i32 to index
          %get3A_300 = tpu.vector_load %arg10[%get3A_299] {strides = array<i32>} : memref<2000xi32, #tpu.memory_space<vmem>>, vector<16xi32>,
          %get3A_301 = arith.index_cast %mul3A_296 : i32 to index
          %get3A_302 = tpu.vector_load %arg11[%get3A_301] {strides = array<i32>} : memref<2000xi32, #tpu.memory_space<vmem>>, vector<16xi32>,
          %sub3A_303 = vector.broadcast %mul3A_10 : i32 to vector<16xi32>
          %sub3A_304 = arith.subi %get3A_300, %sub3A_303 : vector<16xi32>
          %ge3A_305 = arith.constant 0 : i32
          %ge3A_306 = vector.broadcast %ge3A_305 : i32 to vector<16xi32>
          %ge3A_307 = arith.cmpi sge, %sub3A_304, %ge3A_306 : vector<16xi32>
          %lt3A_308 = arith.constant 1000 : i32
          %lt3A_309 = vector.broadcast %lt3A_308 : i32 to vector<16xi32>
          %lt3A_310 = arith.cmpi slt, %sub3A_304, %lt3A_309 : vector<16xi32>
          %and3A_311 = arith.andi %ge3A_307, %lt3A_310 : vector<16xi1>
          %mul3A_312 = arith.constant 8 : i32
          %mul3A_313 = vector.broadcast %mul3A_312 : i32 to vector<16xi32>
          %mul3A_314 = arith.muli %sub3A_304, %mul3A_313 : vector<16xi32>
          %add3A_315 = arith.addi %mul3A_314, %get3A_302 : vector<16xi32>
          %jit3A_316 = arith.constant 1 : i32
          %jit3A_317 = arith.constant 0 : i32
          %broadcast_in_dim3A_318 = vector.broadcast %jit3A_316 : i32 to vector<16xi32>
          %broadcast_in_dim3A_319 = vector.broadcast %jit3A_317 : i32 to vector<16xi32>
          %select_n3A_320 = arith.select %and3A_311, %broadcast_in_dim3A_318, %broadcast_in_dim3A_319 : vector<16xi1>, vector<16xi32>
          %broadcast_in_dim3A_321 = arith.constant true
          %broadcast_in_dim3A_322 = vector.broadcast %broadcast_in_dim3A_321 : i1 to vector<16xi1>
          %masked_cumsum3A_323 = tpu.scan <sum>, %select_n3A_320 masked %broadcast_in_dim3A_322 : vector<16xi32>, vector<16xi1> -> vector<16xi32>
          %add3A_324 = arith.addi %add3A_290, %masked_cumsum3A_323 : vector<16xi32>
          %sub3A_325 = arith.constant 1 : i32
          %sub3A_326 = vector.broadcast %sub3A_325 : i32 to vector<16xi32>
          %sub3A_327 = arith.subi %add3A_324, %sub3A_326 : vector<16xi32>
          %shift_right_logical3A_328 = arith.constant 6 : i32
          %shift_right_logical3A_329 = vector.broadcast %shift_right_logical3A_328 : i32 to vector<16xi32>
          %shift_right_logical3A_330 = arith.shrui %sub3A_327, %shift_right_logical3A_329 : vector<16xi32>
          %and3A_331 = arith.constant 63 : i32
          %and3A_332 = vector.broadcast %and3A_331 : i32 to vector<16xi32>
          %and3A_333 = arith.andi %shift_right_logical3A_330, %and3A_332 : vector<16xi32>
          %and3A_334 = arith.constant 63 : i32
          %and3A_335 = vector.broadcast %and3A_334 : i32 to vector<16xi32>
          %and3A_336 = arith.andi %sub3A_327, %and3A_335 : vector<16xi32>
          tpu.vector_store_idx %arg12[%and3A_333, %and3A_336], %get3A_298 masked %and3A_311 : memref<64x64xi32, #tpu.memory_space<vmem>>[vector<16xi32>, vector<16xi32>], vector<16xi32>, vector<16xi1>
          tpu.vector_store_idx %arg13[%and3A_333, %and3A_336], %add3A_315 masked %and3A_311 : memref<64x64xi32, #tpu.memory_space<vmem>>[vector<16xi32>, vector<16xi32>], vector<16xi32>, vector<16xi1>
          %all_reduce_population_count3A_337 = tpu.all_reduce %and3A_311 {dim = 0 : i64, kind = #tpu.reduction_kind<sum>} : vector<16xi1> -> vector<16xi32>
          %add3A_338 = arith.addi %add3A_290, %all_reduce_population_count3A_337 : vector<16xi32>
          scf.yield %add3A_338 : vector<16xi32>
        }
        %scan3A_79 = arith.constant 25 : i32
        %reduce_max3A_80 = arith.constant true
        %reduce_max3A_81 = vector.broadcast %reduce_max3A_80 : i1 to vector<16xi1>
        %reduce_max3A_82 = arith.constant -2147483648 : i32
        %reduce_max3A_83 = vector.broadcast %reduce_max3A_82 : i32 to vector<16xi32>
        %reduce_max3A_84 = arith.xori %scan3A_78, %reduce_max3A_83 : vector<16xi32>
        %reduce_max3A_85 = tpu.scan <max>, %reduce_max3A_84 masked %reduce_max3A_81 : vector<16xi32>, vector<16xi1> -> vector<16xi32>
        %reduce_max3A_86 = arith.xori %reduce_max3A_85, %reduce_max3A_83 : vector<16xi32>
        %reduce_max3A_87 = vector.extract %reduce_max3A_86[15] : i32 from vector<16xi32>
        %shift_right_logical3A_88 = arith.constant 6 : i32
        %shift_right_logical3A_89 = arith.shrui %reduce_max3A_87, %shift_right_logical3A_88 : i32
        %sub3A_90 = arith.subi %shift_right_logical3A_89, %scan3A_68 : i32
        %add3A_91 = arith.constant 1 : i32
        %add3A_92 = arith.addi %sub3A_90, %add3A_91 : i32
        %shift_right_logical3A_93 = arith.constant 1 : i32
        %shift_right_logical3A_94 = arith.shrui %add3A_92, %shift_right_logical3A_93 : i32
        %while3A_95 = arith.constant 0 : i32
        %while3A_96 = arith.constant 0 : i32
        %while3A_97 = arith.subi %shift_right_logical3A_94, %while3A_96 : i32
        %while3A_98 = arith.addi %while3A_96, %while3A_97 : i32
        %while3A_99 = arith.constant 1 : i32
        %while3A_100 = arith.divsi %while3A_97, %while3A_99 : i32
        %while3A_101 = arith.muli %while3A_100, %while3A_99 : i32
        %while3A_102 = arith.addi %while3A_96, %while3A_101 : i32
        %while3A_103 = arith.constant 1 : i32
        scf.for %while3A_105 = %while3A_96 to %while3A_102 step %while3A_103  : i32 {
          %mul3A_106 = arith.constant 2 : i32
          %mul3A_107 = arith.muli %mul3A_106, %while3A_105 : i32
          %add3A_108 = arith.addi %scan3A_68, %mul3A_107 : i32
          %add3A_109 = arith.constant 1 : i32
          %add3A_110 = arith.addi %add3A_108, %add3A_109 : i32
          %and3A = arith.constant 63 : i32
          %and3A_111 = arith.andi %add3A_108, %and3A : i32
          %and3A_112 = arith.constant 63 : i32
          %and3A_113 = arith.andi %add3A_110, %and3A_112 : i32
          %dma_start3A = arith.constant 0 : i32
          %dma_start3A_114 = arith.constant 0 : i32
          %dma_start3A_115 = tpu.memref_slice %arg14[%dma_start3A, %dma_start3A_114] : memref<128x128xf32, #tpu.memory_space<vmem>> -> memref<64x128xf32, #tpu.memory_space<vmem>>
          %dma_start3A_116 = arith.constant 0 : i32
          %dma_start3A_117 = tpu.memref_slice %arg13[%and3A_111, %dma_start3A_116] : memref<64x64xi32, #tpu.memory_space<vmem>> -> memref<1x64xi32, #tpu.memory_space<vmem>>
          %dma_start3A_118 = tpu.memref_squeeze %dma_start3A_117 : memref<1x64xi32, #tpu.memory_space<vmem>> -> memref<64xi32, #tpu.memory_space<vmem>>
          %dma_start3A_119 = arith.constant 0 : i32
          %dma_start3A_120 = arith.constant 0 : i32
          %dma_start3A_121 = tpu.memref_slice %arg16[%dma_start3A_119, %dma_start3A_120] : memref<8192x128xf32, #tpu.memory_space<vmem_shared>> -> memref<8192x128xf32, #tpu.memory_space<vmem_shared>>
          tpu.enqueue_indirect_dma source(%dma_start3A_115 : memref<64x128xf32, #tpu.memory_space<vmem>>) target(%dma_start3A_121 : memref<8192x128xf32, #tpu.memory_space<vmem_shared>>) offsets(%dma_start3A_118 : memref<64xi32, #tpu.memory_space<vmem>>) semaphore(%arg18 : memref<!tpu.dma_semaphore, #tpu.memory_space<semaphore_mem>>) {add = true}
          %lt3A = arith.cmpi slt, %add3A_110, %shift_right_logical3A_89 : i32
          %convert_element_type3A = arith.extui %lt3A : i1 to i32
          %cond3A = arith.constant 0 : i32
          %cond3A_122 = arith.cmpi ne, %convert_element_type3A, %cond3A : i32
          scf.if %cond3A_122 {
            %dma_start3A_131 = arith.constant 0 : i32
            %dma_start3A_132 = arith.constant 0 : i32
            %dma_start3A_133 = tpu.memref_slice %arg14[%dma_start3A_131, %dma_start3A_132] : memref<128x128xf32, #tpu.memory_space<vmem>> -> memref<64x128xf32, #tpu.memory_space<vmem>>
            %dma_start3A_134 = arith.constant 0 : i32
            %dma_start3A_135 = tpu.memref_slice %arg13[%and3A_113, %dma_start3A_134] : memref<64x64xi32, #tpu.memory_space<vmem>> -> memref<1x64xi32, #tpu.memory_space<vmem>>
            %dma_start3A_136 = tpu.memref_squeeze %dma_start3A_135 : memref<1x64xi32, #tpu.memory_space<vmem>> -> memref<64xi32, #tpu.memory_space<vmem>>
            %dma_start3A_137 = arith.constant 0 : i32
            %dma_start3A_138 = arith.constant 0 : i32
            %dma_start3A_139 = tpu.memref_slice %arg16[%dma_start3A_137, %dma_start3A_138] : memref<8192x128xf32, #tpu.memory_space<vmem_shared>> -> memref<8192x128xf32, #tpu.memory_space<vmem_shared>>
            tpu.enqueue_indirect_dma source(%dma_start3A_133 : memref<64x128xf32, #tpu.memory_space<vmem>>) target(%dma_start3A_139 : memref<8192x128xf32, #tpu.memory_space<vmem_shared>>) offsets(%dma_start3A_136 : memref<64xi32, #tpu.memory_space<vmem>>) semaphore(%arg18 : memref<!tpu.dma_semaphore, #tpu.memory_space<semaphore_mem>>) {add = true}
            %dma_wait3A_140 = arith.constant 0 : i32
            %dma_wait3A_141 = arith.constant 0 : i32
            %dma_wait3A_142 = tpu.memref_slice %arg14[%dma_wait3A_140, %dma_wait3A_141] : memref<128x128xf32, #tpu.memory_space<vmem>> -> memref<64x128xf32, #tpu.memory_space<vmem>>
            %dma_wait3A_143 = arith.constant 0 : i32
            %dma_wait3A_144 = tpu.memref_slice %arg13[%and3A_113, %dma_wait3A_143] : memref<64x64xi32, #tpu.memory_space<vmem>> -> memref<1x64xi32, #tpu.memory_space<vmem>>
            %dma_wait3A_145 = tpu.memref_squeeze %dma_wait3A_144 : memref<1x64xi32, #tpu.memory_space<vmem>> -> memref<64xi32, #tpu.memory_space<vmem>>
            %dma_wait3A_146 = arith.constant 0 : i32
            %dma_wait3A_147 = arith.constant 0 : i32
            %dma_wait3A_148 = tpu.memref_slice %arg16[%dma_wait3A_146, %dma_wait3A_147] : memref<8192x128xf32, #tpu.memory_space<vmem_shared>> -> memref<8192x128xf32, #tpu.memory_space<vmem_shared>>
            tpu.wait_indirect_dma semaphore(%arg18 : memref<!tpu.dma_semaphore, #tpu.memory_space<semaphore_mem>>) src(%dma_wait3A_142 : memref<64x128xf32, #tpu.memory_space<vmem>>) dst(%dma_wait3A_148 : memref<8192x128xf32, #tpu.memory_space<vmem_shared>>)
          } else {
          }
          %dma_wait3A = arith.constant 0 : i32
          %dma_wait3A_123 = arith.constant 0 : i32
          %dma_wait3A_124 = tpu.memref_slice %arg14[%dma_wait3A, %dma_wait3A_123] : memref<128x128xf32, #tpu.memory_space<vmem>> -> memref<64x128xf32, #tpu.memory_space<vmem>>
          %dma_wait3A_125 = arith.constant 0 : i32
          %dma_wait3A_126 = tpu.memref_slice %arg13[%and3A_111, %dma_wait3A_125] : memref<64x64xi32, #tpu.memory_space<vmem>> -> memref<1x64xi32, #tpu.memory_space<vmem>>
          %dma_wait3A_127 = tpu.memref_squeeze %dma_wait3A_126 : memref<1x64xi32, #tpu.memory_space<vmem>> -> memref<64xi32, #tpu.memory_space<vmem>>
          %dma_wait3A_128 = arith.constant 0 : i32
          %dma_wait3A_129 = arith.constant 0 : i32
          %dma_wait3A_130 = tpu.memref_slice %arg16[%dma_wait3A_128, %dma_wait3A_129] : memref<8192x128xf32, #tpu.memory_space<vmem_shared>> -> memref<8192x128xf32, #tpu.memory_space<vmem_shared>>
          tpu.wait_indirect_dma semaphore(%arg18 : memref<!tpu.dma_semaphore, #tpu.memory_space<semaphore_mem>>) src(%dma_wait3A_124 : memref<64x128xf32, #tpu.memory_space<vmem>>) dst(%dma_wait3A_130 : memref<8192x128xf32, #tpu.memory_space<vmem_shared>>)
        }
        %while3A_104 = arith.constant 1 : i32
        scf.for %while3A_105 = %while3A_102 to %while3A_98 step %while3A_104  : i32 {
          %mul3A_106 = arith.constant 2 : i32
          %mul3A_107 = arith.muli %mul3A_106, %while3A_105 : i32
          %add3A_108 = arith.addi %scan3A_68, %mul3A_107 : i32
          %add3A_109 = arith.constant 1 : i32
          %add3A_110 = arith.addi %add3A_108, %add3A_109 : i32
          %and3A = arith.constant 63 : i32
          %and3A_111 = arith.andi %add3A_108, %and3A : i32
          %and3A_112 = arith.constant 63 : i32
          %and3A_113 = arith.andi %add3A_110, %and3A_112 : i32
          %dma_start3A = arith.constant 0 : i32
          %dma_start3A_114 = arith.constant 0 : i32
          %dma_start3A_115 = tpu.memref_slice %arg14[%dma_start3A, %dma_start3A_114] : memref<128x128xf32, #tpu.memory_space<vmem>> -> memref<64x128xf32, #tpu.memory_space<vmem>>
          %dma_start3A_116 = arith.constant 0 : i32
          %dma_start3A_117 = tpu.memref_slice %arg13[%and3A_111, %dma_start3A_116] : memref<64x64xi32, #tpu.memory_space<vmem>> -> memref<1x64xi32, #tpu.memory_space<vmem>>
          %dma_start3A_118 = tpu.memref_squeeze %dma_start3A_117 : memref<1x64xi32, #tpu.memory_space<vmem>> -> memref<64xi32, #tpu.memory_space<vmem>>
          %dma_start3A_119 = arith.constant 0 : i32
          %dma_start3A_120 = arith.constant 0 : i32
          %dma_start3A_121 = tpu.memref_slice %arg16[%dma_start3A_119, %dma_start3A_120] : memref<8192x128xf32, #tpu.memory_space<vmem_shared>> -> memref<8192x128xf32, #tpu.memory_space<vmem_shared>>
          tpu.enqueue_indirect_dma source(%dma_start3A_115 : memref<64x128xf32, #tpu.memory_space<vmem>>) target(%dma_start3A_121 : memref<8192x128xf32, #tpu.memory_space<vmem_shared>>) offsets(%dma_start3A_118 : memref<64xi32, #tpu.memory_space<vmem>>) semaphore(%arg18 : memref<!tpu.dma_semaphore, #tpu.memory_space<semaphore_mem>>) {add = true}
          %lt3A = arith.cmpi slt, %add3A_110, %shift_right_logical3A_89 : i32
          %convert_element_type3A = arith.extui %lt3A : i1 to i32
          %cond3A = arith.constant 0 : i32
          %cond3A_122 = arith.cmpi ne, %convert_element_type3A, %cond3A : i32
          scf.if %cond3A_122 {
            %dma_start3A_131 = arith.constant 0 : i32
            %dma_start3A_132 = arith.constant 0 : i32
            %dma_start3A_133 = tpu.memref_slice %arg14[%dma_start3A_131, %dma_start3A_132] : memref<128x128xf32, #tpu.memory_space<vmem>> -> memref<64x128xf32, #tpu.memory_space<vmem>>
            %dma_start3A_134 = arith.constant 0 : i32
            %dma_start3A_135 = tpu.memref_slice %arg13[%and3A_113, %dma_start3A_134] : memref<64x64xi32, #tpu.memory_space<vmem>> -> memref<1x64xi32, #tpu.memory_space<vmem>>
            %dma_start3A_136 = tpu.memref_squeeze %dma_start3A_135 : memref<1x64xi32, #tpu.memory_space<vmem>> -> memref<64xi32, #tpu.memory_space<vmem>>
            %dma_start3A_137 = arith.constant 0 : i32
            %dma_start3A_138 = arith.constant 0 : i32
            %dma_start3A_139 = tpu.memref_slice %arg16[%dma_start3A_137, %dma_start3A_138] : memref<8192x128xf32, #tpu.memory_space<vmem_shared>> -> memref<8192x128xf32, #tpu.memory_space<vmem_shared>>
            tpu.enqueue_indirect_dma source(%dma_start3A_133 : memref<64x128xf32, #tpu.memory_space<vmem>>) target(%dma_start3A_139 : memref<8192x128xf32, #tpu.memory_space<vmem_shared>>) offsets(%dma_start3A_136 : memref<64xi32, #tpu.memory_space<vmem>>) semaphore(%arg18 : memref<!tpu.dma_semaphore, #tpu.memory_space<semaphore_mem>>) {add = true}
            %dma_wait3A_140 = arith.constant 0 : i32
            %dma_wait3A_141 = arith.constant 0 : i32
            %dma_wait3A_142 = tpu.memref_slice %arg14[%dma_wait3A_140, %dma_wait3A_141] : memref<128x128xf32, #tpu.memory_space<vmem>> -> memref<64x128xf32, #tpu.memory_space<vmem>>
            %dma_wait3A_143 = arith.constant 0 : i32
            %dma_wait3A_144 = tpu.memref_slice %arg13[%and3A_113, %dma_wait3A_143] : memref<64x64xi32, #tpu.memory_space<vmem>> -> memref<1x64xi32, #tpu.memory_space<vmem>>
            %dma_wait3A_145 = tpu.memref_squeeze %dma_wait3A_144 : memref<1x64xi32, #tpu.memory_space<vmem>> -> memref<64xi32, #tpu.memory_space<vmem>>
            %dma_wait3A_146 = arith.constant 0 : i32
            %dma_wait3A_147 = arith.constant 0 : i32
            %dma_wait3A_148 = tpu.memref_slice %arg16[%dma_wait3A_146, %dma_wait3A_147] : memref<8192x128xf32, #tpu.memory_space<vmem_shared>> -> memref<8192x128xf32, #tpu.memory_space<vmem_shared>>
            tpu.wait_indirect_dma semaphore(%arg18 : memref<!tpu.dma_semaphore, #tpu.memory_space<semaphore_mem>>) src(%dma_wait3A_142 : memref<64x128xf32, #tpu.memory_space<vmem>>) dst(%dma_wait3A_148 : memref<8192x128xf32, #tpu.memory_space<vmem_shared>>)
          } else {
          }
          %dma_wait3A = arith.constant 0 : i32
          %dma_wait3A_123 = arith.constant 0 : i32
          %dma_wait3A_124 = tpu.memref_slice %arg14[%dma_wait3A, %dma_wait3A_123] : memref<128x128xf32, #tpu.memory_space<vmem>> -> memref<64x128xf32, #tpu.memory_space<vmem>>
          %dma_wait3A_125 = arith.constant 0 : i32
          %dma_wait3A_126 = tpu.memref_slice %arg13[%and3A_111, %dma_wait3A_125] : memref<64x64xi32, #tpu.memory_space<vmem>> -> memref<1x64xi32, #tpu.memory_space<vmem>>
          %dma_wait3A_127 = tpu.memref_squeeze %dma_wait3A_126 : memref<1x64xi32, #tpu.memory_space<vmem>> -> memref<64xi32, #tpu.memory_space<vmem>>
          %dma_wait3A_128 = arith.constant 0 : i32
          %dma_wait3A_129 = arith.constant 0 : i32
          %dma_wait3A_130 = tpu.memref_slice %arg16[%dma_wait3A_128, %dma_wait3A_129] : memref<8192x128xf32, #tpu.memory_space<vmem_shared>> -> memref<8192x128xf32, #tpu.memory_space<vmem_shared>>
          tpu.wait_indirect_dma semaphore(%arg18 : memref<!tpu.dma_semaphore, #tpu.memory_space<semaphore_mem>>) src(%dma_wait3A_124 : memref<64x128xf32, #tpu.memory_space<vmem>>) dst(%dma_wait3A_130 : memref<8192x128xf32, #tpu.memory_space<vmem_shared>>)
        }
        scf.yield %scan3A_78, %shift_right_logical3A_89 : vector<16xi32>, i32
      }
      %scan3A_26 = arith.constant 10 : i32
      %reduce_max3A = arith.constant true
      %reduce_max3A_27 = vector.broadcast %reduce_max3A : i1 to vector<16xi1>
      %reduce_max3A_28 = arith.constant -2147483648 : i32
      %reduce_max3A_29 = vector.broadcast %reduce_max3A_28 : i32 to vector<16xi32>
      %reduce_max3A_30 = arith.xori %scan3A_25#0, %reduce_max3A_29 : vector<16xi32>
      %reduce_max3A_31 = tpu.scan <max>, %reduce_max3A_30 masked %reduce_max3A_27 : vector<16xi32>, vector<16xi1> -> vector<16xi32>
      %reduce_max3A_32 = arith.xori %reduce_max3A_31, %reduce_max3A_29 : vector<16xi32>
      %reduce_max3A_33 = vector.extract %reduce_max3A_32[15] : i32 from vector<16xi32>
      %add3A_34 = arith.constant 64 : i32
      %add3A_35 = arith.addi %reduce_max3A_33, %add3A_34 : i32
      %sub3A = arith.constant 1 : i32
      %sub3A_36 = arith.subi %add3A_35, %sub3A : i32
      %shift_right_logical3A = arith.constant 6 : i32
      %shift_right_logical3A_37 = arith.shrui %sub3A_36, %shift_right_logical3A : i32
      %scan3A_38 = arith.constant 0 : i32
      %scan3A_39 = arith.constant 0 : i32
      %scan3A_40 = arith.constant 4 : i32
      %scan3A_41 = arith.addi %scan3A_39, %scan3A_40 : i32
      %scan3A_42 = arith.constant 1 : i32
      scf.for %scan3A_66 = %scan3A_39 to %scan3A_41 step %scan3A_42  : i32 {
        %mul3A_67 = arith.constant 16 : i32
        %mul3A_68 = arith.muli %scan3A_66, %mul3A_67 : i32
        %add3A_69 = arith.addi %reduce_max3A_33, %mul3A_68 : i32
        %add3A_70 = vector.broadcast %add3A_69 : i32 to vector<16xi32>
        %add3A_71 = arith.addi %add3A_70, %iota3A : vector<16xi32>
        %mul3A_72 = arith.constant 64 : i32
        %mul3A_73 = arith.muli %shift_right_logical3A_37, %mul3A_72 : i32
        %lt3A = vector.broadcast %mul3A_73 : i32 to vector<16xi32>
        %lt3A_74 = arith.cmpi slt, %add3A_71, %lt3A : vector<16xi32>
        %shift_right_logical3A_75 = arith.constant 6 : i32
        %shift_right_logical3A_76 = vector.broadcast %shift_right_logical3A_75 : i32 to vector<16xi32>
        %shift_right_logical3A_77 = arith.shrui %add3A_71, %shift_right_logical3A_76 : vector<16xi32>
        %and3A = arith.constant 63 : i32
        %and3A_78 = vector.broadcast %and3A : i32 to vector<16xi32>
        %and3A_79 = arith.andi %shift_right_logical3A_77, %and3A_78 : vector<16xi32>
        %and3A_80 = arith.constant 63 : i32
        %and3A_81 = vector.broadcast %and3A_80 : i32 to vector<16xi32>
        %and3A_82 = arith.andi %add3A_71, %and3A_81 : vector<16xi32>
        %broadcast_in_dim3A_83 = arith.constant 8100 : i32
        %broadcast_in_dim3A_84 = vector.broadcast %broadcast_in_dim3A_83 : i32 to vector<16xi32>
        tpu.vector_store_idx %arg13[%and3A_79, %and3A_82], %broadcast_in_dim3A_84 masked %lt3A_74 : memref<64x64xi32, #tpu.memory_space<vmem>>[vector<16xi32>, vector<16xi32>], vector<16xi32>, vector<16xi1>
        %broadcast_in_dim3A_85 = arith.constant 1000 : i32
        %broadcast_in_dim3A_86 = vector.broadcast %broadcast_in_dim3A_85 : i32 to vector<16xi32>
        tpu.vector_store_idx %arg12[%and3A_79, %and3A_82], %broadcast_in_dim3A_86 masked %lt3A_74 : memref<64x64xi32, #tpu.memory_space<vmem>>[vector<16xi32>, vector<16xi32>], vector<16xi32>, vector<16xi1>
      }
      %scan3A_43 = arith.constant 4 : i32
      %sub3A_44 = arith.subi %shift_right_logical3A_37, %scan3A_25#1 : i32
      %add3A_45 = arith.constant 1 : i32
      %add3A_46 = arith.addi %sub3A_44, %add3A_45 : i32
      %shift_right_logical3A_47 = arith.constant 1 : i32
      %shift_right_logical3A_48 = arith.shrui %add3A_46, %shift_right_logical3A_47 : i32
      %while3A = arith.constant 0 : i32
      %while3A_49 = arith.constant 0 : i32
      %while3A_50 = arith.subi %shift_right_logical3A_48, %while3A_49 : i32
      %while3A_51 = arith.addi %while3A_49, %while3A_50 : i32
      %while3A_52 = arith.constant 1 : i32
      %while3A_53 = arith.divsi %while3A_50, %while3A_52 : i32
      %while3A_54 = arith.muli %while3A_53, %while3A_52 : i32
      %while3A_55 = arith.addi %while3A_49, %while3A_54 : i32
      %while3A_56 = arith.constant 1 : i32
      scf.for %while3A_66 = %while3A_49 to %while3A_55 step %while3A_56  : i32 {
        %mul3A_67 = arith.constant 2 : i32
        %mul3A_68 = arith.muli %mul3A_67, %while3A_66 : i32
        %add3A_69 = arith.addi %scan3A_25#1, %mul3A_68 : i32
        %add3A_70 = arith.constant 1 : i32
        %add3A_71 = arith.addi %add3A_69, %add3A_70 : i32
        %and3A = arith.constant 63 : i32
        %and3A_72 = arith.andi %add3A_69, %and3A : i32
        %and3A_73 = arith.constant 63 : i32
        %and3A_74 = arith.andi %add3A_71, %and3A_73 : i32
        %dma_start3A = arith.constant 0 : i32
        %dma_start3A_75 = arith.constant 0 : i32
        %dma_start3A_76 = tpu.memref_slice %arg14[%dma_start3A, %dma_start3A_75] : memref<128x128xf32, #tpu.memory_space<vmem>> -> memref<64x128xf32, #tpu.memory_space<vmem>>
        %dma_start3A_77 = arith.constant 0 : i32
        %dma_start3A_78 = tpu.memref_slice %arg13[%and3A_72, %dma_start3A_77] : memref<64x64xi32, #tpu.memory_space<vmem>> -> memref<1x64xi32, #tpu.memory_space<vmem>>
        %dma_start3A_79 = tpu.memref_squeeze %dma_start3A_78 : memref<1x64xi32, #tpu.memory_space<vmem>> -> memref<64xi32, #tpu.memory_space<vmem>>
        %dma_start3A_80 = arith.constant 0 : i32
        %dma_start3A_81 = arith.constant 0 : i32
        %dma_start3A_82 = tpu.memref_slice %arg16[%dma_start3A_80, %dma_start3A_81] : memref<8192x128xf32, #tpu.memory_space<vmem_shared>> -> memref<8192x128xf32, #tpu.memory_space<vmem_shared>>
        tpu.enqueue_indirect_dma source(%dma_start3A_76 : memref<64x128xf32, #tpu.memory_space<vmem>>) target(%dma_start3A_82 : memref<8192x128xf32, #tpu.memory_space<vmem_shared>>) offsets(%dma_start3A_79 : memref<64xi32, #tpu.memory_space<vmem>>) semaphore(%arg18 : memref<!tpu.dma_semaphore, #tpu.memory_space<semaphore_mem>>) {add = true}
        %lt3A = arith.cmpi slt, %add3A_71, %shift_right_logical3A_37 : i32
        %convert_element_type3A = arith.extui %lt3A : i1 to i32
        %cond3A = arith.constant 0 : i32
        %cond3A_83 = arith.cmpi ne, %convert_element_type3A, %cond3A : i32
        scf.if %cond3A_83 {
          %dma_start3A_92 = arith.constant 0 : i32
          %dma_start3A_93 = arith.constant 0 : i32
          %dma_start3A_94 = tpu.memref_slice %arg14[%dma_start3A_92, %dma_start3A_93] : memref<128x128xf32, #tpu.memory_space<vmem>> -> memref<64x128xf32, #tpu.memory_space<vmem>>
          %dma_start3A_95 = arith.constant 0 : i32
          %dma_start3A_96 = tpu.memref_slice %arg13[%and3A_74, %dma_start3A_95] : memref<64x64xi32, #tpu.memory_space<vmem>> -> memref<1x64xi32, #tpu.memory_space<vmem>>
          %dma_start3A_97 = tpu.memref_squeeze %dma_start3A_96 : memref<1x64xi32, #tpu.memory_space<vmem>> -> memref<64xi32, #tpu.memory_space<vmem>>
          %dma_start3A_98 = arith.constant 0 : i32
          %dma_start3A_99 = arith.constant 0 : i32
          %dma_start3A_100 = tpu.memref_slice %arg16[%dma_start3A_98, %dma_start3A_99] : memref<8192x128xf32, #tpu.memory_space<vmem_shared>> -> memref<8192x128xf32, #tpu.memory_space<vmem_shared>>
          tpu.enqueue_indirect_dma source(%dma_start3A_94 : memref<64x128xf32, #tpu.memory_space<vmem>>) target(%dma_start3A_100 : memref<8192x128xf32, #tpu.memory_space<vmem_shared>>) offsets(%dma_start3A_97 : memref<64xi32, #tpu.memory_space<vmem>>) semaphore(%arg18 : memref<!tpu.dma_semaphore, #tpu.memory_space<semaphore_mem>>) {add = true}
          %dma_wait3A_101 = arith.constant 0 : i32
          %dma_wait3A_102 = arith.constant 0 : i32
          %dma_wait3A_103 = tpu.memref_slice %arg14[%dma_wait3A_101, %dma_wait3A_102] : memref<128x128xf32, #tpu.memory_space<vmem>> -> memref<64x128xf32, #tpu.memory_space<vmem>>
          %dma_wait3A_104 = arith.constant 0 : i32
          %dma_wait3A_105 = tpu.memref_slice %arg13[%and3A_74, %dma_wait3A_104] : memref<64x64xi32, #tpu.memory_space<vmem>> -> memref<1x64xi32, #tpu.memory_space<vmem>>
          %dma_wait3A_106 = tpu.memref_squeeze %dma_wait3A_105 : memref<1x64xi32, #tpu.memory_space<vmem>> -> memref<64xi32, #tpu.memory_space<vmem>>
          %dma_wait3A_107 = arith.constant 0 : i32
          %dma_wait3A_108 = arith.constant 0 : i32
          %dma_wait3A_109 = tpu.memref_slice %arg16[%dma_wait3A_107, %dma_wait3A_108] : memref<8192x128xf32, #tpu.memory_space<vmem_shared>> -> memref<8192x128xf32, #tpu.memory_space<vmem_shared>>
          tpu.wait_indirect_dma semaphore(%arg18 : memref<!tpu.dma_semaphore, #tpu.memory_space<semaphore_mem>>) src(%dma_wait3A_103 : memref<64x128xf32, #tpu.memory_space<vmem>>) dst(%dma_wait3A_109 : memref<8192x128xf32, #tpu.memory_space<vmem_shared>>)
        } else {
        }
        %dma_wait3A = arith.constant 0 : i32
        %dma_wait3A_84 = arith.constant 0 : i32
        %dma_wait3A_85 = tpu.memref_slice %arg14[%dma_wait3A, %dma_wait3A_84] : memref<128x128xf32, #tpu.memory_space<vmem>> -> memref<64x128xf32, #tpu.memory_space<vmem>>
        %dma_wait3A_86 = arith.constant 0 : i32
        %dma_wait3A_87 = tpu.memref_slice %arg13[%and3A_72, %dma_wait3A_86] : memref<64x64xi32, #tpu.memory_space<vmem>> -> memref<1x64xi32, #tpu.memory_space<vmem>>
        %dma_wait3A_88 = tpu.memref_squeeze %dma_wait3A_87 : memref<1x64xi32, #tpu.memory_space<vmem>> -> memref<64xi32, #tpu.memory_space<vmem>>
        %dma_wait3A_89 = arith.constant 0 : i32
        %dma_wait3A_90 = arith.constant 0 : i32
        %dma_wait3A_91 = tpu.memref_slice %arg16[%dma_wait3A_89, %dma_wait3A_90] : memref<8192x128xf32, #tpu.memory_space<vmem_shared>> -> memref<8192x128xf32, #tpu.memory_space<vmem_shared>>
        tpu.wait_indirect_dma semaphore(%arg18 : memref<!tpu.dma_semaphore, #tpu.memory_space<semaphore_mem>>) src(%dma_wait3A_85 : memref<64x128xf32, #tpu.memory_space<vmem>>) dst(%dma_wait3A_91 : memref<8192x128xf32, #tpu.memory_space<vmem_shared>>)
      }
      %while3A_57 = arith.constant 1 : i32
      scf.for %while3A_66 = %while3A_55 to %while3A_51 step %while3A_57  : i32 {
        %mul3A_67 = arith.constant 2 : i32
        %mul3A_68 = arith.muli %mul3A_67, %while3A_66 : i32
        %add3A_69 = arith.addi %scan3A_25#1, %mul3A_68 : i32
        %add3A_70 = arith.constant 1 : i32
        %add3A_71 = arith.addi %add3A_69, %add3A_70 : i32
        %and3A = arith.constant 63 : i32
        %and3A_72 = arith.andi %add3A_69, %and3A : i32
        %and3A_73 = arith.constant 63 : i32
        %and3A_74 = arith.andi %add3A_71, %and3A_73 : i32
        %dma_start3A = arith.constant 0 : i32
        %dma_start3A_75 = arith.constant 0 : i32
        %dma_start3A_76 = tpu.memref_slice %arg14[%dma_start3A, %dma_start3A_75] : memref<128x128xf32, #tpu.memory_space<vmem>> -> memref<64x128xf32, #tpu.memory_space<vmem>>
        %dma_start3A_77 = arith.constant 0 : i32
        %dma_start3A_78 = tpu.memref_slice %arg13[%and3A_72, %dma_start3A_77] : memref<64x64xi32, #tpu.memory_space<vmem>> -> memref<1x64xi32, #tpu.memory_space<vmem>>
        %dma_start3A_79 = tpu.memref_squeeze %dma_start3A_78 : memref<1x64xi32, #tpu.memory_space<vmem>> -> memref<64xi32, #tpu.memory_space<vmem>>
        %dma_start3A_80 = arith.constant 0 : i32
        %dma_start3A_81 = arith.constant 0 : i32
        %dma_start3A_82 = tpu.memref_slice %arg16[%dma_start3A_80, %dma_start3A_81] : memref<8192x128xf32, #tpu.memory_space<vmem_shared>> -> memref<8192x128xf32, #tpu.memory_space<vmem_shared>>
        tpu.enqueue_indirect_dma source(%dma_start3A_76 : memref<64x128xf32, #tpu.memory_space<vmem>>) target(%dma_start3A_82 : memref<8192x128xf32, #tpu.memory_space<vmem_shared>>) offsets(%dma_start3A_79 : memref<64xi32, #tpu.memory_space<vmem>>) semaphore(%arg18 : memref<!tpu.dma_semaphore, #tpu.memory_space<semaphore_mem>>) {add = true}
        %lt3A = arith.cmpi slt, %add3A_71, %shift_right_logical3A_37 : i32
        %convert_element_type3A = arith.extui %lt3A : i1 to i32
        %cond3A = arith.constant 0 : i32
        %cond3A_83 = arith.cmpi ne, %convert_element_type3A, %cond3A : i32
        scf.if %cond3A_83 {
          %dma_start3A_92 = arith.constant 0 : i32
          %dma_start3A_93 = arith.constant 0 : i32
          %dma_start3A_94 = tpu.memref_slice %arg14[%dma_start3A_92, %dma_start3A_93] : memref<128x128xf32, #tpu.memory_space<vmem>> -> memref<64x128xf32, #tpu.memory_space<vmem>>
          %dma_start3A_95 = arith.constant 0 : i32
          %dma_start3A_96 = tpu.memref_slice %arg13[%and3A_74, %dma_start3A_95] : memref<64x64xi32, #tpu.memory_space<vmem>> -> memref<1x64xi32, #tpu.memory_space<vmem>>
          %dma_start3A_97 = tpu.memref_squeeze %dma_start3A_96 : memref<1x64xi32, #tpu.memory_space<vmem>> -> memref<64xi32, #tpu.memory_space<vmem>>
          %dma_start3A_98 = arith.constant 0 : i32
          %dma_start3A_99 = arith.constant 0 : i32
          %dma_start3A_100 = tpu.memref_slice %arg16[%dma_start3A_98, %dma_start3A_99] : memref<8192x128xf32, #tpu.memory_space<vmem_shared>> -> memref<8192x128xf32, #tpu.memory_space<vmem_shared>>
          tpu.enqueue_indirect_dma source(%dma_start3A_94 : memref<64x128xf32, #tpu.memory_space<vmem>>) target(%dma_start3A_100 : memref<8192x128xf32, #tpu.memory_space<vmem_shared>>) offsets(%dma_start3A_97 : memref<64xi32, #tpu.memory_space<vmem>>) semaphore(%arg18 : memref<!tpu.dma_semaphore, #tpu.memory_space<semaphore_mem>>) {add = true}
          %dma_wait3A_101 = arith.constant 0 : i32
          %dma_wait3A_102 = arith.constant 0 : i32
          %dma_wait3A_103 = tpu.memref_slice %arg14[%dma_wait3A_101, %dma_wait3A_102] : memref<128x128xf32, #tpu.memory_space<vmem>> -> memref<64x128xf32, #tpu.memory_space<vmem>>
          %dma_wait3A_104 = arith.constant 0 : i32
          %dma_wait3A_105 = tpu.memref_slice %arg13[%and3A_74, %dma_wait3A_104] : memref<64x64xi32, #tpu.memory_space<vmem>> -> memref<1x64xi32, #tpu.memory_space<vmem>>
          %dma_wait3A_106 = tpu.memref_squeeze %dma_wait3A_105 : memref<1x64xi32, #tpu.memory_space<vmem>> -> memref<64xi32, #tpu.memory_space<vmem>>
          %dma_wait3A_107 = arith.constant 0 : i32
          %dma_wait3A_108 = arith.constant 0 : i32
          %dma_wait3A_109 = tpu.memref_slice %arg16[%dma_wait3A_107, %dma_wait3A_108] : memref<8192x128xf32, #tpu.memory_space<vmem_shared>> -> memref<8192x128xf32, #tpu.memory_space<vmem_shared>>
          tpu.wait_indirect_dma semaphore(%arg18 : memref<!tpu.dma_semaphore, #tpu.memory_space<semaphore_mem>>) src(%dma_wait3A_103 : memref<64x128xf32, #tpu.memory_space<vmem>>) dst(%dma_wait3A_109 : memref<8192x128xf32, #tpu.memory_space<vmem_shared>>)
        } else {
        }
        %dma_wait3A = arith.constant 0 : i32
        %dma_wait3A_84 = arith.constant 0 : i32
        %dma_wait3A_85 = tpu.memref_slice %arg14[%dma_wait3A, %dma_wait3A_84] : memref<128x128xf32, #tpu.memory_space<vmem>> -> memref<64x128xf32, #tpu.memory_space<vmem>>
        %dma_wait3A_86 = arith.constant 0 : i32
        %dma_wait3A_87 = tpu.memref_slice %arg13[%and3A_72, %dma_wait3A_86] : memref<64x64xi32, #tpu.memory_space<vmem>> -> memref<1x64xi32, #tpu.memory_space<vmem>>
        %dma_wait3A_88 = tpu.memref_squeeze %dma_wait3A_87 : memref<1x64xi32, #tpu.memory_space<vmem>> -> memref<64xi32, #tpu.memory_space<vmem>>
        %dma_wait3A_89 = arith.constant 0 : i32
        %dma_wait3A_90 = arith.constant 0 : i32
        %dma_wait3A_91 = tpu.memref_slice %arg16[%dma_wait3A_89, %dma_wait3A_90] : memref<8192x128xf32, #tpu.memory_space<vmem_shared>> -> memref<8192x128xf32, #tpu.memory_space<vmem_shared>>
        tpu.wait_indirect_dma semaphore(%arg18 : memref<!tpu.dma_semaphore, #tpu.memory_space<semaphore_mem>>) src(%dma_wait3A_85 : memref<64x128xf32, #tpu.memory_space<vmem>>) dst(%dma_wait3A_91 : memref<8192x128xf32, #tpu.memory_space<vmem_shared>>)
      }
      %barrier3A_58 = arith.constant 0 : index
      tpu.barrier barrier_id(%barrier3A_58)
      %scan3A_59 = arith.constant 0 : i32
      %scan3A_60 = arith.constant 0 : i32
      %scan3A_61 = arith.constant 4 : i32
      %scan3A_62 = arith.addi %scan3A_60, %scan3A_61 : i32
      %scan3A_63 = arith.constant 1 : i32
      scf.for %scan3A_66 = %scan3A_60 to %scan3A_62 step %scan3A_63  : i32 {
        %mul3A_67 = arith.constant 512 : i32
        %mul3A_68 = arith.muli %arg1, %mul3A_67 : i32
        %mul3A_69 = arith.constant 128 : i32
        %mul3A_70 = arith.muli %scan3A_66, %mul3A_69 : i32
        %add3A_71 = arith.addi %mul3A_68, %mul3A_70 : i32
        %add3A_72 = arith.addi %mul3A_12, %add3A_71 : i32
        %dma_start3A = arith.constant 0 : i32
        %dma_start3A_73 = tpu.memref_slice %arg8[%add3A_72, %dma_start3A] : memref<81920x128xf32, #tpu.memory_space<hbm>> -> memref<64x128xf32, #tpu.memory_space<hbm>>
        %dma_start3A_74 = arith.constant 0 : i32
        %dma_start3A_75 = tpu.memref_slice %arg16[%add3A_71, %dma_start3A_74] : memref<8192x128xf32, #tpu.memory_space<vmem_shared>> -> memref<64x128xf32, #tpu.memory_space<vmem_shared>>
        tpu.enqueue_dma source(%dma_start3A_75 : memref<64x128xf32, #tpu.memory_space<vmem_shared>>) target(%dma_start3A_73 : memref<64x128xf32, #tpu.memory_space<hbm>>) target_semaphore(%arg17 : memref<!tpu.dma_semaphore, #tpu.memory_space<semaphore_mem>>)
        %add3A_76 = arith.constant 64 : i32
        %add3A_77 = arith.addi %add3A_71, %add3A_76 : i32
        %add3A_78 = arith.addi %mul3A_12, %add3A_71 : i32
        %add3A_79 = arith.constant 64 : i32
        %add3A_80 = arith.addi %add3A_78, %add3A_79 : i32
        %dma_start3A_81 = arith.constant 0 : i32
        %dma_start3A_82 = tpu.memref_slice %arg8[%add3A_80, %dma_start3A_81] : memref<81920x128xf32, #tpu.memory_space<hbm>> -> memref<64x128xf32, #tpu.memory_space<hbm>>
        %dma_start3A_83 = arith.constant 0 : i32
        %dma_start3A_84 = tpu.memref_slice %arg16[%add3A_77, %dma_start3A_83] : memref<8192x128xf32, #tpu.memory_space<vmem_shared>> -> memref<64x128xf32, #tpu.memory_space<vmem_shared>>
        tpu.enqueue_dma source(%dma_start3A_84 : memref<64x128xf32, #tpu.memory_space<vmem_shared>>) target(%dma_start3A_82 : memref<64x128xf32, #tpu.memory_space<hbm>>) target_semaphore(%arg17 : memref<!tpu.dma_semaphore, #tpu.memory_space<semaphore_mem>>)
        %dma_wait3A = arith.constant 0 : i32
        %dma_wait3A_85 = tpu.memref_slice %arg8[%add3A_72, %dma_wait3A] : memref<81920x128xf32, #tpu.memory_space<hbm>> -> memref<64x128xf32, #tpu.memory_space<hbm>>
        %dma_wait3A_86 = arith.constant 0 : i32
        %dma_wait3A_87 = tpu.memref_slice %arg16[%add3A_71, %dma_wait3A_86] : memref<8192x128xf32, #tpu.memory_space<vmem_shared>> -> memref<64x128xf32, #tpu.memory_space<vmem_shared>>
        tpu.wait_dma2 semaphore(%arg17 : memref<!tpu.dma_semaphore, #tpu.memory_space<semaphore_mem>>) src(%dma_wait3A_87 : memref<64x128xf32, #tpu.memory_space<vmem_shared>>) dst(%dma_wait3A_85 : memref<64x128xf32, #tpu.memory_space<hbm>>)
        %dma_wait3A_88 = arith.constant 0 : i32
        %dma_wait3A_89 = tpu.memref_slice %arg8[%add3A_80, %dma_wait3A_88] : memref<81920x128xf32, #tpu.memory_space<hbm>> -> memref<64x128xf32, #tpu.memory_space<hbm>>
        %dma_wait3A_90 = arith.constant 0 : i32
        %dma_wait3A_91 = tpu.memref_slice %arg16[%add3A_77, %dma_wait3A_90] : memref<8192x128xf32, #tpu.memory_space<vmem_shared>> -> memref<64x128xf32, #tpu.memory_space<vmem_shared>>
        tpu.wait_dma2 semaphore(%arg17 : memref<!tpu.dma_semaphore, #tpu.memory_space<semaphore_mem>>) src(%dma_wait3A_91 : memref<64x128xf32, #tpu.memory_space<vmem_shared>>) dst(%dma_wait3A_89 : memref<64x128xf32, #tpu.memory_space<hbm>>)
      }
      %scan3A_64 = arith.constant 4 : i32
      %scan3A_65 = arith.constant 0 : i32
      scf.yield %scan3A_65 : i32
    }
    %scan3A_5 = arith.constant 5 : i32
    return
  }
}

#map = affine_map<(d0, d1) -> (0, 0)>
#map1 = affine_map<(d0, d1) -> (0)>
module attributes {stable_mosaic.version = 14 : i64} {
  func.func @_sc_scatter_body(%arg0: i32, %arg1: i32, %arg2: memref<10240x128xf32, #tpu.memory_space<hbm>>, %arg3: memref<320000xi32, #tpu.memory_space<hbm>>, %arg4: memref<320000xi32, #tpu.memory_space<hbm>>, %arg5: memref<320000xi32, #tpu.memory_space<hbm>>, %arg6: memref<32x128xf32, #tpu.memory_space<hbm>>, %arg7: memref<128x128xf32, #tpu.memory_space<hbm>>, %arg8: memref<81920x128xf32, #tpu.memory_space<hbm>>, %arg9: memref<2000xi32, #tpu.memory_space<vmem>>, %arg10: memref<2000xi32, #tpu.memory_space<vmem>>, %arg11: memref<2000xi32, #tpu.memory_space<vmem>>, %arg12: memref<64x64xi32, #tpu.memory_space<vmem>>, %arg13: memref<64x64xi32, #tpu.memory_space<vmem>>, %arg14: memref<128x128xf32, #tpu.memory_space<vmem>>, %arg15: memref<32x128xf32, #tpu.memory_space<vmem>>, %arg16: memref<8192x128xf32, #tpu.memory_space<vmem_shared>>, %arg17: memref<!tpu.dma_semaphore, #tpu.memory_space<semaphore_mem>>, %arg18: memref<!tpu.dma_semaphore, #tpu.memory_space<semaphore_mem>>) attributes {dimension_semantics = [#tpu.dimension_semantics<core_parallel>, #tpu.dimension_semantics<subcore_parallel>], iteration_bounds = array<i64: 2, 16>, scalar_prefetch = 0 : i64, scratch_operands = 10 : i64, tpu.core_type = #tpu.core_type<sc_vector_subcore>, window_params = [{transform_indices = #map}, {transform_indices = #map1}, {transform_indices = #map1}, {transform_indices = #map1}, {transform_indices = #map}, {transform_indices = #map}, {transform_indices = #map}]} {
    %iota3A = tpu.iota {dimensions = array<i32: 0>} : vector<16xi32>
    "tpu.region"() ({
      %run_scoped3A = tpu.sem_alloc : memref<!tpu.dma_semaphore, #tpu.memory_space<semaphore_mem>>
      tpu.enqueue_dma source(%arg6 : memref<32x128xf32, #tpu.memory_space<hbm>>) target(%arg15 : memref<32x128xf32, #tpu.memory_space<vmem>>) target_semaphore(%run_scoped3A : memref<!tpu.dma_semaphore, #tpu.memory_space<semaphore_mem>>)
      tpu.wait_dma2 semaphore(%run_scoped3A : memref<!tpu.dma_semaphore, #tpu.memory_space<semaphore_mem>>) src(%arg6 : memref<32x128xf32, #tpu.memory_space<hbm>>) dst(%arg15 : memref<32x128xf32, #tpu.memory_space<vmem>>)
      tpu.yield
    }) : () -> ()
    %scan3A = arith.constant 0 : i32
    %scan3A_0 = arith.constant 0 : i32
    %scan3A_1 = arith.constant 5 : i32
    %scan3A_2 = arith.addi %scan3A_0, %scan3A_1 : i32
    %scan3A_3 = arith.constant 1 : i32
    %scan3A_4 = scf.for %scan3A_6 = %scan3A_0 to %scan3A_2 step %scan3A_3 iter_args(%scan3A_7 = %scan3A) -> (i32)  : i32 {
      %mul3A = arith.constant 5 : i32
      %mul3A_8 = arith.muli %arg0, %mul3A : i32
      %add3A = arith.addi %mul3A_8, %scan3A_6 : i32
      %mul3A_9 = arith.constant 1000 : i32
      %mul3A_10 = arith.muli %add3A, %mul3A_9 : i32
      %mul3A_11 = arith.constant 8192 : i32
      %mul3A_12 = arith.muli %add3A, %mul3A_11 : i32
      %scan3A_13 = arith.constant 0 : i32
      %scan3A_14 = arith.constant 0 : i32
      %scan3A_15 = arith.constant 16 : i32
      %scan3A_16 = arith.addi %scan3A_14, %scan3A_15 : i32
      %scan3A_17 = arith.constant 1 : i32
      scf.for %scan3A_66 = %scan3A_14 to %scan3A_16 step %scan3A_17  : i32 {
        %mul3A_67 = arith.constant 512 : i32
        %mul3A_68 = arith.muli %arg1, %mul3A_67 : i32
        %mul3A_69 = arith.constant 32 : i32
        %mul3A_70 = arith.muli %scan3A_66, %mul3A_69 : i32
        %add3A_71 = arith.addi %mul3A_68, %mul3A_70 : i32
        "tpu.region"() ({
          %run_scoped3A = tpu.sem_alloc : memref<!tpu.dma_semaphore, #tpu.memory_space<semaphore_mem>>
          %dma_start3A = arith.constant 0 : i32
          %dma_start3A_72 = tpu.memref_slice %arg16[%add3A_71, %dma_start3A] : memref<8192x128xf32, #tpu.memory_space<vmem_shared>> -> memref<32x128xf32, #tpu.memory_space<vmem_shared>>
          %dma_start3A_73 = arith.constant 0 : i32
          %dma_start3A_74 = tpu.memref_slice %arg16[%add3A_71, %dma_start3A_73] : memref<8192x128xf32, #tpu.memory_space<vmem_shared>> -> memref<32x128xf32, #tpu.memory_space<vmem_shared>>
          tpu.enqueue_dma source(%arg15 : memref<32x128xf32, #tpu.memory_space<vmem>>) target(%dma_start3A_74 : memref<32x128xf32, #tpu.memory_space<vmem_shared>>) target_semaphore(%run_scoped3A : memref<!tpu.dma_semaphore, #tpu.memory_space<semaphore_mem>>)
          %dma_wait3A = arith.constant 0 : i32
          %dma_wait3A_75 = tpu.memref_slice %arg16[%add3A_71, %dma_wait3A] : memref<8192x128xf32, #tpu.memory_space<vmem_shared>> -> memref<32x128xf32, #tpu.memory_space<vmem_shared>>
          %dma_wait3A_76 = arith.constant 0 : i32
          %dma_wait3A_77 = tpu.memref_slice %arg16[%add3A_71, %dma_wait3A_76] : memref<8192x128xf32, #tpu.memory_space<vmem_shared>> -> memref<32x128xf32, #tpu.memory_space<vmem_shared>>
          tpu.wait_dma2 semaphore(%run_scoped3A : memref<!tpu.dma_semaphore, #tpu.memory_space<semaphore_mem>>) src(%arg15 : memref<32x128xf32, #tpu.memory_space<vmem>>) dst(%dma_wait3A_77 : memref<32x128xf32, #tpu.memory_space<vmem_shared>>)
          tpu.yield
        }) : () -> ()
      }
      %scan3A_18 = arith.constant 16 : i32
      %barrier3A = arith.constant 0 : index
      tpu.barrier barrier_id(%barrier3A)
      %broadcast_in_dim3A = arith.constant 0 : i32
      %broadcast_in_dim3A_19 = vector.broadcast %broadcast_in_dim3A : i32 to vector<16xi32>
      %scan3A_20 = arith.constant 0 : i32
      %scan3A_21 = arith.constant 0 : i32
      %scan3A_22 = arith.constant 10 : i32
      %scan3A_23 = arith.addi %scan3A_21, %scan3A_22 : i32
      %scan3A_24 = arith.constant 1 : i32
      %scan3A_25:2 = scf.for %scan3A_66 = %scan3A_21 to %scan3A_23 step %scan3A_24 iter_args(%scan3A_67 = %broadcast_in_dim3A_19, %scan3A_68 = %scan3A_20) -> (vector<16xi32>, i32)  : i32 {
        %mul3A_69 = arith.constant 20000 : i32
        %mul3A_70 = arith.muli %arg1, %mul3A_69 : i32
        %mul3A_71 = arith.constant 2000 : i32
        %mul3A_72 = arith.muli %scan3A_66, %mul3A_71 : i32
        %add3A_73 = arith.addi %mul3A_70, %mul3A_72 : i32
        "tpu.region"() ({
          %run_scoped3A = tpu.sem_alloc : memref<!tpu.dma_semaphore, #tpu.memory_space<semaphore_mem>>
          %dma_start3A = tpu.memref_slice %arg3[%add3A_73] : memref<320000xi32, #tpu.memory_space<hbm>> -> memref<2000xi32, #tpu.memory_space<hbm>>
          %dma_start3A_105 = tpu.memref_slice %arg3[%add3A_73] : memref<320000xi32, #tpu.memory_space<hbm>> -> memref<2000xi32, #tpu.memory_space<hbm>>
          tpu.enqueue_dma source(%dma_start3A_105 : memref<2000xi32, #tpu.memory_space<hbm>>) target(%arg9 : memref<2000xi32, #tpu.memory_space<vmem>>) target_semaphore(%run_scoped3A : memref<!tpu.dma_semaphore, #tpu.memory_space<semaphore_mem>>)
          %dma_wait3A = tpu.memref_slice %arg3[%add3A_73] : memref<320000xi32, #tpu.memory_space<hbm>> -> memref<2000xi32, #tpu.memory_space<hbm>>
          %dma_wait3A_106 = tpu.memref_slice %arg3[%add3A_73] : memref<320000xi32, #tpu.memory_space<hbm>> -> memref<2000xi32, #tpu.memory_space<hbm>>
          tpu.wait_dma2 semaphore(%run_scoped3A : memref<!tpu.dma_semaphore, #tpu.memory_space<semaphore_mem>>) src(%dma_wait3A_106 : memref<2000xi32, #tpu.memory_space<hbm>>) dst(%arg9 : memref<2000xi32, #tpu.memory_space<vmem>>)
          tpu.yield
        }) : () -> ()
        "tpu.region"() ({
          %run_scoped3A = tpu.sem_alloc : memref<!tpu.dma_semaphore, #tpu.memory_space<semaphore_mem>>
          %dma_start3A = tpu.memref_slice %arg4[%add3A_73] : memref<320000xi32, #tpu.memory_space<hbm>> -> memref<2000xi32, #tpu.memory_space<hbm>>
          %dma_start3A_105 = tpu.memref_slice %arg4[%add3A_73] : memref<320000xi32, #tpu.memory_space<hbm>> -> memref<2000xi32, #tpu.memory_space<hbm>>
          tpu.enqueue_dma source(%dma_start3A_105 : memref<2000xi32, #tpu.memory_space<hbm>>) target(%arg10 : memref<2000xi32, #tpu.memory_space<vmem>>) target_semaphore(%run_scoped3A : memref<!tpu.dma_semaphore, #tpu.memory_space<semaphore_mem>>)
          %dma_wait3A = tpu.memref_slice %arg4[%add3A_73] : memref<320000xi32, #tpu.memory_space<hbm>> -> memref<2000xi32, #tpu.memory_space<hbm>>
          %dma_wait3A_106 = tpu.memref_slice %arg4[%add3A_73] : memref<320000xi32, #tpu.memory_space<hbm>> -> memref<2000xi32, #tpu.memory_space<hbm>>
          tpu.wait_dma2 semaphore(%run_scoped3A : memref<!tpu.dma_semaphore, #tpu.memory_space<semaphore_mem>>) src(%dma_wait3A_106 : memref<2000xi32, #tpu.memory_space<hbm>>) dst(%arg10 : memref<2000xi32, #tpu.memory_space<vmem>>)
          tpu.yield
        }) : () -> ()
        "tpu.region"() ({
          %run_scoped3A = tpu.sem_alloc : memref<!tpu.dma_semaphore, #tpu.memory_space<semaphore_mem>>
          %dma_start3A = tpu.memref_slice %arg5[%add3A_73] : memref<320000xi32, #tpu.memory_space<hbm>> -> memref<2000xi32, #tpu.memory_space<hbm>>
          %dma_start3A_105 = tpu.memref_slice %arg5[%add3A_73] : memref<320000xi32, #tpu.memory_space<hbm>> -> memref<2000xi32, #tpu.memory_space<hbm>>
          tpu.enqueue_dma source(%dma_start3A_105 : memref<2000xi32, #tpu.memory_space<hbm>>) target(%arg11 : memref<2000xi32, #tpu.memory_space<vmem>>) target_semaphore(%run_scoped3A : memref<!tpu.dma_semaphore, #tpu.memory_space<semaphore_mem>>)
          %dma_wait3A = tpu.memref_slice %arg5[%add3A_73] : memref<320000xi32, #tpu.memory_space<hbm>> -> memref<2000xi32, #tpu.memory_space<hbm>>
          %dma_wait3A_106 = tpu.memref_slice %arg5[%add3A_73] : memref<320000xi32, #tpu.memory_space<hbm>> -> memref<2000xi32, #tpu.memory_space<hbm>>
          tpu.wait_dma2 semaphore(%run_scoped3A : memref<!tpu.dma_semaphore, #tpu.memory_space<semaphore_mem>>) src(%dma_wait3A_106 : memref<2000xi32, #tpu.memory_space<hbm>>) dst(%arg11 : memref<2000xi32, #tpu.memory_space<vmem>>)
          tpu.yield
        }) : () -> ()
        %scan3A_74 = arith.constant 0 : i32
        %scan3A_75 = arith.constant 25 : i32
        %scan3A_76 = arith.addi %scan3A_74, %scan3A_75 : i32
        %scan3A_77 = arith.constant 1 : i32
        %scan3A_78 = scf.for %scan3A_105 = %scan3A_74 to %scan3A_76 step %scan3A_77 iter_args(%scan3A_106 = %scan3A_67) -> (vector<16xi32>)  : i32 {
          %mul3A_107 = arith.constant 5 : i32
          %mul3A_108 = arith.muli %scan3A_105, %mul3A_107 : i32
          %add3A_109 = arith.constant 0 : i32
          %add3A_110 = arith.addi %mul3A_108, %add3A_109 : i32
          %mul3A_111 = arith.constant 16 : i32
          %mul3A_112 = arith.muli %add3A_110, %mul3A_111 : i32
          %get3A = arith.index_cast %mul3A_112 : i32 to index
          %get3A_113 = tpu.vector_load %arg9[%get3A] {strides = array<i32>} : memref<2000xi32, #tpu.memory_space<vmem>>, vector<16xi32>,
          %get3A_114 = arith.index_cast %mul3A_112 : i32 to index
          %get3A_115 = tpu.vector_load %arg10[%get3A_114] {strides = array<i32>} : memref<2000xi32, #tpu.memory_space<vmem>>, vector<16xi32>,
          %get3A_116 = arith.index_cast %mul3A_112 : i32 to index
          %get3A_117 = tpu.vector_load %arg11[%get3A_116] {strides = array<i32>} : memref<2000xi32, #tpu.memory_space<vmem>>, vector<16xi32>,
          %sub3A_118 = vector.broadcast %mul3A_10 : i32 to vector<16xi32>
          %sub3A_119 = arith.subi %get3A_115, %sub3A_118 : vector<16xi32>
          %ge3A = arith.constant 0 : i32
          %ge3A_120 = vector.broadcast %ge3A : i32 to vector<16xi32>
          %ge3A_121 = arith.cmpi sge, %sub3A_119, %ge3A_120 : vector<16xi32>
          %lt3A = arith.constant 1000 : i32
          %lt3A_122 = vector.broadcast %lt3A : i32 to vector<16xi32>
          %lt3A_123 = arith.cmpi slt, %sub3A_119, %lt3A_122 : vector<16xi32>
          %and3A = arith.andi %ge3A_121, %lt3A_123 : vector<16xi1>
          %mul3A_124 = arith.constant 8 : i32
          %mul3A_125 = vector.broadcast %mul3A_124 : i32 to vector<16xi32>
          %mul3A_126 = arith.muli %sub3A_119, %mul3A_125 : vector<16xi32>
          %add3A_127 = arith.addi %mul3A_126, %get3A_117 : vector<16xi32>
          %jit3A = arith.constant 1 : i32
          %jit3A_128 = arith.constant 0 : i32
          %broadcast_in_dim3A_129 = vector.broadcast %jit3A : i32 to vector<16xi32>
          %broadcast_in_dim3A_130 = vector.broadcast %jit3A_128 : i32 to vector<16xi32>
          %select_n3A = arith.select %and3A, %broadcast_in_dim3A_129, %broadcast_in_dim3A_130 : vector<16xi1>, vector<16xi32>
          %broadcast_in_dim3A_131 = arith.constant true
          %broadcast_in_dim3A_132 = vector.broadcast %broadcast_in_dim3A_131 : i1 to vector<16xi1>
          %masked_cumsum3A = tpu.scan <sum>, %select_n3A masked %broadcast_in_dim3A_132 : vector<16xi32>, vector<16xi1> -> vector<16xi32>
          %add3A_133 = arith.addi %scan3A_106, %masked_cumsum3A : vector<16xi32>
          %sub3A_134 = arith.constant 1 : i32
          %sub3A_135 = vector.broadcast %sub3A_134 : i32 to vector<16xi32>
          %sub3A_136 = arith.subi %add3A_133, %sub3A_135 : vector<16xi32>
          %shift_right_logical3A_137 = arith.constant 6 : i32
          %shift_right_logical3A_138 = vector.broadcast %shift_right_logical3A_137 : i32 to vector<16xi32>
          %shift_right_logical3A_139 = arith.shrui %sub3A_136, %shift_right_logical3A_138 : vector<16xi32>
          %and3A_140 = arith.constant 63 : i32
          %and3A_141 = vector.broadcast %and3A_140 : i32 to vector<16xi32>
          %and3A_142 = arith.andi %shift_right_logical3A_139, %and3A_141 : vector<16xi32>
          %and3A_143 = arith.constant 63 : i32
          %and3A_144 = vector.broadcast %and3A_143 : i32 to vector<16xi32>
          %and3A_145 = arith.andi %sub3A_136, %and3A_144 : vector<16xi32>
          tpu.vector_store_idx %arg12[%and3A_142, %and3A_145], %get3A_113 masked %and3A : memref<64x64xi32, #tpu.memory_space<vmem>>[vector<16xi32>, vector<16xi32>], vector<16xi32>, vector<16xi1>
          tpu.vector_store_idx %arg13[%and3A_142, %and3A_145], %add3A_127 masked %and3A : memref<64x64xi32, #tpu.memory_space<vmem>>[vector<16xi32>, vector<16xi32>], vector<16xi32>, vector<16xi1>
          %all_reduce_population_count3A = tpu.all_reduce %and3A {dim = 0 : i64, kind = #tpu.reduction_kind<sum>} : vector<16xi1> -> vector<16xi32>
          %add3A_146 = arith.addi %scan3A_106, %all_reduce_population_count3A : vector<16xi32>
          %mul3A_147 = arith.constant 5 : i32
          %mul3A_148 = arith.muli %scan3A_105, %mul3A_147 : i32
          %add3A_149 = arith.constant 1 : i32
          %add3A_150 = arith.addi %mul3A_148, %add3A_149 : i32
          %mul3A_151 = arith.constant 16 : i32
          %mul3A_152 = arith.muli %add3A_150, %mul3A_151 : i32
          %get3A_153 = arith.index_cast %mul3A_152 : i32 to index
          %get3A_154 = tpu.vector_load %arg9[%get3A_153] {strides = array<i32>} : memref<2000xi32, #tpu.memory_space<vmem>>, vector<16xi32>,
          %get3A_155 = arith.index_cast %mul3A_152 : i32 to index
          %get3A_156 = tpu.vector_load %arg10[%get3A_155] {strides = array<i32>} : memref<2000xi32, #tpu.memory_space<vmem>>, vector<16xi32>,
          %get3A_157 = arith.index_cast %mul3A_152 : i32 to index
          %get3A_158 = tpu.vector_load %arg11[%get3A_157] {strides = array<i32>} : memref<2000xi32, #tpu.memory_space<vmem>>, vector<16xi32>,
          %sub3A_159 = vector.broadcast %mul3A_10 : i32 to vector<16xi32>
          %sub3A_160 = arith.subi %get3A_156, %sub3A_159 : vector<16xi32>
          %ge3A_161 = arith.constant 0 : i32
          %ge3A_162 = vector.broadcast %ge3A_161 : i32 to vector<16xi32>
          %ge3A_163 = arith.cmpi sge, %sub3A_160, %ge3A_162 : vector<16xi32>
          %lt3A_164 = arith.constant 1000 : i32
          %lt3A_165 = vector.broadcast %lt3A_164 : i32 to vector<16xi32>
          %lt3A_166 = arith.cmpi slt, %sub3A_160, %lt3A_165 : vector<16xi32>
          %and3A_167 = arith.andi %ge3A_163, %lt3A_166 : vector<16xi1>
          %mul3A_168 = arith.constant 8 : i32
          %mul3A_169 = vector.broadcast %mul3A_168 : i32 to vector<16xi32>
          %mul3A_170 = arith.muli %sub3A_160, %mul3A_169 : vector<16xi32>
          %add3A_171 = arith.addi %mul3A_170, %get3A_158 : vector<16xi32>
          %jit3A_172 = arith.constant 1 : i32
          %jit3A_173 = arith.constant 0 : i32
          %broadcast_in_dim3A_174 = vector.broadcast %jit3A_172 : i32 to vector<16xi32>
          %broadcast_in_dim3A_175 = vector.broadcast %jit3A_173 : i32 to vector<16xi32>
          %select_n3A_176 = arith.select %and3A_167, %broadcast_in_dim3A_174, %broadcast_in_dim3A_175 : vector<16xi1>, vector<16xi32>
          %broadcast_in_dim3A_177 = arith.constant true
          %broadcast_in_dim3A_178 = vector.broadcast %broadcast_in_dim3A_177 : i1 to vector<16xi1>
          %masked_cumsum3A_179 = tpu.scan <sum>, %select_n3A_176 masked %broadcast_in_dim3A_178 : vector<16xi32>, vector<16xi1> -> vector<16xi32>
          %add3A_180 = arith.addi %add3A_146, %masked_cumsum3A_179 : vector<16xi32>
          %sub3A_181 = arith.constant 1 : i32
          %sub3A_182 = vector.broadcast %sub3A_181 : i32 to vector<16xi32>
          %sub3A_183 = arith.subi %add3A_180, %sub3A_182 : vector<16xi32>
          %shift_right_logical3A_184 = arith.constant 6 : i32
          %shift_right_logical3A_185 = vector.broadcast %shift_right_logical3A_184 : i32 to vector<16xi32>
          %shift_right_logical3A_186 = arith.shrui %sub3A_183, %shift_right_logical3A_185 : vector<16xi32>
          %and3A_187 = arith.constant 63 : i32
          %and3A_188 = vector.broadcast %and3A_187 : i32 to vector<16xi32>
          %and3A_189 = arith.andi %shift_right_logical3A_186, %and3A_188 : vector<16xi32>
          %and3A_190 = arith.constant 63 : i32
          %and3A_191 = vector.broadcast %and3A_190 : i32 to vector<16xi32>
          %and3A_192 = arith.andi %sub3A_183, %and3A_191 : vector<16xi32>
          tpu.vector_store_idx %arg12[%and3A_189, %and3A_192], %get3A_154 masked %and3A_167 : memref<64x64xi32, #tpu.memory_space<vmem>>[vector<16xi32>, vector<16xi32>], vector<16xi32>, vector<16xi1>
          tpu.vector_store_idx %arg13[%and3A_189, %and3A_192], %add3A_171 masked %and3A_167 : memref<64x64xi32, #tpu.memory_space<vmem>>[vector<16xi32>, vector<16xi32>], vector<16xi32>, vector<16xi1>
          %all_reduce_population_count3A_193 = tpu.all_reduce %and3A_167 {dim = 0 : i64, kind = #tpu.reduction_kind<sum>} : vector<16xi1> -> vector<16xi32>
          %add3A_194 = arith.addi %add3A_146, %all_reduce_population_count3A_193 : vector<16xi32>
          %mul3A_195 = arith.constant 5 : i32
          %mul3A_196 = arith.muli %scan3A_105, %mul3A_195 : i32
          %add3A_197 = arith.constant 2 : i32
          %add3A_198 = arith.addi %mul3A_196, %add3A_197 : i32
          %mul3A_199 = arith.constant 16 : i32
          %mul3A_200 = arith.muli %add3A_198, %mul3A_199 : i32
          %get3A_201 = arith.index_cast %mul3A_200 : i32 to index
          %get3A_202 = tpu.vector_load %arg9[%get3A_201] {strides = array<i32>} : memref<2000xi32, #tpu.memory_space<vmem>>, vector<16xi32>,
          %get3A_203 = arith.index_cast %mul3A_200 : i32 to index
          %get3A_204 = tpu.vector_load %arg10[%get3A_203] {strides = array<i32>} : memref<2000xi32, #tpu.memory_space<vmem>>, vector<16xi32>,
          %get3A_205 = arith.index_cast %mul3A_200 : i32 to index
          %get3A_206 = tpu.vector_load %arg11[%get3A_205] {strides = array<i32>} : memref<2000xi32, #tpu.memory_space<vmem>>, vector<16xi32>,
          %sub3A_207 = vector.broadcast %mul3A_10 : i32 to vector<16xi32>
          %sub3A_208 = arith.subi %get3A_204, %sub3A_207 : vector<16xi32>
          %ge3A_209 = arith.constant 0 : i32
          %ge3A_210 = vector.broadcast %ge3A_209 : i32 to vector<16xi32>
          %ge3A_211 = arith.cmpi sge, %sub3A_208, %ge3A_210 : vector<16xi32>
          %lt3A_212 = arith.constant 1000 : i32
          %lt3A_213 = vector.broadcast %lt3A_212 : i32 to vector<16xi32>
          %lt3A_214 = arith.cmpi slt, %sub3A_208, %lt3A_213 : vector<16xi32>
          %and3A_215 = arith.andi %ge3A_211, %lt3A_214 : vector<16xi1>
          %mul3A_216 = arith.constant 8 : i32
          %mul3A_217 = vector.broadcast %mul3A_216 : i32 to vector<16xi32>
          %mul3A_218 = arith.muli %sub3A_208, %mul3A_217 : vector<16xi32>
          %add3A_219 = arith.addi %mul3A_218, %get3A_206 : vector<16xi32>
          %jit3A_220 = arith.constant 1 : i32
          %jit3A_221 = arith.constant 0 : i32
          %broadcast_in_dim3A_222 = vector.broadcast %jit3A_220 : i32 to vector<16xi32>
          %broadcast_in_dim3A_223 = vector.broadcast %jit3A_221 : i32 to vector<16xi32>
          %select_n3A_224 = arith.select %and3A_215, %broadcast_in_dim3A_222, %broadcast_in_dim3A_223 : vector<16xi1>, vector<16xi32>
          %broadcast_in_dim3A_225 = arith.constant true
          %broadcast_in_dim3A_226 = vector.broadcast %broadcast_in_dim3A_225 : i1 to vector<16xi1>
          %masked_cumsum3A_227 = tpu.scan <sum>, %select_n3A_224 masked %broadcast_in_dim3A_226 : vector<16xi32>, vector<16xi1> -> vector<16xi32>
          %add3A_228 = arith.addi %add3A_194, %masked_cumsum3A_227 : vector<16xi32>
          %sub3A_229 = arith.constant 1 : i32
          %sub3A_230 = vector.broadcast %sub3A_229 : i32 to vector<16xi32>
          %sub3A_231 = arith.subi %add3A_228, %sub3A_230 : vector<16xi32>
          %shift_right_logical3A_232 = arith.constant 6 : i32
          %shift_right_logical3A_233 = vector.broadcast %shift_right_logical3A_232 : i32 to vector<16xi32>
          %shift_right_logical3A_234 = arith.shrui %sub3A_231, %shift_right_logical3A_233 : vector<16xi32>
          %and3A_235 = arith.constant 63 : i32
          %and3A_236 = vector.broadcast %and3A_235 : i32 to vector<16xi32>
          %and3A_237 = arith.andi %shift_right_logical3A_234, %and3A_236 : vector<16xi32>
          %and3A_238 = arith.constant 63 : i32
          %and3A_239 = vector.broadcast %and3A_238 : i32 to vector<16xi32>
          %and3A_240 = arith.andi %sub3A_231, %and3A_239 : vector<16xi32>
          tpu.vector_store_idx %arg12[%and3A_237, %and3A_240], %get3A_202 masked %and3A_215 : memref<64x64xi32, #tpu.memory_space<vmem>>[vector<16xi32>, vector<16xi32>], vector<16xi32>, vector<16xi1>
          tpu.vector_store_idx %arg13[%and3A_237, %and3A_240], %add3A_219 masked %and3A_215 : memref<64x64xi32, #tpu.memory_space<vmem>>[vector<16xi32>, vector<16xi32>], vector<16xi32>, vector<16xi1>
          %all_reduce_population_count3A_241 = tpu.all_reduce %and3A_215 {dim = 0 : i64, kind = #tpu.reduction_kind<sum>} : vector<16xi1> -> vector<16xi32>
          %add3A_242 = arith.addi %add3A_194, %all_reduce_population_count3A_241 : vector<16xi32>
          %mul3A_243 = arith.constant 5 : i32
          %mul3A_244 = arith.muli %scan3A_105, %mul3A_243 : i32
          %add3A_245 = arith.constant 3 : i32
          %add3A_246 = arith.addi %mul3A_244, %add3A_245 : i32
          %mul3A_247 = arith.constant 16 : i32
          %mul3A_248 = arith.muli %add3A_246, %mul3A_247 : i32
          %get3A_249 = arith.index_cast %mul3A_248 : i32 to index
          %get3A_250 = tpu.vector_load %arg9[%get3A_249] {strides = array<i32>} : memref<2000xi32, #tpu.memory_space<vmem>>, vector<16xi32>,
          %get3A_251 = arith.index_cast %mul3A_248 : i32 to index
          %get3A_252 = tpu.vector_load %arg10[%get3A_251] {strides = array<i32>} : memref<2000xi32, #tpu.memory_space<vmem>>, vector<16xi32>,
          %get3A_253 = arith.index_cast %mul3A_248 : i32 to index
          %get3A_254 = tpu.vector_load %arg11[%get3A_253] {strides = array<i32>} : memref<2000xi32, #tpu.memory_space<vmem>>, vector<16xi32>,
          %sub3A_255 = vector.broadcast %mul3A_10 : i32 to vector<16xi32>
          %sub3A_256 = arith.subi %get3A_252, %sub3A_255 : vector<16xi32>
          %ge3A_257 = arith.constant 0 : i32
          %ge3A_258 = vector.broadcast %ge3A_257 : i32 to vector<16xi32>
          %ge3A_259 = arith.cmpi sge, %sub3A_256, %ge3A_258 : vector<16xi32>
          %lt3A_260 = arith.constant 1000 : i32
          %lt3A_261 = vector.broadcast %lt3A_260 : i32 to vector<16xi32>
          %lt3A_262 = arith.cmpi slt, %sub3A_256, %lt3A_261 : vector<16xi32>
          %and3A_263 = arith.andi %ge3A_259, %lt3A_262 : vector<16xi1>
          %mul3A_264 = arith.constant 8 : i32
          %mul3A_265 = vector.broadcast %mul3A_264 : i32 to vector<16xi32>
          %mul3A_266 = arith.muli %sub3A_256, %mul3A_265 : vector<16xi32>
          %add3A_267 = arith.addi %mul3A_266, %get3A_254 : vector<16xi32>
          %jit3A_268 = arith.constant 1 : i32
          %jit3A_269 = arith.constant 0 : i32
          %broadcast_in_dim3A_270 = vector.broadcast %jit3A_268 : i32 to vector<16xi32>
          %broadcast_in_dim3A_271 = vector.broadcast %jit3A_269 : i32 to vector<16xi32>
          %select_n3A_272 = arith.select %and3A_263, %broadcast_in_dim3A_270, %broadcast_in_dim3A_271 : vector<16xi1>, vector<16xi32>
          %broadcast_in_dim3A_273 = arith.constant true
          %broadcast_in_dim3A_274 = vector.broadcast %broadcast_in_dim3A_273 : i1 to vector<16xi1>
          %masked_cumsum3A_275 = tpu.scan <sum>, %select_n3A_272 masked %broadcast_in_dim3A_274 : vector<16xi32>, vector<16xi1> -> vector<16xi32>
          %add3A_276 = arith.addi %add3A_242, %masked_cumsum3A_275 : vector<16xi32>
          %sub3A_277 = arith.constant 1 : i32
          %sub3A_278 = vector.broadcast %sub3A_277 : i32 to vector<16xi32>
          %sub3A_279 = arith.subi %add3A_276, %sub3A_278 : vector<16xi32>
          %shift_right_logical3A_280 = arith.constant 6 : i32
          %shift_right_logical3A_281 = vector.broadcast %shift_right_logical3A_280 : i32 to vector<16xi32>
          %shift_right_logical3A_282 = arith.shrui %sub3A_279, %shift_right_logical3A_281 : vector<16xi32>
          %and3A_283 = arith.constant 63 : i32
          %and3A_284 = vector.broadcast %and3A_283 : i32 to vector<16xi32>
          %and3A_285 = arith.andi %shift_right_logical3A_282, %and3A_284 : vector<16xi32>
          %and3A_286 = arith.constant 63 : i32
          %and3A_287 = vector.broadcast %and3A_286 : i32 to vector<16xi32>
          %and3A_288 = arith.andi %sub3A_279, %and3A_287 : vector<16xi32>
          tpu.vector_store_idx %arg12[%and3A_285, %and3A_288], %get3A_250 masked %and3A_263 : memref<64x64xi32, #tpu.memory_space<vmem>>[vector<16xi32>, vector<16xi32>], vector<16xi32>, vector<16xi1>
          tpu.vector_store_idx %arg13[%and3A_285, %and3A_288], %add3A_267 masked %and3A_263 : memref<64x64xi32, #tpu.memory_space<vmem>>[vector<16xi32>, vector<16xi32>], vector<16xi32>, vector<16xi1>
          %all_reduce_population_count3A_289 = tpu.all_reduce %and3A_263 {dim = 0 : i64, kind = #tpu.reduction_kind<sum>} : vector<16xi1> -> vector<16xi32>
          %add3A_290 = arith.addi %add3A_242, %all_reduce_population_count3A_289 : vector<16xi32>
          %mul3A_291 = arith.constant 5 : i32
          %mul3A_292 = arith.muli %scan3A_105, %mul3A_291 : i32
          %add3A_293 = arith.constant 4 : i32
          %add3A_294 = arith.addi %mul3A_292, %add3A_293 : i32
          %mul3A_295 = arith.constant 16 : i32
          %mul3A_296 = arith.muli %add3A_294, %mul3A_295 : i32
          %get3A_297 = arith.index_cast %mul3A_296 : i32 to index
          %get3A_298 = tpu.vector_load %arg9[%get3A_297] {strides = array<i32>} : memref<2000xi32, #tpu.memory_space<vmem>>, vector<16xi32>,
          %get3A_299 = arith.index_cast %mul3A_296 : i32 to index
          %get3A_300 = tpu.vector_load %arg10[%get3A_299] {strides = array<i32>} : memref<2000xi32, #tpu.memory_space<vmem>>, vector<16xi32>,
          %get3A_301 = arith.index_cast %mul3A_296 : i32 to index
          %get3A_302 = tpu.vector_load %arg11[%get3A_301] {strides = array<i32>} : memref<2000xi32, #tpu.memory_space<vmem>>, vector<16xi32>,
          %sub3A_303 = vector.broadcast %mul3A_10 : i32 to vector<16xi32>
          %sub3A_304 = arith.subi %get3A_300, %sub3A_303 : vector<16xi32>
          %ge3A_305 = arith.constant 0 : i32
          %ge3A_306 = vector.broadcast %ge3A_305 : i32 to vector<16xi32>
          %ge3A_307 = arith.cmpi sge, %sub3A_304, %ge3A_306 : vector<16xi32>
          %lt3A_308 = arith.constant 1000 : i32
          %lt3A_309 = vector.broadcast %lt3A_308 : i32 to vector<16xi32>
          %lt3A_310 = arith.cmpi slt, %sub3A_304, %lt3A_309 : vector<16xi32>
          %and3A_311 = arith.andi %ge3A_307, %lt3A_310 : vector<16xi1>
          %mul3A_312 = arith.constant 8 : i32
          %mul3A_313 = vector.broadcast %mul3A_312 : i32 to vector<16xi32>
          %mul3A_314 = arith.muli %sub3A_304, %mul3A_313 : vector<16xi32>
          %add3A_315 = arith.addi %mul3A_314, %get3A_302 : vector<16xi32>
          %jit3A_316 = arith.constant 1 : i32
          %jit3A_317 = arith.constant 0 : i32
          %broadcast_in_dim3A_318 = vector.broadcast %jit3A_316 : i32 to vector<16xi32>
          %broadcast_in_dim3A_319 = vector.broadcast %jit3A_317 : i32 to vector<16xi32>
          %select_n3A_320 = arith.select %and3A_311, %broadcast_in_dim3A_318, %broadcast_in_dim3A_319 : vector<16xi1>, vector<16xi32>
          %broadcast_in_dim3A_321 = arith.constant true
          %broadcast_in_dim3A_322 = vector.broadcast %broadcast_in_dim3A_321 : i1 to vector<16xi1>
          %masked_cumsum3A_323 = tpu.scan <sum>, %select_n3A_320 masked %broadcast_in_dim3A_322 : vector<16xi32>, vector<16xi1> -> vector<16xi32>
          %add3A_324 = arith.addi %add3A_290, %masked_cumsum3A_323 : vector<16xi32>
          %sub3A_325 = arith.constant 1 : i32
          %sub3A_326 = vector.broadcast %sub3A_325 : i32 to vector<16xi32>
          %sub3A_327 = arith.subi %add3A_324, %sub3A_326 : vector<16xi32>
          %shift_right_logical3A_328 = arith.constant 6 : i32
          %shift_right_logical3A_329 = vector.broadcast %shift_right_logical3A_328 : i32 to vector<16xi32>
          %shift_right_logical3A_330 = arith.shrui %sub3A_327, %shift_right_logical3A_329 : vector<16xi32>
          %and3A_331 = arith.constant 63 : i32
          %and3A_332 = vector.broadcast %and3A_331 : i32 to vector<16xi32>
          %and3A_333 = arith.andi %shift_right_logical3A_330, %and3A_332 : vector<16xi32>
          %and3A_334 = arith.constant 63 : i32
          %and3A_335 = vector.broadcast %and3A_334 : i32 to vector<16xi32>
          %and3A_336 = arith.andi %sub3A_327, %and3A_335 : vector<16xi32>
          tpu.vector_store_idx %arg12[%and3A_333, %and3A_336], %get3A_298 masked %and3A_311 : memref<64x64xi32, #tpu.memory_space<vmem>>[vector<16xi32>, vector<16xi32>], vector<16xi32>, vector<16xi1>
          tpu.vector_store_idx %arg13[%and3A_333, %and3A_336], %add3A_315 masked %and3A_311 : memref<64x64xi32, #tpu.memory_space<vmem>>[vector<16xi32>, vector<16xi32>], vector<16xi32>, vector<16xi1>
          %all_reduce_population_count3A_337 = tpu.all_reduce %and3A_311 {dim = 0 : i64, kind = #tpu.reduction_kind<sum>} : vector<16xi1> -> vector<16xi32>
          %add3A_338 = arith.addi %add3A_290, %all_reduce_population_count3A_337 : vector<16xi32>
          scf.yield %add3A_338 : vector<16xi32>
        }
        %scan3A_79 = arith.constant 25 : i32
        %reduce_max3A_80 = arith.constant true
        %reduce_max3A_81 = vector.broadcast %reduce_max3A_80 : i1 to vector<16xi1>
        %reduce_max3A_82 = arith.constant -2147483648 : i32
        %reduce_max3A_83 = vector.broadcast %reduce_max3A_82 : i32 to vector<16xi32>
        %reduce_max3A_84 = arith.xori %scan3A_78, %reduce_max3A_83 : vector<16xi32>
        %reduce_max3A_85 = tpu.scan <max>, %reduce_max3A_84 masked %reduce_max3A_81 : vector<16xi32>, vector<16xi1> -> vector<16xi32>
        %reduce_max3A_86 = arith.xori %reduce_max3A_85, %reduce_max3A_83 : vector<16xi32>
        %reduce_max3A_87 = vector.extract %reduce_max3A_86[15] : i32 from vector<16xi32>
        %shift_right_logical3A_88 = arith.constant 6 : i32
        %shift_right_logical3A_89 = arith.shrui %reduce_max3A_87, %shift_right_logical3A_88 : i32
        %sub3A_90 = arith.subi %shift_right_logical3A_89, %scan3A_68 : i32
        %add3A_91 = arith.constant 1 : i32
        %add3A_92 = arith.addi %sub3A_90, %add3A_91 : i32
        %shift_right_logical3A_93 = arith.constant 1 : i32
        %shift_right_logical3A_94 = arith.shrui %add3A_92, %shift_right_logical3A_93 : i32
        %while3A_95 = arith.constant 0 : i32
        %while3A_96 = arith.constant 0 : i32
        %while3A_97 = arith.subi %shift_right_logical3A_94, %while3A_96 : i32
        %while3A_98 = arith.addi %while3A_96, %while3A_97 : i32
        %while3A_99 = arith.constant 1 : i32
        %while3A_100 = arith.divsi %while3A_97, %while3A_99 : i32
        %while3A_101 = arith.muli %while3A_100, %while3A_99 : i32
        %while3A_102 = arith.addi %while3A_96, %while3A_101 : i32
        %while3A_103 = arith.constant 1 : i32
        scf.for %while3A_105 = %while3A_96 to %while3A_102 step %while3A_103  : i32 {
          %mul3A_106 = arith.constant 2 : i32
          %mul3A_107 = arith.muli %mul3A_106, %while3A_105 : i32
          %add3A_108 = arith.addi %scan3A_68, %mul3A_107 : i32
          %add3A_109 = arith.constant 1 : i32
          %add3A_110 = arith.addi %add3A_108, %add3A_109 : i32
          %and3A = arith.constant 63 : i32
          %and3A_111 = arith.andi %add3A_108, %and3A : i32
          %and3A_112 = arith.constant 63 : i32
          %and3A_113 = arith.andi %add3A_110, %and3A_112 : i32
          %dma_start3A = arith.constant 0 : i32
          %dma_start3A_114 = arith.constant 0 : i32
          %dma_start3A_115 = tpu.memref_slice %arg14[%dma_start3A, %dma_start3A_114] : memref<128x128xf32, #tpu.memory_space<vmem>> -> memref<64x128xf32, #tpu.memory_space<vmem>>
          %dma_start3A_116 = arith.constant 0 : i32
          %dma_start3A_117 = tpu.memref_slice %arg12[%and3A_111, %dma_start3A_116] : memref<64x64xi32, #tpu.memory_space<vmem>> -> memref<1x64xi32, #tpu.memory_space<vmem>>
          %dma_start3A_118 = tpu.memref_squeeze %dma_start3A_117 : memref<1x64xi32, #tpu.memory_space<vmem>> -> memref<64xi32, #tpu.memory_space<vmem>>
          %dma_start3A_119 = arith.constant 0 : i32
          %dma_start3A_120 = arith.constant 0 : i32
          %dma_start3A_121 = tpu.memref_slice %arg2[%dma_start3A_119, %dma_start3A_120] : memref<10240x128xf32, #tpu.memory_space<hbm>> -> memref<10240x128xf32, #tpu.memory_space<hbm>>
          tpu.enqueue_indirect_dma source(%dma_start3A_121 : memref<10240x128xf32, #tpu.memory_space<hbm>>) target(%dma_start3A_115 : memref<64x128xf32, #tpu.memory_space<vmem>>) offsets(%dma_start3A_118 : memref<64xi32, #tpu.memory_space<vmem>>) semaphore(%arg17 : memref<!tpu.dma_semaphore, #tpu.memory_space<semaphore_mem>>)
          %lt3A = arith.cmpi slt, %add3A_110, %shift_right_logical3A_89 : i32
          %convert_element_type3A = arith.extui %lt3A : i1 to i32
          %cond3A = arith.constant 0 : i32
          %cond3A_122 = arith.cmpi ne, %convert_element_type3A, %cond3A : i32
          scf.if %cond3A_122 {
            %dma_start3A_153 = arith.constant 64 : i32
            %dma_start3A_154 = arith.constant 0 : i32
            %dma_start3A_155 = tpu.memref_slice %arg14[%dma_start3A_153, %dma_start3A_154] : memref<128x128xf32, #tpu.memory_space<vmem>> -> memref<64x128xf32, #tpu.memory_space<vmem>>
            %dma_start3A_156 = arith.constant 0 : i32
            %dma_start3A_157 = tpu.memref_slice %arg12[%and3A_113, %dma_start3A_156] : memref<64x64xi32, #tpu.memory_space<vmem>> -> memref<1x64xi32, #tpu.memory_space<vmem>>
            %dma_start3A_158 = tpu.memref_squeeze %dma_start3A_157 : memref<1x64xi32, #tpu.memory_space<vmem>> -> memref<64xi32, #tpu.memory_space<vmem>>
            %dma_start3A_159 = arith.constant 0 : i32
            %dma_start3A_160 = arith.constant 0 : i32
            %dma_start3A_161 = tpu.memref_slice %arg2[%dma_start3A_159, %dma_start3A_160] : memref<10240x128xf32, #tpu.memory_space<hbm>> -> memref<10240x128xf32, #tpu.memory_space<hbm>>
            tpu.enqueue_indirect_dma source(%dma_start3A_161 : memref<10240x128xf32, #tpu.memory_space<hbm>>) target(%dma_start3A_155 : memref<64x128xf32, #tpu.memory_space<vmem>>) offsets(%dma_start3A_158 : memref<64xi32, #tpu.memory_space<vmem>>) semaphore(%arg17 : memref<!tpu.dma_semaphore, #tpu.memory_space<semaphore_mem>>)
          } else {
          }
          %dma_wait3A = arith.constant 0 : i32
          %dma_wait3A_123 = arith.constant 0 : i32
          %dma_wait3A_124 = tpu.memref_slice %arg14[%dma_wait3A, %dma_wait3A_123] : memref<128x128xf32, #tpu.memory_space<vmem>> -> memref<64x128xf32, #tpu.memory_space<vmem>>
          %dma_wait3A_125 = arith.constant 0 : i32
          %dma_wait3A_126 = tpu.memref_slice %arg12[%and3A_111, %dma_wait3A_125] : memref<64x64xi32, #tpu.memory_space<vmem>> -> memref<1x64xi32, #tpu.memory_space<vmem>>
          %dma_wait3A_127 = tpu.memref_squeeze %dma_wait3A_126 : memref<1x64xi32, #tpu.memory_space<vmem>> -> memref<64xi32, #tpu.memory_space<vmem>>
          %dma_wait3A_128 = arith.constant 0 : i32
          %dma_wait3A_129 = arith.constant 0 : i32
          %dma_wait3A_130 = tpu.memref_slice %arg2[%dma_wait3A_128, %dma_wait3A_129] : memref<10240x128xf32, #tpu.memory_space<hbm>> -> memref<10240x128xf32, #tpu.memory_space<hbm>>
          tpu.wait_indirect_dma semaphore(%arg17 : memref<!tpu.dma_semaphore, #tpu.memory_space<semaphore_mem>>) src(%dma_wait3A_130 : memref<10240x128xf32, #tpu.memory_space<hbm>>) dst(%dma_wait3A_124 : memref<64x128xf32, #tpu.memory_space<vmem>>)
          %dma_start3A_131 = arith.constant 0 : i32
          %dma_start3A_132 = arith.constant 0 : i32
          %dma_start3A_133 = tpu.memref_slice %arg14[%dma_start3A_131, %dma_start3A_132] : memref<128x128xf32, #tpu.memory_space<vmem>> -> memref<64x128xf32, #tpu.memory_space<vmem>>
          %dma_start3A_134 = arith.constant 0 : i32
          %dma_start3A_135 = tpu.memref_slice %arg13[%and3A_111, %dma_start3A_134] : memref<64x64xi32, #tpu.memory_space<vmem>> -> memref<1x64xi32, #tpu.memory_space<vmem>>
          %dma_start3A_136 = tpu.memref_squeeze %dma_start3A_135 : memref<1x64xi32, #tpu.memory_space<vmem>> -> memref<64xi32, #tpu.memory_space<vmem>>
          %dma_start3A_137 = arith.constant 0 : i32
          %dma_start3A_138 = arith.constant 0 : i32
          %dma_start3A_139 = tpu.memref_slice %arg16[%dma_start3A_137, %dma_start3A_138] : memref<8192x128xf32, #tpu.memory_space<vmem_shared>> -> memref<8192x128xf32, #tpu.memory_space<vmem_shared>>
          tpu.enqueue_indirect_dma source(%dma_start3A_133 : memref<64x128xf32, #tpu.memory_space<vmem>>) target(%dma_start3A_139 : memref<8192x128xf32, #tpu.memory_space<vmem_shared>>) offsets(%dma_start3A_136 : memref<64xi32, #tpu.memory_space<vmem>>) semaphore(%arg18 : memref<!tpu.dma_semaphore, #tpu.memory_space<semaphore_mem>>) {add = true}
          %lt3A_140 = arith.cmpi slt, %add3A_110, %shift_right_logical3A_89 : i32
          %convert_element_type3A_141 = arith.extui %lt3A_140 : i1 to i32
          %cond3A_142 = arith.constant 0 : i32
          %cond3A_143 = arith.cmpi ne, %convert_element_type3A_141, %cond3A_142 : i32
          scf.if %cond3A_143 {
            %dma_wait3A_153 = arith.constant 64 : i32
            %dma_wait3A_154 = arith.constant 0 : i32
            %dma_wait3A_155 = tpu.memref_slice %arg14[%dma_wait3A_153, %dma_wait3A_154] : memref<128x128xf32, #tpu.memory_space<vmem>> -> memref<64x128xf32, #tpu.memory_space<vmem>>
            %dma_wait3A_156 = arith.constant 0 : i32
            %dma_wait3A_157 = tpu.memref_slice %arg12[%and3A_113, %dma_wait3A_156] : memref<64x64xi32, #tpu.memory_space<vmem>> -> memref<1x64xi32, #tpu.memory_space<vmem>>
            %dma_wait3A_158 = tpu.memref_squeeze %dma_wait3A_157 : memref<1x64xi32, #tpu.memory_space<vmem>> -> memref<64xi32, #tpu.memory_space<vmem>>
            %dma_wait3A_159 = arith.constant 0 : i32
            %dma_wait3A_160 = arith.constant 0 : i32
            %dma_wait3A_161 = tpu.memref_slice %arg2[%dma_wait3A_159, %dma_wait3A_160] : memref<10240x128xf32, #tpu.memory_space<hbm>> -> memref<10240x128xf32, #tpu.memory_space<hbm>>
            tpu.wait_indirect_dma semaphore(%arg17 : memref<!tpu.dma_semaphore, #tpu.memory_space<semaphore_mem>>) src(%dma_wait3A_161 : memref<10240x128xf32, #tpu.memory_space<hbm>>) dst(%dma_wait3A_155 : memref<64x128xf32, #tpu.memory_space<vmem>>)
            %dma_start3A_162 = arith.constant 64 : i32
            %dma_start3A_163 = arith.constant 0 : i32
            %dma_start3A_164 = tpu.memref_slice %arg14[%dma_start3A_162, %dma_start3A_163] : memref<128x128xf32, #tpu.memory_space<vmem>> -> memref<64x128xf32, #tpu.memory_space<vmem>>
            %dma_start3A_165 = arith.constant 0 : i32
            %dma_start3A_166 = tpu.memref_slice %arg13[%and3A_113, %dma_start3A_165] : memref<64x64xi32, #tpu.memory_space<vmem>> -> memref<1x64xi32, #tpu.memory_space<vmem>>
            %dma_start3A_167 = tpu.memref_squeeze %dma_start3A_166 : memref<1x64xi32, #tpu.memory_space<vmem>> -> memref<64xi32, #tpu.memory_space<vmem>>
            %dma_start3A_168 = arith.constant 0 : i32
            %dma_start3A_169 = arith.constant 0 : i32
            %dma_start3A_170 = tpu.memref_slice %arg16[%dma_start3A_168, %dma_start3A_169] : memref<8192x128xf32, #tpu.memory_space<vmem_shared>> -> memref<8192x128xf32, #tpu.memory_space<vmem_shared>>
            tpu.enqueue_indirect_dma source(%dma_start3A_164 : memref<64x128xf32, #tpu.memory_space<vmem>>) target(%dma_start3A_170 : memref<8192x128xf32, #tpu.memory_space<vmem_shared>>) offsets(%dma_start3A_167 : memref<64xi32, #tpu.memory_space<vmem>>) semaphore(%arg18 : memref<!tpu.dma_semaphore, #tpu.memory_space<semaphore_mem>>) {add = true}
            %dma_wait3A_171 = arith.constant 64 : i32
            %dma_wait3A_172 = arith.constant 0 : i32
            %dma_wait3A_173 = tpu.memref_slice %arg14[%dma_wait3A_171, %dma_wait3A_172] : memref<128x128xf32, #tpu.memory_space<vmem>> -> memref<64x128xf32, #tpu.memory_space<vmem>>
            %dma_wait3A_174 = arith.constant 0 : i32
            %dma_wait3A_175 = tpu.memref_slice %arg13[%and3A_113, %dma_wait3A_174] : memref<64x64xi32, #tpu.memory_space<vmem>> -> memref<1x64xi32, #tpu.memory_space<vmem>>
            %dma_wait3A_176 = tpu.memref_squeeze %dma_wait3A_175 : memref<1x64xi32, #tpu.memory_space<vmem>> -> memref<64xi32, #tpu.memory_space<vmem>>
            %dma_wait3A_177 = arith.constant 0 : i32
            %dma_wait3A_178 = arith.constant 0 : i32
            %dma_wait3A_179 = tpu.memref_slice %arg16[%dma_wait3A_177, %dma_wait3A_178] : memref<8192x128xf32, #tpu.memory_space<vmem_shared>> -> memref<8192x128xf32, #tpu.memory_space<vmem_shared>>
            tpu.wait_indirect_dma semaphore(%arg18 : memref<!tpu.dma_semaphore, #tpu.memory_space<semaphore_mem>>) src(%dma_wait3A_173 : memref<64x128xf32, #tpu.memory_space<vmem>>) dst(%dma_wait3A_179 : memref<8192x128xf32, #tpu.memory_space<vmem_shared>>)
          } else {
          }
          %dma_wait3A_144 = arith.constant 0 : i32
          %dma_wait3A_145 = arith.constant 0 : i32
          %dma_wait3A_146 = tpu.memref_slice %arg14[%dma_wait3A_144, %dma_wait3A_145] : memref<128x128xf32, #tpu.memory_space<vmem>> -> memref<64x128xf32, #tpu.memory_space<vmem>>
          %dma_wait3A_147 = arith.constant 0 : i32
          %dma_wait3A_148 = tpu.memref_slice %arg13[%and3A_111, %dma_wait3A_147] : memref<64x64xi32, #tpu.memory_space<vmem>> -> memref<1x64xi32, #tpu.memory_space<vmem>>
          %dma_wait3A_149 = tpu.memref_squeeze %dma_wait3A_148 : memref<1x64xi32, #tpu.memory_space<vmem>> -> memref<64xi32, #tpu.memory_space<vmem>>
          %dma_wait3A_150 = arith.constant 0 : i32
          %dma_wait3A_151 = arith.constant 0 : i32
          %dma_wait3A_152 = tpu.memref_slice %arg16[%dma_wait3A_150, %dma_wait3A_151] : memref<8192x128xf32, #tpu.memory_space<vmem_shared>> -> memref<8192x128xf32, #tpu.memory_space<vmem_shared>>
          tpu.wait_indirect_dma semaphore(%arg18 : memref<!tpu.dma_semaphore, #tpu.memory_space<semaphore_mem>>) src(%dma_wait3A_146 : memref<64x128xf32, #tpu.memory_space<vmem>>) dst(%dma_wait3A_152 : memref<8192x128xf32, #tpu.memory_space<vmem_shared>>)
        }
        %while3A_104 = arith.constant 1 : i32
        scf.for %while3A_105 = %while3A_102 to %while3A_98 step %while3A_104  : i32 {
          %mul3A_106 = arith.constant 2 : i32
          %mul3A_107 = arith.muli %mul3A_106, %while3A_105 : i32
          %add3A_108 = arith.addi %scan3A_68, %mul3A_107 : i32
          %add3A_109 = arith.constant 1 : i32
          %add3A_110 = arith.addi %add3A_108, %add3A_109 : i32
          %and3A = arith.constant 63 : i32
          %and3A_111 = arith.andi %add3A_108, %and3A : i32
          %and3A_112 = arith.constant 63 : i32
          %and3A_113 = arith.andi %add3A_110, %and3A_112 : i32
          %dma_start3A = arith.constant 0 : i32
          %dma_start3A_114 = arith.constant 0 : i32
          %dma_start3A_115 = tpu.memref_slice %arg14[%dma_start3A, %dma_start3A_114] : memref<128x128xf32, #tpu.memory_space<vmem>> -> memref<64x128xf32, #tpu.memory_space<vmem>>
          %dma_start3A_116 = arith.constant 0 : i32
          %dma_start3A_117 = tpu.memref_slice %arg12[%and3A_111, %dma_start3A_116] : memref<64x64xi32, #tpu.memory_space<vmem>> -> memref<1x64xi32, #tpu.memory_space<vmem>>
          %dma_start3A_118 = tpu.memref_squeeze %dma_start3A_117 : memref<1x64xi32, #tpu.memory_space<vmem>> -> memref<64xi32, #tpu.memory_space<vmem>>
          %dma_start3A_119 = arith.constant 0 : i32
          %dma_start3A_120 = arith.constant 0 : i32
          %dma_start3A_121 = tpu.memref_slice %arg2[%dma_start3A_119, %dma_start3A_120] : memref<10240x128xf32, #tpu.memory_space<hbm>> -> memref<10240x128xf32, #tpu.memory_space<hbm>>
          tpu.enqueue_indirect_dma source(%dma_start3A_121 : memref<10240x128xf32, #tpu.memory_space<hbm>>) target(%dma_start3A_115 : memref<64x128xf32, #tpu.memory_space<vmem>>) offsets(%dma_start3A_118 : memref<64xi32, #tpu.memory_space<vmem>>) semaphore(%arg17 : memref<!tpu.dma_semaphore, #tpu.memory_space<semaphore_mem>>)
          %lt3A = arith.cmpi slt, %add3A_110, %shift_right_logical3A_89 : i32
          %convert_element_type3A = arith.extui %lt3A : i1 to i32
          %cond3A = arith.constant 0 : i32
          %cond3A_122 = arith.cmpi ne, %convert_element_type3A, %cond3A : i32
          scf.if %cond3A_122 {
            %dma_start3A_153 = arith.constant 64 : i32
            %dma_start3A_154 = arith.constant 0 : i32
            %dma_start3A_155 = tpu.memref_slice %arg14[%dma_start3A_153, %dma_start3A_154] : memref<128x128xf32, #tpu.memory_space<vmem>> -> memref<64x128xf32, #tpu.memory_space<vmem>>
            %dma_start3A_156 = arith.constant 0 : i32
            %dma_start3A_157 = tpu.memref_slice %arg12[%and3A_113, %dma_start3A_156] : memref<64x64xi32, #tpu.memory_space<vmem>> -> memref<1x64xi32, #tpu.memory_space<vmem>>
            %dma_start3A_158 = tpu.memref_squeeze %dma_start3A_157 : memref<1x64xi32, #tpu.memory_space<vmem>> -> memref<64xi32, #tpu.memory_space<vmem>>
            %dma_start3A_159 = arith.constant 0 : i32
            %dma_start3A_160 = arith.constant 0 : i32
            %dma_start3A_161 = tpu.memref_slice %arg2[%dma_start3A_159, %dma_start3A_160] : memref<10240x128xf32, #tpu.memory_space<hbm>> -> memref<10240x128xf32, #tpu.memory_space<hbm>>
            tpu.enqueue_indirect_dma source(%dma_start3A_161 : memref<10240x128xf32, #tpu.memory_space<hbm>>) target(%dma_start3A_155 : memref<64x128xf32, #tpu.memory_space<vmem>>) offsets(%dma_start3A_158 : memref<64xi32, #tpu.memory_space<vmem>>) semaphore(%arg17 : memref<!tpu.dma_semaphore, #tpu.memory_space<semaphore_mem>>)
          } else {
          }
          %dma_wait3A = arith.constant 0 : i32
          %dma_wait3A_123 = arith.constant 0 : i32
          %dma_wait3A_124 = tpu.memref_slice %arg14[%dma_wait3A, %dma_wait3A_123] : memref<128x128xf32, #tpu.memory_space<vmem>> -> memref<64x128xf32, #tpu.memory_space<vmem>>
          %dma_wait3A_125 = arith.constant 0 : i32
          %dma_wait3A_126 = tpu.memref_slice %arg12[%and3A_111, %dma_wait3A_125] : memref<64x64xi32, #tpu.memory_space<vmem>> -> memref<1x64xi32, #tpu.memory_space<vmem>>
          %dma_wait3A_127 = tpu.memref_squeeze %dma_wait3A_126 : memref<1x64xi32, #tpu.memory_space<vmem>> -> memref<64xi32, #tpu.memory_space<vmem>>
          %dma_wait3A_128 = arith.constant 0 : i32
          %dma_wait3A_129 = arith.constant 0 : i32
          %dma_wait3A_130 = tpu.memref_slice %arg2[%dma_wait3A_128, %dma_wait3A_129] : memref<10240x128xf32, #tpu.memory_space<hbm>> -> memref<10240x128xf32, #tpu.memory_space<hbm>>
          tpu.wait_indirect_dma semaphore(%arg17 : memref<!tpu.dma_semaphore, #tpu.memory_space<semaphore_mem>>) src(%dma_wait3A_130 : memref<10240x128xf32, #tpu.memory_space<hbm>>) dst(%dma_wait3A_124 : memref<64x128xf32, #tpu.memory_space<vmem>>)
          %dma_start3A_131 = arith.constant 0 : i32
          %dma_start3A_132 = arith.constant 0 : i32
          %dma_start3A_133 = tpu.memref_slice %arg14[%dma_start3A_131, %dma_start3A_132] : memref<128x128xf32, #tpu.memory_space<vmem>> -> memref<64x128xf32, #tpu.memory_space<vmem>>
          %dma_start3A_134 = arith.constant 0 : i32
          %dma_start3A_135 = tpu.memref_slice %arg13[%and3A_111, %dma_start3A_134] : memref<64x64xi32, #tpu.memory_space<vmem>> -> memref<1x64xi32, #tpu.memory_space<vmem>>
          %dma_start3A_136 = tpu.memref_squeeze %dma_start3A_135 : memref<1x64xi32, #tpu.memory_space<vmem>> -> memref<64xi32, #tpu.memory_space<vmem>>
          %dma_start3A_137 = arith.constant 0 : i32
          %dma_start3A_138 = arith.constant 0 : i32
          %dma_start3A_139 = tpu.memref_slice %arg16[%dma_start3A_137, %dma_start3A_138] : memref<8192x128xf32, #tpu.memory_space<vmem_shared>> -> memref<8192x128xf32, #tpu.memory_space<vmem_shared>>
          tpu.enqueue_indirect_dma source(%dma_start3A_133 : memref<64x128xf32, #tpu.memory_space<vmem>>) target(%dma_start3A_139 : memref<8192x128xf32, #tpu.memory_space<vmem_shared>>) offsets(%dma_start3A_136 : memref<64xi32, #tpu.memory_space<vmem>>) semaphore(%arg18 : memref<!tpu.dma_semaphore, #tpu.memory_space<semaphore_mem>>) {add = true}
          %lt3A_140 = arith.cmpi slt, %add3A_110, %shift_right_logical3A_89 : i32
          %convert_element_type3A_141 = arith.extui %lt3A_140 : i1 to i32
          %cond3A_142 = arith.constant 0 : i32
          %cond3A_143 = arith.cmpi ne, %convert_element_type3A_141, %cond3A_142 : i32
          scf.if %cond3A_143 {
            %dma_wait3A_153 = arith.constant 64 : i32
            %dma_wait3A_154 = arith.constant 0 : i32
            %dma_wait3A_155 = tpu.memref_slice %arg14[%dma_wait3A_153, %dma_wait3A_154] : memref<128x128xf32, #tpu.memory_space<vmem>> -> memref<64x128xf32, #tpu.memory_space<vmem>>
            %dma_wait3A_156 = arith.constant 0 : i32
            %dma_wait3A_157 = tpu.memref_slice %arg12[%and3A_113, %dma_wait3A_156] : memref<64x64xi32, #tpu.memory_space<vmem>> -> memref<1x64xi32, #tpu.memory_space<vmem>>
            %dma_wait3A_158 = tpu.memref_squeeze %dma_wait3A_157 : memref<1x64xi32, #tpu.memory_space<vmem>> -> memref<64xi32, #tpu.memory_space<vmem>>
            %dma_wait3A_159 = arith.constant 0 : i32
            %dma_wait3A_160 = arith.constant 0 : i32
            %dma_wait3A_161 = tpu.memref_slice %arg2[%dma_wait3A_159, %dma_wait3A_160] : memref<10240x128xf32, #tpu.memory_space<hbm>> -> memref<10240x128xf32, #tpu.memory_space<hbm>>
            tpu.wait_indirect_dma semaphore(%arg17 : memref<!tpu.dma_semaphore, #tpu.memory_space<semaphore_mem>>) src(%dma_wait3A_161 : memref<10240x128xf32, #tpu.memory_space<hbm>>) dst(%dma_wait3A_155 : memref<64x128xf32, #tpu.memory_space<vmem>>)
            %dma_start3A_162 = arith.constant 64 : i32
            %dma_start3A_163 = arith.constant 0 : i32
            %dma_start3A_164 = tpu.memref_slice %arg14[%dma_start3A_162, %dma_start3A_163] : memref<128x128xf32, #tpu.memory_space<vmem>> -> memref<64x128xf32, #tpu.memory_space<vmem>>
            %dma_start3A_165 = arith.constant 0 : i32
            %dma_start3A_166 = tpu.memref_slice %arg13[%and3A_113, %dma_start3A_165] : memref<64x64xi32, #tpu.memory_space<vmem>> -> memref<1x64xi32, #tpu.memory_space<vmem>>
            %dma_start3A_167 = tpu.memref_squeeze %dma_start3A_166 : memref<1x64xi32, #tpu.memory_space<vmem>> -> memref<64xi32, #tpu.memory_space<vmem>>
            %dma_start3A_168 = arith.constant 0 : i32
            %dma_start3A_169 = arith.constant 0 : i32
            %dma_start3A_170 = tpu.memref_slice %arg16[%dma_start3A_168, %dma_start3A_169] : memref<8192x128xf32, #tpu.memory_space<vmem_shared>> -> memref<8192x128xf32, #tpu.memory_space<vmem_shared>>
            tpu.enqueue_indirect_dma source(%dma_start3A_164 : memref<64x128xf32, #tpu.memory_space<vmem>>) target(%dma_start3A_170 : memref<8192x128xf32, #tpu.memory_space<vmem_shared>>) offsets(%dma_start3A_167 : memref<64xi32, #tpu.memory_space<vmem>>) semaphore(%arg18 : memref<!tpu.dma_semaphore, #tpu.memory_space<semaphore_mem>>) {add = true}
            %dma_wait3A_171 = arith.constant 64 : i32
            %dma_wait3A_172 = arith.constant 0 : i32
            %dma_wait3A_173 = tpu.memref_slice %arg14[%dma_wait3A_171, %dma_wait3A_172] : memref<128x128xf32, #tpu.memory_space<vmem>> -> memref<64x128xf32, #tpu.memory_space<vmem>>
            %dma_wait3A_174 = arith.constant 0 : i32
            %dma_wait3A_175 = tpu.memref_slice %arg13[%and3A_113, %dma_wait3A_174] : memref<64x64xi32, #tpu.memory_space<vmem>> -> memref<1x64xi32, #tpu.memory_space<vmem>>
            %dma_wait3A_176 = tpu.memref_squeeze %dma_wait3A_175 : memref<1x64xi32, #tpu.memory_space<vmem>> -> memref<64xi32, #tpu.memory_space<vmem>>
            %dma_wait3A_177 = arith.constant 0 : i32
            %dma_wait3A_178 = arith.constant 0 : i32
            %dma_wait3A_179 = tpu.memref_slice %arg16[%dma_wait3A_177, %dma_wait3A_178] : memref<8192x128xf32, #tpu.memory_space<vmem_shared>> -> memref<8192x128xf32, #tpu.memory_space<vmem_shared>>
            tpu.wait_indirect_dma semaphore(%arg18 : memref<!tpu.dma_semaphore, #tpu.memory_space<semaphore_mem>>) src(%dma_wait3A_173 : memref<64x128xf32, #tpu.memory_space<vmem>>) dst(%dma_wait3A_179 : memref<8192x128xf32, #tpu.memory_space<vmem_shared>>)
          } else {
          }
          %dma_wait3A_144 = arith.constant 0 : i32
          %dma_wait3A_145 = arith.constant 0 : i32
          %dma_wait3A_146 = tpu.memref_slice %arg14[%dma_wait3A_144, %dma_wait3A_145] : memref<128x128xf32, #tpu.memory_space<vmem>> -> memref<64x128xf32, #tpu.memory_space<vmem>>
          %dma_wait3A_147 = arith.constant 0 : i32
          %dma_wait3A_148 = tpu.memref_slice %arg13[%and3A_111, %dma_wait3A_147] : memref<64x64xi32, #tpu.memory_space<vmem>> -> memref<1x64xi32, #tpu.memory_space<vmem>>
          %dma_wait3A_149 = tpu.memref_squeeze %dma_wait3A_148 : memref<1x64xi32, #tpu.memory_space<vmem>> -> memref<64xi32, #tpu.memory_space<vmem>>
          %dma_wait3A_150 = arith.constant 0 : i32
          %dma_wait3A_151 = arith.constant 0 : i32
          %dma_wait3A_152 = tpu.memref_slice %arg16[%dma_wait3A_150, %dma_wait3A_151] : memref<8192x128xf32, #tpu.memory_space<vmem_shared>> -> memref<8192x128xf32, #tpu.memory_space<vmem_shared>>
          tpu.wait_indirect_dma semaphore(%arg18 : memref<!tpu.dma_semaphore, #tpu.memory_space<semaphore_mem>>) src(%dma_wait3A_146 : memref<64x128xf32, #tpu.memory_space<vmem>>) dst(%dma_wait3A_152 : memref<8192x128xf32, #tpu.memory_space<vmem_shared>>)
        }
        scf.yield %scan3A_78, %shift_right_logical3A_89 : vector<16xi32>, i32
      }
      %scan3A_26 = arith.constant 10 : i32
      %reduce_max3A = arith.constant true
      %reduce_max3A_27 = vector.broadcast %reduce_max3A : i1 to vector<16xi1>
      %reduce_max3A_28 = arith.constant -2147483648 : i32
      %reduce_max3A_29 = vector.broadcast %reduce_max3A_28 : i32 to vector<16xi32>
      %reduce_max3A_30 = arith.xori %scan3A_25#0, %reduce_max3A_29 : vector<16xi32>
      %reduce_max3A_31 = tpu.scan <max>, %reduce_max3A_30 masked %reduce_max3A_27 : vector<16xi32>, vector<16xi1> -> vector<16xi32>
      %reduce_max3A_32 = arith.xori %reduce_max3A_31, %reduce_max3A_29 : vector<16xi32>
      %reduce_max3A_33 = vector.extract %reduce_max3A_32[15] : i32 from vector<16xi32>
      %add3A_34 = arith.constant 64 : i32
      %add3A_35 = arith.addi %reduce_max3A_33, %add3A_34 : i32
      %sub3A = arith.constant 1 : i32
      %sub3A_36 = arith.subi %add3A_35, %sub3A : i32
      %shift_right_logical3A = arith.constant 6 : i32
      %shift_right_logical3A_37 = arith.shrui %sub3A_36, %shift_right_logical3A : i32
      %scan3A_38 = arith.constant 0 : i32
      %scan3A_39 = arith.constant 0 : i32
      %scan3A_40 = arith.constant 4 : i32
      %scan3A_41 = arith.addi %scan3A_39, %scan3A_40 : i32
      %scan3A_42 = arith.constant 1 : i32
      scf.for %scan3A_66 = %scan3A_39 to %scan3A_41 step %scan3A_42  : i32 {
        %mul3A_67 = arith.constant 16 : i32
        %mul3A_68 = arith.muli %scan3A_66, %mul3A_67 : i32
        %add3A_69 = arith.addi %reduce_max3A_33, %mul3A_68 : i32
        %add3A_70 = vector.broadcast %add3A_69 : i32 to vector<16xi32>
        %add3A_71 = arith.addi %add3A_70, %iota3A : vector<16xi32>
        %mul3A_72 = arith.constant 64 : i32
        %mul3A_73 = arith.muli %shift_right_logical3A_37, %mul3A_72 : i32
        %lt3A = vector.broadcast %mul3A_73 : i32 to vector<16xi32>
        %lt3A_74 = arith.cmpi slt, %add3A_71, %lt3A : vector<16xi32>
        %shift_right_logical3A_75 = arith.constant 6 : i32
        %shift_right_logical3A_76 = vector.broadcast %shift_right_logical3A_75 : i32 to vector<16xi32>
        %shift_right_logical3A_77 = arith.shrui %add3A_71, %shift_right_logical3A_76 : vector<16xi32>
        %and3A = arith.constant 63 : i32
        %and3A_78 = vector.broadcast %and3A : i32 to vector<16xi32>
        %and3A_79 = arith.andi %shift_right_logical3A_77, %and3A_78 : vector<16xi32>
        %and3A_80 = arith.constant 63 : i32
        %and3A_81 = vector.broadcast %and3A_80 : i32 to vector<16xi32>
        %and3A_82 = arith.andi %add3A_71, %and3A_81 : vector<16xi32>
        %broadcast_in_dim3A_83 = arith.constant 8100 : i32
        %broadcast_in_dim3A_84 = vector.broadcast %broadcast_in_dim3A_83 : i32 to vector<16xi32>
        tpu.vector_store_idx %arg13[%and3A_79, %and3A_82], %broadcast_in_dim3A_84 masked %lt3A_74 : memref<64x64xi32, #tpu.memory_space<vmem>>[vector<16xi32>, vector<16xi32>], vector<16xi32>, vector<16xi1>
        %broadcast_in_dim3A_85 = arith.constant 1000 : i32
        %broadcast_in_dim3A_86 = vector.broadcast %broadcast_in_dim3A_85 : i32 to vector<16xi32>
        tpu.vector_store_idx %arg12[%and3A_79, %and3A_82], %broadcast_in_dim3A_86 masked %lt3A_74 : memref<64x64xi32, #tpu.memory_space<vmem>>[vector<16xi32>, vector<16xi32>], vector<16xi32>, vector<16xi1>
      }
      %scan3A_43 = arith.constant 4 : i32
      %sub3A_44 = arith.subi %shift_right_logical3A_37, %scan3A_25#1 : i32
      %add3A_45 = arith.constant 1 : i32
      %add3A_46 = arith.addi %sub3A_44, %add3A_45 : i32
      %shift_right_logical3A_47 = arith.constant 1 : i32
      %shift_right_logical3A_48 = arith.shrui %add3A_46, %shift_right_logical3A_47 : i32
      %while3A = arith.constant 0 : i32
      %while3A_49 = arith.constant 0 : i32
      %while3A_50 = arith.subi %shift_right_logical3A_48, %while3A_49 : i32
      %while3A_51 = arith.addi %while3A_49, %while3A_50 : i32
      %while3A_52 = arith.constant 1 : i32
      %while3A_53 = arith.divsi %while3A_50, %while3A_52 : i32
      %while3A_54 = arith.muli %while3A_53, %while3A_52 : i32
      %while3A_55 = arith.addi %while3A_49, %while3A_54 : i32
      %while3A_56 = arith.constant 1 : i32
      scf.for %while3A_66 = %while3A_49 to %while3A_55 step %while3A_56  : i32 {
        %mul3A_67 = arith.constant 2 : i32
        %mul3A_68 = arith.muli %mul3A_67, %while3A_66 : i32
        %add3A_69 = arith.addi %scan3A_25#1, %mul3A_68 : i32
        %add3A_70 = arith.constant 1 : i32
        %add3A_71 = arith.addi %add3A_69, %add3A_70 : i32
        %and3A = arith.constant 63 : i32
        %and3A_72 = arith.andi %add3A_69, %and3A : i32
        %and3A_73 = arith.constant 63 : i32
        %and3A_74 = arith.andi %add3A_71, %and3A_73 : i32
        %dma_start3A = arith.constant 0 : i32
        %dma_start3A_75 = arith.constant 0 : i32
        %dma_start3A_76 = tpu.memref_slice %arg14[%dma_start3A, %dma_start3A_75] : memref<128x128xf32, #tpu.memory_space<vmem>> -> memref<64x128xf32, #tpu.memory_space<vmem>>
        %dma_start3A_77 = arith.constant 0 : i32
        %dma_start3A_78 = tpu.memref_slice %arg12[%and3A_72, %dma_start3A_77] : memref<64x64xi32, #tpu.memory_space<vmem>> -> memref<1x64xi32, #tpu.memory_space<vmem>>
        %dma_start3A_79 = tpu.memref_squeeze %dma_start3A_78 : memref<1x64xi32, #tpu.memory_space<vmem>> -> memref<64xi32, #tpu.memory_space<vmem>>
        %dma_start3A_80 = arith.constant 0 : i32
        %dma_start3A_81 = arith.constant 0 : i32
        %dma_start3A_82 = tpu.memref_slice %arg2[%dma_start3A_80, %dma_start3A_81] : memref<10240x128xf32, #tpu.memory_space<hbm>> -> memref<10240x128xf32, #tpu.memory_space<hbm>>
        tpu.enqueue_indirect_dma source(%dma_start3A_82 : memref<10240x128xf32, #tpu.memory_space<hbm>>) target(%dma_start3A_76 : memref<64x128xf32, #tpu.memory_space<vmem>>) offsets(%dma_start3A_79 : memref<64xi32, #tpu.memory_space<vmem>>) semaphore(%arg17 : memref<!tpu.dma_semaphore, #tpu.memory_space<semaphore_mem>>)
        %lt3A = arith.cmpi slt, %add3A_71, %shift_right_logical3A_37 : i32
        %convert_element_type3A = arith.extui %lt3A : i1 to i32
        %cond3A = arith.constant 0 : i32
        %cond3A_83 = arith.cmpi ne, %convert_element_type3A, %cond3A : i32
        scf.if %cond3A_83 {
          %dma_start3A_114 = arith.constant 64 : i32
          %dma_start3A_115 = arith.constant 0 : i32
          %dma_start3A_116 = tpu.memref_slice %arg14[%dma_start3A_114, %dma_start3A_115] : memref<128x128xf32, #tpu.memory_space<vmem>> -> memref<64x128xf32, #tpu.memory_space<vmem>>
          %dma_start3A_117 = arith.constant 0 : i32
          %dma_start3A_118 = tpu.memref_slice %arg12[%and3A_74, %dma_start3A_117] : memref<64x64xi32, #tpu.memory_space<vmem>> -> memref<1x64xi32, #tpu.memory_space<vmem>>
          %dma_start3A_119 = tpu.memref_squeeze %dma_start3A_118 : memref<1x64xi32, #tpu.memory_space<vmem>> -> memref<64xi32, #tpu.memory_space<vmem>>
          %dma_start3A_120 = arith.constant 0 : i32
          %dma_start3A_121 = arith.constant 0 : i32
          %dma_start3A_122 = tpu.memref_slice %arg2[%dma_start3A_120, %dma_start3A_121] : memref<10240x128xf32, #tpu.memory_space<hbm>> -> memref<10240x128xf32, #tpu.memory_space<hbm>>
          tpu.enqueue_indirect_dma source(%dma_start3A_122 : memref<10240x128xf32, #tpu.memory_space<hbm>>) target(%dma_start3A_116 : memref<64x128xf32, #tpu.memory_space<vmem>>) offsets(%dma_start3A_119 : memref<64xi32, #tpu.memory_space<vmem>>) semaphore(%arg17 : memref<!tpu.dma_semaphore, #tpu.memory_space<semaphore_mem>>)
        } else {
        }
        %dma_wait3A = arith.constant 0 : i32
        %dma_wait3A_84 = arith.constant 0 : i32
        %dma_wait3A_85 = tpu.memref_slice %arg14[%dma_wait3A, %dma_wait3A_84] : memref<128x128xf32, #tpu.memory_space<vmem>> -> memref<64x128xf32, #tpu.memory_space<vmem>>
        %dma_wait3A_86 = arith.constant 0 : i32
        %dma_wait3A_87 = tpu.memref_slice %arg12[%and3A_72, %dma_wait3A_86] : memref<64x64xi32, #tpu.memory_space<vmem>> -> memref<1x64xi32, #tpu.memory_space<vmem>>
        %dma_wait3A_88 = tpu.memref_squeeze %dma_wait3A_87 : memref<1x64xi32, #tpu.memory_space<vmem>> -> memref<64xi32, #tpu.memory_space<vmem>>
        %dma_wait3A_89 = arith.constant 0 : i32
        %dma_wait3A_90 = arith.constant 0 : i32
        %dma_wait3A_91 = tpu.memref_slice %arg2[%dma_wait3A_89, %dma_wait3A_90] : memref<10240x128xf32, #tpu.memory_space<hbm>> -> memref<10240x128xf32, #tpu.memory_space<hbm>>
        tpu.wait_indirect_dma semaphore(%arg17 : memref<!tpu.dma_semaphore, #tpu.memory_space<semaphore_mem>>) src(%dma_wait3A_91 : memref<10240x128xf32, #tpu.memory_space<hbm>>) dst(%dma_wait3A_85 : memref<64x128xf32, #tpu.memory_space<vmem>>)
        %dma_start3A_92 = arith.constant 0 : i32
        %dma_start3A_93 = arith.constant 0 : i32
        %dma_start3A_94 = tpu.memref_slice %arg14[%dma_start3A_92, %dma_start3A_93] : memref<128x128xf32, #tpu.memory_space<vmem>> -> memref<64x128xf32, #tpu.memory_space<vmem>>
        %dma_start3A_95 = arith.constant 0 : i32
        %dma_start3A_96 = tpu.memref_slice %arg13[%and3A_72, %dma_start3A_95] : memref<64x64xi32, #tpu.memory_space<vmem>> -> memref<1x64xi32, #tpu.memory_space<vmem>>
        %dma_start3A_97 = tpu.memref_squeeze %dma_start3A_96 : memref<1x64xi32, #tpu.memory_space<vmem>> -> memref<64xi32, #tpu.memory_space<vmem>>
        %dma_start3A_98 = arith.constant 0 : i32
        %dma_start3A_99 = arith.constant 0 : i32
        %dma_start3A_100 = tpu.memref_slice %arg16[%dma_start3A_98, %dma_start3A_99] : memref<8192x128xf32, #tpu.memory_space<vmem_shared>> -> memref<8192x128xf32, #tpu.memory_space<vmem_shared>>
        tpu.enqueue_indirect_dma source(%dma_start3A_94 : memref<64x128xf32, #tpu.memory_space<vmem>>) target(%dma_start3A_100 : memref<8192x128xf32, #tpu.memory_space<vmem_shared>>) offsets(%dma_start3A_97 : memref<64xi32, #tpu.memory_space<vmem>>) semaphore(%arg18 : memref<!tpu.dma_semaphore, #tpu.memory_space<semaphore_mem>>) {add = true}
        %lt3A_101 = arith.cmpi slt, %add3A_71, %shift_right_logical3A_37 : i32
        %convert_element_type3A_102 = arith.extui %lt3A_101 : i1 to i32
        %cond3A_103 = arith.constant 0 : i32
        %cond3A_104 = arith.cmpi ne, %convert_element_type3A_102, %cond3A_103 : i32
        scf.if %cond3A_104 {
          %dma_wait3A_114 = arith.constant 64 : i32
          %dma_wait3A_115 = arith.constant 0 : i32
          %dma_wait3A_116 = tpu.memref_slice %arg14[%dma_wait3A_114, %dma_wait3A_115] : memref<128x128xf32, #tpu.memory_space<vmem>> -> memref<64x128xf32, #tpu.memory_space<vmem>>
          %dma_wait3A_117 = arith.constant 0 : i32
          %dma_wait3A_118 = tpu.memref_slice %arg12[%and3A_74, %dma_wait3A_117] : memref<64x64xi32, #tpu.memory_space<vmem>> -> memref<1x64xi32, #tpu.memory_space<vmem>>
          %dma_wait3A_119 = tpu.memref_squeeze %dma_wait3A_118 : memref<1x64xi32, #tpu.memory_space<vmem>> -> memref<64xi32, #tpu.memory_space<vmem>>
          %dma_wait3A_120 = arith.constant 0 : i32
          %dma_wait3A_121 = arith.constant 0 : i32
          %dma_wait3A_122 = tpu.memref_slice %arg2[%dma_wait3A_120, %dma_wait3A_121] : memref<10240x128xf32, #tpu.memory_space<hbm>> -> memref<10240x128xf32, #tpu.memory_space<hbm>>
          tpu.wait_indirect_dma semaphore(%arg17 : memref<!tpu.dma_semaphore, #tpu.memory_space<semaphore_mem>>) src(%dma_wait3A_122 : memref<10240x128xf32, #tpu.memory_space<hbm>>) dst(%dma_wait3A_116 : memref<64x128xf32, #tpu.memory_space<vmem>>)
          %dma_start3A_123 = arith.constant 64 : i32
          %dma_start3A_124 = arith.constant 0 : i32
          %dma_start3A_125 = tpu.memref_slice %arg14[%dma_start3A_123, %dma_start3A_124] : memref<128x128xf32, #tpu.memory_space<vmem>> -> memref<64x128xf32, #tpu.memory_space<vmem>>
          %dma_start3A_126 = arith.constant 0 : i32
          %dma_start3A_127 = tpu.memref_slice %arg13[%and3A_74, %dma_start3A_126] : memref<64x64xi32, #tpu.memory_space<vmem>> -> memref<1x64xi32, #tpu.memory_space<vmem>>
          %dma_start3A_128 = tpu.memref_squeeze %dma_start3A_127 : memref<1x64xi32, #tpu.memory_space<vmem>> -> memref<64xi32, #tpu.memory_space<vmem>>
          %dma_start3A_129 = arith.constant 0 : i32
          %dma_start3A_130 = arith.constant 0 : i32
          %dma_start3A_131 = tpu.memref_slice %arg16[%dma_start3A_129, %dma_start3A_130] : memref<8192x128xf32, #tpu.memory_space<vmem_shared>> -> memref<8192x128xf32, #tpu.memory_space<vmem_shared>>
          tpu.enqueue_indirect_dma source(%dma_start3A_125 : memref<64x128xf32, #tpu.memory_space<vmem>>) target(%dma_start3A_131 : memref<8192x128xf32, #tpu.memory_space<vmem_shared>>) offsets(%dma_start3A_128 : memref<64xi32, #tpu.memory_space<vmem>>) semaphore(%arg18 : memref<!tpu.dma_semaphore, #tpu.memory_space<semaphore_mem>>) {add = true}
          %dma_wait3A_132 = arith.constant 64 : i32
          %dma_wait3A_133 = arith.constant 0 : i32
          %dma_wait3A_134 = tpu.memref_slice %arg14[%dma_wait3A_132, %dma_wait3A_133] : memref<128x128xf32, #tpu.memory_space<vmem>> -> memref<64x128xf32, #tpu.memory_space<vmem>>
          %dma_wait3A_135 = arith.constant 0 : i32
          %dma_wait3A_136 = tpu.memref_slice %arg13[%and3A_74, %dma_wait3A_135] : memref<64x64xi32, #tpu.memory_space<vmem>> -> memref<1x64xi32, #tpu.memory_space<vmem>>
          %dma_wait3A_137 = tpu.memref_squeeze %dma_wait3A_136 : memref<1x64xi32, #tpu.memory_space<vmem>> -> memref<64xi32, #tpu.memory_space<vmem>>
          %dma_wait3A_138 = arith.constant 0 : i32
          %dma_wait3A_139 = arith.constant 0 : i32
          %dma_wait3A_140 = tpu.memref_slice %arg16[%dma_wait3A_138, %dma_wait3A_139] : memref<8192x128xf32, #tpu.memory_space<vmem_shared>> -> memref<8192x128xf32, #tpu.memory_space<vmem_shared>>
          tpu.wait_indirect_dma semaphore(%arg18 : memref<!tpu.dma_semaphore, #tpu.memory_space<semaphore_mem>>) src(%dma_wait3A_134 : memref<64x128xf32, #tpu.memory_space<vmem>>) dst(%dma_wait3A_140 : memref<8192x128xf32, #tpu.memory_space<vmem_shared>>)
        } else {
        }
        %dma_wait3A_105 = arith.constant 0 : i32
        %dma_wait3A_106 = arith.constant 0 : i32
        %dma_wait3A_107 = tpu.memref_slice %arg14[%dma_wait3A_105, %dma_wait3A_106] : memref<128x128xf32, #tpu.memory_space<vmem>> -> memref<64x128xf32, #tpu.memory_space<vmem>>
        %dma_wait3A_108 = arith.constant 0 : i32
        %dma_wait3A_109 = tpu.memref_slice %arg13[%and3A_72, %dma_wait3A_108] : memref<64x64xi32, #tpu.memory_space<vmem>> -> memref<1x64xi32, #tpu.memory_space<vmem>>
        %dma_wait3A_110 = tpu.memref_squeeze %dma_wait3A_109 : memref<1x64xi32, #tpu.memory_space<vmem>> -> memref<64xi32, #tpu.memory_space<vmem>>
        %dma_wait3A_111 = arith.constant 0 : i32
        %dma_wait3A_112 = arith.constant 0 : i32
        %dma_wait3A_113 = tpu.memref_slice %arg16[%dma_wait3A_111, %dma_wait3A_112] : memref<8192x128xf32, #tpu.memory_space<vmem_shared>> -> memref<8192x128xf32, #tpu.memory_space<vmem_shared>>
        tpu.wait_indirect_dma semaphore(%arg18 : memref<!tpu.dma_semaphore, #tpu.memory_space<semaphore_mem>>) src(%dma_wait3A_107 : memref<64x128xf32, #tpu.memory_space<vmem>>) dst(%dma_wait3A_113 : memref<8192x128xf32, #tpu.memory_space<vmem_shared>>)
      }
      %while3A_57 = arith.constant 1 : i32
      scf.for %while3A_66 = %while3A_55 to %while3A_51 step %while3A_57  : i32 {
        %mul3A_67 = arith.constant 2 : i32
        %mul3A_68 = arith.muli %mul3A_67, %while3A_66 : i32
        %add3A_69 = arith.addi %scan3A_25#1, %mul3A_68 : i32
        %add3A_70 = arith.constant 1 : i32
        %add3A_71 = arith.addi %add3A_69, %add3A_70 : i32
        %and3A = arith.constant 63 : i32
        %and3A_72 = arith.andi %add3A_69, %and3A : i32
        %and3A_73 = arith.constant 63 : i32
        %and3A_74 = arith.andi %add3A_71, %and3A_73 : i32
        %dma_start3A = arith.constant 0 : i32
        %dma_start3A_75 = arith.constant 0 : i32
        %dma_start3A_76 = tpu.memref_slice %arg14[%dma_start3A, %dma_start3A_75] : memref<128x128xf32, #tpu.memory_space<vmem>> -> memref<64x128xf32, #tpu.memory_space<vmem>>
        %dma_start3A_77 = arith.constant 0 : i32
        %dma_start3A_78 = tpu.memref_slice %arg12[%and3A_72, %dma_start3A_77] : memref<64x64xi32, #tpu.memory_space<vmem>> -> memref<1x64xi32, #tpu.memory_space<vmem>>
        %dma_start3A_79 = tpu.memref_squeeze %dma_start3A_78 : memref<1x64xi32, #tpu.memory_space<vmem>> -> memref<64xi32, #tpu.memory_space<vmem>>
        %dma_start3A_80 = arith.constant 0 : i32
        %dma_start3A_81 = arith.constant 0 : i32
        %dma_start3A_82 = tpu.memref_slice %arg2[%dma_start3A_80, %dma_start3A_81] : memref<10240x128xf32, #tpu.memory_space<hbm>> -> memref<10240x128xf32, #tpu.memory_space<hbm>>
        tpu.enqueue_indirect_dma source(%dma_start3A_82 : memref<10240x128xf32, #tpu.memory_space<hbm>>) target(%dma_start3A_76 : memref<64x128xf32, #tpu.memory_space<vmem>>) offsets(%dma_start3A_79 : memref<64xi32, #tpu.memory_space<vmem>>) semaphore(%arg17 : memref<!tpu.dma_semaphore, #tpu.memory_space<semaphore_mem>>)
        %lt3A = arith.cmpi slt, %add3A_71, %shift_right_logical3A_37 : i32
        %convert_element_type3A = arith.extui %lt3A : i1 to i32
        %cond3A = arith.constant 0 : i32
        %cond3A_83 = arith.cmpi ne, %convert_element_type3A, %cond3A : i32
        scf.if %cond3A_83 {
          %dma_start3A_114 = arith.constant 64 : i32
          %dma_start3A_115 = arith.constant 0 : i32
          %dma_start3A_116 = tpu.memref_slice %arg14[%dma_start3A_114, %dma_start3A_115] : memref<128x128xf32, #tpu.memory_space<vmem>> -> memref<64x128xf32, #tpu.memory_space<vmem>>
          %dma_start3A_117 = arith.constant 0 : i32
          %dma_start3A_118 = tpu.memref_slice %arg12[%and3A_74, %dma_start3A_117] : memref<64x64xi32, #tpu.memory_space<vmem>> -> memref<1x64xi32, #tpu.memory_space<vmem>>
          %dma_start3A_119 = tpu.memref_squeeze %dma_start3A_118 : memref<1x64xi32, #tpu.memory_space<vmem>> -> memref<64xi32, #tpu.memory_space<vmem>>
          %dma_start3A_120 = arith.constant 0 : i32
          %dma_start3A_121 = arith.constant 0 : i32
          %dma_start3A_122 = tpu.memref_slice %arg2[%dma_start3A_120, %dma_start3A_121] : memref<10240x128xf32, #tpu.memory_space<hbm>> -> memref<10240x128xf32, #tpu.memory_space<hbm>>
          tpu.enqueue_indirect_dma source(%dma_start3A_122 : memref<10240x128xf32, #tpu.memory_space<hbm>>) target(%dma_start3A_116 : memref<64x128xf32, #tpu.memory_space<vmem>>) offsets(%dma_start3A_119 : memref<64xi32, #tpu.memory_space<vmem>>) semaphore(%arg17 : memref<!tpu.dma_semaphore, #tpu.memory_space<semaphore_mem>>)
        } else {
        }
        %dma_wait3A = arith.constant 0 : i32
        %dma_wait3A_84 = arith.constant 0 : i32
        %dma_wait3A_85 = tpu.memref_slice %arg14[%dma_wait3A, %dma_wait3A_84] : memref<128x128xf32, #tpu.memory_space<vmem>> -> memref<64x128xf32, #tpu.memory_space<vmem>>
        %dma_wait3A_86 = arith.constant 0 : i32
        %dma_wait3A_87 = tpu.memref_slice %arg12[%and3A_72, %dma_wait3A_86] : memref<64x64xi32, #tpu.memory_space<vmem>> -> memref<1x64xi32, #tpu.memory_space<vmem>>
        %dma_wait3A_88 = tpu.memref_squeeze %dma_wait3A_87 : memref<1x64xi32, #tpu.memory_space<vmem>> -> memref<64xi32, #tpu.memory_space<vmem>>
        %dma_wait3A_89 = arith.constant 0 : i32
        %dma_wait3A_90 = arith.constant 0 : i32
        %dma_wait3A_91 = tpu.memref_slice %arg2[%dma_wait3A_89, %dma_wait3A_90] : memref<10240x128xf32, #tpu.memory_space<hbm>> -> memref<10240x128xf32, #tpu.memory_space<hbm>>
        tpu.wait_indirect_dma semaphore(%arg17 : memref<!tpu.dma_semaphore, #tpu.memory_space<semaphore_mem>>) src(%dma_wait3A_91 : memref<10240x128xf32, #tpu.memory_space<hbm>>) dst(%dma_wait3A_85 : memref<64x128xf32, #tpu.memory_space<vmem>>)
        %dma_start3A_92 = arith.constant 0 : i32
        %dma_start3A_93 = arith.constant 0 : i32
        %dma_start3A_94 = tpu.memref_slice %arg14[%dma_start3A_92, %dma_start3A_93] : memref<128x128xf32, #tpu.memory_space<vmem>> -> memref<64x128xf32, #tpu.memory_space<vmem>>
        %dma_start3A_95 = arith.constant 0 : i32
        %dma_start3A_96 = tpu.memref_slice %arg13[%and3A_72, %dma_start3A_95] : memref<64x64xi32, #tpu.memory_space<vmem>> -> memref<1x64xi32, #tpu.memory_space<vmem>>
        %dma_start3A_97 = tpu.memref_squeeze %dma_start3A_96 : memref<1x64xi32, #tpu.memory_space<vmem>> -> memref<64xi32, #tpu.memory_space<vmem>>
        %dma_start3A_98 = arith.constant 0 : i32
        %dma_start3A_99 = arith.constant 0 : i32
        %dma_start3A_100 = tpu.memref_slice %arg16[%dma_start3A_98, %dma_start3A_99] : memref<8192x128xf32, #tpu.memory_space<vmem_shared>> -> memref<8192x128xf32, #tpu.memory_space<vmem_shared>>
        tpu.enqueue_indirect_dma source(%dma_start3A_94 : memref<64x128xf32, #tpu.memory_space<vmem>>) target(%dma_start3A_100 : memref<8192x128xf32, #tpu.memory_space<vmem_shared>>) offsets(%dma_start3A_97 : memref<64xi32, #tpu.memory_space<vmem>>) semaphore(%arg18 : memref<!tpu.dma_semaphore, #tpu.memory_space<semaphore_mem>>) {add = true}
        %lt3A_101 = arith.cmpi slt, %add3A_71, %shift_right_logical3A_37 : i32
        %convert_element_type3A_102 = arith.extui %lt3A_101 : i1 to i32
        %cond3A_103 = arith.constant 0 : i32
        %cond3A_104 = arith.cmpi ne, %convert_element_type3A_102, %cond3A_103 : i32
        scf.if %cond3A_104 {
          %dma_wait3A_114 = arith.constant 64 : i32
          %dma_wait3A_115 = arith.constant 0 : i32
          %dma_wait3A_116 = tpu.memref_slice %arg14[%dma_wait3A_114, %dma_wait3A_115] : memref<128x128xf32, #tpu.memory_space<vmem>> -> memref<64x128xf32, #tpu.memory_space<vmem>>
          %dma_wait3A_117 = arith.constant 0 : i32
          %dma_wait3A_118 = tpu.memref_slice %arg12[%and3A_74, %dma_wait3A_117] : memref<64x64xi32, #tpu.memory_space<vmem>> -> memref<1x64xi32, #tpu.memory_space<vmem>>
          %dma_wait3A_119 = tpu.memref_squeeze %dma_wait3A_118 : memref<1x64xi32, #tpu.memory_space<vmem>> -> memref<64xi32, #tpu.memory_space<vmem>>
          %dma_wait3A_120 = arith.constant 0 : i32
          %dma_wait3A_121 = arith.constant 0 : i32
          %dma_wait3A_122 = tpu.memref_slice %arg2[%dma_wait3A_120, %dma_wait3A_121] : memref<10240x128xf32, #tpu.memory_space<hbm>> -> memref<10240x128xf32, #tpu.memory_space<hbm>>
          tpu.wait_indirect_dma semaphore(%arg17 : memref<!tpu.dma_semaphore, #tpu.memory_space<semaphore_mem>>) src(%dma_wait3A_122 : memref<10240x128xf32, #tpu.memory_space<hbm>>) dst(%dma_wait3A_116 : memref<64x128xf32, #tpu.memory_space<vmem>>)
          %dma_start3A_123 = arith.constant 64 : i32
          %dma_start3A_124 = arith.constant 0 : i32
          %dma_start3A_125 = tpu.memref_slice %arg14[%dma_start3A_123, %dma_start3A_124] : memref<128x128xf32, #tpu.memory_space<vmem>> -> memref<64x128xf32, #tpu.memory_space<vmem>>
          %dma_start3A_126 = arith.constant 0 : i32
          %dma_start3A_127 = tpu.memref_slice %arg13[%and3A_74, %dma_start3A_126] : memref<64x64xi32, #tpu.memory_space<vmem>> -> memref<1x64xi32, #tpu.memory_space<vmem>>
          %dma_start3A_128 = tpu.memref_squeeze %dma_start3A_127 : memref<1x64xi32, #tpu.memory_space<vmem>> -> memref<64xi32, #tpu.memory_space<vmem>>
          %dma_start3A_129 = arith.constant 0 : i32
          %dma_start3A_130 = arith.constant 0 : i32
          %dma_start3A_131 = tpu.memref_slice %arg16[%dma_start3A_129, %dma_start3A_130] : memref<8192x128xf32, #tpu.memory_space<vmem_shared>> -> memref<8192x128xf32, #tpu.memory_space<vmem_shared>>
          tpu.enqueue_indirect_dma source(%dma_start3A_125 : memref<64x128xf32, #tpu.memory_space<vmem>>) target(%dma_start3A_131 : memref<8192x128xf32, #tpu.memory_space<vmem_shared>>) offsets(%dma_start3A_128 : memref<64xi32, #tpu.memory_space<vmem>>) semaphore(%arg18 : memref<!tpu.dma_semaphore, #tpu.memory_space<semaphore_mem>>) {add = true}
          %dma_wait3A_132 = arith.constant 64 : i32
          %dma_wait3A_133 = arith.constant 0 : i32
          %dma_wait3A_134 = tpu.memref_slice %arg14[%dma_wait3A_132, %dma_wait3A_133] : memref<128x128xf32, #tpu.memory_space<vmem>> -> memref<64x128xf32, #tpu.memory_space<vmem>>
          %dma_wait3A_135 = arith.constant 0 : i32
          %dma_wait3A_136 = tpu.memref_slice %arg13[%and3A_74, %dma_wait3A_135] : memref<64x64xi32, #tpu.memory_space<vmem>> -> memref<1x64xi32, #tpu.memory_space<vmem>>
          %dma_wait3A_137 = tpu.memref_squeeze %dma_wait3A_136 : memref<1x64xi32, #tpu.memory_space<vmem>> -> memref<64xi32, #tpu.memory_space<vmem>>
          %dma_wait3A_138 = arith.constant 0 : i32
          %dma_wait3A_139 = arith.constant 0 : i32
          %dma_wait3A_140 = tpu.memref_slice %arg16[%dma_wait3A_138, %dma_wait3A_139] : memref<8192x128xf32, #tpu.memory_space<vmem_shared>> -> memref<8192x128xf32, #tpu.memory_space<vmem_shared>>
          tpu.wait_indirect_dma semaphore(%arg18 : memref<!tpu.dma_semaphore, #tpu.memory_space<semaphore_mem>>) src(%dma_wait3A_134 : memref<64x128xf32, #tpu.memory_space<vmem>>) dst(%dma_wait3A_140 : memref<8192x128xf32, #tpu.memory_space<vmem_shared>>)
        } else {
        }
        %dma_wait3A_105 = arith.constant 0 : i32
        %dma_wait3A_106 = arith.constant 0 : i32
        %dma_wait3A_107 = tpu.memref_slice %arg14[%dma_wait3A_105, %dma_wait3A_106] : memref<128x128xf32, #tpu.memory_space<vmem>> -> memref<64x128xf32, #tpu.memory_space<vmem>>
        %dma_wait3A_108 = arith.constant 0 : i32
        %dma_wait3A_109 = tpu.memref_slice %arg13[%and3A_72, %dma_wait3A_108] : memref<64x64xi32, #tpu.memory_space<vmem>> -> memref<1x64xi32, #tpu.memory_space<vmem>>
        %dma_wait3A_110 = tpu.memref_squeeze %dma_wait3A_109 : memref<1x64xi32, #tpu.memory_space<vmem>> -> memref<64xi32, #tpu.memory_space<vmem>>
        %dma_wait3A_111 = arith.constant 0 : i32
        %dma_wait3A_112 = arith.constant 0 : i32
        %dma_wait3A_113 = tpu.memref_slice %arg16[%dma_wait3A_111, %dma_wait3A_112] : memref<8192x128xf32, #tpu.memory_space<vmem_shared>> -> memref<8192x128xf32, #tpu.memory_space<vmem_shared>>
        tpu.wait_indirect_dma semaphore(%arg18 : memref<!tpu.dma_semaphore, #tpu.memory_space<semaphore_mem>>) src(%dma_wait3A_107 : memref<64x128xf32, #tpu.memory_space<vmem>>) dst(%dma_wait3A_113 : memref<8192x128xf32, #tpu.memory_space<vmem_shared>>)
      }
      %barrier3A_58 = arith.constant 0 : index
      tpu.barrier barrier_id(%barrier3A_58)
      %scan3A_59 = arith.constant 0 : i32
      %scan3A_60 = arith.constant 0 : i32
      %scan3A_61 = arith.constant 4 : i32
      %scan3A_62 = arith.addi %scan3A_60, %scan3A_61 : i32
      %scan3A_63 = arith.constant 1 : i32
      scf.for %scan3A_66 = %scan3A_60 to %scan3A_62 step %scan3A_63  : i32 {
        %mul3A_67 = arith.constant 512 : i32
        %mul3A_68 = arith.muli %arg1, %mul3A_67 : i32
        %mul3A_69 = arith.constant 128 : i32
        %mul3A_70 = arith.muli %scan3A_66, %mul3A_69 : i32
        %add3A_71 = arith.addi %mul3A_68, %mul3A_70 : i32
        %add3A_72 = arith.addi %mul3A_12, %add3A_71 : i32
        %dma_start3A = arith.constant 0 : i32
        %dma_start3A_73 = tpu.memref_slice %arg8[%add3A_72, %dma_start3A] : memref<81920x128xf32, #tpu.memory_space<hbm>> -> memref<64x128xf32, #tpu.memory_space<hbm>>
        %dma_start3A_74 = arith.constant 0 : i32
        %dma_start3A_75 = tpu.memref_slice %arg16[%add3A_71, %dma_start3A_74] : memref<8192x128xf32, #tpu.memory_space<vmem_shared>> -> memref<64x128xf32, #tpu.memory_space<vmem_shared>>
        tpu.enqueue_dma source(%dma_start3A_75 : memref<64x128xf32, #tpu.memory_space<vmem_shared>>) target(%dma_start3A_73 : memref<64x128xf32, #tpu.memory_space<hbm>>) target_semaphore(%arg17 : memref<!tpu.dma_semaphore, #tpu.memory_space<semaphore_mem>>)
        %add3A_76 = arith.constant 64 : i32
        %add3A_77 = arith.addi %add3A_71, %add3A_76 : i32
        %add3A_78 = arith.addi %mul3A_12, %add3A_71 : i32
        %add3A_79 = arith.constant 64 : i32
        %add3A_80 = arith.addi %add3A_78, %add3A_79 : i32
        %dma_start3A_81 = arith.constant 0 : i32
        %dma_start3A_82 = tpu.memref_slice %arg8[%add3A_80, %dma_start3A_81] : memref<81920x128xf32, #tpu.memory_space<hbm>> -> memref<64x128xf32, #tpu.memory_space<hbm>>
        %dma_start3A_83 = arith.constant 0 : i32
        %dma_start3A_84 = tpu.memref_slice %arg16[%add3A_77, %dma_start3A_83] : memref<8192x128xf32, #tpu.memory_space<vmem_shared>> -> memref<64x128xf32, #tpu.memory_space<vmem_shared>>
        tpu.enqueue_dma source(%dma_start3A_84 : memref<64x128xf32, #tpu.memory_space<vmem_shared>>) target(%dma_start3A_82 : memref<64x128xf32, #tpu.memory_space<hbm>>) target_semaphore(%arg17 : memref<!tpu.dma_semaphore, #tpu.memory_space<semaphore_mem>>)
        %dma_wait3A = arith.constant 0 : i32
        %dma_wait3A_85 = tpu.memref_slice %arg8[%add3A_72, %dma_wait3A] : memref<81920x128xf32, #tpu.memory_space<hbm>> -> memref<64x128xf32, #tpu.memory_space<hbm>>
        %dma_wait3A_86 = arith.constant 0 : i32
        %dma_wait3A_87 = tpu.memref_slice %arg16[%add3A_71, %dma_wait3A_86] : memref<8192x128xf32, #tpu.memory_space<vmem_shared>> -> memref<64x128xf32, #tpu.memory_space<vmem_shared>>
        tpu.wait_dma2 semaphore(%arg17 : memref<!tpu.dma_semaphore, #tpu.memory_space<semaphore_mem>>) src(%dma_wait3A_87 : memref<64x128xf32, #tpu.memory_space<vmem_shared>>) dst(%dma_wait3A_85 : memref<64x128xf32, #tpu.memory_space<hbm>>)
        %dma_wait3A_88 = arith.constant 0 : i32
        %dma_wait3A_89 = tpu.memref_slice %arg8[%add3A_80, %dma_wait3A_88] : memref<81920x128xf32, #tpu.memory_space<hbm>> -> memref<64x128xf32, #tpu.memory_space<hbm>>
        %dma_wait3A_90 = arith.constant 0 : i32
        %dma_wait3A_91 = tpu.memref_slice %arg16[%add3A_77, %dma_wait3A_90] : memref<8192x128xf32, #tpu.memory_space<vmem_shared>> -> memref<64x128xf32, #tpu.memory_space<vmem_shared>>
        tpu.wait_dma2 semaphore(%arg17 : memref<!tpu.dma_semaphore, #tpu.memory_space<semaphore_mem>>) src(%dma_wait3A_91 : memref<64x128xf32, #tpu.memory_space<vmem_shared>>) dst(%dma_wait3A_89 : memref<64x128xf32, #tpu.memory_space<hbm>>)
      }
      %scan3A_64 = arith.constant 4 : i32
      %scan3A_65 = arith.constant 0 : i32
      scf.yield %scan3A_65 : i32
    }
    %scan3A_5 = arith.constant 5 : i32
    return
  }
}

module attributes {stable_mosaic.version = 14 : i64} {
  func.func @_dense_body(%arg0: i32, %arg1: memref<1280x128xf32, #tpu.memory_space<vmem>>, %arg2: memref<1280x8x128xf32, #tpu.memory_space<vmem>>, %arg3: memref<1280x8xf32, #tpu.memory_space<vmem>>, %arg4: memref<1152x128xf32, #tpu.memory_space<vmem>>, %arg5: memref<1x128xf32, #tpu.memory_space<vmem>>, %arg6: memref<1280x128xf32, #tpu.memory_space<vmem>>) attributes {dimension_semantics = [#tpu.dimension_semantics<arbitrary>], iteration_bounds = array<i64: 8>, scalar_prefetch = 0 : i64, scratch_operands = 0 : i64, tpu.core_type = #tpu.core_type<tc>, window_params = [{transform_indices = @transform_0, window_bounds = array<i64: 1280, 128>}, {transform_indices = @transform_1, window_bounds = array<i64: 1280, 8, 128>}, {transform_indices = @transform_2, window_bounds = array<i64: 1280, 8>}, {pipeline_mode = #tpu.pipeline_mode<synchronous>, transform_indices = @transform_3, window_bounds = array<i64: 1152, 128>}, {pipeline_mode = #tpu.pipeline_mode<synchronous>, transform_indices = @transform_4, window_bounds = array<i64: 1, 128>}, {transform_indices = @transform_5, window_bounds = array<i64: 1280, 128>}]} {
    %get3A = arith.constant 0 : index
    %get3A_0 = arith.constant 0 : index
    %get3A_1 = vector.load %arg1[%get3A, %get3A_0] : memref<1280x128xf32, #tpu.memory_space<vmem>>, vector<1280x128xf32>
    %get3A_2 = arith.constant 0 : index
    %get3A_3 = arith.constant 0 : index
    %get3A_4 = vector.load %arg4[%get3A_2, %get3A_3] : memref<1152x128xf32, #tpu.memory_space<vmem>>, vector<128x128xf32>
    %dot_general3A = arith.constant dense<0.000000e+00> : vector<1280x128xf32>
    %dot_general3A_5 = tpu.matmul %get3A_1, %get3A_4, %dot_general3A {dimension_numbers = #tpu.dot_dimension_numbers<[1], [0], [0], [1], [0, 0, 1, 1], [], []>, transpose_lhs_hint = false} : vector<1280x128xf32>, vector<128x128xf32>, vector<1280x128xf32> -> vector<1280x128xf32>
    %get3A_6 = arith.constant 0 : index
    %get3A_7 = arith.constant 0 : index
    %get3A_8 = vector.load %arg5[%get3A_6, %get3A_7] : memref<1x128xf32, #tpu.memory_space<vmem>>, vector<1x128xf32>
    %get3A_9 = vector.shape_cast %get3A_8 : vector<1x128xf32> to vector<128xf32>
    %broadcast_in_dim3A = vector.shape_cast %get3A_9 : vector<128xf32> to vector<1x128xf32>
    %add3A = vector.broadcast %broadcast_in_dim3A : vector<1x128xf32> to vector<1280x128xf32>
    %add3A_10 = arith.addf %dot_general3A_5, %add3A : vector<1280x128xf32>
    %get3A_11 = arith.constant 0 : index
    %get3A_12 = arith.constant 0 : index
    %get3A_13 = vector.load %arg3[%get3A_11, %get3A_12] : memref<1280x8xf32, #tpu.memory_space<vmem>>, vector<1280x1xf32>
    %get3A_14 = vector.shape_cast %get3A_13 : vector<1280x1xf32> to vector<1280xf32>
    %max3A = arith.constant 1.000000e+00 : f32
    %max3A_15 = vector.broadcast %max3A : f32 to vector<1280xf32>
    %max3A_16 = arith.maximumf %get3A_14, %max3A_15 : vector<1280xf32>
    %div3A = arith.constant 1.000000e+00 : f32
    %div3A_17 = vector.broadcast %div3A : f32 to vector<1280xf32>
    %div3A_18 = arith.divf %div3A_17, %max3A_16 : vector<1280xf32>
    %get3A_19 = arith.constant 0 : index
    %get3A_20 = arith.constant 0 : index
    %get3A_21 = arith.constant 0 : index
    %get3A_22 = vector.load %arg2[%get3A_19, %get3A_20, %get3A_21] : memref<1280x8x128xf32, #tpu.memory_space<vmem>>, vector<1280x1x128xf32>
    %get3A_23 = vector.shape_cast %get3A_22 : vector<1280x1x128xf32> to vector<1280x128xf32>
    %broadcast_in_dim3A_24 = vector.shape_cast %div3A_18 : vector<1280xf32> to vector<1280x1xf32>
    %mul3A = vector.broadcast %broadcast_in_dim3A_24 : vector<1280x1xf32> to vector<1280x128xf32>
    %mul3A_25 = arith.mulf %get3A_23, %mul3A : vector<1280x128xf32>
    %get3A_26 = arith.constant 128 : index
    %get3A_27 = arith.constant 0 : index
    %get3A_28 = vector.load %arg4[%get3A_26, %get3A_27] : memref<1152x128xf32, #tpu.memory_space<vmem>>, vector<128x128xf32>
    %dot_general3A_29 = arith.constant dense<0.000000e+00> : vector<1280x128xf32>
    %dot_general3A_30 = tpu.matmul %mul3A_25, %get3A_28, %dot_general3A_29 {dimension_numbers = #tpu.dot_dimension_numbers<[1], [0], [0], [1], [0, 0, 1, 1], [], []>, transpose_lhs_hint = false} : vector<1280x128xf32>, vector<128x128xf32>, vector<1280x128xf32> -> vector<1280x128xf32>
    %add3A_31 = arith.addf %add3A_10, %dot_general3A_30 : vector<1280x128xf32>
    %get3A_32 = arith.constant 0 : index
    %get3A_33 = arith.constant 1 : index
    %get3A_34 = vector.load %arg3[%get3A_32, %get3A_33] : memref<1280x8xf32, #tpu.memory_space<vmem>>, vector<1280x1xf32>
    %get3A_35 = vector.shape_cast %get3A_34 : vector<1280x1xf32> to vector<1280xf32>
    %max3A_36 = arith.constant 1.000000e+00 : f32
    %max3A_37 = vector.broadcast %max3A_36 : f32 to vector<1280xf32>
    %max3A_38 = arith.maximumf %get3A_35, %max3A_37 : vector<1280xf32>
    %div3A_39 = arith.constant 1.000000e+00 : f32
    %div3A_40 = vector.broadcast %div3A_39 : f32 to vector<1280xf32>
    %div3A_41 = arith.divf %div3A_40, %max3A_38 : vector<1280xf32>
    %get3A_42 = arith.constant 0 : index
    %get3A_43 = arith.constant 1 : index
    %get3A_44 = arith.constant 0 : index
    %get3A_45 = vector.load %arg2[%get3A_42, %get3A_43, %get3A_44] : memref<1280x8x128xf32, #tpu.memory_space<vmem>>, vector<1280x1x128xf32>
    %get3A_46 = vector.shape_cast %get3A_45 : vector<1280x1x128xf32> to vector<1280x128xf32>
    %broadcast_in_dim3A_47 = vector.shape_cast %div3A_41 : vector<1280xf32> to vector<1280x1xf32>
    %mul3A_48 = vector.broadcast %broadcast_in_dim3A_47 : vector<1280x1xf32> to vector<1280x128xf32>
    %mul3A_49 = arith.mulf %get3A_46, %mul3A_48 : vector<1280x128xf32>
    %get3A_50 = arith.constant 256 : index
    %get3A_51 = arith.constant 0 : index
    %get3A_52 = vector.load %arg4[%get3A_50, %get3A_51] : memref<1152x128xf32, #tpu.memory_space<vmem>>, vector<128x128xf32>
    %dot_general3A_53 = arith.constant dense<0.000000e+00> : vector<1280x128xf32>
    %dot_general3A_54 = tpu.matmul %mul3A_49, %get3A_52, %dot_general3A_53 {dimension_numbers = #tpu.dot_dimension_numbers<[1], [0], [0], [1], [0, 0, 1, 1], [], []>, transpose_lhs_hint = false} : vector<1280x128xf32>, vector<128x128xf32>, vector<1280x128xf32> -> vector<1280x128xf32>
    %add3A_55 = arith.addf %add3A_31, %dot_general3A_54 : vector<1280x128xf32>
    %get3A_56 = arith.constant 0 : index
    %get3A_57 = arith.constant 2 : index
    %get3A_58 = vector.load %arg3[%get3A_56, %get3A_57] : memref<1280x8xf32, #tpu.memory_space<vmem>>, vector<1280x1xf32>
    %get3A_59 = vector.shape_cast %get3A_58 : vector<1280x1xf32> to vector<1280xf32>
    %max3A_60 = arith.constant 1.000000e+00 : f32
    %max3A_61 = vector.broadcast %max3A_60 : f32 to vector<1280xf32>
    %max3A_62 = arith.maximumf %get3A_59, %max3A_61 : vector<1280xf32>
    %div3A_63 = arith.constant 1.000000e+00 : f32
    %div3A_64 = vector.broadcast %div3A_63 : f32 to vector<1280xf32>
    %div3A_65 = arith.divf %div3A_64, %max3A_62 : vector<1280xf32>
    %get3A_66 = arith.constant 0 : index
    %get3A_67 = arith.constant 2 : index
    %get3A_68 = arith.constant 0 : index
    %get3A_69 = vector.load %arg2[%get3A_66, %get3A_67, %get3A_68] : memref<1280x8x128xf32, #tpu.memory_space<vmem>>, vector<1280x1x128xf32>
    %get3A_70 = vector.shape_cast %get3A_69 : vector<1280x1x128xf32> to vector<1280x128xf32>
    %broadcast_in_dim3A_71 = vector.shape_cast %div3A_65 : vector<1280xf32> to vector<1280x1xf32>
    %mul3A_72 = vector.broadcast %broadcast_in_dim3A_71 : vector<1280x1xf32> to vector<1280x128xf32>
    %mul3A_73 = arith.mulf %get3A_70, %mul3A_72 : vector<1280x128xf32>
    %get3A_74 = arith.constant 384 : index
    %get3A_75 = arith.constant 0 : index
    %get3A_76 = vector.load %arg4[%get3A_74, %get3A_75] : memref<1152x128xf32, #tpu.memory_space<vmem>>, vector<128x128xf32>
    %dot_general3A_77 = arith.constant dense<0.000000e+00> : vector<1280x128xf32>
    %dot_general3A_78 = tpu.matmul %mul3A_73, %get3A_76, %dot_general3A_77 {dimension_numbers = #tpu.dot_dimension_numbers<[1], [0], [0], [1], [0, 0, 1, 1], [], []>, transpose_lhs_hint = false} : vector<1280x128xf32>, vector<128x128xf32>, vector<1280x128xf32> -> vector<1280x128xf32>
    %add3A_79 = arith.addf %add3A_55, %dot_general3A_78 : vector<1280x128xf32>
    %get3A_80 = arith.constant 0 : index
    %get3A_81 = arith.constant 3 : index
    %get3A_82 = vector.load %arg3[%get3A_80, %get3A_81] : memref<1280x8xf32, #tpu.memory_space<vmem>>, vector<1280x1xf32>
    %get3A_83 = vector.shape_cast %get3A_82 : vector<1280x1xf32> to vector<1280xf32>
    %max3A_84 = arith.constant 1.000000e+00 : f32
    %max3A_85 = vector.broadcast %max3A_84 : f32 to vector<1280xf32>
    %max3A_86 = arith.maximumf %get3A_83, %max3A_85 : vector<1280xf32>
    %div3A_87 = arith.constant 1.000000e+00 : f32
    %div3A_88 = vector.broadcast %div3A_87 : f32 to vector<1280xf32>
    %div3A_89 = arith.divf %div3A_88, %max3A_86 : vector<1280xf32>
    %get3A_90 = arith.constant 0 : index
    %get3A_91 = arith.constant 3 : index
    %get3A_92 = arith.constant 0 : index
    %get3A_93 = vector.load %arg2[%get3A_90, %get3A_91, %get3A_92] : memref<1280x8x128xf32, #tpu.memory_space<vmem>>, vector<1280x1x128xf32>
    %get3A_94 = vector.shape_cast %get3A_93 : vector<1280x1x128xf32> to vector<1280x128xf32>
    %broadcast_in_dim3A_95 = vector.shape_cast %div3A_89 : vector<1280xf32> to vector<1280x1xf32>
    %mul3A_96 = vector.broadcast %broadcast_in_dim3A_95 : vector<1280x1xf32> to vector<1280x128xf32>
    %mul3A_97 = arith.mulf %get3A_94, %mul3A_96 : vector<1280x128xf32>
    %get3A_98 = arith.constant 512 : index
    %get3A_99 = arith.constant 0 : index
    %get3A_100 = vector.load %arg4[%get3A_98, %get3A_99] : memref<1152x128xf32, #tpu.memory_space<vmem>>, vector<128x128xf32>
    %dot_general3A_101 = arith.constant dense<0.000000e+00> : vector<1280x128xf32>
    %dot_general3A_102 = tpu.matmul %mul3A_97, %get3A_100, %dot_general3A_101 {dimension_numbers = #tpu.dot_dimension_numbers<[1], [0], [0], [1], [0, 0, 1, 1], [], []>, transpose_lhs_hint = false} : vector<1280x128xf32>, vector<128x128xf32>, vector<1280x128xf32> -> vector<1280x128xf32>
    %add3A_103 = arith.addf %add3A_79, %dot_general3A_102 : vector<1280x128xf32>
    %get3A_104 = arith.constant 0 : index
    %get3A_105 = arith.constant 4 : index
    %get3A_106 = vector.load %arg3[%get3A_104, %get3A_105] : memref<1280x8xf32, #tpu.memory_space<vmem>>, vector<1280x1xf32>
    %get3A_107 = vector.shape_cast %get3A_106 : vector<1280x1xf32> to vector<1280xf32>
    %max3A_108 = arith.constant 1.000000e+00 : f32
    %max3A_109 = vector.broadcast %max3A_108 : f32 to vector<1280xf32>
    %max3A_110 = arith.maximumf %get3A_107, %max3A_109 : vector<1280xf32>
    %div3A_111 = arith.constant 1.000000e+00 : f32
    %div3A_112 = vector.broadcast %div3A_111 : f32 to vector<1280xf32>
    %div3A_113 = arith.divf %div3A_112, %max3A_110 : vector<1280xf32>
    %get3A_114 = arith.constant 0 : index
    %get3A_115 = arith.constant 4 : index
    %get3A_116 = arith.constant 0 : index
    %get3A_117 = vector.load %arg2[%get3A_114, %get3A_115, %get3A_116] : memref<1280x8x128xf32, #tpu.memory_space<vmem>>, vector<1280x1x128xf32>
    %get3A_118 = vector.shape_cast %get3A_117 : vector<1280x1x128xf32> to vector<1280x128xf32>
    %broadcast_in_dim3A_119 = vector.shape_cast %div3A_113 : vector<1280xf32> to vector<1280x1xf32>
    %mul3A_120 = vector.broadcast %broadcast_in_dim3A_119 : vector<1280x1xf32> to vector<1280x128xf32>
    %mul3A_121 = arith.mulf %get3A_118, %mul3A_120 : vector<1280x128xf32>
    %get3A_122 = arith.constant 640 : index
    %get3A_123 = arith.constant 0 : index
    %get3A_124 = vector.load %arg4[%get3A_122, %get3A_123] : memref<1152x128xf32, #tpu.memory_space<vmem>>, vector<128x128xf32>
    %dot_general3A_125 = arith.constant dense<0.000000e+00> : vector<1280x128xf32>
    %dot_general3A_126 = tpu.matmul %mul3A_121, %get3A_124, %dot_general3A_125 {dimension_numbers = #tpu.dot_dimension_numbers<[1], [0], [0], [1], [0, 0, 1, 1], [], []>, transpose_lhs_hint = false} : vector<1280x128xf32>, vector<128x128xf32>, vector<1280x128xf32> -> vector<1280x128xf32>
    %add3A_127 = arith.addf %add3A_103, %dot_general3A_126 : vector<1280x128xf32>
    %get3A_128 = arith.constant 0 : index
    %get3A_129 = arith.constant 5 : index
    %get3A_130 = vector.load %arg3[%get3A_128, %get3A_129] : memref<1280x8xf32, #tpu.memory_space<vmem>>, vector<1280x1xf32>
    %get3A_131 = vector.shape_cast %get3A_130 : vector<1280x1xf32> to vector<1280xf32>
    %max3A_132 = arith.constant 1.000000e+00 : f32
    %max3A_133 = vector.broadcast %max3A_132 : f32 to vector<1280xf32>
    %max3A_134 = arith.maximumf %get3A_131, %max3A_133 : vector<1280xf32>
    %div3A_135 = arith.constant 1.000000e+00 : f32
    %div3A_136 = vector.broadcast %div3A_135 : f32 to vector<1280xf32>
    %div3A_137 = arith.divf %div3A_136, %max3A_134 : vector<1280xf32>
    %get3A_138 = arith.constant 0 : index
    %get3A_139 = arith.constant 5 : index
    %get3A_140 = arith.constant 0 : index
    %get3A_141 = vector.load %arg2[%get3A_138, %get3A_139, %get3A_140] : memref<1280x8x128xf32, #tpu.memory_space<vmem>>, vector<1280x1x128xf32>
    %get3A_142 = vector.shape_cast %get3A_141 : vector<1280x1x128xf32> to vector<1280x128xf32>
    %broadcast_in_dim3A_143 = vector.shape_cast %div3A_137 : vector<1280xf32> to vector<1280x1xf32>
    %mul3A_144 = vector.broadcast %broadcast_in_dim3A_143 : vector<1280x1xf32> to vector<1280x128xf32>
    %mul3A_145 = arith.mulf %get3A_142, %mul3A_144 : vector<1280x128xf32>
    %get3A_146 = arith.constant 768 : index
    %get3A_147 = arith.constant 0 : index
    %get3A_148 = vector.load %arg4[%get3A_146, %get3A_147] : memref<1152x128xf32, #tpu.memory_space<vmem>>, vector<128x128xf32>
    %dot_general3A_149 = arith.constant dense<0.000000e+00> : vector<1280x128xf32>
    %dot_general3A_150 = tpu.matmul %mul3A_145, %get3A_148, %dot_general3A_149 {dimension_numbers = #tpu.dot_dimension_numbers<[1], [0], [0], [1], [0, 0, 1, 1], [], []>, transpose_lhs_hint = false} : vector<1280x128xf32>, vector<128x128xf32>, vector<1280x128xf32> -> vector<1280x128xf32>
    %add3A_151 = arith.addf %add3A_127, %dot_general3A_150 : vector<1280x128xf32>
    %get3A_152 = arith.constant 0 : index
    %get3A_153 = arith.constant 6 : index
    %get3A_154 = vector.load %arg3[%get3A_152, %get3A_153] : memref<1280x8xf32, #tpu.memory_space<vmem>>, vector<1280x1xf32>
    %get3A_155 = vector.shape_cast %get3A_154 : vector<1280x1xf32> to vector<1280xf32>
    %max3A_156 = arith.constant 1.000000e+00 : f32
    %max3A_157 = vector.broadcast %max3A_156 : f32 to vector<1280xf32>
    %max3A_158 = arith.maximumf %get3A_155, %max3A_157 : vector<1280xf32>
    %div3A_159 = arith.constant 1.000000e+00 : f32
    %div3A_160 = vector.broadcast %div3A_159 : f32 to vector<1280xf32>
    %div3A_161 = arith.divf %div3A_160, %max3A_158 : vector<1280xf32>
    %get3A_162 = arith.constant 0 : index
    %get3A_163 = arith.constant 6 : index
    %get3A_164 = arith.constant 0 : index
    %get3A_165 = vector.load %arg2[%get3A_162, %get3A_163, %get3A_164] : memref<1280x8x128xf32, #tpu.memory_space<vmem>>, vector<1280x1x128xf32>
    %get3A_166 = vector.shape_cast %get3A_165 : vector<1280x1x128xf32> to vector<1280x128xf32>
    %broadcast_in_dim3A_167 = vector.shape_cast %div3A_161 : vector<1280xf32> to vector<1280x1xf32>
    %mul3A_168 = vector.broadcast %broadcast_in_dim3A_167 : vector<1280x1xf32> to vector<1280x128xf32>
    %mul3A_169 = arith.mulf %get3A_166, %mul3A_168 : vector<1280x128xf32>
    %get3A_170 = arith.constant 896 : index
    %get3A_171 = arith.constant 0 : index
    %get3A_172 = vector.load %arg4[%get3A_170, %get3A_171] : memref<1152x128xf32, #tpu.memory_space<vmem>>, vector<128x128xf32>
    %dot_general3A_173 = arith.constant dense<0.000000e+00> : vector<1280x128xf32>
    %dot_general3A_174 = tpu.matmul %mul3A_169, %get3A_172, %dot_general3A_173 {dimension_numbers = #tpu.dot_dimension_numbers<[1], [0], [0], [1], [0, 0, 1, 1], [], []>, transpose_lhs_hint = false} : vector<1280x128xf32>, vector<128x128xf32>, vector<1280x128xf32> -> vector<1280x128xf32>
    %add3A_175 = arith.addf %add3A_151, %dot_general3A_174 : vector<1280x128xf32>
    %get3A_176 = arith.constant 0 : index
    %get3A_177 = arith.constant 7 : index
    %get3A_178 = vector.load %arg3[%get3A_176, %get3A_177] : memref<1280x8xf32, #tpu.memory_space<vmem>>, vector<1280x1xf32>
    %get3A_179 = vector.shape_cast %get3A_178 : vector<1280x1xf32> to vector<1280xf32>
    %max3A_180 = arith.constant 1.000000e+00 : f32
    %max3A_181 = vector.broadcast %max3A_180 : f32 to vector<1280xf32>
    %max3A_182 = arith.maximumf %get3A_179, %max3A_181 : vector<1280xf32>
    %div3A_183 = arith.constant 1.000000e+00 : f32
    %div3A_184 = vector.broadcast %div3A_183 : f32 to vector<1280xf32>
    %div3A_185 = arith.divf %div3A_184, %max3A_182 : vector<1280xf32>
    %get3A_186 = arith.constant 0 : index
    %get3A_187 = arith.constant 7 : index
    %get3A_188 = arith.constant 0 : index
    %get3A_189 = vector.load %arg2[%get3A_186, %get3A_187, %get3A_188] : memref<1280x8x128xf32, #tpu.memory_space<vmem>>, vector<1280x1x128xf32>
    %get3A_190 = vector.shape_cast %get3A_189 : vector<1280x1x128xf32> to vector<1280x128xf32>
    %broadcast_in_dim3A_191 = vector.shape_cast %div3A_185 : vector<1280xf32> to vector<1280x1xf32>
    %mul3A_192 = vector.broadcast %broadcast_in_dim3A_191 : vector<1280x1xf32> to vector<1280x128xf32>
    %mul3A_193 = arith.mulf %get3A_190, %mul3A_192 : vector<1280x128xf32>
    %get3A_194 = arith.constant 1024 : index
    %get3A_195 = arith.constant 0 : index
    %get3A_196 = vector.load %arg4[%get3A_194, %get3A_195] : memref<1152x128xf32, #tpu.memory_space<vmem>>, vector<128x128xf32>
    %dot_general3A_197 = arith.constant dense<0.000000e+00> : vector<1280x128xf32>
    %dot_general3A_198 = tpu.matmul %mul3A_193, %get3A_196, %dot_general3A_197 {dimension_numbers = #tpu.dot_dimension_numbers<[1], [0], [0], [1], [0, 0, 1, 1], [], []>, transpose_lhs_hint = false} : vector<1280x128xf32>, vector<128x128xf32>, vector<1280x128xf32> -> vector<1280x128xf32>
    %add3A_199 = arith.addf %add3A_175, %dot_general3A_198 : vector<1280x128xf32>
    %max3A_200 = arith.constant 0.000000e+00 : f32
    %max3A_201 = vector.broadcast %max3A_200 : f32 to vector<1280x128xf32>
    %max3A_202 = arith.maximumf %add3A_199, %max3A_201 : vector<1280x128xf32>
    %swap3A = arith.constant 0 : index
    %swap3A_203 = arith.constant 0 : index
    %swap3A_204 = vector.load %arg6[%swap3A, %swap3A_203] : memref<1280x128xf32, #tpu.memory_space<vmem>>, vector<1280x128xf32>
    tpu.vector_store %arg6[%swap3A, %swap3A_203], %max3A_202 {strides = array<i32>} : memref<1280x128xf32, #tpu.memory_space<vmem>>, vector<1280x128xf32>,
    return
  }
  func.func @transform_0(%arg0: i32) -> (i32, i32) {
    %c0_i32 = arith.constant 0 : i32
    %c0_i32_0 = arith.constant 0 : i32
    return %arg0, %c0_i32 : i32, i32
  }
  func.func @transform_1(%arg0: i32) -> (i32, i32, i32) {
    %c0_i32 = arith.constant 0 : i32
    %c0_i32_0 = arith.constant 0 : i32
    %c0_i32_1 = arith.constant 0 : i32
    return %arg0, %c0_i32, %c0_i32_0 : i32, i32, i32
  }
  func.func @transform_2(%arg0: i32) -> (i32, i32) {
    %c0_i32 = arith.constant 0 : i32
    %c0_i32_0 = arith.constant 0 : i32
    return %arg0, %c0_i32 : i32, i32
  }
  func.func @transform_3(%arg0: i32) -> (i32, i32) {
    %c0_i32 = arith.constant 0 : i32
    %c0_i32_0 = arith.constant 0 : i32
    %c0_i32_1 = arith.constant 0 : i32
    return %c0_i32, %c0_i32_0 : i32, i32
  }
  func.func @transform_4(%arg0: i32) -> (i32, i32) {
    %c0_i32 = arith.constant 0 : i32
    %c0_i32_0 = arith.constant 0 : i32
    %c0_i32_1 = arith.constant 0 : i32
    return %c0_i32, %c0_i32_0 : i32, i32
  }
  func.func @transform_5(%arg0: i32) -> (i32, i32) {
    %c0_i32 = arith.constant 0 : i32
    %c0_i32_0 = arith.constant 0 : i32
    return %arg0, %c0_i32 : i32, i32
  }
}

</mosaic_0001>

<sc_bundles>
// kernel: kernel.10.cloned.1.call-start
scs
__scs_entry_jumppad:
0x0: {  	(pc) =	sbr.rel $0x88, $3  }
0x1: {  	(tag) =	ssettag $0x0;
	lr =	simm.s32 $0x1  }
0x2: {  	[smem:$0x3F98] =	sst lr;
	_ =	strace $0xD0000000  }
0x3: {  	_ = 	snop  }
0x4: {  	_ = 	snop  }
0x5: {  	_ = 	snop  }
0x6: {  	_ = 	snop  }
0x7: {  	_ = 	snop  }
__scs_overlays_trampoline_lowered:
0x8: {  	[smem:$0x3FA7] =	sst s0  }
0x9: {  	[smem:$0x3FA8] =	sst s1  }
0xa: {  	[smem:$0x3FA9] =	sst s2  }
0xb: {  	[smem:$0x3FAA] =	sst s3  }
0xc: {  	[smem:$0x3FAB] =	sst s4  }
0xd: {  	[smem:$0x3FAC] =	sst s5  }
0xe: {  	[smem:$0x3FAD] =	sst s6  }
0xf: {  	[smem:$0x3FAE] =	sst s7  }
0x10: {  	[smem:$0x3FAF] =	sst s8  }
0x11: {  	[smem:$0x3FB0] =	sst s9;
	s0 =	simm.s32 @!p0 $0x0  }
0x12: {  	s1 =	sld [smem:$0x3F96];
	s0 =	simm.s32 @p0 $0x1  }
0x13: {  	[smem:$0x3FB1] =	sst s0;
	s0 =	simm.s32 @!p1 $0x0  }
0x14: {  	s2 =	sld [smem:$0x3F95];
	s0 =	simm.s32 @p1 $0x1  }
0x15: {  	[smem:$0x3FB2] =	sst s0;
	s0 =	simm.s32 @!p2 $0x0  }
0x16: {  	s3 =	sld [smem:$0x3FDB];
	s0 =	simm.s32 @p2 $0x1  }
0x17: {  	s4 =	simm.s32 $0x1BF5;
	[smem:$0x3FB4] =	sst s0  }
0x18: {  	s0 =	sld [smem:$0x3F97];
	_ =	swait.ge [sflag:s4], $0x0  }
0x19: {  	s7 =	sld [smem:$0x3F98]  }
0x1a: {  	s8 =	sadd.s32 $0xFFFFE003, lr  }
0x1b: {  	s9 =	sadd.s32 $0xFFFFFEF7, lr;
	s5 =	simm.s32 $0xFFFFFFFF;
	p2 =	slt.u32 s8, $0xFFFFF086  }
0x1c: {  	p1 =	slt.u32 s9, $0xF7A;
	s5 =	simm.s32 @!p2 $0x0  }
0x1d: {  	s5 =	simm.s32 @p1 $0x1;
	p0 =	seq.s32 s7, s2  }
0x1e: {  	s7 =	smul.u32 @!p0 $0xF7A, s2;
	p2 =	seq.s32 @!p0 s5, $0x0  }
0x1f: {  	s9 =	smul.u32 $0xF7A, s1;
	s8 =	simm.s32 @!p0 $0x1BF5;
	p2 =	por !p2, p0  }
0x20: {  	[sflag:s8] =	ssyncset.s32 @!p0 $0xFFFFF086;
	s6 =	sadd.s32 @!p0 s3, s7;
	s7 =	simm.s32 @!p0 $0x108  }
0x21: {  	s3 =	sadd.s32 s3, s9;
	s6 =	sadd.s32 @!p0 $0x88, s6;
	s7 =	simm.s32 @p2 $0x1082  }
0x22: {  	[simem:s7], [sflag:s8] =	dma.local @!p0 [hbm:s6], $0xF7A  }
0x23: {  	s9 =	sor.u32 $0xD0000000, s2;
	s6 =	simm.s32 $0x108;
	_ =	swait.ge @!p0 [sflag:s8], $0x0  }
0x24: {  	s3 =	sadd.s32 $0x88, s3;
	s6 =	simm.s32 @!p1 $0x1082;
	[sflag:s4] =	ssyncset.s32 $0xFFFFF086  }
0x25: {  	[simem:s6], [sflag:s4] =	dma.local [hbm:s3], $0xF7A  }
0x26: {  	[smem:$0x3F98] =	sst s1;
	(tag) =	ssettag s2;
	_ =	strace s9  }
0x27: {  	s1 =	sld [smem:$0x3FA8]  }
0x28: {  	s2 =	sld [smem:$0x3FA9]  }
0x29: {  	s4 =	sld [smem:$0x3FAB]  }
0x2a: {  	p0 =	seq.s32 s5, $0x0;
	s5 =	sld [smem:$0x3FAC]  }
0x2b: {  	s6 =	sld [smem:$0x3FAD]  }
0x2c: {  	s7 =	sld [smem:$0x3FAE]  }
0x2d: {  	s3 =	simm.s32 $0x108;
	s8 =	sld [smem:$0x3FAF]  }
0x2e: {  	s3 =	simm.s32 @!p0 $0x1082;
	s9 =	sld [smem:$0x3FB0]  }
0x2f: {  	lr =	sadd.s32 s0, s3;
	s0 =	sld [smem:$0x3FA7]  }
0x30: {  	s3 =	sld [smem:$0x3FAA]  }
0x31: {  	[smem:$0x3FB3] =	sst s10  }
0x32: {  	s10 =	sld [smem:$0x3FB1];
	_ =	sdelay $0x3  }
0x33: {  	p0 =	seq.s32 s10, $0x1;
	s10 =	sld [smem:$0x3FB3];
	_ =	sdelay $0x3  }
0x34: {  	[smem:$0x3FB3] =	sst s10  }
0x35: {  	s10 =	sld [smem:$0x3FB2];
	_ =	sdelay $0x3  }
0x36: {  	p1 =	seq.s32 s10, $0x1;
	s10 =	sld [smem:$0x3FB3];
	_ =	sdelay $0x3  }
0x37: {  	[smem:$0x3FB3] =	sst s10  }
0x38: {  	s10 =	sld [smem:$0x3FB4]  }
0x39: {  	_ = 	snop;
	(pc) =	sbr.ind lr, $3  }
0x3a: {  	_ = 	snop  }
0x3b: {  	_ = 	snop  }
0x3c: {  	p2 =	seq.s32 s10, $0x1;
	s10 =	sld [smem:$0x3FB3]  }
0x3d: {  	_ =	shalt  }
0x3e: {  	_ =	shalt  }
0x3f: {  	_ =	shalt  }
0x40: {  	_ =	shalt  }
0x41: {  	_ =	shalt  }
0x42: {  	_ =	shalt  }
0x43: {  	_ =	shalt  }
0x44: {  	_ =	shalt  }
0x45: {  	_ =	shalt  }
0x46: {  	_ =	shalt  }
0x47: {  	_ =	shalt  }
0x48: {  	_ =	shalt  }
0x49: {  	_ =	shalt  }
0x4a: {  	_ =	shalt  }
0x4b: {  	_ =	shalt  }
0x4c: {  	_ =	shalt  }
0x4d: {  	_ =	shalt  }
0x4e: {  	_ =	shalt  }
0x4f: {  	_ =	shalt  }
0x50: {  	_ =	shalt  }
0x51: {  	_ =	shalt  }
0x52: {  	_ =	shalt  }
0x53: {  	_ =	shalt  }
0x54: {  	_ =	shalt  }
0x55: {  	_ =	shalt  }
0x56: {  	_ =	shalt  }
0x57: {  	_ =	shalt  }
0x58: {  	_ =	shalt  }
0x59: {  	_ =	shalt  }
0x5a: {  	_ =	shalt  }
0x5b: {  	_ =	shalt  }
0x5c: {  	_ =	shalt  }
0x5d: {  	_ =	shalt  }
0x5e: {  	_ =	shalt  }
0x5f: {  	_ =	shalt  }
0x60: {  	_ =	shalt  }
0x61: {  	_ =	shalt  }
0x62: {  	_ =	shalt  }
0x63: {  	_ =	shalt  }
0x64: {  	_ =	shalt  }
0x65: {  	_ =	shalt  }
0x66: {  	_ =	shalt  }
0x67: {  	_ =	shalt  }
0x68: {  	_ =	shalt  }
0x69: {  	_ =	shalt  }
0x6a: {  	_ =	shalt  }
0x6b: {  	_ =	shalt  }
0x6c: {  	_ =	shalt  }
0x6d: {  	_ =	shalt  }
0x6e: {  	_ =	shalt  }
0x6f: {  	_ =	shalt  }
0x70: {  	_ =	shalt  }
0x71: {  	_ =	shalt  }
0x72: {  	_ =	shalt  }
0x73: {  	_ =	shalt  }
0x74: {  	_ =	shalt  }
0x75: {  	_ =	shalt  }
0x76: {  	_ =	shalt  }
0x77: {  	_ =	shalt  }
0x78: {  	_ =	shalt  }
0x79: {  	_ =	shalt  }
0x7a: {  	_ =	shalt  }
0x7b: {  	_ =	shalt  }
0x7c: {  	_ =	shalt  }
0x7d: {  	_ =	shalt  }
0x7e: {  	_ =	shalt  }
0x7f: {  	_ =	shalt  }
0x80: {  	_ =	shalt  }
0x81: {  	_ =	shalt  }
0x82: {  	_ =	shalt  }
0x83: {  	_ =	shalt  }
0x84: {  	_ =	shalt  }
0x85: {  	_ =	shalt  }
0x86: {  	_ =	shalt  }
0x87: {  	_ =	shalt  }
.Lfunc_end0:
.L_simem_size_0:
called_computation.1_lowered:
.L_overlay_start_0:
0x88: {  	s2 =	sld [smem:$0x3FD9]  }
0x89: {  	s3 =	sld [smem:$0x3FFE];
	_ =	sdelay $0x1  }
0x8a: {  	s1 =	srdreg.scid  }
0x8b: {  	s0 =	sand.u32 $0x1, s1  }
0x8c: {  	s17 =	sshll.u32 s0, $0xA;
	s2 =	sadd.s32 s3, s2  }
0x8d: {  	s2 =	sadd.s32 s2, s17  }
0x8e: {  	[smem:$0x3FBF] =	sst s2  }
0x8f: {  	_ = 	snop  }
0x90: {  	s18 =	sld [smem:$0x3FC7]  }
0x91: {  	s4 =	sld [smem:$0x3FD0];
	(tm) =	ssettm $0x1  }
0x92: {  	s19 =	sld [smem:$0x3FFB];
	_ =	sdelay $0x3  }
0x93: {  	_ =	strace s19  }
0x94: {  	s2 =	sld [smem:$0x3FFC];
	_ =	sdelay $0x3  }
0x95: {  	_ =	strace s2  }
0x96: {  	s2 =	sld [smem:$0x3FFD];
	_ =	sdelay $0x3  }
0x97: {  	_ =	strace s2  }
0x98: {  	_ =	strace $0x8FFFFFFF  }
0x99: {  	s20 =	sld [smem:$0x3FDB];
	_ =	sdelay $0x1  }
0x9a: {  	s5 =	simm.s32 $_scs_section_size  }
0x9b: {  	s6 =	simm.s32 $_size__tile_overlayer_lowered;
	s7 =	simm.s32 $_tile_overlayer_lowered  }
0x9c: {  	s8 =	simm.s32 $0x1BFF;
	s21 =	sshll.u32 s7, $0x1;
	s5 =	sadd.s32 s5, s20  }
0x9d: {  	s22 =	simm.s32 $0x0;
	s6 =	sshll.u32 s6, $0x1;
	s7 =	sadd.s32 s21, s5  }
0x9e: {  	[timem:s22], [sflag:s8] =	dma.local [hbm:s7], s6  }
0x9f: {  	_ =	swait.ge [sflag:s8], s6  }
0xa0: {  	s6 =	ssub.s32 $0x0, s6;
	[sflag:s8] =	ssyncset.done $0x0  }
0xa1: {  	[sflag:s8] =	ssyncadd.s32 s6;
	_ =	sdelay $0x1  }
0xa2: {  	s23 =	simm.s32 $0x1B8B  }
0xa3: {  	_ =	swait.ge [sflag:s23], $0x1  }
0xa4: {  	[sflag:s23] =	ssyncset.done $0x0  }
0xa5: {  	[sflag:s23] =	ssyncadd.s32 $0xFFFFFFFF  }
0xa6: {  	s6 =	sld [smem:$0x0]  }
0xa7: {  	s7 =	sand.u32 $0xFFFFFFFE, s1  }
0xa8: {  	p0 =	sne.s32 s1, s7  }
0xa9: {  	s7 =	sshll.u32 @p0 s7, $0xE  }
0xaa: {  	s7 =	sadd.s32 @p0 $0x11B8D, s7;
	s8 =	sshll.u32 @p0 s6, $0x11  }
0xab: {  	s7 =	sor.u32 @p0 s8, s7  }
0xac: {  	[sflag:s7] =	ssyncadd.remote.s32 @p0 $0x1;
	_ =	sdelay $0x1  }
0xad: {  	s7 =	simm.s32 @p0 $0x1B8D  }
0xae: {  	_ =	swait.eq @p0 [sflag:s7], $0x1  }
0xaf: {  	[sflag:s7] =	ssyncadd.s32 @p0 $0xFFFFFFFF  }
0xb0: {  	s8 =	sshll.u32 @!p0 s1, $0xE  }
0xb1: {  	s8 =	sor.u32 @!p0 $0x4000, s8;
	s7 =	simm.s32 @!p0 $0x1B8D  }
0xb2: {  	s6 =	sshll.u32 @!p0 s6, $0x11;
	s8 =	sadd.s32 @!p0 $0x11B8D, s8;
	_ =	swait.eq @!p0 [sflag:s7], $0x1  }
0xb3: {  	s6 =	sor.u32 @!p0 s6, s8;
	[sflag:s7] =	ssyncadd.s32 @!p0 $0xFFFFFFFF  }
0xb4: {  	s25 =	simm.s32 $0x1B8E;
	s24 =	sld [smem:$0x3FFE];
	[sflag:s6] =	ssyncadd.remote.s32 @!p0 $0x1  }
0xb5: {  	s26 =	simm.s32 $execute0_lowered;
	[smem:$0x3FD2] =	sst s25  }
0xb6: {  	s7 =	sshll.u32 s26, $0x1;
	_ =	strace $0x80000049;
	[dreg:$0x1] =	wrdreg $0xFFFFFFFF  }
0xb7: {  	s28 =	simm.s32 $_size_execute0_lowered;
	s5 =	sadd.s32 s5, s7;
	[dreg:$0x0] =	wrdreg $0x0  }
0xb8: {  	s7 =	sshll.u32 s28, $0x1;
	[dreg:$0x2] =	wrdreg s5  }
0xb9: {  	[dreg:$0x3] =	wrdreg s7  }
0xba: {  	[dreg:$0x4] =	wrdreg $0xC0  }
0xbb: {  	_ =	task [dreg:s22], $0x5FFFF  }
0xbc: {  	[dreg:$0x1] =	wrdreg $0xFFFFFFFF  }
0xbd: {  	[dreg:$0x0] =	wrdreg $0x60  }
0xbe: {  	[dreg:$0x2] =	wrdreg s24  }
0xbf: {  	[dreg:$0x3] =	wrdreg s4  }
0xc0: {  	[dreg:$0x4] =	wrdreg s18  }
0xc1: {  	[dreg:$0x5] =	wrdreg $0xA8000  }
0xc2: {  	[dreg:$0x6] =	wrdreg $0xA  }
0xc3: {  	_ =	task.clear_ibuf [dreg:s22], $0x7FFFF;
	_ =	strace $0x90000049  }
0xc4: {  	s29 =	simm.s32 $0xA;
	_ =	strace $0x8000004B  }
0xc5: {  	_ =	swait.ge [sflag:s29], $0x1  }
0xc6: {  	[sflag:s29] =	ssyncadd.s32 $0xFFFFFFFF  }
0xc7: {  	_ =	strace $0x9000004B  }
0xc8: {  	_ =	sfence  }
0xc9: {  	s30 =	sld [smem:$0x0];
	_ =	sdelay $0x2  }
0xca: {  	s31 =	sshll.u32 s1, $0xD;
	s1 =	sshrl.u32 s1, $0x2  }
0xcb: {  	s4 =	sand.u32 $0x4000, s31;
	s1 =	sadd.s32 s1, s30  }
0xcc: {  	s0 =	sor.u32 s4, s0;
	s1 =	sshll.u32 s1, $0x11  }
0xcd: {  	s0 =	sor.u32 s1, s0  }
0xce: {  	s0 =	sadd.s32 $0x8F2B, s0  }
0xcf: {  	[sflag:s0] =	ssyncadd.remote.s32 $0x1  }
0xd0: {  	_ =	sfence.sel $0xFFFF  }
0xd1: {  	[dreg:$0x0] =	wrdreg $0xFFFFFFFF;
	(pc) =	sbr.abs _section_cstart, $3  }
0xd2: {  	[dreg:$0x1] =	wrdreg $0xFFFFFFFF  }
0xd3: {  	_ =	task.clear_ibuf [dreg:s22], $0x2FFFF;
	_ =	strace $0x9FFFFFFF  }
0xd4: {  	(tm) =	ssettm $0x7FFFFFFF  }
0xd5: {  	_ =	shalt  }
tec
execute0_lowered:
.L_overlay_start_1:
0x0: {  	(tag) =	ssettag $0x1  }
0x1: {  	s0 =	rddreg [dreg:$0x0]  }
0x2: {  	s1 =	rddreg [dreg:$0x1]  }
0x3: {  	s2 =	rddreg [dreg:$0x2]  }
0x4: {  	s3 =	rddreg [dreg:$0x3];
	s4 =	simm.s32 $0x0;
	s19 =	srdreg.scid  }
0x5: {  	s9 =	stileid.u32;
	[smem:$0x7FF] =	sst s4;
	s4 =	sand.u32 $0x1, s19  }
0x6: {  	s6 =	sadd.s32 $0xE00, s0;
	s7 =	sadd.s32 $0x28E00, s0;
	s8 =	sadd.s32 $0x33400, s0  }
0x7: {  	s10 =	sadd.s32 $0x173600, s0;
	_ =	strace $0x8000004A;
	[dreg:$0x5] =	wrdreg s8  }
0x8: {  	s21 =	sshll.u32 s9, $0x10;
	s0 =	sadd.s32 $0x173A00, s0;
	[dreg:$0x6] =	wrdreg s10  }
0x9: {  	s24 =	sshll.u32 s9, $0xD;
	s5 =	ssub.s32 $0x2, s4;
	[dreg:$0x9] =	wrdreg s0  }
0xa: {  	s4 =	smul.u32 $0x5, s4;
	s14 =	sadd.s32 s21, s3;
	[dreg:$0xb] =	wrdreg s24  }
0xb: {  	s22 =	sshll.u32 s9, $0x9;
	[dreg:$0x8] =	wrdreg s14  }
0xc: {  	s23 =	sor.u32 $0x80, s22;
	s8 =	sadd.s32 $0x1000, s14;
	[dreg:$0x7] =	wrdreg s4  }
0xd: {  	s0 =	sshll.u32 s23, $0x4;
	[dreg:$0xc] =	wrdreg s8  }
0xe: {  	s16 =	sadd.s32 $0x3000, s14;
	[dreg:$0xe] =	wrdreg s0  }
0xf: {  	s17 =	sadd.s32 $0x4000, s14;
	[dreg:$0x17] =	wrdreg s16  }
0x10: {  	s18 =	sadd.s32 $0x5000, s14;
	[dreg:$0x18] =	wrdreg s17  }
0x11: {  	s28 =	simm.s32 $0x5800;
	s19 =	sadd.s32 $0x6000, s14;
	[dreg:$0x19] =	wrdreg s18  }
0x12: {  	s29 =	simm.s32 $0x2;
	s21 =	sadd.s32 $0x8000, s14;
	[dreg:$0x1a] =	wrdreg s19  }
0x13: {  	s25 =	sshll.u32 s23, $0x7;
	s23 =	sadd.s32 $0xA000, s14;
	[dreg:$0x1c] =	wrdreg s21  }
0x14: {  	s30 =	sor.u32 $0x100, s22;
	s24 =	sadd.s32 $0xB000, s14;
	[dreg:$0x1e] =	wrdreg s23  }
0x15: {  	s31 =	sshll.u32 s30, $0x7;
	s26 =	sadd.s32 s25, s3;
	[dreg:$0x1f] =	wrdreg s24  }
0x16: {  	s20 =	sshrl.u32 s5, $0x1;
	s0 =	sadd.s32 s31, s3;
	[dreg:$0xd] =	wrdreg s26  }
0x17: {  	s5 =	ssub.s32 s5, s20;
	s20 =	sadd.s32 $0x7000, s14;
	[dreg:$0xf] =	wrdreg s0  }
0x18: {  	s4 =	sor.u32 $0x180, s22;
	s22 =	sadd.s32 $0x9000, s14;
	[dreg:$0x1b] =	wrdreg s20  }
0x19: {  	s12 =	smul.u32 $0x4E20, s9;
	s25 =	sadd.s32 $0xC000, s14;
	[dreg:$0x1d] =	wrdreg s22  }
0x1a: {  	s31 =	sadd.s32 $0xF000, s14;
	s19 =	simm.s32 $0x3;
	[smem:$0x7FA] =	sst s25  }
0x1b: {  	s21 =	simm.s32 $0x1000;
	s5 =	smax.u32 s5, $0x1;
	[smem:$0x7FD] =	sst s31  }
0x1c: {  	s10 =	sshll.u32 s4, $0x7;
	s4 =	sshll.u32 s4, $0x4;
	[dreg:$0xa] =	wrdreg s5  }
0x1d: {  	s8 =	sadd.s32 $0x2000, s26;
	s26 =	sadd.s32 $0xD000, s14;
	[dreg:$0x12] =	wrdreg s4  }
0x1e: {  	s23 =	simm.s32 $0x3800;
	s5 =	sshll.u32 s30, $0x4;
	[smem:$0x7FB] =	sst s26  }
0x1f: {  	s11 =	sadd.s32 $0x2000, s0;
	s0 =	sadd.s32 s10, s3;
	[dreg:$0x10] =	wrdreg s5  }
0x20: {  	s24 =	simm.s32 $0x1;
	s13 =	sshrl.u32 s8, $0x3;
	[dreg:$0x11] =	wrdreg s0  }
.Ltmp0:
0x21: {  	s15 =	sshrl.u32 s11, $0x3;
	[dreg:$0x13] =	wrdreg s13;
	(pc) =	sbr.rel .LBB2_1-.Ltmp0, $4  }
0x22: {  	s20 =	simm.s32 $0x800;
	s30 =	sadd.s32 $0xE000, s14;
	[dreg:$0x14] =	wrdreg s15  }
0x23: {  	s0 =	sadd.s32 $0x2000, s0;
	s5 =	sadd.s32 $0x2000, s14;
	[smem:$0x7FC] =	sst s30  }
0x24: {  	v0 =	vimm.s32 $0x0;
	s22 =	simm.s32 $0x1800;
	s0 =	sshrl.u32 s0, $0x3;
	[dreg:$0x16] =	wrdreg s5  }
0x25: {  	v1 =	vlaneseq.u32;
	v2 =	vimm.s32 $0x1FA4;
	v3 =	vimm.s32 $0x3E8;
	s25 =	simm.s32 $0x40;
	s4 =	simm.s32 $0x0;
	[dreg:$0x15] =	wrdreg s0  }
.LBB2_19:
0x26: {  	s4 =	sld [smem:$0x7F9];
	_ =	sdelay $0x2  }
0x27: {  	s0 =	rddreg [dreg:$0xa];
	s4 =	sadd.s32 $0x1, s4  }
0x28: {  	p0 =	sne.s32 s4, s0  }
.Ltmp1:
0x29: {  	_ = 	snop;
	(pc) =	sbr.rel @!p0 .LBB2_20-.Ltmp1, $1  }
0x2a: {  	_ =	sdelay $0x3  }
.LBB2_1:
0x2b: {  	[smem:$0x7F9] =	sst s4;
	s0 =	simm.s32 $0x0  }
.Ltmp2:
0x2c: {  	s31 =	rddreg [dreg:$0x5];
	s8 =	simm.s32 $0x9800;
	(pc) =	sbr.rel .LBB2_2-.Ltmp2, $4  }
0x2d: {  	[tilespmem:s8], [sflag:$0x3] =	stream.linear.gather [hbm4b:s31+s0], $0x1000, $0x38;
	[tilespmem:$0x1A800] =	vst v63  }
0x2e: {  	_ =	swait.ge [sflag:s19], $0x1000  }
0x2f: {  	[sflag:s19] =	ssyncset.done $0x0  }
0x30: {  	s8 =	simm.s32 $0x0;
	[sflag:s19] =	ssyncadd.s32 $0xFFFFF000  }
.LBB2_14:
0x31: {  	s14 =	rddreg [dreg:$0x8]  }
.LBB2_17:
0x32: {  	s0 =	sadd.s32 $0x1800, s4;
	[sflag:s29] =	ssyncadd.s32 @p1 $0xFFFFE000  }
0x33: {  	[tilespmem:s28], [sflag:$0x1] =	stream.indirect.gather [hbm4b:s6+s25], $0x80, s0, s25, $0xb8;
	[tilespmem:$0x1A800] =	vst v63  }
0x34: {  	_ =	swait.ge @p0 [sflag:s16], $0x2000  }
0x35: {  	s8 =	sadd.s32 @p0 $0x3800, s4;
	[sflag:s16] =	ssyncset.done @p0 $0x0  }
0x36: {  	s9 =	simm.s32 @p0 $0x40;
	s0 =	simm.s32 @p0 $0x5800;
	[sflag:s16] =	ssyncadd.s32 @p0 $0xFFFFE000  }
0x37: {  	[spmem:s3] =	stream.indirect.scatter.add.f32 @p0 [tilespmem:s0], [sflag:$0x2], $0x80, s8, s9, $0xb8;
	[tilespmem:$0x1A800] =	vst v63  }
0x38: {  	s0 =	simm.s32 @!p0 $0x1;
	s8 =	simm.s32 @!p0 $0x40;
	s9 =	simm.s32 @!p0 $0x7800  }
0x39: {  	[tilespmem:s9], [sflag:$0x1] =	stream.indirect.gather @!p0 [hbm4b:s6+s8], $0x80, s10, s8, $0xb8;
	[tilespmem:$0x1A800] =	vst v63  }
0x3a: {  	_ =	swait.ge @!p0 [sflag:s0], $0x2000  }
0x3b: {  	[sflag:s0] =	ssyncset.done @!p0 $0x0  }
0x3c: {  	s4 =	sadd.s32 @!p0 $0x3800, s4;
	s10 =	simm.s32 @!p0 $0x5800;
	[sflag:s0] =	ssyncadd.s32 @!p0 $0xFFFFE000  }
0x3d: {  	[spmem:s3] =	stream.indirect.scatter.add.f32 @!p0 [tilespmem:s10], [sflag:$0x2], $0x80, s4, s8, $0xb8;
	[tilespmem:$0x1A800] =	vst v63  }
0x3e: {  	_ =	swait.ge @!p0 [sflag:s0], $0x2000  }
0x3f: {  	[sflag:s0] =	ssyncset.done @!p0 $0x0  }
0x40: {  	[sflag:s0] =	ssyncadd.s32 @!p0 $0xFFFFE000;
	s0 =	simm.s32 @!p0 $0x2  }
0x41: {  	[spmem:s3] =	stream.indirect.scatter.add.f32 @!p0 [tilespmem:s9], [sflag:$0x2], $0x80, s5, s8, $0xb8;
	[tilespmem:$0x1A800] =	vst v63  }
0x42: {  	_ =	swait.ge @!p0 [sflag:s0], $0x2000  }
0x43: {  	[sflag:s0] =	ssyncset.done @!p0 $0x0  }
0x44: {  	[sflag:s0] =	ssyncadd.s32 @!p0 $0xFFFFE000  }
0x45: {  	_ =	swait.ge [sflag:s29], $0x2000  }
0x46: {  	[sflag:s29] =	ssyncset.done $0x0  }
0x47: {  	[sflag:s29] =	ssyncadd.s32 $0xFFFFE000  }
.LBB2_18:
0x48: {  	s0 =	sld [smem:$0x7F8];
	_ =	sdelay $0x1  }
0x49: {  	[bflag:$0x0] =	sbarrier.arrive $0xFFFF  }
0x4a: {  	s5 =	stileid.u32;
	s4 =	rddreg [dreg:$0xb];
	s0 =	sshll.u32 s0, $0x11  }
0x4b: {  	s5 =	sshll.u32 s5, $0x6;
	s10 =	rddreg [dreg:$0x6];
	s4 =	sor.u32 s0, s4  }
0x4c: {  	s9 =	sshrl.u32 s14, $0x3;
	s5 =	sor.u32 $0x1C01, s5;
	s8 =	sadd.s32 s10, s4  }
0x4d: {  	[hbm:s8], [sflag:s5] =	dma.local [spmem:s9], $0x400  }
0x4e: {  	s11 =	rddreg [dreg:$0x9]  }
0x4f: {  	s13 =	rddreg [dreg:$0x16]  }
0x50: {  	s4 =	sadd.s32 s4, s11;
	s26 =	sshrl.u32 s13, $0x3  }
0x51: {  	[hbm:s4], [sflag:s5] =	dma.local [spmem:s26], $0x400  }
0x52: {  	_ =	swait.ge [sflag:s24], $0x400  }
0x53: {  	[sflag:s24] =	ssyncset.done $0x0  }
0x54: {  	[sflag:s24] =	ssyncadd.s32 $0xFFFFFC00  }
0x55: {  	_ =	swait.ge [sflag:s24], $0x400  }
0x56: {  	s30 =	rddreg [dreg:$0xe]  }
0x57: {  	[sflag:s24] =	ssyncset.done $0x0;
	s15 =	rddreg [dreg:$0xd];
	s4 =	sor.u32 s0, s30  }
0x58: {  	[sflag:s24] =	ssyncadd.s32 $0xFFFFFC00;
	s9 =	sshrl.u32 s15, $0x3;
	s31 =	sadd.s32 s10, s4  }
0x59: {  	[hbm:s31], [sflag:s5] =	dma.local [spmem:s9], $0x400  }
0x5a: {  	s4 =	sadd.s32 s4, s11;
	s8 =	rddreg [dreg:$0x13]  }
0x5b: {  	[hbm:s4], [sflag:s5] =	dma.local [spmem:s8], $0x400  }
0x5c: {  	_ =	swait.ge [sflag:s24], $0x400  }
0x5d: {  	[sflag:s24] =	ssyncset.done $0x0  }
0x5e: {  	[sflag:s24] =	ssyncadd.s32 $0xFFFFFC00  }
0x5f: {  	_ =	swait.ge [sflag:s24], $0x400  }
0x60: {  	s16 =	rddreg [dreg:$0x10]  }
0x61: {  	[sflag:s24] =	ssyncset.done $0x0;
	s18 =	rddreg [dreg:$0xf];
	s4 =	sor.u32 s0, s16  }
0x62: {  	[sflag:s24] =	ssyncadd.s32 $0xFFFFFC00;
	s9 =	sshrl.u32 s18, $0x3;
	s17 =	sadd.s32 s10, s4  }
0x63: {  	[hbm:s17], [sflag:s5] =	dma.local [spmem:s9], $0x400  }
0x64: {  	s4 =	sadd.s32 s4, s11;
	s8 =	rddreg [dreg:$0x14]  }
0x65: {  	[hbm:s4], [sflag:s5] =	dma.local [spmem:s8], $0x400  }
0x66: {  	_ =	swait.ge [sflag:s24], $0x400  }
0x67: {  	[sflag:s24] =	ssyncset.done $0x0  }
0x68: {  	[sflag:s24] =	ssyncadd.s32 $0xFFFFFC00  }
0x69: {  	_ =	swait.ge [sflag:s24], $0x400  }
0x6a: {  	s26 =	rddreg [dreg:$0x12]  }
0x6b: {  	[sflag:s24] =	ssyncset.done $0x0;
	s30 =	rddreg [dreg:$0x11];
	s0 =	sor.u32 s0, s26  }
0x6c: {  	[sflag:s24] =	ssyncadd.s32 $0xFFFFFC00;
	s8 =	sshrl.u32 s30, $0x3;
	s4 =	sadd.s32 s10, s0  }
0x6d: {  	[hbm:s4], [sflag:s5] =	dma.local [spmem:s8], $0x400  }
0x6e: {  	s0 =	sadd.s32 s0, s11;
	s4 =	rddreg [dreg:$0x15]  }
0x6f: {  	[hbm:s0], [sflag:s5] =	dma.local [spmem:s4], $0x400  }
0x70: {  	_ =	swait.ge [sflag:s24], $0x400  }
0x71: {  	[sflag:s24] =	ssyncset.done $0x0  }
0x72: {  	[sflag:s24] =	ssyncadd.s32 $0xFFFFFC00  }
0x73: {  	_ =	swait.ge [sflag:s24], $0x400  }
0x74: {  	s31 =	sld [smem:$0x7F7];
	_ =	sdelay $0x2  }
0x75: {  	s8 =	sadd.s32 $0x1, s31  }
0x76: {  	p0 =	sne.s32 s8, $0x5  }
.Ltmp3:
0x77: {  	_ = 	snop;
	(pc) =	sbr.rel @!p0 .LBB2_19-.Ltmp3, $3  }
0x78: {  	_ =	sdelay $0x1  }
0x79: {  	[sflag:s24] =	ssyncset.done $0x0  }
0x7a: {  	s5 =	smov.u32 s13;
	[sflag:s24] =	ssyncadd.s32 $0xFFFFFC00  }
.LBB2_2:
0x7b: {  	s4 =	simm.s32 $0x9800  }
0x7c: {  	[spmem:s14] =	stream.linear.scatter [tilespmem:s4], [sflag:$0x3], $0x1000, $0x38;
	[tilespmem:$0x1A800] =	vst v63  }
0x7d: {  	_ =	swait.ge [sflag:s19], $0x1000  }
0x7e: {  	[sflag:s19] =	ssyncset.done $0x0  }
0x7f: {  	s0 =	rddreg [dreg:$0xc];
	[sflag:s19] =	ssyncadd.s32 $0xFFFFF000  }
0x80: {  	[spmem:s0] =	stream.linear.scatter [tilespmem:s4], [sflag:$0x3], $0x1000, $0x38;
	[tilespmem:$0x1A800] =	vst v63  }
0x81: {  	_ =	swait.ge [sflag:s19], $0x1000  }
0x82: {  	[sflag:s19] =	ssyncset.done $0x0  }
0x83: {  	[sflag:s19] =	ssyncadd.s32 $0xFFFFF000  }
0x84: {  	[spmem:s5] =	stream.linear.scatter [tilespmem:s4], [sflag:$0x3], $0x1000, $0x38;
	[tilespmem:$0x1A800] =	vst v63  }
0x85: {  	_ =	swait.ge [sflag:s19], $0x1000  }
0x86: {  	[sflag:s19] =	ssyncset.done $0x0  }
0x87: {  	s30 =	rddreg [dreg:$0x17];
	[sflag:s19] =	ssyncadd.s32 $0xFFFFF000  }
0x88: {  	[spmem:s30] =	stream.linear.scatter [tilespmem:s4], [sflag:$0x3], $0x1000, $0x38;
	[tilespmem:$0x1A800] =	vst v63  }
0x89: {  	_ =	swait.ge [sflag:s19], $0x1000  }
0x8a: {  	[sflag:s19] =	ssyncset.done $0x0  }
0x8b: {  	s31 =	rddreg [dreg:$0x18];
	[sflag:s19] =	ssyncadd.s32 $0xFFFFF000  }
0x8c: {  	[spmem:s31] =	stream.linear.scatter [tilespmem:s4], [sflag:$0x3], $0x1000, $0x38;
	[tilespmem:$0x1A800] =	vst v63  }
0x8d: {  	_ =	swait.ge [sflag:s19], $0x1000  }
0x8e: {  	[sflag:s19] =	ssyncset.done $0x0  }
0x8f: {  	s5 =	rddreg [dreg:$0x19];
	[sflag:s19] =	ssyncadd.s32 $0xFFFFF000  }
0x90: {  	[spmem:s5] =	stream.linear.scatter [tilespmem:s4], [sflag:$0x3], $0x1000, $0x38;
	[tilespmem:$0x1A800] =	vst v63  }
0x91: {  	_ =	swait.ge [sflag:s19], $0x1000  }
0x92: {  	[sflag:s19] =	ssyncset.done $0x0  }
0x93: {  	s9 =	rddreg [dreg:$0x1a];
	[sflag:s19] =	ssyncadd.s32 $0xFFFFF000  }
0x94: {  	[spmem:s9] =	stream.linear.scatter [tilespmem:s4], [sflag:$0x3], $0x1000, $0x38;
	[tilespmem:$0x1A800] =	vst v63  }
0x95: {  	_ =	swait.ge [sflag:s19], $0x1000  }
0x96: {  	[sflag:s19] =	ssyncset.done $0x0  }
0x97: {  	s10 =	rddreg [dreg:$0x1b];
	[sflag:s19] =	ssyncadd.s32 $0xFFFFF000  }
0x98: {  	[spmem:s10] =	stream.linear.scatter [tilespmem:s4], [sflag:$0x3], $0x1000, $0x38;
	[tilespmem:$0x1A800] =	vst v63  }
0x99: {  	_ =	swait.ge [sflag:s19], $0x1000  }
0x9a: {  	[sflag:s19] =	ssyncset.done $0x0  }
0x9b: {  	s11 =	rddreg [dreg:$0x1c];
	[sflag:s19] =	ssyncadd.s32 $0xFFFFF000  }
0x9c: {  	[spmem:s11] =	stream.linear.scatter [tilespmem:s4], [sflag:$0x3], $0x1000, $0x38;
	[tilespmem:$0x1A800] =	vst v63  }
0x9d: {  	_ =	swait.ge [sflag:s19], $0x1000  }
0x9e: {  	[sflag:s19] =	ssyncset.done $0x0  }
0x9f: {  	s13 =	rddreg [dreg:$0x1d];
	[sflag:s19] =	ssyncadd.s32 $0xFFFFF000  }
0xa0: {  	[spmem:s13] =	stream.linear.scatter [tilespmem:s4], [sflag:$0x3], $0x1000, $0x38;
	[tilespmem:$0x1A800] =	vst v63  }
0xa1: {  	_ =	swait.ge [sflag:s19], $0x1000  }
0xa2: {  	[sflag:s19] =	ssyncset.done $0x0  }
0xa3: {  	s14 =	rddreg [dreg:$0x1e];
	[sflag:s19] =	ssyncadd.s32 $0xFFFFF000  }
0xa4: {  	[spmem:s14] =	stream.linear.scatter [tilespmem:s4], [sflag:$0x3], $0x1000, $0x38;
	[tilespmem:$0x1A800] =	vst v63  }
0xa5: {  	_ =	swait.ge [sflag:s19], $0x1000  }
0xa6: {  	[sflag:s19] =	ssyncset.done $0x0  }
0xa7: {  	s15 =	rddreg [dreg:$0x1f];
	[sflag:s19] =	ssyncadd.s32 $0xFFFFF000  }
0xa8: {  	[spmem:s15] =	stream.linear.scatter [tilespmem:s4], [sflag:$0x3], $0x1000, $0x38;
	[tilespmem:$0x1A800] =	vst v63  }
0xa9: {  	_ =	swait.ge [sflag:s19], $0x1000  }
0xaa: {  	s16 =	sld [smem:$0x7FA]  }
0xab: {  	[sflag:s19] =	ssyncset.done $0x0  }
0xac: {  	[sflag:s19] =	ssyncadd.s32 $0xFFFFF000  }
0xad: {  	[spmem:s16] =	stream.linear.scatter [tilespmem:s4], [sflag:$0x3], $0x1000, $0x38;
	[tilespmem:$0x1A800] =	vst v63  }
0xae: {  	_ =	swait.ge [sflag:s19], $0x1000  }
0xaf: {  	s17 =	sld [smem:$0x7FB]  }
0xb0: {  	[sflag:s19] =	ssyncset.done $0x0  }
0xb1: {  	[sflag:s19] =	ssyncadd.s32 $0xFFFFF000  }
0xb2: {  	[spmem:s17] =	stream.linear.scatter [tilespmem:s4], [sflag:$0x3], $0x1000, $0x38;
	[tilespmem:$0x1A800] =	vst v63  }
0xb3: {  	_ =	swait.ge [sflag:s19], $0x1000  }
0xb4: {  	s18 =	sld [smem:$0x7FC]  }
0xb5: {  	[sflag:s19] =	ssyncset.done $0x0  }
0xb6: {  	[sflag:s19] =	ssyncadd.s32 $0xFFFFF000  }
0xb7: {  	[spmem:s18] =	stream.linear.scatter [tilespmem:s4], [sflag:$0x3], $0x1000, $0x38;
	[tilespmem:$0x1A800] =	vst v63  }
0xb8: {  	_ =	swait.ge [sflag:s19], $0x1000  }
0xb9: {  	s26 =	sld [smem:$0x7FD]  }
0xba: {  	[sflag:s19] =	ssyncset.done $0x0  }
0xbb: {  	[sflag:s19] =	ssyncadd.s32 $0xFFFFF000  }
0xbc: {  	[spmem:s26] =	stream.linear.scatter [tilespmem:s4], [sflag:$0x3], $0x1000, $0x38;
	[tilespmem:$0x1A800] =	vst v63  }
0xbd: {  	_ =	swait.ge [sflag:s19], $0x1000  }
.Ltmp4:
0xbe: {  	s30 =	rddreg [dreg:$0x7];
	(pc) =	sbr.rel .LBB2_3-.Ltmp4, $4  }
0xbf: {  	[sflag:s19] =	ssyncset.done $0x0;
	[smem:$0x7F7] =	sst s8;
	s0 =	sadd.s32 s30, s8  }
0xc0: {  	[sflag:s19] =	ssyncadd.s32 $0xFFFFF000;
	[smem:$0x7F8] =	sst s0;
	s31 =	smul.u32 $0x3E8, s0  }
0xc1: {  	s5 =	simm.s32 $0x0;
	[bflag:$0x0] =	sbarrier.arrive $0xFFFF  }
0xc2: {  	v5 =	vimm.s32 $0x0;
	s4 =	simm.s32 $0x0;
	s8 =	simm.s32 $0x0;
	s0 =	simm.s32 $0x0;
	v4 =	vmov s31  }
.LBB2_9:
0xc3: {  	s9 =	sadd.s32 $0x1800, s5;
	[sflag:s29] =	ssyncadd.s32 @p1 $0xFFFFE000  }
0xc4: {  	[tilespmem:s28], [sflag:$0x1] =	stream.indirect.gather [hbm4b:s6+s25], $0x80, s9, s25, $0xb8;
	[tilespmem:$0x1A800] =	vst v63  }
0xc5: {  	_ =	swait.ge @p0 [sflag:s31], $0x2000  }
0xc6: {  	s11 =	sadd.s32 @p0 $0x3800, s5;
	[sflag:s31] =	ssyncset.done @p0 $0x0  }
0xc7: {  	s13 =	simm.s32 @p0 $0x40;
	s9 =	simm.s32 @p0 $0x5800;
	[sflag:s31] =	ssyncadd.s32 @p0 $0xFFFFE000  }
0xc8: {  	[spmem:s3] =	stream.indirect.scatter.add.f32 @p0 [tilespmem:s9], [sflag:$0x2], $0x80, s11, s13, $0xb8;
	[tilespmem:$0x1A800] =	vst v63  }
0xc9: {  	s9 =	simm.s32 @!p0 $0x1;
	s11 =	simm.s32 @!p0 $0x40;
	s13 =	simm.s32 @!p0 $0x7800  }
0xca: {  	[tilespmem:s13], [sflag:$0x1] =	stream.indirect.gather @!p0 [hbm4b:s6+s11], $0x80, s16, s11, $0xb8;
	[tilespmem:$0x1A800] =	vst v63  }
0xcb: {  	_ =	swait.ge @!p0 [sflag:s9], $0x2000  }
0xcc: {  	[sflag:s9] =	ssyncset.done @!p0 $0x0  }
0xcd: {  	s5 =	sadd.s32 @!p0 $0x3800, s5;
	s15 =	simm.s32 @!p0 $0x5800;
	[sflag:s9] =	ssyncadd.s32 @!p0 $0xFFFFE000  }
0xce: {  	[spmem:s3] =	stream.indirect.scatter.add.f32 @!p0 [tilespmem:s15], [sflag:$0x2], $0x80, s5, s11, $0xb8;
	[tilespmem:$0x1A800] =	vst v63  }
0xcf: {  	_ =	swait.ge @!p0 [sflag:s9], $0x2000  }
0xd0: {  	[sflag:s9] =	ssyncset.done @!p0 $0x0  }
0xd1: {  	s5 =	simm.s32 @!p0 $0x2;
	[sflag:s9] =	ssyncadd.s32 @!p0 $0xFFFFE000  }
0xd2: {  	[spmem:s3] =	stream.indirect.scatter.add.f32 @!p0 [tilespmem:s13], [sflag:$0x2], $0x80, s10, s11, $0xb8;
	[tilespmem:$0x1A800] =	vst v63  }
0xd3: {  	_ =	swait.ge @!p0 [sflag:s5], $0x2000  }
0xd4: {  	[sflag:s5] =	ssyncset.done @!p0 $0x0  }
0xd5: {  	[sflag:s5] =	ssyncadd.s32 @!p0 $0xFFFFE000  }
0xd6: {  	_ =	swait.ge [sflag:s29], $0x2000  }
0xd7: {  	[sflag:s29] =	ssyncset.done $0x0  }
0xd8: {  	[sflag:s29] =	ssyncadd.s32 $0xFFFFE000  }
.LBB2_10:
0xd9: {  	s4 =	sadd.s32 $0x1, s4  }
0xda: {  	p0 =	sne.s32 s4, $0xA  }
.Ltmp5:
0xdb: {  	_ = 	snop;
	(pc) =	sbr.rel @!p0 .LBB2_11-.Ltmp5, $2  }
0xdc: {  	_ =	sdelay $0x2  }
0xdd: {  	s5 =	ssub.s32 $0x0, s8  }
.LBB2_3:
0xde: {  	s9 =	smul.u32 $0x7D0, s4;
	_ =	sdelay $0x1  }
0xdf: {  	s9 =	sadd.s32 s12, s9  }
0xe0: {  	s9 =	sshrl.u32 s9, $0x3  }
0xe1: {  	s10 =	sadd.s32 s7, s9  }
0xe2: {  	[tilespmem:s0], [sflag:$0x3] =	stream.linear.gather [hbm4b:s10+s0], $0x7D0, $0x38;
	[tilespmem:$0x1A800] =	vst v63  }
0xe3: {  	_ =	swait.ge [sflag:s19], $0x7D0  }
0xe4: {  	[sflag:s19] =	ssyncset.done $0x0  }
0xe5: {  	s31 =	sadd.s32 s1, s9;
	[sflag:s19] =	ssyncadd.s32 $0xFFFFF830  }
0xe6: {  	[tilespmem:s20], [sflag:$0x3] =	stream.linear.gather [hbm4b:s31+s0], $0x7D0, $0x38;
	[tilespmem:$0x1A800] =	vst v63  }
0xe7: {  	_ =	swait.ge [sflag:s19], $0x7D0  }
0xe8: {  	[sflag:s19] =	ssyncset.done $0x0  }
0xe9: {  	s9 =	sadd.s32 s2, s9;
	[sflag:s19] =	ssyncadd.s32 $0xFFFFF830  }
0xea: {  	[tilespmem:s21], [sflag:$0x3] =	stream.linear.gather [hbm4b:s9+s0], $0x7D0, $0x38;
	[tilespmem:$0x1A800] =	vst v63  }
0xeb: {  	_ =	swait.ge [sflag:s19], $0x7D0  }
0xec: {  	[sflag:s19] =	ssyncset.done $0x0  }
0xed: {  	s10 =	smov.u32 s8;
	s8 =	simm.s32 $0x0;
	[sflag:s19] =	ssyncadd.s32 $0xFFFFF830  }
.LBB2_4:
0xee: {  	s14 =	sshra.s32 s8, $0x2  }
0xef: {  	v6 =	vld [tilespmem:s14+$0x800];
	_ =	sdelay $0x4  }
0xf0: {  	v6 =	vsub.s32 v6, v4  }
0xf1: {  	vm0 =	vlt.u32 v6, $0x3E8  }
0xf2: {  	v7 =	vsel vm0, $0x1, v0  }
0xf3: {  	(xrf0) =	vadd.scan.msk.s32 $0xffff, v7;
	_ =	sdelay $0x5  }
0xf4: {  	v7, _, _ =	vpop (xrf0)  }
0xf5: {  	v7 =	vadd.s32 v7, v5  }
0xf6: {  	v7 =	vadd.s32 $0xFFFFFFFF, v7  }
0xf7: {  	v8 =	vshll.u32 v7, $0x1  }
0xf8: {  	v9 =	vld [tilespmem:s14+$0x0];
	v7 =	vand.u32 $0x3F, v7;
	v8 =	vand.u32 $0x1F80, v8  }
0xf9: {  	v10 =	vld [tilespmem:s14+$0x1000];
	v7 =	vor.u32 v7, v8;
	_ =	sdelay $0x3  }
0xfa: {  	v6 =	vshll.u32 v6, $0x3  }
0xfb: {  	v6 =	vadd.s32 v10, v6;
	[tilespmem:v7+s22+$0x0] =	vst.idx.msk vm0, v9  }
0xfc: {  	[tilespmem:v7+s23+$0x0] =	vst.idx.msk vm0, v6  }
0xfd: {  	v6 =	vld [tilespmem:s14+$0x810];
	_ =	sdelay $0x4  }
0xfe: {  	v6 =	vsub.s32 v6, v4  }
0xff: {  	vm1 =	vlt.u32 v6, $0x3E8  }
0x100: {  	v7 =	vsel vm1, $0x1, v0  }
0x101: {  	(xrf0) =	vadd.scan.msk.s32 $0xffff, v7;
	_ =	sdelay $0x1  }
0x102: {  	v7 =	vmpcnt.ones.xlane vm0;
	_ =	sdelay $0x3  }
0x103: {  	v5 =	vadd.s32 v5, v7;
	v7, _, _ =	vpop (xrf0)  }
0x104: {  	v7 =	vadd.s32 v7, v5  }
0x105: {  	v7 =	vadd.s32 $0xFFFFFFFF, v7  }
0x106: {  	v55 =	vshll.u32 v7, $0x1  }
0x107: {  	v9 =	vld [tilespmem:s14+$0x10];
	v7 =	vand.u32 $0x3F, v7;
	v8 =	vand.u32 $0x1F80, v55  }
0x108: {  	v56 =	vld [tilespmem:s14+$0x1010];
	v7 =	vor.u32 v7, v8;
	_ =	sdelay $0x3  }
0x109: {  	v6 =	vshll.u32 v6, $0x3  }
0x10a: {  	v6 =	vadd.s32 v56, v6;
	[tilespmem:v7+s22+$0x0] =	vst.idx.msk vm1, v9  }
0x10b: {  	[tilespmem:v7+s23+$0x0] =	vst.idx.msk vm1, v6  }
0x10c: {  	v6 =	vld [tilespmem:s14+$0x820];
	_ =	sdelay $0x4  }
0x10d: {  	v6 =	vsub.s32 v6, v4  }
0x10e: {  	vm13 =	vlt.u32 v6, $0x3E8  }
0x10f: {  	v7 =	vsel vm13, $0x1, v0  }
0x110: {  	(xrf0) =	vadd.scan.msk.s32 $0xffff, v7;
	_ =	sdelay $0x1  }
0x111: {  	v7 =	vmpcnt.ones.xlane vm1;
	_ =	sdelay $0x3  }
0x112: {  	v5 =	vadd.s32 v5, v7;
	v7, _, _ =	vpop (xrf0)  }
0x113: {  	v7 =	vadd.s32 v7, v5  }
0x114: {  	v7 =	vadd.s32 $0xFFFFFFFF, v7  }
0x115: {  	v57 =	vshll.u32 v7, $0x1  }
0x116: {  	v9 =	vld [tilespmem:s14+$0x20];
	v7 =	vand.u32 $0x3F, v7;
	v8 =	vand.u32 $0x1F80, v57  }
0x117: {  	v58 =	vld [tilespmem:s14+$0x1020];
	v7 =	vor.u32 v7, v8;
	_ =	sdelay $0x3  }
0x118: {  	v6 =	vshll.u32 v6, $0x3  }
0x119: {  	v6 =	vadd.s32 v58, v6;
	[tilespmem:v7+s22+$0x0] =	vst.idx.msk vm13, v9  }
0x11a: {  	[tilespmem:v7+s23+$0x0] =	vst.idx.msk vm13, v6  }
0x11b: {  	v6 =	vld [tilespmem:s14+$0x830];
	_ =	sdelay $0x4  }
0x11c: {  	v6 =	vsub.s32 v6, v4  }
0x11d: {  	vm14 =	vlt.u32 v6, $0x3E8  }
0x11e: {  	v7 =	vsel vm14, $0x1, v0  }
0x11f: {  	(xrf0) =	vadd.scan.msk.s32 $0xffff, v7;
	_ =	sdelay $0x1  }
0x120: {  	v7 =	vmpcnt.ones.xlane vm13;
	_ =	sdelay $0x3  }
0x121: {  	v5 =	vadd.s32 v5, v7;
	v7, _, _ =	vpop (xrf0)  }
0x122: {  	v7 =	vadd.s32 v7, v5  }
0x123: {  	v7 =	vadd.s32 $0xFFFFFFFF, v7  }
0x124: {  	v59 =	vshll.u32 v7, $0x1  }
0x125: {  	v9 =	vld [tilespmem:s14+$0x30];
	v7 =	vand.u32 $0x3F, v7;
	v8 =	vand.u32 $0x1F80, v59  }
0x126: {  	v60 =	vld [tilespmem:s14+$0x1030];
	v7 =	vor.u32 v7, v8;
	_ =	sdelay $0x3  }
0x127: {  	v6 =	vshll.u32 v6, $0x3  }
0x128: {  	v6 =	vadd.s32 v60, v6;
	[tilespmem:v7+s22+$0x0] =	vst.idx.msk vm14, v9  }
0x129: {  	[tilespmem:v7+s23+$0x0] =	vst.idx.msk vm14, v6  }
0x12a: {  	v6 =	vld [tilespmem:s14+$0x840];
	_ =	sdelay $0x4  }
0x12b: {  	v6 =	vsub.s32 v6, v4  }
0x12c: {  	vm15 =	vlt.u32 v6, $0x3E8  }
0x12d: {  	v7 =	vsel vm15, $0x1, v0  }
0x12e: {  	(xrf0) =	vadd.scan.msk.s32 $0xffff, v7;
	_ =	sdelay $0x1  }
0x12f: {  	v7 =	vmpcnt.ones.xlane vm14;
	_ =	sdelay $0x3  }
0x130: {  	v5 =	vadd.s32 v5, v7;
	v7, _, _ =	vpop (xrf0)  }
0x131: {  	v7 =	vadd.s32 v7, v5  }
0x132: {  	v7 =	vadd.s32 $0xFFFFFFFF, v7  }
0x133: {  	v61 =	vshll.u32 v7, $0x1  }
0x134: {  	v9 =	vld [tilespmem:s14+$0x40];
	v7 =	vand.u32 $0x3F, v7;
	v8 =	vand.u32 $0x1F80, v61  }
0x135: {  	v62 =	vld [tilespmem:s14+$0x1040];
	v7 =	vor.u32 v7, v8  }
0x136: {  	p0 =	sne.s32 s8, $0x1E00  }
.Ltmp6:
0x137: {  	_ = 	snop;
	(pc) =	sbr.rel @p0 .LBB2_4-.Ltmp6, $4  }
0x138: {  	_ = 	snop  }
0x139: {  	v6 =	vshll.u32 v6, $0x3;
	v63 =	vmpcnt.ones.xlane vm15  }
0x13a: {  	v6 =	vadd.s32 v62, v6;
	[tilespmem:v7+s22+$0x0] =	vst.idx.msk vm15, v9  }
0x13b: {  	s8 =	sadd.s32 $0x140, s8;
	v5 =	vadd.s32 v5, v63;
	[tilespmem:v7+s23+$0x0] =	vst.idx.msk vm15, v6  }
0x13c: {  	v6 =	vxor.u32 $0x80000000, v5  }
0x13d: {  	(xrf0) =	vmax.scan.msk.u32 $0xffff, v6;
	_ =	sdelay $0x5  }
0x13e: {  	v6, _, _ =	vpop (xrf0)  }
0x13f: {  	(v2sf) =	vpush v6, $0xF;
	_ =	sdelay $0xe  }
0x140: {  	s14 =	spop (v2sf)  }
0x141: {  	s8 =	sshrl.u32 s14, $0x6  }
0x142: {  	s8 =	sxor.u32 $0x2000000, s8  }
0x143: {  	s5 =	sadd.s32 s8, s5  }
0x144: {  	s5 =	sadd.s32 $0x1, s5  }
0x145: {  	s5 =	sshrl.u32 s5, $0x1  }
0x146: {  	p0 =	seq.s32 s5, $0x0  }
.Ltmp7:
0x147: {  	_ = 	snop;
	(pc) =	sbr.rel @p0 .LBB2_10-.Ltmp7, $1  }
0x148: {  	_ =	sdelay $0x3  }
0x149: {  	s9 =	sshll.u32 s10, $0x9;
	s17 =	sadd.s32 $0x1, s10  }
0x14a: {  	s9 =	sadd.s32 $0x200, s9;
	p0 =	sge.s32 s17, s8  }
0x14b: {  	s11 =	sshrl.u32 @!p0 s9, $0x2  }
0x14c: {  	s15 =	sand.u32 @!p0 $0x1F80, s11;
	s11 =	sshll.u32 s10, $0x7  }
0x14d: {  	s16 =	sadd.s32 @!p0 $0x1800, s15;
	s10 =	sadd.s32 @!p0 $0x3800, s15;
	s15 =	sadd.s32 $0xFFFFFFFF, s5  }
0x14e: {  	p2 =	sne.s32 s15, $0x0  }
.Ltmp8:
0x14f: {  	_ = 	snop;
	(pc) =	sbr.rel @!p2 .LBB2_9-.Ltmp8, $3  }
0x150: {  	_ =	sdelay $0x1  }
0x151: {  	p1 =	por $0x0, $0x0;
	s26 =	sadd.s32 $0x2, s17;
	p0 =	por p0, p0  }
0x152: {  	s9 =	sadd.s32 $0x400, s9;
	s5 =	sand.u32 $0x1F80, s11;
	s31 =	simm.s32 @p0 $0x1  }
0x153: {  	s17 =	sadd.s32 $0x1800, s5  }
0x154: {  	[tilespmem:s28], [sflag:$0x1] =	stream.indirect.gather [hbm4b:s6+s25], $0x80, s17, s25, $0xb8;
	[tilespmem:$0x1A800] =	vst v63  }
0x155: {  	_ =	swait.ge @p0 [sflag:s31], $0x2000  }
0x156: {  	s13 =	simm.s32 @p0 $0x40;
	[sflag:s31] =	ssyncset.done @p0 $0x0  }
0x157: {  	s17 =	simm.s32 @p0 $0x5800;
	[sflag:s31] =	ssyncadd.s32 @p0 $0xFFFFE000;
	s31 =	sadd.s32 @p0 $0x3800, s5  }
0x158: {  	[spmem:s3] =	stream.indirect.scatter.add.f32 @p0 [tilespmem:s17], [sflag:$0x2], $0x80, s31, s13, $0xb8;
	[tilespmem:$0x1A800] =	vst v63  }
0x159: {  	s13 =	simm.s32 @!p0 $0x1;
	s17 =	simm.s32 @!p0 $0x40;
	s31 =	simm.s32 @!p0 $0x7800  }
0x15a: {  	[tilespmem:s31], [sflag:$0x1] =	stream.indirect.gather @!p0 [hbm4b:s6+s17], $0x80, s16, s17, $0xb8;
	[tilespmem:$0x1A800] =	vst v63  }
0x15b: {  	_ =	swait.ge @!p0 [sflag:s13], $0x2000  }
0x15c: {  	[sflag:s13] =	ssyncset.done @!p0 $0x0  }
0x15d: {  	s5 =	sadd.s32 @!p0 $0x3800, s5;
	s16 =	simm.s32 @!p0 $0x5800;
	[sflag:s13] =	ssyncadd.s32 @!p0 $0xFFFFE000  }
0x15e: {  	[spmem:s3] =	stream.indirect.scatter.add.f32 @!p0 [tilespmem:s16], [sflag:$0x2], $0x80, s5, s17, $0xb8;
	[tilespmem:$0x1A800] =	vst v63  }
0x15f: {  	_ =	swait.ge @!p0 [sflag:s13], $0x2000  }
0x160: {  	p1 =	sge.s32 s26, s8;
	[sflag:s13] =	ssyncset.done @!p0 $0x0  }
0x161: {  	s15 =	sadd.s32 $0xFFFFFFFF, s15;
	s26 =	sadd.s32 $0x2, s26;
	[sflag:s13] =	ssyncadd.s32 @!p0 $0xFFFFE000  }
0x162: {  	[spmem:s3] =	stream.indirect.scatter.add.f32 @!p0 [tilespmem:s31], [sflag:$0x2], $0x80, s10, s17, $0xb8;
	[tilespmem:$0x1A800] =	vst v63  }
0x163: {  	p2 =	sne.s32 s15, $0x0;
	s5 =	simm.s32 @!p0 $0x2;
	s10 =	sshrl.u32 @!p1 s9, $0x2  }
.Ltmp9:
0x164: {  	s17 =	sadd.s32 $0x100, s11;
	_ =	swait.ge @!p0 [sflag:s5], $0x2000;
	(pc) =	sbr.rel @!p2 .LBB2_9-.Ltmp9, $4  }
0x165: {  	s11 =	sadd.s32 $0x400, s9;
	s10 =	sand.u32 @!p1 $0x1F80, s10;
	[sflag:s5] =	ssyncset.done @!p0 $0x0  }
0x166: {  	s16 =	sadd.s32 @!p1 $0x1800, s10;
	s10 =	sadd.s32 @!p1 $0x3800, s10;
	[sflag:s5] =	ssyncadd.s32 @!p0 $0xFFFFE000  }
0x167: {  	p0 =	por p1, p1;
	s5 =	sand.u32 $0x1F80, s17;
	_ =	swait.ge [sflag:s29], $0x2000  }
0x168: {  	p1 =	por $0x1, $0x1;
	s31 =	simm.s32 @p0 $0x1;
	[sflag:s29] =	ssyncset.done $0x0  }
.LBB2_8:
0x169: {  	p2 =	sge.s32 s26, s8;
	s9 =	sadd.s32 $0x1800, s5;
	[sflag:s29] =	ssyncadd.s32 $0xFFFFE000  }
0x16a: {  	[tilespmem:s28], [sflag:$0x1] =	stream.indirect.gather [hbm4b:s6+s25], $0x80, s9, s25, $0xb8;
	[tilespmem:$0x1A800] =	vst v63  }
0x16b: {  	s13 =	simm.s32 @!p0 $0x1;
	s9 =	sshrl.u32 @!p2 s11, $0x2;
	_ =	swait.ge @p0 [sflag:s31], $0x2000  }
0x16c: {  	s18 =	simm.s32 @p0 $0x5800;
	s9 =	sand.u32 @!p2 $0x1F80, s9;
	[sflag:s31] =	ssyncset.done @p0 $0x0  }
0x16d: {  	s30 =	simm.s32 @p0 $0x40;
	[sflag:s31] =	ssyncadd.s32 @p0 $0xFFFFE000;
	s31 =	sadd.s32 @p0 $0x3800, s5  }
0x16e: {  	[spmem:s3] =	stream.indirect.scatter.add.f32 @p0 [tilespmem:s18], [sflag:$0x2], $0x80, s31, s30, $0xb8;
	[tilespmem:$0x1A800] =	vst v63  }
0x16f: {  	s18 =	sadd.s32 @!p2 $0x1800, s9;
	s30 =	simm.s32 @!p0 $0x40;
	s31 =	simm.s32 @!p0 $0x7800  }
0x170: {  	[tilespmem:s31], [sflag:$0x1] =	stream.indirect.gather @!p0 [hbm4b:s6+s30], $0x80, s16, s30, $0xb8;
	[tilespmem:$0x1A800] =	vst v63  }
0x171: {  	s15 =	sadd.s32 $0xFFFFFFFF, s15;
	s9 =	sadd.s32 @!p2 $0x3800, s9;
	_ =	swait.ge @!p0 [sflag:s13], $0x2000  }
0x172: {  	p3 =	sne.s32 s15, $0x0;
	s16 =	smov.u32 s18;
	[sflag:s13] =	ssyncset.done @!p0 $0x0  }
0x173: {  	s5 =	sadd.s32 @!p0 $0x3800, s5;
	s18 =	simm.s32 @!p0 $0x5800;
	[sflag:s13] =	ssyncadd.s32 @!p0 $0xFFFFE000  }
0x174: {  	[spmem:s3] =	stream.indirect.scatter.add.f32 @!p0 [tilespmem:s18], [sflag:$0x2], $0x80, s5, s30, $0xb8;
	[tilespmem:$0x1A800] =	vst v63  }
0x175: {  	_ =	swait.ge @!p0 [sflag:s13], $0x2000  }
0x176: {  	[sflag:s13] =	ssyncset.done @!p0 $0x0  }
0x177: {  	s5 =	simm.s32 @!p0 $0x2;
	[sflag:s13] =	ssyncadd.s32 @!p0 $0xFFFFE000  }
0x178: {  	[spmem:s3] =	stream.indirect.scatter.add.f32 @!p0 [tilespmem:s31], [sflag:$0x2], $0x80, s10, s30, $0xb8;
	[tilespmem:$0x1A800] =	vst v63  }
.Ltmp10:
0x179: {  	s10 =	smov.u32 s9;
	_ =	swait.ge @!p0 [sflag:s5], $0x2000;
	(pc) =	sbr.rel @p3 .LBB2_8-.Ltmp10, $4  }
0x17a: {  	[sflag:s5] =	ssyncset.done @!p0 $0x0  }
0x17b: {  	s17 =	sadd.s32 $0x100, s17;
	[sflag:s5] =	ssyncadd.s32 @!p0 $0xFFFFE000;
	p0 =	por p2, p2  }
0x17c: {  	s11 =	sadd.s32 $0x400, s11;
	s31 =	simm.s32 @p0 $0x1;
	_ =	swait.ge [sflag:s29], $0x2000  }
0x17d: {  	s26 =	sadd.s32 $0x2, s26;
	s5 =	sand.u32 $0x1F80, s17;
	[sflag:s29] =	ssyncset.done $0x0  }
.Ltmp11:
0x17e: {  	_ = 	snop;
	(pc) =	sbr.rel .LBB2_9-.Ltmp11, $1  }
0x17f: {  	_ =	sdelay $0x3  }
.LBB2_11:
0x180: {  	s0 =	sxor.u32 $0x80000000, s14  }
0x181: {  	s4 =	sadd.s32 $0x8000003F, s14;
	s26 =	sadd.s32 $0x80000010, s14;
	v4 =	vadd.s32 s0, v1  }
0x182: {  	s5 =	sand.u32 $0xFFFFFFC0, s4;
	v6 =	vadd.s32 s26, v1;
	v5 =	vshll.u32 v4, $0x1  }
0x183: {  	s30 =	sadd.s32 $0x80000020, s14;
	vm0 =	vlt.s32 v4, s5;
	v4 =	vand.u32 $0x3F, v4;
	v5 =	vand.u32 $0x1F80, v5  }
0x184: {  	v7 =	vadd.s32 s30, v1;
	v4 =	vor.u32 v4, v5;
	v5 =	vshll.u32 v6, $0x1  }
0x185: {  	s31 =	sadd.s32 $0x80000030, s14;
	vm1 =	vlt.s32 v6, s5;
	v6 =	vand.u32 $0x3F, v6;
	v5 =	vand.u32 $0x1F80, v5  }
0x186: {  	v8 =	vadd.s32 s31, v1;
	v62 =	vshll.u32 v7, $0x1;
	v5 =	vor.u32 v6, v5  }
0x187: {  	s0 =	sshrl.u32 s4, $0x6;
	vm2 =	vlt.s32 v7, s5;
	v7 =	vand.u32 $0x3F, v7;
	v6 =	vand.u32 $0x1F80, v62  }
0x188: {  	v63 =	vshll.u32 v8, $0x1;
	s4 =	ssub.s32 s0, s8;
	v6 =	vor.u32 v7, v6  }
0x189: {  	vm3 =	vlt.s32 v8, s5;
	v8 =	vand.u32 $0x3F, v8;
	s4 =	sadd.s32 $0x1, s4;
	v7 =	vand.u32 $0x1F80, v63;
	[tilespmem:v4+s23+$0x0] =	vst.idx.msk vm0, v2  }
0x18a: {  	s4 =	sshrl.u32 s4, $0x1;
	[tilespmem:v4+s22+$0x0] =	vst.idx.msk vm0, v3;
	v4 =	vor.u32 v8, v7  }
0x18b: {  	p0 =	seq.s32 s4, $0x0;
	[tilespmem:v5+s23+$0x0] =	vst.idx.msk vm1, v2  }
.Ltmp12:
0x18c: {  	[tilespmem:v5+s22+$0x0] =	vst.idx.msk vm1, v3;
	(pc) =	sbr.rel @p0 .LBB2_18-.Ltmp12, $4  }
0x18d: {  	[tilespmem:v6+s23+$0x0] =	vst.idx.msk vm2, v2  }
0x18e: {  	[tilespmem:v6+s22+$0x0] =	vst.idx.msk vm2, v3  }
0x18f: {  	[tilespmem:v4+s23+$0x0] =	vst.idx.msk vm3, v2  }
0x190: {  	s14 =	rddreg [dreg:$0x8];
	[tilespmem:v4+s22+$0x0] =	vst.idx.msk vm3, v3  }
0x191: {  	s5 =	sshll.u32 s8, $0x9  }
0x192: {  	s13 =	sadd.s32 $0x1, s8;
	s11 =	sshll.u32 s8, $0x7;
	s8 =	sadd.s32 $0xFFFFFFFF, s4  }
0x193: {  	p2 =	sne.s32 s8, $0x0  }
.Ltmp13:
0x194: {  	s9 =	sadd.s32 $0x200, s5;
	p0 =	sge.s32 s13, s0;
	(pc) =	sbr.rel @!p2 .LBB2_17-.Ltmp13, $4  }
0x195: {  	s5 =	sshrl.u32 @!p0 s9, $0x2  }
0x196: {  	p1 =	por $0x0, $0x0;
	s4 =	sand.u32 $0x1F80, s11;
	s5 =	sand.u32 @!p0 $0x1F80, s5  }
0x197: {  	s10 =	sadd.s32 @!p0 $0x1800, s5;
	s5 =	sadd.s32 @!p0 $0x3800, s5;
	p0 =	por p0, p0  }
0x198: {  	s15 =	sadd.s32 $0x2, s13;
	s9 =	sadd.s32 $0x400, s9;
	s16 =	simm.s32 @p0 $0x1  }
0x199: {  	s13 =	sadd.s32 $0x1800, s4  }
0x19a: {  	[tilespmem:s28], [sflag:$0x1] =	stream.indirect.gather [hbm4b:s6+s25], $0x80, s13, s25, $0xb8;
	[tilespmem:$0x1A800] =	vst v63  }
0x19b: {  	_ =	swait.ge @p0 [sflag:s16], $0x2000  }
0x19c: {  	s14 =	sadd.s32 @p0 $0x3800, s4;
	[sflag:s16] =	ssyncset.done @p0 $0x0  }
0x19d: {  	s13 =	simm.s32 @p0 $0x5800;
	[sflag:s16] =	ssyncadd.s32 @p0 $0xFFFFE000;
	s16 =	simm.s32 @p0 $0x40  }
0x19e: {  	[spmem:s3] =	stream.indirect.scatter.add.f32 @p0 [tilespmem:s13], [sflag:$0x2], $0x80, s14, s16, $0xb8;
	[tilespmem:$0x1A800] =	vst v63  }
0x19f: {  	s13 =	simm.s32 @!p0 $0x1;
	s14 =	simm.s32 @!p0 $0x40;
	s16 =	simm.s32 @!p0 $0x7800  }
0x1a0: {  	[tilespmem:s16], [sflag:$0x1] =	stream.indirect.gather @!p0 [hbm4b:s6+s14], $0x80, s10, s14, $0xb8;
	[tilespmem:$0x1A800] =	vst v63  }
0x1a1: {  	_ =	swait.ge @!p0 [sflag:s13], $0x2000  }
0x1a2: {  	[sflag:s13] =	ssyncset.done @!p0 $0x0  }
0x1a3: {  	s4 =	sadd.s32 @!p0 $0x3800, s4;
	s10 =	simm.s32 @!p0 $0x5800;
	[sflag:s13] =	ssyncadd.s32 @!p0 $0xFFFFE000  }
0x1a4: {  	[spmem:s3] =	stream.indirect.scatter.add.f32 @!p0 [tilespmem:s10], [sflag:$0x2], $0x80, s4, s14, $0xb8;
	[tilespmem:$0x1A800] =	vst v63  }
0x1a5: {  	_ =	swait.ge @!p0 [sflag:s13], $0x2000  }
0x1a6: {  	p1 =	sge.s32 s15, s0;
	[sflag:s13] =	ssyncset.done @!p0 $0x0  }
0x1a7: {  	s8 =	sadd.s32 $0xFFFFFFFF, s8;
	s15 =	sadd.s32 $0x2, s15;
	[sflag:s13] =	ssyncadd.s32 @!p0 $0xFFFFE000  }
0x1a8: {  	[spmem:s3] =	stream.indirect.scatter.add.f32 @!p0 [tilespmem:s16], [sflag:$0x2], $0x80, s5, s14, $0xb8;
	[tilespmem:$0x1A800] =	vst v63  }
0x1a9: {  	p2 =	sne.s32 s8, $0x0;
	s4 =	simm.s32 @!p0 $0x2;
	s5 =	sshrl.u32 @!p1 s9, $0x2  }
.Ltmp14:
0x1aa: {  	s14 =	sadd.s32 $0x100, s11;
	_ =	swait.ge @!p0 [sflag:s4], $0x2000;
	(pc) =	sbr.rel @!p2 .LBB2_14-.Ltmp14, $4  }
0x1ab: {  	s11 =	sadd.s32 $0x400, s9;
	s5 =	sand.u32 @!p1 $0x1F80, s5;
	[sflag:s4] =	ssyncset.done @!p0 $0x0  }
0x1ac: {  	s10 =	sadd.s32 @!p1 $0x1800, s5;
	s5 =	sadd.s32 @!p1 $0x3800, s5;
	[sflag:s4] =	ssyncadd.s32 @!p0 $0xFFFFE000  }
0x1ad: {  	p0 =	por p1, p1;
	s4 =	sand.u32 $0x1F80, s14;
	_ =	swait.ge [sflag:s29], $0x2000  }
0x1ae: {  	p1 =	por $0x1, $0x1;
	s16 =	simm.s32 @p0 $0x1;
	[sflag:s29] =	ssyncset.done $0x0  }
.LBB2_15:
0x1af: {  	p2 =	sge.s32 s15, s0;
	s9 =	sadd.s32 $0x1800, s4;
	[sflag:s29] =	ssyncadd.s32 $0xFFFFE000  }
0x1b0: {  	[tilespmem:s28], [sflag:$0x1] =	stream.indirect.gather [hbm4b:s6+s25], $0x80, s9, s25, $0xb8;
	[tilespmem:$0x1A800] =	vst v63  }
0x1b1: {  	s13 =	simm.s32 @!p0 $0x1;
	s9 =	sshrl.u32 @!p2 s11, $0x2;
	_ =	swait.ge @p0 [sflag:s16], $0x2000  }
0x1b2: {  	s17 =	simm.s32 @p0 $0x5800;
	s9 =	sand.u32 @!p2 $0x1F80, s9;
	[sflag:s16] =	ssyncset.done @p0 $0x0  }
0x1b3: {  	s18 =	simm.s32 @p0 $0x40;
	[sflag:s16] =	ssyncadd.s32 @p0 $0xFFFFE000;
	s16 =	sadd.s32 @p0 $0x3800, s4  }
0x1b4: {  	[spmem:s3] =	stream.indirect.scatter.add.f32 @p0 [tilespmem:s17], [sflag:$0x2], $0x80, s16, s18, $0xb8;
	[tilespmem:$0x1A800] =	vst v63  }
0x1b5: {  	s16 =	sadd.s32 @!p2 $0x1800, s9;
	s17 =	simm.s32 @!p0 $0x40;
	s18 =	simm.s32 @!p0 $0x7800  }
0x1b6: {  	[tilespmem:s18], [sflag:$0x1] =	stream.indirect.gather @!p0 [hbm4b:s6+s17], $0x80, s10, s17, $0xb8;
	[tilespmem:$0x1A800] =	vst v63  }
0x1b7: {  	s8 =	sadd.s32 $0xFFFFFFFF, s8;
	s9 =	sadd.s32 @!p2 $0x3800, s9;
	_ =	swait.ge @!p0 [sflag:s13], $0x2000  }
0x1b8: {  	p3 =	sne.s32 s8, $0x0;
	s10 =	smov.u32 s16;
	[sflag:s13] =	ssyncset.done @!p0 $0x0  }
0x1b9: {  	s4 =	sadd.s32 @!p0 $0x3800, s4;
	s16 =	simm.s32 @!p0 $0x5800;
	[sflag:s13] =	ssyncadd.s32 @!p0 $0xFFFFE000  }
0x1ba: {  	[spmem:s3] =	stream.indirect.scatter.add.f32 @!p0 [tilespmem:s16], [sflag:$0x2], $0x80, s4, s17, $0xb8;
	[tilespmem:$0x1A800] =	vst v63  }
0x1bb: {  	_ =	swait.ge @!p0 [sflag:s13], $0x2000  }
0x1bc: {  	[sflag:s13] =	ssyncset.done @!p0 $0x0  }
0x1bd: {  	s4 =	simm.s32 @!p0 $0x2;
	[sflag:s13] =	ssyncadd.s32 @!p0 $0xFFFFE000  }
0x1be: {  	[spmem:s3] =	stream.indirect.scatter.add.f32 @!p0 [tilespmem:s18], [sflag:$0x2], $0x80, s5, s17, $0xb8;
	[tilespmem:$0x1A800] =	vst v63  }
.Ltmp15:
0x1bf: {  	s5 =	smov.u32 s9;
	_ =	swait.ge @!p0 [sflag:s4], $0x2000;
	(pc) =	sbr.rel @p3 .LBB2_15-.Ltmp15, $4  }
0x1c0: {  	[sflag:s4] =	ssyncset.done @!p0 $0x0  }
0x1c1: {  	s14 =	sadd.s32 $0x100, s14;
	[sflag:s4] =	ssyncadd.s32 @!p0 $0xFFFFE000;
	p0 =	por p2, p2  }
0x1c2: {  	s11 =	sadd.s32 $0x400, s11;
	s16 =	simm.s32 @p0 $0x1;
	_ =	swait.ge [sflag:s29], $0x2000  }
0x1c3: {  	s15 =	sadd.s32 $0x2, s15;
	s4 =	sand.u32 $0x1F80, s14;
	[sflag:s29] =	ssyncset.done $0x0  }
.Ltmp16:
0x1c4: {  	(pc) =	sbr.rel .LBB2_17-.Ltmp16, $2  }
0x1c5: {  	_ =	sdelay $0x2  }
0x1c6: {  	s14 =	rddreg [dreg:$0x8]  }
.LBB2_20:
0x1c7: {  	_ =	sfence.sel $0x180000  }
0x1c8: {  	[bflag:$0x0] =	sbarrier.arrive $0xFFFF  }
0x1c9: {  	_ =	strace $0x9000004A  }
0x1ca: {  	s0 =	stileid.u32;
	[bflag:$0x2] =	sbarrier.arrive $0xFFFF  }
0x1cb: {  	p0 =	sne.s32 s0, $0x0;
	s0 =	rddreg [dreg:$0x4]  }
0x1cc: {  	s0 =	sadd.s32 @!p0 $0x100000, s0  }
0x1cd: {  	[sflag:s0] =	ssyncadd.tile.s32 @!p0 $0x1;
	_ =	shalt  }
.Lfunc_end2:
_tile_overlayer_lowered:
.L_overlay_start_2:
0x1ce: {  	(tag) =	ssettag $0x2  }
0x1cf: {  	s0 =	rddreg [dreg:$0x0];
	s2 =	stileid.u32  }
0x1d0: {  	s1 =	rddreg [dreg:$0x1];
	p0 =	sne.s32 s2, $0x0  }
0x1d1: {  	s3 =	rddreg [dreg:$0x2];
	[bflag:$0x3] =	sbarrier.arrive $0xFFFF;
	s2 =	simm.s32 @!p0 $0x1C03  }
0x1d2: {  	[timem:s3], [sflag:s2] =	dma.local @!p0 [hbm:s0], s1  }
0x1d3: {  	s0 =	simm.s32 @!p0 $0x3  }
0x1d4: {  	_ =	swait.ge @!p0 [sflag:s0], s1  }
0x1d5: {  	s1 =	ssub.s32 @!p0 $0x0, s1;
	[sflag:s0] =	ssyncset.done @!p0 $0x0  }
0x1d6: {  	[sflag:s0] =	ssyncadd.s32 @!p0 s1  }
0x1d7: {  	[bflag:$0x3] =	sbarrier.arrive $0xFFFF  }
0x1d8: {  	_ =	shalt  }

// kernel: kernel.13.cloned.1.call-start
scs
__scs_entry_jumppad:
0x0: {  	(pc) =	sbr.rel $0x88, $3  }
0x1: {  	(tag) =	ssettag $0x0;
	lr =	simm.s32 $0x1  }
0x2: {  	[smem:$0x3F98] =	sst lr;
	_ =	strace $0xD0000000  }
0x3: {  	_ = 	snop  }
0x4: {  	_ = 	snop  }
0x5: {  	_ = 	snop  }
0x6: {  	_ = 	snop  }
0x7: {  	_ = 	snop  }
__scs_overlays_trampoline_lowered:
0x8: {  	[smem:$0x3FA7] =	sst s0  }
0x9: {  	[smem:$0x3FA8] =	sst s1  }
0xa: {  	[smem:$0x3FA9] =	sst s2  }
0xb: {  	[smem:$0x3FAA] =	sst s3  }
0xc: {  	[smem:$0x3FAB] =	sst s4  }
0xd: {  	[smem:$0x3FAC] =	sst s5  }
0xe: {  	[smem:$0x3FAD] =	sst s6  }
0xf: {  	[smem:$0x3FAE] =	sst s7  }
0x10: {  	[smem:$0x3FAF] =	sst s8  }
0x11: {  	[smem:$0x3FB0] =	sst s9;
	s0 =	simm.s32 @!p0 $0x0  }
0x12: {  	s1 =	sld [smem:$0x3F96];
	s0 =	simm.s32 @p0 $0x1  }
0x13: {  	[smem:$0x3FB1] =	sst s0;
	s0 =	simm.s32 @!p1 $0x0  }
0x14: {  	s2 =	sld [smem:$0x3F95];
	s0 =	simm.s32 @p1 $0x1  }
0x15: {  	[smem:$0x3FB2] =	sst s0;
	s0 =	simm.s32 @!p2 $0x0  }
0x16: {  	s3 =	sld [smem:$0x3FDB];
	s0 =	simm.s32 @p2 $0x1  }
0x17: {  	s4 =	simm.s32 $0x1BF5;
	[smem:$0x3FB4] =	sst s0  }
0x18: {  	s0 =	sld [smem:$0x3F97];
	_ =	swait.ge [sflag:s4], $0x0  }
0x19: {  	s7 =	sld [smem:$0x3F98]  }
0x1a: {  	s8 =	sadd.s32 $0xFFFFE003, lr  }
0x1b: {  	s9 =	sadd.s32 $0xFFFFFEF7, lr;
	s5 =	simm.s32 $0xFFFFFFFF;
	p2 =	slt.u32 s8, $0xFFFFF086  }
0x1c: {  	p1 =	slt.u32 s9, $0xF7A;
	s5 =	simm.s32 @!p2 $0x0  }
0x1d: {  	s5 =	simm.s32 @p1 $0x1;
	p0 =	seq.s32 s7, s2  }
0x1e: {  	s7 =	smul.u32 @!p0 $0xF7A, s2;
	p2 =	seq.s32 @!p0 s5, $0x0  }
0x1f: {  	s9 =	smul.u32 $0xF7A, s1;
	s8 =	simm.s32 @!p0 $0x1BF5;
	p2 =	por !p2, p0  }
0x20: {  	[sflag:s8] =	ssyncset.s32 @!p0 $0xFFFFF086;
	s6 =	sadd.s32 @!p0 s3, s7;
	s7 =	simm.s32 @!p0 $0x108  }
0x21: {  	s3 =	sadd.s32 s3, s9;
	s6 =	sadd.s32 @!p0 $0x88, s6;
	s7 =	simm.s32 @p2 $0x1082  }
0x22: {  	[simem:s7], [sflag:s8] =	dma.local @!p0 [hbm:s6], $0xF7A  }
0x23: {  	s9 =	sor.u32 $0xD0000000, s2;
	s6 =	simm.s32 $0x108;
	_ =	swait.ge @!p0 [sflag:s8], $0x0  }
0x24: {  	s3 =	sadd.s32 $0x88, s3;
	s6 =	simm.s32 @!p1 $0x1082;
	[sflag:s4] =	ssyncset.s32 $0xFFFFF086  }
0x25: {  	[simem:s6], [sflag:s4] =	dma.local [hbm:s3], $0xF7A  }
0x26: {  	[smem:$0x3F98] =	sst s1;
	(tag) =	ssettag s2;
	_ =	strace s9  }
0x27: {  	s1 =	sld [smem:$0x3FA8]  }
0x28: {  	s2 =	sld [smem:$0x3FA9]  }
0x29: {  	s4 =	sld [smem:$0x3FAB]  }
0x2a: {  	p0 =	seq.s32 s5, $0x0;
	s5 =	sld [smem:$0x3FAC]  }
0x2b: {  	s6 =	sld [smem:$0x3FAD]  }
0x2c: {  	s7 =	sld [smem:$0x3FAE]  }
0x2d: {  	s3 =	simm.s32 $0x108;
	s8 =	sld [smem:$0x3FAF]  }
0x2e: {  	s3 =	simm.s32 @!p0 $0x1082;
	s9 =	sld [smem:$0x3FB0]  }
0x2f: {  	lr =	sadd.s32 s0, s3;
	s0 =	sld [smem:$0x3FA7]  }
0x30: {  	s3 =	sld [smem:$0x3FAA]  }
0x31: {  	[smem:$0x3FB3] =	sst s10  }
0x32: {  	s10 =	sld [smem:$0x3FB1];
	_ =	sdelay $0x3  }
0x33: {  	p0 =	seq.s32 s10, $0x1;
	s10 =	sld [smem:$0x3FB3];
	_ =	sdelay $0x3  }
0x34: {  	[smem:$0x3FB3] =	sst s10  }
0x35: {  	s10 =	sld [smem:$0x3FB2];
	_ =	sdelay $0x3  }
0x36: {  	p1 =	seq.s32 s10, $0x1;
	s10 =	sld [smem:$0x3FB3];
	_ =	sdelay $0x3  }
0x37: {  	[smem:$0x3FB3] =	sst s10  }
0x38: {  	s10 =	sld [smem:$0x3FB4]  }
0x39: {  	_ = 	snop;
	(pc) =	sbr.ind lr, $3  }
0x3a: {  	_ = 	snop  }
0x3b: {  	_ = 	snop  }
0x3c: {  	p2 =	seq.s32 s10, $0x1;
	s10 =	sld [smem:$0x3FB3]  }
0x3d: {  	_ =	shalt  }
0x3e: {  	_ =	shalt  }
0x3f: {  	_ =	shalt  }
0x40: {  	_ =	shalt  }
0x41: {  	_ =	shalt  }
0x42: {  	_ =	shalt  }
0x43: {  	_ =	shalt  }
0x44: {  	_ =	shalt  }
0x45: {  	_ =	shalt  }
0x46: {  	_ =	shalt  }
0x47: {  	_ =	shalt  }
0x48: {  	_ =	shalt  }
0x49: {  	_ =	shalt  }
0x4a: {  	_ =	shalt  }
0x4b: {  	_ =	shalt  }
0x4c: {  	_ =	shalt  }
0x4d: {  	_ =	shalt  }
0x4e: {  	_ =	shalt  }
0x4f: {  	_ =	shalt  }
0x50: {  	_ =	shalt  }
0x51: {  	_ =	shalt  }
0x52: {  	_ =	shalt  }
0x53: {  	_ =	shalt  }
0x54: {  	_ =	shalt  }
0x55: {  	_ =	shalt  }
0x56: {  	_ =	shalt  }
0x57: {  	_ =	shalt  }
0x58: {  	_ =	shalt  }
0x59: {  	_ =	shalt  }
0x5a: {  	_ =	shalt  }
0x5b: {  	_ =	shalt  }
0x5c: {  	_ =	shalt  }
0x5d: {  	_ =	shalt  }
0x5e: {  	_ =	shalt  }
0x5f: {  	_ =	shalt  }
0x60: {  	_ =	shalt  }
0x61: {  	_ =	shalt  }
0x62: {  	_ =	shalt  }
0x63: {  	_ =	shalt  }
0x64: {  	_ =	shalt  }
0x65: {  	_ =	shalt  }
0x66: {  	_ =	shalt  }
0x67: {  	_ =	shalt  }
0x68: {  	_ =	shalt  }
0x69: {  	_ =	shalt  }
0x6a: {  	_ =	shalt  }
0x6b: {  	_ =	shalt  }
0x6c: {  	_ =	shalt  }
0x6d: {  	_ =	shalt  }
0x6e: {  	_ =	shalt  }
0x6f: {  	_ =	shalt  }
0x70: {  	_ =	shalt  }
0x71: {  	_ =	shalt  }
0x72: {  	_ =	shalt  }
0x73: {  	_ =	shalt  }
0x74: {  	_ =	shalt  }
0x75: {  	_ =	shalt  }
0x76: {  	_ =	shalt  }
0x77: {  	_ =	shalt  }
0x78: {  	_ =	shalt  }
0x79: {  	_ =	shalt  }
0x7a: {  	_ =	shalt  }
0x7b: {  	_ =	shalt  }
0x7c: {  	_ =	shalt  }
0x7d: {  	_ =	shalt  }
0x7e: {  	_ =	shalt  }
0x7f: {  	_ =	shalt  }
0x80: {  	_ =	shalt  }
0x81: {  	_ =	shalt  }
0x82: {  	_ =	shalt  }
0x83: {  	_ =	shalt  }
0x84: {  	_ =	shalt  }
0x85: {  	_ =	shalt  }
0x86: {  	_ =	shalt  }
0x87: {  	_ =	shalt  }
.Lfunc_end0:
.L_simem_size_0:
called_computation.2_lowered:
.L_overlay_start_0:
0x88: {  	s2 =	sld [smem:$0x3FD9]  }
0x89: {  	s3 =	sld [smem:$0x3FFE];
	_ =	sdelay $0x1  }
0x8a: {  	s1 =	srdreg.scid  }
0x8b: {  	s0 =	sand.u32 $0x1, s1  }
0x8c: {  	s17 =	sshll.u32 s0, $0xA;
	s2 =	sadd.s32 s3, s2  }
0x8d: {  	s2 =	sadd.s32 s2, s17  }
0x8e: {  	[smem:$0x3FBF] =	sst s2  }
0x8f: {  	_ = 	snop  }
0x90: {  	s2 =	sld [smem:$0x3FC7]  }
0x91: {  	s18 =	sld [smem:$0x3FD0];
	(tm) =	ssettm $0x1  }
0x92: {  	s4 =	sld [smem:$0x3FFB];
	_ =	sdelay $0x3  }
0x93: {  	_ =	strace s4  }
0x94: {  	s4 =	sld [smem:$0x3FFC];
	_ =	sdelay $0x3  }
0x95: {  	_ =	strace s4  }
0x96: {  	s4 =	sld [smem:$0x3FFD];
	_ =	sdelay $0x3  }
0x97: {  	_ =	strace s4  }
0x98: {  	_ =	strace $0x8FFFFFFF  }
0x99: {  	s19 =	sld [smem:$0x3FDB];
	_ =	sdelay $0x1  }
0x9a: {  	s5 =	simm.s32 $_scs_section_size  }
0x9b: {  	s6 =	simm.s32 $_size__tile_overlayer_lowered;
	s7 =	simm.s32 $_tile_overlayer_lowered  }
0x9c: {  	s22 =	simm.s32 $0x1BFF;
	s21 =	sshll.u32 s7, $0x1;
	s4 =	sadd.s32 s5, s19  }
0x9d: {  	s8 =	simm.s32 $0x0;
	s20 =	sshll.u32 s6, $0x1;
	s6 =	sadd.s32 s21, s4  }
0x9e: {  	[timem:s8], [sflag:s22] =	dma.local [hbm:s6], s20  }
0x9f: {  	_ =	swait.ge [sflag:s22], s20  }
0xa0: {  	s5 =	ssub.s32 $0x0, s20;
	[sflag:s22] =	ssyncset.done $0x0  }
0xa1: {  	[sflag:s22] =	ssyncadd.s32 s5;
	_ =	sdelay $0x1  }
0xa2: {  	s23 =	simm.s32 $0x1B8B  }
0xa3: {  	_ =	swait.ge [sflag:s23], $0x1  }
0xa4: {  	[sflag:s23] =	ssyncset.done $0x0  }
0xa5: {  	s25 =	simm.s32 $0x1B8E;
	s24 =	sld [smem:$0x3FFE];
	[sflag:s23] =	ssyncadd.s32 $0xFFFFFFFF  }
0xa6: {  	s26 =	simm.s32 $execute0_lowered;
	[smem:$0x3FD2] =	sst s25  }
0xa7: {  	s6 =	sshll.u32 s26, $0x1;
	_ =	strace $0x8000004C;
	[dreg:$0x1] =	wrdreg $0xFFFFFFFF  }
0xa8: {  	s28 =	simm.s32 $_size_execute0_lowered;
	s4 =	sadd.s32 s4, s6;
	[dreg:$0x0] =	wrdreg $0x0  }
0xa9: {  	s6 =	sshll.u32 s28, $0x1;
	[dreg:$0x2] =	wrdreg s4  }
0xaa: {  	[dreg:$0x3] =	wrdreg s6  }
0xab: {  	[dreg:$0x4] =	wrdreg $0xC0  }
0xac: {  	_ =	task [dreg:s8], $0x5FFFF  }
0xad: {  	[dreg:$0x1] =	wrdreg $0xFFFFFFFF  }
0xae: {  	[dreg:$0x0] =	wrdreg $0x60  }
0xaf: {  	[dreg:$0x2] =	wrdreg s24  }
0xb0: {  	[dreg:$0x3] =	wrdreg s18  }
0xb1: {  	[dreg:$0x4] =	wrdreg s2  }
0xb2: {  	[dreg:$0x5] =	wrdreg $0xA8000  }
0xb3: {  	[dreg:$0x6] =	wrdreg $0x9  }
0xb4: {  	_ =	task.clear_ibuf [dreg:s8], $0x7FFFF;
	_ =	strace $0x9000004C  }
0xb5: {  	s29 =	simm.s32 $0x9;
	_ =	strace $0x8000004E  }
0xb6: {  	_ =	swait.ge [sflag:s29], $0x1  }
0xb7: {  	[sflag:s29] =	ssyncadd.s32 $0xFFFFFFFF  }
0xb8: {  	_ =	strace $0x9000004E  }
0xb9: {  	_ =	sfence  }
0xba: {  	s30 =	sld [smem:$0x0];
	_ =	sdelay $0x2  }
0xbb: {  	s31 =	sshll.u32 s1, $0xD;
	s1 =	sshrl.u32 s1, $0x2  }
0xbc: {  	s3 =	sand.u32 $0x4000, s31;
	s1 =	sadd.s32 s1, s30  }
0xbd: {  	s0 =	sor.u32 s3, s0;
	s1 =	sshll.u32 s1, $0x11  }
0xbe: {  	s0 =	sor.u32 s1, s0  }
0xbf: {  	s0 =	sadd.s32 $0x8F2B, s0  }
0xc0: {  	[sflag:s0] =	ssyncadd.remote.s32 $0x1  }
0xc1: {  	_ =	sfence.sel $0xFFFF  }
0xc2: {  	[dreg:$0x0] =	wrdreg $0xFFFFFFFF;
	(pc) =	sbr.abs _section_cstart, $3  }
0xc3: {  	[dreg:$0x1] =	wrdreg $0xFFFFFFFF  }
0xc4: {  	_ =	task.clear_ibuf [dreg:s8], $0x2FFFF;
	_ =	strace $0x9FFFFFFF  }
0xc5: {  	(tm) =	ssettm $0x7FFFFFFF  }
tec
execute0_lowered:
.L_overlay_start_1:
0x0: {  	(tag) =	ssettag $0x1  }
0x1: {  	s0 =	rddreg [dreg:$0x0]  }
0x2: {  	s1 =	rddreg [dreg:$0x1]  }
0x3: {  	s2 =	rddreg [dreg:$0x2]  }
0x4: {  	s3 =	rddreg [dreg:$0x3];
	s4 =	simm.s32 $0x0;
	s19 =	srdreg.scid  }
0x5: {  	s9 =	stileid.u32;
	[smem:$0x7FF] =	sst s4;
	s4 =	sand.u32 $0x1, s19  }
0x6: {  	s6 =	sadd.s32 $0xE00, s0;
	s7 =	sadd.s32 $0x28E00, s0;
	s8 =	sadd.s32 $0x33400, s0  }
0x7: {  	s10 =	sadd.s32 $0x33600, s0;
	_ =	strace $0x8000004D;
	[dreg:$0x5] =	wrdreg s8  }
0x8: {  	s21 =	sshll.u32 s9, $0x10;
	s0 =	sadd.s32 $0x33A00, s0;
	[dreg:$0x6] =	wrdreg s10  }
0x9: {  	s24 =	sshll.u32 s9, $0xD;
	s5 =	ssub.s32 $0x2, s4;
	[dreg:$0x9] =	wrdreg s0  }
0xa: {  	s4 =	smul.u32 $0x5, s4;
	s14 =	sadd.s32 s21, s3;
	[dreg:$0xb] =	wrdreg s24  }
0xb: {  	s22 =	sshll.u32 s9, $0x9;
	[dreg:$0x8] =	wrdreg s14  }
0xc: {  	s23 =	sor.u32 $0x80, s22;
	s8 =	sadd.s32 $0x1000, s14;
	[dreg:$0x7] =	wrdreg s4  }
0xd: {  	s0 =	sshll.u32 s23, $0x4;
	[dreg:$0xc] =	wrdreg s8  }
0xe: {  	s16 =	sadd.s32 $0x3000, s14;
	[dreg:$0xe] =	wrdreg s0  }
0xf: {  	s17 =	sadd.s32 $0x4000, s14;
	[dreg:$0x17] =	wrdreg s16  }
0x10: {  	s18 =	sadd.s32 $0x5000, s14;
	[dreg:$0x18] =	wrdreg s17  }
0x11: {  	s28 =	simm.s32 $0x5800;
	s19 =	sadd.s32 $0x6000, s14;
	[dreg:$0x19] =	wrdreg s18  }
0x12: {  	s29 =	simm.s32 $0x2;
	s21 =	sadd.s32 $0x8000, s14;
	[dreg:$0x1a] =	wrdreg s19  }
0x13: {  	s25 =	sshll.u32 s23, $0x7;
	s23 =	sadd.s32 $0xA000, s14;
	[dreg:$0x1c] =	wrdreg s21  }
0x14: {  	s30 =	sor.u32 $0x100, s22;
	s24 =	sadd.s32 $0xB000, s14;
	[dreg:$0x1e] =	wrdreg s23  }
0x15: {  	s31 =	sshll.u32 s30, $0x7;
	s26 =	sadd.s32 s25, s3;
	[dreg:$0x1f] =	wrdreg s24  }
0x16: {  	s20 =	sshrl.u32 s5, $0x1;
	s0 =	sadd.s32 s31, s3;
	[dreg:$0xd] =	wrdreg s26  }
0x17: {  	s5 =	ssub.s32 s5, s20;
	s20 =	sadd.s32 $0x7000, s14;
	[dreg:$0xf] =	wrdreg s0  }
0x18: {  	s4 =	sor.u32 $0x180, s22;
	s22 =	sadd.s32 $0x9000, s14;
	[dreg:$0x1b] =	wrdreg s20  }
0x19: {  	s12 =	smul.u32 $0x4E20, s9;
	s25 =	sadd.s32 $0xC000, s14;
	[dreg:$0x1d] =	wrdreg s22  }
0x1a: {  	s31 =	sadd.s32 $0xF000, s14;
	s19 =	simm.s32 $0x3;
	[smem:$0x7FA] =	sst s25  }
0x1b: {  	s21 =	simm.s32 $0x1000;
	s5 =	smax.u32 s5, $0x1;
	[smem:$0x7FD] =	sst s31  }
0x1c: {  	s10 =	sshll.u32 s4, $0x7;
	s4 =	sshll.u32 s4, $0x4;
	[dreg:$0xa] =	wrdreg s5  }
0x1d: {  	s8 =	sadd.s32 $0x2000, s26;
	s26 =	sadd.s32 $0xD000, s14;
	[dreg:$0x12] =	wrdreg s4  }
0x1e: {  	s23 =	simm.s32 $0x3800;
	s5 =	sshll.u32 s30, $0x4;
	[smem:$0x7FB] =	sst s26  }
0x1f: {  	s11 =	sadd.s32 $0x2000, s0;
	s0 =	sadd.s32 s10, s3;
	[dreg:$0x10] =	wrdreg s5  }
0x20: {  	s24 =	simm.s32 $0x1;
	s13 =	sshrl.u32 s8, $0x3;
	[dreg:$0x11] =	wrdreg s0  }
.Ltmp0:
0x21: {  	s15 =	sshrl.u32 s11, $0x3;
	[dreg:$0x13] =	wrdreg s13;
	(pc) =	sbr.rel .LBB2_1-.Ltmp0, $4  }
0x22: {  	s20 =	simm.s32 $0x800;
	s30 =	sadd.s32 $0xE000, s14;
	[dreg:$0x14] =	wrdreg s15  }
0x23: {  	s0 =	sadd.s32 $0x2000, s0;
	s5 =	sadd.s32 $0x2000, s14;
	[smem:$0x7FC] =	sst s30  }
0x24: {  	v0 =	vimm.s32 $0x0;
	s22 =	simm.s32 $0x1800;
	s0 =	sshrl.u32 s0, $0x3;
	[dreg:$0x16] =	wrdreg s5  }
0x25: {  	v1 =	vlaneseq.u32;
	v2 =	vimm.s32 $0x1FA4;
	v3 =	vimm.s32 $0x3E8;
	s25 =	simm.s32 $0x40;
	s4 =	simm.s32 $0x0;
	[dreg:$0x15] =	wrdreg s0  }
.LBB2_19:
0x26: {  	s4 =	sld [smem:$0x7F9];
	_ =	sdelay $0x2  }
0x27: {  	s0 =	rddreg [dreg:$0xa];
	s4 =	sadd.s32 $0x1, s4  }
0x28: {  	p0 =	sne.s32 s4, s0  }
.Ltmp1:
0x29: {  	_ = 	snop;
	(pc) =	sbr.rel @!p0 .LBB2_20-.Ltmp1, $1  }
0x2a: {  	_ =	sdelay $0x3  }
.LBB2_1:
0x2b: {  	[smem:$0x7F9] =	sst s4;
	s0 =	simm.s32 $0x0  }
.Ltmp2:
0x2c: {  	s31 =	rddreg [dreg:$0x5];
	s8 =	simm.s32 $0x9800;
	(pc) =	sbr.rel .LBB2_2-.Ltmp2, $4  }
0x2d: {  	[tilespmem:s8], [sflag:$0x3] =	stream.linear.gather [hbm4b:s31+s0], $0x1000, $0x38;
	[tilespmem:$0x1A800] =	vst v63  }
0x2e: {  	_ =	swait.ge [sflag:s19], $0x1000  }
0x2f: {  	[sflag:s19] =	ssyncset.done $0x0  }
0x30: {  	s8 =	simm.s32 $0x0;
	[sflag:s19] =	ssyncadd.s32 $0xFFFFF000  }
.LBB2_14:
0x31: {  	s14 =	rddreg [dreg:$0x8]  }
.LBB2_17:
0x32: {  	s0 =	sadd.s32 $0x1800, s4;
	[sflag:s29] =	ssyncadd.s32 @p1 $0xFFFFE000  }
0x33: {  	[tilespmem:s28], [sflag:$0x1] =	stream.indirect.gather [hbm4b:s6+s25], $0x80, s0, s25, $0xb8;
	[tilespmem:$0x1A800] =	vst v63  }
0x34: {  	_ =	swait.ge @p0 [sflag:s16], $0x2000  }
0x35: {  	s8 =	sadd.s32 @p0 $0x3800, s4;
	[sflag:s16] =	ssyncset.done @p0 $0x0  }
0x36: {  	s9 =	simm.s32 @p0 $0x40;
	s0 =	simm.s32 @p0 $0x5800;
	[sflag:s16] =	ssyncadd.s32 @p0 $0xFFFFE000  }
0x37: {  	[spmem:s3] =	stream.indirect.scatter.add.f32 @p0 [tilespmem:s0], [sflag:$0x2], $0x80, s8, s9, $0xb8;
	[tilespmem:$0x1A800] =	vst v63  }
0x38: {  	s0 =	simm.s32 @!p0 $0x1;
	s8 =	simm.s32 @!p0 $0x40;
	s9 =	simm.s32 @!p0 $0x7800  }
0x39: {  	[tilespmem:s9], [sflag:$0x1] =	stream.indirect.gather @!p0 [hbm4b:s6+s8], $0x80, s10, s8, $0xb8;
	[tilespmem:$0x1A800] =	vst v63  }
0x3a: {  	_ =	swait.ge @!p0 [sflag:s0], $0x2000  }
0x3b: {  	[sflag:s0] =	ssyncset.done @!p0 $0x0  }
0x3c: {  	s4 =	sadd.s32 @!p0 $0x3800, s4;
	s10 =	simm.s32 @!p0 $0x5800;
	[sflag:s0] =	ssyncadd.s32 @!p0 $0xFFFFE000  }
0x3d: {  	[spmem:s3] =	stream.indirect.scatter.add.f32 @!p0 [tilespmem:s10], [sflag:$0x2], $0x80, s4, s8, $0xb8;
	[tilespmem:$0x1A800] =	vst v63  }
0x3e: {  	_ =	swait.ge @!p0 [sflag:s0], $0x2000  }
0x3f: {  	[sflag:s0] =	ssyncset.done @!p0 $0x0  }
0x40: {  	[sflag:s0] =	ssyncadd.s32 @!p0 $0xFFFFE000;
	s0 =	simm.s32 @!p0 $0x2  }
0x41: {  	[spmem:s3] =	stream.indirect.scatter.add.f32 @!p0 [tilespmem:s9], [sflag:$0x2], $0x80, s5, s8, $0xb8;
	[tilespmem:$0x1A800] =	vst v63  }
0x42: {  	_ =	swait.ge @!p0 [sflag:s0], $0x2000  }
0x43: {  	[sflag:s0] =	ssyncset.done @!p0 $0x0  }
0x44: {  	[sflag:s0] =	ssyncadd.s32 @!p0 $0xFFFFE000  }
0x45: {  	_ =	swait.ge [sflag:s29], $0x2000  }
0x46: {  	[sflag:s29] =	ssyncset.done $0x0  }
0x47: {  	[sflag:s29] =	ssyncadd.s32 $0xFFFFE000  }
.LBB2_18:
0x48: {  	s0 =	sld [smem:$0x7F8];
	_ =	sdelay $0x1  }
0x49: {  	[bflag:$0x0] =	sbarrier.arrive $0xFFFF  }
0x4a: {  	s5 =	stileid.u32;
	s4 =	rddreg [dreg:$0xb];
	s0 =	sshll.u32 s0, $0x11  }
0x4b: {  	s5 =	sshll.u32 s5, $0x6;
	s10 =	rddreg [dreg:$0x6];
	s4 =	sor.u32 s0, s4  }
0x4c: {  	s9 =	sshrl.u32 s14, $0x3;
	s5 =	sor.u32 $0x1C01, s5;
	s8 =	sadd.s32 s10, s4  }
0x4d: {  	[hbm:s8], [sflag:s5] =	dma.local [spmem:s9], $0x400  }
0x4e: {  	s11 =	rddreg [dreg:$0x9]  }
0x4f: {  	s13 =	rddreg [dreg:$0x16]  }
0x50: {  	s4 =	sadd.s32 s4, s11;
	s26 =	sshrl.u32 s13, $0x3  }
0x51: {  	[hbm:s4], [sflag:s5] =	dma.local [spmem:s26], $0x400  }
0x52: {  	_ =	swait.ge [sflag:s24], $0x400  }
0x53: {  	[sflag:s24] =	ssyncset.done $0x0  }
0x54: {  	[sflag:s24] =	ssyncadd.s32 $0xFFFFFC00  }
0x55: {  	_ =	swait.ge [sflag:s24], $0x400  }
0x56: {  	s30 =	rddreg [dreg:$0xe]  }
0x57: {  	[sflag:s24] =	ssyncset.done $0x0;
	s15 =	rddreg [dreg:$0xd];
	s4 =	sor.u32 s0, s30  }
0x58: {  	[sflag:s24] =	ssyncadd.s32 $0xFFFFFC00;
	s9 =	sshrl.u32 s15, $0x3;
	s31 =	sadd.s32 s10, s4  }
0x59: {  	[hbm:s31], [sflag:s5] =	dma.local [spmem:s9], $0x400  }
0x5a: {  	s4 =	sadd.s32 s4, s11;
	s8 =	rddreg [dreg:$0x13]  }
0x5b: {  	[hbm:s4], [sflag:s5] =	dma.local [spmem:s8], $0x400  }
0x5c: {  	_ =	swait.ge [sflag:s24], $0x400  }
0x5d: {  	[sflag:s24] =	ssyncset.done $0x0  }
0x5e: {  	[sflag:s24] =	ssyncadd.s32 $0xFFFFFC00  }
0x5f: {  	_ =	swait.ge [sflag:s24], $0x400  }
0x60: {  	s16 =	rddreg [dreg:$0x10]  }
0x61: {  	[sflag:s24] =	ssyncset.done $0x0;
	s18 =	rddreg [dreg:$0xf];
	s4 =	sor.u32 s0, s16  }
0x62: {  	[sflag:s24] =	ssyncadd.s32 $0xFFFFFC00;
	s9 =	sshrl.u32 s18, $0x3;
	s17 =	sadd.s32 s10, s4  }
0x63: {  	[hbm:s17], [sflag:s5] =	dma.local [spmem:s9], $0x400  }
0x64: {  	s4 =	sadd.s32 s4, s11;
	s8 =	rddreg [dreg:$0x14]  }
0x65: {  	[hbm:s4], [sflag:s5] =	dma.local [spmem:s8], $0x400  }
0x66: {  	_ =	swait.ge [sflag:s24], $0x400  }
0x67: {  	[sflag:s24] =	ssyncset.done $0x0  }
0x68: {  	[sflag:s24] =	ssyncadd.s32 $0xFFFFFC00  }
0x69: {  	_ =	swait.ge [sflag:s24], $0x400  }
0x6a: {  	s26 =	rddreg [dreg:$0x12]  }
0x6b: {  	[sflag:s24] =	ssyncset.done $0x0;
	s30 =	rddreg [dreg:$0x11];
	s0 =	sor.u32 s0, s26  }
0x6c: {  	[sflag:s24] =	ssyncadd.s32 $0xFFFFFC00;
	s8 =	sshrl.u32 s30, $0x3;
	s4 =	sadd.s32 s10, s0  }
0x6d: {  	[hbm:s4], [sflag:s5] =	dma.local [spmem:s8], $0x400  }
0x6e: {  	s0 =	sadd.s32 s0, s11;
	s4 =	rddreg [dreg:$0x15]  }
0x6f: {  	[hbm:s0], [sflag:s5] =	dma.local [spmem:s4], $0x400  }
0x70: {  	_ =	swait.ge [sflag:s24], $0x400  }
0x71: {  	[sflag:s24] =	ssyncset.done $0x0  }
0x72: {  	[sflag:s24] =	ssyncadd.s32 $0xFFFFFC00  }
0x73: {  	_ =	swait.ge [sflag:s24], $0x400  }
0x74: {  	s31 =	sld [smem:$0x7F7];
	_ =	sdelay $0x2  }
0x75: {  	s8 =	sadd.s32 $0x1, s31  }
0x76: {  	p0 =	sne.s32 s8, $0x5  }
.Ltmp3:
0x77: {  	_ = 	snop;
	(pc) =	sbr.rel @!p0 .LBB2_19-.Ltmp3, $3  }
0x78: {  	_ =	sdelay $0x1  }
0x79: {  	[sflag:s24] =	ssyncset.done $0x0  }
0x7a: {  	s5 =	smov.u32 s13;
	[sflag:s24] =	ssyncadd.s32 $0xFFFFFC00  }
.LBB2_2:
0x7b: {  	s4 =	simm.s32 $0x9800  }
0x7c: {  	[spmem:s14] =	stream.linear.scatter [tilespmem:s4], [sflag:$0x3], $0x1000, $0x38;
	[tilespmem:$0x1A800] =	vst v63  }
0x7d: {  	_ =	swait.ge [sflag:s19], $0x1000  }
0x7e: {  	[sflag:s19] =	ssyncset.done $0x0  }
0x7f: {  	s0 =	rddreg [dreg:$0xc];
	[sflag:s19] =	ssyncadd.s32 $0xFFFFF000  }
0x80: {  	[spmem:s0] =	stream.linear.scatter [tilespmem:s4], [sflag:$0x3], $0x1000, $0x38;
	[tilespmem:$0x1A800] =	vst v63  }
0x81: {  	_ =	swait.ge [sflag:s19], $0x1000  }
0x82: {  	[sflag:s19] =	ssyncset.done $0x0  }
0x83: {  	[sflag:s19] =	ssyncadd.s32 $0xFFFFF000  }
0x84: {  	[spmem:s5] =	stream.linear.scatter [tilespmem:s4], [sflag:$0x3], $0x1000, $0x38;
	[tilespmem:$0x1A800] =	vst v63  }
0x85: {  	_ =	swait.ge [sflag:s19], $0x1000  }
0x86: {  	[sflag:s19] =	ssyncset.done $0x0  }
0x87: {  	s30 =	rddreg [dreg:$0x17];
	[sflag:s19] =	ssyncadd.s32 $0xFFFFF000  }
0x88: {  	[spmem:s30] =	stream.linear.scatter [tilespmem:s4], [sflag:$0x3], $0x1000, $0x38;
	[tilespmem:$0x1A800] =	vst v63  }
0x89: {  	_ =	swait.ge [sflag:s19], $0x1000  }
0x8a: {  	[sflag:s19] =	ssyncset.done $0x0  }
0x8b: {  	s31 =	rddreg [dreg:$0x18];
	[sflag:s19] =	ssyncadd.s32 $0xFFFFF000  }
0x8c: {  	[spmem:s31] =	stream.linear.scatter [tilespmem:s4], [sflag:$0x3], $0x1000, $0x38;
	[tilespmem:$0x1A800] =	vst v63  }
0x8d: {  	_ =	swait.ge [sflag:s19], $0x1000  }
0x8e: {  	[sflag:s19] =	ssyncset.done $0x0  }
0x8f: {  	s5 =	rddreg [dreg:$0x19];
	[sflag:s19] =	ssyncadd.s32 $0xFFFFF000  }
0x90: {  	[spmem:s5] =	stream.linear.scatter [tilespmem:s4], [sflag:$0x3], $0x1000, $0x38;
	[tilespmem:$0x1A800] =	vst v63  }
0x91: {  	_ =	swait.ge [sflag:s19], $0x1000  }
0x92: {  	[sflag:s19] =	ssyncset.done $0x0  }
0x93: {  	s9 =	rddreg [dreg:$0x1a];
	[sflag:s19] =	ssyncadd.s32 $0xFFFFF000  }
0x94: {  	[spmem:s9] =	stream.linear.scatter [tilespmem:s4], [sflag:$0x3], $0x1000, $0x38;
	[tilespmem:$0x1A800] =	vst v63  }
0x95: {  	_ =	swait.ge [sflag:s19], $0x1000  }
0x96: {  	[sflag:s19] =	ssyncset.done $0x0  }
0x97: {  	s10 =	rddreg [dreg:$0x1b];
	[sflag:s19] =	ssyncadd.s32 $0xFFFFF000  }
0x98: {  	[spmem:s10] =	stream.linear.scatter [tilespmem:s4], [sflag:$0x3], $0x1000, $0x38;
	[tilespmem:$0x1A800] =	vst v63  }
0x99: {  	_ =	swait.ge [sflag:s19], $0x1000  }
0x9a: {  	[sflag:s19] =	ssyncset.done $0x0  }
0x9b: {  	s11 =	rddreg [dreg:$0x1c];
	[sflag:s19] =	ssyncadd.s32 $0xFFFFF000  }
0x9c: {  	[spmem:s11] =	stream.linear.scatter [tilespmem:s4], [sflag:$0x3], $0x1000, $0x38;
	[tilespmem:$0x1A800] =	vst v63  }
0x9d: {  	_ =	swait.ge [sflag:s19], $0x1000  }
0x9e: {  	[sflag:s19] =	ssyncset.done $0x0  }
0x9f: {  	s13 =	rddreg [dreg:$0x1d];
	[sflag:s19] =	ssyncadd.s32 $0xFFFFF000  }
0xa0: {  	[spmem:s13] =	stream.linear.scatter [tilespmem:s4], [sflag:$0x3], $0x1000, $0x38;
	[tilespmem:$0x1A800] =	vst v63  }
0xa1: {  	_ =	swait.ge [sflag:s19], $0x1000  }
0xa2: {  	[sflag:s19] =	ssyncset.done $0x0  }
0xa3: {  	s14 =	rddreg [dreg:$0x1e];
	[sflag:s19] =	ssyncadd.s32 $0xFFFFF000  }
0xa4: {  	[spmem:s14] =	stream.linear.scatter [tilespmem:s4], [sflag:$0x3], $0x1000, $0x38;
	[tilespmem:$0x1A800] =	vst v63  }
0xa5: {  	_ =	swait.ge [sflag:s19], $0x1000  }
0xa6: {  	[sflag:s19] =	ssyncset.done $0x0  }
0xa7: {  	s15 =	rddreg [dreg:$0x1f];
	[sflag:s19] =	ssyncadd.s32 $0xFFFFF000  }
0xa8: {  	[spmem:s15] =	stream.linear.scatter [tilespmem:s4], [sflag:$0x3], $0x1000, $0x38;
	[tilespmem:$0x1A800] =	vst v63  }
0xa9: {  	_ =	swait.ge [sflag:s19], $0x1000  }
0xaa: {  	s16 =	sld [smem:$0x7FA]  }
0xab: {  	[sflag:s19] =	ssyncset.done $0x0  }
0xac: {  	[sflag:s19] =	ssyncadd.s32 $0xFFFFF000  }
0xad: {  	[spmem:s16] =	stream.linear.scatter [tilespmem:s4], [sflag:$0x3], $0x1000, $0x38;
	[tilespmem:$0x1A800] =	vst v63  }
0xae: {  	_ =	swait.ge [sflag:s19], $0x1000  }
0xaf: {  	s17 =	sld [smem:$0x7FB]  }
0xb0: {  	[sflag:s19] =	ssyncset.done $0x0  }
0xb1: {  	[sflag:s19] =	ssyncadd.s32 $0xFFFFF000  }
0xb2: {  	[spmem:s17] =	stream.linear.scatter [tilespmem:s4], [sflag:$0x3], $0x1000, $0x38;
	[tilespmem:$0x1A800] =	vst v63  }
0xb3: {  	_ =	swait.ge [sflag:s19], $0x1000  }
0xb4: {  	s18 =	sld [smem:$0x7FC]  }
0xb5: {  	[sflag:s19] =	ssyncset.done $0x0  }
0xb6: {  	[sflag:s19] =	ssyncadd.s32 $0xFFFFF000  }
0xb7: {  	[spmem:s18] =	stream.linear.scatter [tilespmem:s4], [sflag:$0x3], $0x1000, $0x38;
	[tilespmem:$0x1A800] =	vst v63  }
0xb8: {  	_ =	swait.ge [sflag:s19], $0x1000  }
0xb9: {  	s26 =	sld [smem:$0x7FD]  }
0xba: {  	[sflag:s19] =	ssyncset.done $0x0  }
0xbb: {  	[sflag:s19] =	ssyncadd.s32 $0xFFFFF000  }
0xbc: {  	[spmem:s26] =	stream.linear.scatter [tilespmem:s4], [sflag:$0x3], $0x1000, $0x38;
	[tilespmem:$0x1A800] =	vst v63  }
0xbd: {  	_ =	swait.ge [sflag:s19], $0x1000  }
.Ltmp4:
0xbe: {  	s30 =	rddreg [dreg:$0x7];
	(pc) =	sbr.rel .LBB2_3-.Ltmp4, $4  }
0xbf: {  	[sflag:s19] =	ssyncset.done $0x0;
	[smem:$0x7F7] =	sst s8;
	s0 =	sadd.s32 s30, s8  }
0xc0: {  	[sflag:s19] =	ssyncadd.s32 $0xFFFFF000;
	[smem:$0x7F8] =	sst s0;
	s31 =	smul.u32 $0x3E8, s0  }
0xc1: {  	s5 =	simm.s32 $0x0;
	[bflag:$0x0] =	sbarrier.arrive $0xFFFF  }
0xc2: {  	v5 =	vimm.s32 $0x0;
	s4 =	simm.s32 $0x0;
	s8 =	simm.s32 $0x0;
	s0 =	simm.s32 $0x0;
	v4 =	vmov s31  }
.LBB2_9:
0xc3: {  	s9 =	sadd.s32 $0x1800, s5;
	[sflag:s29] =	ssyncadd.s32 @p1 $0xFFFFE000  }
0xc4: {  	[tilespmem:s28], [sflag:$0x1] =	stream.indirect.gather [hbm4b:s6+s25], $0x80, s9, s25, $0xb8;
	[tilespmem:$0x1A800] =	vst v63  }
0xc5: {  	_ =	swait.ge @p0 [sflag:s31], $0x2000  }
0xc6: {  	s11 =	sadd.s32 @p0 $0x3800, s5;
	[sflag:s31] =	ssyncset.done @p0 $0x0  }
0xc7: {  	s13 =	simm.s32 @p0 $0x40;
	s9 =	simm.s32 @p0 $0x5800;
	[sflag:s31] =	ssyncadd.s32 @p0 $0xFFFFE000  }
0xc8: {  	[spmem:s3] =	stream.indirect.scatter.add.f32 @p0 [tilespmem:s9], [sflag:$0x2], $0x80, s11, s13, $0xb8;
	[tilespmem:$0x1A800] =	vst v63  }
0xc9: {  	s9 =	simm.s32 @!p0 $0x1;
	s11 =	simm.s32 @!p0 $0x40;
	s13 =	simm.s32 @!p0 $0x7800  }
0xca: {  	[tilespmem:s13], [sflag:$0x1] =	stream.indirect.gather @!p0 [hbm4b:s6+s11], $0x80, s16, s11, $0xb8;
	[tilespmem:$0x1A800] =	vst v63  }
0xcb: {  	_ =	swait.ge @!p0 [sflag:s9], $0x2000  }
0xcc: {  	[sflag:s9] =	ssyncset.done @!p0 $0x0  }
0xcd: {  	s5 =	sadd.s32 @!p0 $0x3800, s5;
	s15 =	simm.s32 @!p0 $0x5800;
	[sflag:s9] =	ssyncadd.s32 @!p0 $0xFFFFE000  }
0xce: {  	[spmem:s3] =	stream.indirect.scatter.add.f32 @!p0 [tilespmem:s15], [sflag:$0x2], $0x80, s5, s11, $0xb8;
	[tilespmem:$0x1A800] =	vst v63  }
0xcf: {  	_ =	swait.ge @!p0 [sflag:s9], $0x2000  }
0xd0: {  	[sflag:s9] =	ssyncset.done @!p0 $0x0  }
0xd1: {  	s5 =	simm.s32 @!p0 $0x2;
	[sflag:s9] =	ssyncadd.s32 @!p0 $0xFFFFE000  }
0xd2: {  	[spmem:s3] =	stream.indirect.scatter.add.f32 @!p0 [tilespmem:s13], [sflag:$0x2], $0x80, s10, s11, $0xb8;
	[tilespmem:$0x1A800] =	vst v63  }
0xd3: {  	_ =	swait.ge @!p0 [sflag:s5], $0x2000  }
0xd4: {  	[sflag:s5] =	ssyncset.done @!p0 $0x0  }
0xd5: {  	[sflag:s5] =	ssyncadd.s32 @!p0 $0xFFFFE000  }
0xd6: {  	_ =	swait.ge [sflag:s29], $0x2000  }
0xd7: {  	[sflag:s29] =	ssyncset.done $0x0  }
0xd8: {  	[sflag:s29] =	ssyncadd.s32 $0xFFFFE000  }
.LBB2_10:
0xd9: {  	s4 =	sadd.s32 $0x1, s4  }
0xda: {  	p0 =	sne.s32 s4, $0xA  }
.Ltmp5:
0xdb: {  	_ = 	snop;
	(pc) =	sbr.rel @!p0 .LBB2_11-.Ltmp5, $2  }
0xdc: {  	_ =	sdelay $0x2  }
0xdd: {  	s5 =	ssub.s32 $0x0, s8  }
.LBB2_3:
0xde: {  	s9 =	smul.u32 $0x7D0, s4;
	_ =	sdelay $0x1  }
0xdf: {  	s9 =	sadd.s32 s12, s9  }
0xe0: {  	s9 =	sshrl.u32 s9, $0x3  }
0xe1: {  	s10 =	sadd.s32 s7, s9  }
0xe2: {  	[tilespmem:s0], [sflag:$0x3] =	stream.linear.gather [hbm4b:s10+s0], $0x7D0, $0x38;
	[tilespmem:$0x1A800] =	vst v63  }
0xe3: {  	_ =	swait.ge [sflag:s19], $0x7D0  }
0xe4: {  	[sflag:s19] =	ssyncset.done $0x0  }
0xe5: {  	s31 =	sadd.s32 s1, s9;
	[sflag:s19] =	ssyncadd.s32 $0xFFFFF830  }
0xe6: {  	[tilespmem:s20], [sflag:$0x3] =	stream.linear.gather [hbm4b:s31+s0], $0x7D0, $0x38;
	[tilespmem:$0x1A800] =	vst v63  }
0xe7: {  	_ =	swait.ge [sflag:s19], $0x7D0  }
0xe8: {  	[sflag:s19] =	ssyncset.done $0x0  }
0xe9: {  	s9 =	sadd.s32 s2, s9;
	[sflag:s19] =	ssyncadd.s32 $0xFFFFF830  }
0xea: {  	[tilespmem:s21], [sflag:$0x3] =	stream.linear.gather [hbm4b:s9+s0], $0x7D0, $0x38;
	[tilespmem:$0x1A800] =	vst v63  }
0xeb: {  	_ =	swait.ge [sflag:s19], $0x7D0  }
0xec: {  	[sflag:s19] =	ssyncset.done $0x0  }
0xed: {  	s10 =	smov.u32 s8;
	s8 =	simm.s32 $0x0;
	[sflag:s19] =	ssyncadd.s32 $0xFFFFF830  }
.LBB2_4:
0xee: {  	s14 =	sshra.s32 s8, $0x2  }
0xef: {  	v6 =	vld [tilespmem:s14+$0x800];
	_ =	sdelay $0x4  }
0xf0: {  	v6 =	vsub.s32 v6, v4  }
0xf1: {  	vm0 =	vlt.u32 v6, $0x3E8  }
0xf2: {  	v7 =	vsel vm0, $0x1, v0  }
0xf3: {  	(xrf0) =	vadd.scan.msk.s32 $0xffff, v7;
	_ =	sdelay $0x5  }
0xf4: {  	v7, _, _ =	vpop (xrf0)  }
0xf5: {  	v7 =	vadd.s32 v7, v5  }
0xf6: {  	v7 =	vadd.s32 $0xFFFFFFFF, v7  }
0xf7: {  	v8 =	vshll.u32 v7, $0x1  }
0xf8: {  	v9 =	vld [tilespmem:s14+$0x0];
	v7 =	vand.u32 $0x3F, v7;
	v8 =	vand.u32 $0x1F80, v8  }
0xf9: {  	v10 =	vld [tilespmem:s14+$0x1000];
	v7 =	vor.u32 v7, v8;
	_ =	sdelay $0x3  }
0xfa: {  	v6 =	vshll.u32 v6, $0x3  }
0xfb: {  	v6 =	vadd.s32 v10, v6;
	[tilespmem:v7+s22+$0x0] =	vst.idx.msk vm0, v9  }
0xfc: {  	[tilespmem:v7+s23+$0x0] =	vst.idx.msk vm0, v6  }
0xfd: {  	v6 =	vld [tilespmem:s14+$0x810];
	_ =	sdelay $0x4  }
0xfe: {  	v6 =	vsub.s32 v6, v4  }
0xff: {  	vm1 =	vlt.u32 v6, $0x3E8  }
0x100: {  	v7 =	vsel vm1, $0x1, v0  }
0x101: {  	(xrf0) =	vadd.scan.msk.s32 $0xffff, v7;
	_ =	sdelay $0x1  }
0x102: {  	v7 =	vmpcnt.ones.xlane vm0;
	_ =	sdelay $0x3  }
0x103: {  	v5 =	vadd.s32 v5, v7;
	v7, _, _ =	vpop (xrf0)  }
0x104: {  	v7 =	vadd.s32 v7, v5  }
0x105: {  	v7 =	vadd.s32 $0xFFFFFFFF, v7  }
0x106: {  	v55 =	vshll.u32 v7, $0x1  }
0x107: {  	v9 =	vld [tilespmem:s14+$0x10];
	v7 =	vand.u32 $0x3F, v7;
	v8 =	vand.u32 $0x1F80, v55  }
0x108: {  	v56 =	vld [tilespmem:s14+$0x1010];
	v7 =	vor.u32 v7, v8;
	_ =	sdelay $0x3  }
0x109: {  	v6 =	vshll.u32 v6, $0x3  }
0x10a: {  	v6 =	vadd.s32 v56, v6;
	[tilespmem:v7+s22+$0x0] =	vst.idx.msk vm1, v9  }
0x10b: {  	[tilespmem:v7+s23+$0x0] =	vst.idx.msk vm1, v6  }
0x10c: {  	v6 =	vld [tilespmem:s14+$0x820];
	_ =	sdelay $0x4  }
0x10d: {  	v6 =	vsub.s32 v6, v4  }
0x10e: {  	vm13 =	vlt.u32 v6, $0x3E8  }
0x10f: {  	v7 =	vsel vm13, $0x1, v0  }
0x110: {  	(xrf0) =	vadd.scan.msk.s32 $0xffff, v7;
	_ =	sdelay $0x1  }
0x111: {  	v7 =	vmpcnt.ones.xlane vm1;
	_ =	sdelay $0x3  }
0x112: {  	v5 =	vadd.s32 v5, v7;
	v7, _, _ =	vpop (xrf0)  }
0x113: {  	v7 =	vadd.s32 v7, v5  }
0x114: {  	v7 =	vadd.s32 $0xFFFFFFFF, v7  }
0x115: {  	v57 =	vshll.u32 v7, $0x1  }
0x116: {  	v9 =	vld [tilespmem:s14+$0x20];
	v7 =	vand.u32 $0x3F, v7;
	v8 =	vand.u32 $0x1F80, v57  }
0x117: {  	v58 =	vld [tilespmem:s14+$0x1020];
	v7 =	vor.u32 v7, v8;
	_ =	sdelay $0x3  }
0x118: {  	v6 =	vshll.u32 v6, $0x3  }
0x119: {  	v6 =	vadd.s32 v58, v6;
	[tilespmem:v7+s22+$0x0] =	vst.idx.msk vm13, v9  }
0x11a: {  	[tilespmem:v7+s23+$0x0] =	vst.idx.msk vm13, v6  }
0x11b: {  	v6 =	vld [tilespmem:s14+$0x830];
	_ =	sdelay $0x4  }
0x11c: {  	v6 =	vsub.s32 v6, v4  }
0x11d: {  	vm14 =	vlt.u32 v6, $0x3E8  }
0x11e: {  	v7 =	vsel vm14, $0x1, v0  }
0x11f: {  	(xrf0) =	vadd.scan.msk.s32 $0xffff, v7;
	_ =	sdelay $0x1  }
0x120: {  	v7 =	vmpcnt.ones.xlane vm13;
	_ =	sdelay $0x3  }
0x121: {  	v5 =	vadd.s32 v5, v7;
	v7, _, _ =	vpop (xrf0)  }
0x122: {  	v7 =	vadd.s32 v7, v5  }
0x123: {  	v7 =	vadd.s32 $0xFFFFFFFF, v7  }
0x124: {  	v59 =	vshll.u32 v7, $0x1  }
0x125: {  	v9 =	vld [tilespmem:s14+$0x30];
	v7 =	vand.u32 $0x3F, v7;
	v8 =	vand.u32 $0x1F80, v59  }
0x126: {  	v60 =	vld [tilespmem:s14+$0x1030];
	v7 =	vor.u32 v7, v8;
	_ =	sdelay $0x3  }
0x127: {  	v6 =	vshll.u32 v6, $0x3  }
0x128: {  	v6 =	vadd.s32 v60, v6;
	[tilespmem:v7+s22+$0x0] =	vst.idx.msk vm14, v9  }
0x129: {  	[tilespmem:v7+s23+$0x0] =	vst.idx.msk vm14, v6  }
0x12a: {  	v6 =	vld [tilespmem:s14+$0x840];
	_ =	sdelay $0x4  }
0x12b: {  	v6 =	vsub.s32 v6, v4  }
0x12c: {  	vm15 =	vlt.u32 v6, $0x3E8  }
0x12d: {  	v7 =	vsel vm15, $0x1, v0  }
0x12e: {  	(xrf0) =	vadd.scan.msk.s32 $0xffff, v7;
	_ =	sdelay $0x1  }
0x12f: {  	v7 =	vmpcnt.ones.xlane vm14;
	_ =	sdelay $0x3  }
0x130: {  	v5 =	vadd.s32 v5, v7;
	v7, _, _ =	vpop (xrf0)  }
0x131: {  	v7 =	vadd.s32 v7, v5  }
0x132: {  	v7 =	vadd.s32 $0xFFFFFFFF, v7  }
0x133: {  	v61 =	vshll.u32 v7, $0x1  }
0x134: {  	v9 =	vld [tilespmem:s14+$0x40];
	v7 =	vand.u32 $0x3F, v7;
	v8 =	vand.u32 $0x1F80, v61  }
0x135: {  	v62 =	vld [tilespmem:s14+$0x1040];
	v7 =	vor.u32 v7, v8  }
0x136: {  	p0 =	sne.s32 s8, $0x1E00  }
.Ltmp6:
0x137: {  	_ = 	snop;
	(pc) =	sbr.rel @p0 .LBB2_4-.Ltmp6, $4  }
0x138: {  	_ = 	snop  }
0x139: {  	v6 =	vshll.u32 v6, $0x3;
	v63 =	vmpcnt.ones.xlane vm15  }
0x13a: {  	v6 =	vadd.s32 v62, v6;
	[tilespmem:v7+s22+$0x0] =	vst.idx.msk vm15, v9  }
0x13b: {  	s8 =	sadd.s32 $0x140, s8;
	v5 =	vadd.s32 v5, v63;
	[tilespmem:v7+s23+$0x0] =	vst.idx.msk vm15, v6  }
0x13c: {  	v6 =	vxor.u32 $0x80000000, v5  }
0x13d: {  	(xrf0) =	vmax.scan.msk.u32 $0xffff, v6;
	_ =	sdelay $0x5  }
0x13e: {  	v6, _, _ =	vpop (xrf0)  }
0x13f: {  	(v2sf) =	vpush v6, $0xF;
	_ =	sdelay $0xe  }
0x140: {  	s14 =	spop (v2sf)  }
0x141: {  	s8 =	sshrl.u32 s14, $0x6  }
0x142: {  	s8 =	sxor.u32 $0x2000000, s8  }
0x143: {  	s5 =	sadd.s32 s8, s5  }
0x144: {  	s5 =	sadd.s32 $0x1, s5  }
0x145: {  	s5 =	sshrl.u32 s5, $0x1  }
0x146: {  	p0 =	seq.s32 s5, $0x0  }
.Ltmp7:
0x147: {  	_ = 	snop;
	(pc) =	sbr.rel @p0 .LBB2_10-.Ltmp7, $1  }
0x148: {  	_ =	sdelay $0x3  }
0x149: {  	s9 =	sshll.u32 s10, $0x9;
	s17 =	sadd.s32 $0x1, s10  }
0x14a: {  	s9 =	sadd.s32 $0x200, s9;
	p0 =	sge.s32 s17, s8  }
0x14b: {  	s11 =	sshrl.u32 @!p0 s9, $0x2  }
0x14c: {  	s15 =	sand.u32 @!p0 $0x1F80, s11;
	s11 =	sshll.u32 s10, $0x7  }
0x14d: {  	s16 =	sadd.s32 @!p0 $0x1800, s15;
	s10 =	sadd.s32 @!p0 $0x3800, s15;
	s15 =	sadd.s32 $0xFFFFFFFF, s5  }
0x14e: {  	p2 =	sne.s32 s15, $0x0  }
.Ltmp8:
0x14f: {  	_ = 	snop;
	(pc) =	sbr.rel @!p2 .LBB2_9-.Ltmp8, $3  }
0x150: {  	_ =	sdelay $0x1  }
0x151: {  	p1 =	por $0x0, $0x0;
	s26 =	sadd.s32 $0x2, s17;
	p0 =	por p0, p0  }
0x152: {  	s9 =	sadd.s32 $0x400, s9;
	s5 =	sand.u32 $0x1F80, s11;
	s31 =	simm.s32 @p0 $0x1  }
0x153: {  	s17 =	sadd.s32 $0x1800, s5  }
0x154: {  	[tilespmem:s28], [sflag:$0x1] =	stream.indirect.gather [hbm4b:s6+s25], $0x80, s17, s25, $0xb8;
	[tilespmem:$0x1A800] =	vst v63  }
0x155: {  	_ =	swait.ge @p0 [sflag:s31], $0x2000  }
0x156: {  	s13 =	simm.s32 @p0 $0x40;
	[sflag:s31] =	ssyncset.done @p0 $0x0  }
0x157: {  	s17 =	simm.s32 @p0 $0x5800;
	[sflag:s31] =	ssyncadd.s32 @p0 $0xFFFFE000;
	s31 =	sadd.s32 @p0 $0x3800, s5  }
0x158: {  	[spmem:s3] =	stream.indirect.scatter.add.f32 @p0 [tilespmem:s17], [sflag:$0x2], $0x80, s31, s13, $0xb8;
	[tilespmem:$0x1A800] =	vst v63  }
0x159: {  	s13 =	simm.s32 @!p0 $0x1;
	s17 =	simm.s32 @!p0 $0x40;
	s31 =	simm.s32 @!p0 $0x7800  }
0x15a: {  	[tilespmem:s31], [sflag:$0x1] =	stream.indirect.gather @!p0 [hbm4b:s6+s17], $0x80, s16, s17, $0xb8;
	[tilespmem:$0x1A800] =	vst v63  }
0x15b: {  	_ =	swait.ge @!p0 [sflag:s13], $0x2000  }
0x15c: {  	[sflag:s13] =	ssyncset.done @!p0 $0x0  }
0x15d: {  	s5 =	sadd.s32 @!p0 $0x3800, s5;
	s16 =	simm.s32 @!p0 $0x5800;
	[sflag:s13] =	ssyncadd.s32 @!p0 $0xFFFFE000  }
0x15e: {  	[spmem:s3] =	stream.indirect.scatter.add.f32 @!p0 [tilespmem:s16], [sflag:$0x2], $0x80, s5, s17, $0xb8;
	[tilespmem:$0x1A800] =	vst v63  }
0x15f: {  	_ =	swait.ge @!p0 [sflag:s13], $0x2000  }
0x160: {  	p1 =	sge.s32 s26, s8;
	[sflag:s13] =	ssyncset.done @!p0 $0x0  }
0x161: {  	s15 =	sadd.s32 $0xFFFFFFFF, s15;
	s26 =	sadd.s32 $0x2, s26;
	[sflag:s13] =	ssyncadd.s32 @!p0 $0xFFFFE000  }
0x162: {  	[spmem:s3] =	stream.indirect.scatter.add.f32 @!p0 [tilespmem:s31], [sflag:$0x2], $0x80, s10, s17, $0xb8;
	[tilespmem:$0x1A800] =	vst v63  }
0x163: {  	p2 =	sne.s32 s15, $0x0;
	s5 =	simm.s32 @!p0 $0x2;
	s10 =	sshrl.u32 @!p1 s9, $0x2  }
.Ltmp9:
0x164: {  	s17 =	sadd.s32 $0x100, s11;
	_ =	swait.ge @!p0 [sflag:s5], $0x2000;
	(pc) =	sbr.rel @!p2 .LBB2_9-.Ltmp9, $4  }
0x165: {  	s11 =	sadd.s32 $0x400, s9;
	s10 =	sand.u32 @!p1 $0x1F80, s10;
	[sflag:s5] =	ssyncset.done @!p0 $0x0  }
0x166: {  	s16 =	sadd.s32 @!p1 $0x1800, s10;
	s10 =	sadd.s32 @!p1 $0x3800, s10;
	[sflag:s5] =	ssyncadd.s32 @!p0 $0xFFFFE000  }
0x167: {  	p0 =	por p1, p1;
	s5 =	sand.u32 $0x1F80, s17;
	_ =	swait.ge [sflag:s29], $0x2000  }
0x168: {  	p1 =	por $0x1, $0x1;
	s31 =	simm.s32 @p0 $0x1;
	[sflag:s29] =	ssyncset.done $0x0  }
.LBB2_8:
0x169: {  	p2 =	sge.s32 s26, s8;
	s9 =	sadd.s32 $0x1800, s5;
	[sflag:s29] =	ssyncadd.s32 $0xFFFFE000  }
0x16a: {  	[tilespmem:s28], [sflag:$0x1] =	stream.indirect.gather [hbm4b:s6+s25], $0x80, s9, s25, $0xb8;
	[tilespmem:$0x1A800] =	vst v63  }
0x16b: {  	s13 =	simm.s32 @!p0 $0x1;
	s9 =	sshrl.u32 @!p2 s11, $0x2;
	_ =	swait.ge @p0 [sflag:s31], $0x2000  }
0x16c: {  	s18 =	simm.s32 @p0 $0x5800;
	s9 =	sand.u32 @!p2 $0x1F80, s9;
	[sflag:s31] =	ssyncset.done @p0 $0x0  }
0x16d: {  	s30 =	simm.s32 @p0 $0x40;
	[sflag:s31] =	ssyncadd.s32 @p0 $0xFFFFE000;
	s31 =	sadd.s32 @p0 $0x3800, s5  }
0x16e: {  	[spmem:s3] =	stream.indirect.scatter.add.f32 @p0 [tilespmem:s18], [sflag:$0x2], $0x80, s31, s30, $0xb8;
	[tilespmem:$0x1A800] =	vst v63  }
0x16f: {  	s18 =	sadd.s32 @!p2 $0x1800, s9;
	s30 =	simm.s32 @!p0 $0x40;
	s31 =	simm.s32 @!p0 $0x7800  }
0x170: {  	[tilespmem:s31], [sflag:$0x1] =	stream.indirect.gather @!p0 [hbm4b:s6+s30], $0x80, s16, s30, $0xb8;
	[tilespmem:$0x1A800] =	vst v63  }
0x171: {  	s15 =	sadd.s32 $0xFFFFFFFF, s15;
	s9 =	sadd.s32 @!p2 $0x3800, s9;
	_ =	swait.ge @!p0 [sflag:s13], $0x2000  }
0x172: {  	p3 =	sne.s32 s15, $0x0;
	s16 =	smov.u32 s18;
	[sflag:s13] =	ssyncset.done @!p0 $0x0  }
0x173: {  	s5 =	sadd.s32 @!p0 $0x3800, s5;
	s18 =	simm.s32 @!p0 $0x5800;
	[sflag:s13] =	ssyncadd.s32 @!p0 $0xFFFFE000  }
0x174: {  	[spmem:s3] =	stream.indirect.scatter.add.f32 @!p0 [tilespmem:s18], [sflag:$0x2], $0x80, s5, s30, $0xb8;
	[tilespmem:$0x1A800] =	vst v63  }
0x175: {  	_ =	swait.ge @!p0 [sflag:s13], $0x2000  }
0x176: {  	[sflag:s13] =	ssyncset.done @!p0 $0x0  }
0x177: {  	s5 =	simm.s32 @!p0 $0x2;
	[sflag:s13] =	ssyncadd.s32 @!p0 $0xFFFFE000  }
0x178: {  	[spmem:s3] =	stream.indirect.scatter.add.f32 @!p0 [tilespmem:s31], [sflag:$0x2], $0x80, s10, s30, $0xb8;
	[tilespmem:$0x1A800] =	vst v63  }
.Ltmp10:
0x179: {  	s10 =	smov.u32 s9;
	_ =	swait.ge @!p0 [sflag:s5], $0x2000;
	(pc) =	sbr.rel @p3 .LBB2_8-.Ltmp10, $4  }
0x17a: {  	[sflag:s5] =	ssyncset.done @!p0 $0x0  }
0x17b: {  	s17 =	sadd.s32 $0x100, s17;
	[sflag:s5] =	ssyncadd.s32 @!p0 $0xFFFFE000;
	p0 =	por p2, p2  }
0x17c: {  	s11 =	sadd.s32 $0x400, s11;
	s31 =	simm.s32 @p0 $0x1;
	_ =	swait.ge [sflag:s29], $0x2000  }
0x17d: {  	s26 =	sadd.s32 $0x2, s26;
	s5 =	sand.u32 $0x1F80, s17;
	[sflag:s29] =	ssyncset.done $0x0  }
.Ltmp11:
0x17e: {  	_ = 	snop;
	(pc) =	sbr.rel .LBB2_9-.Ltmp11, $1  }
0x17f: {  	_ =	sdelay $0x3  }
.LBB2_11:
0x180: {  	s0 =	sxor.u32 $0x80000000, s14  }
0x181: {  	s4 =	sadd.s32 $0x8000003F, s14;
	s26 =	sadd.s32 $0x80000010, s14;
	v4 =	vadd.s32 s0, v1  }
0x182: {  	s5 =	sand.u32 $0xFFFFFFC0, s4;
	v6 =	vadd.s32 s26, v1;
	v5 =	vshll.u32 v4, $0x1  }
0x183: {  	s30 =	sadd.s32 $0x80000020, s14;
	vm0 =	vlt.s32 v4, s5;
	v4 =	vand.u32 $0x3F, v4;
	v5 =	vand.u32 $0x1F80, v5  }
0x184: {  	v7 =	vadd.s32 s30, v1;
	v4 =	vor.u32 v4, v5;
	v5 =	vshll.u32 v6, $0x1  }
0x185: {  	s31 =	sadd.s32 $0x80000030, s14;
	vm1 =	vlt.s32 v6, s5;
	v6 =	vand.u32 $0x3F, v6;
	v5 =	vand.u32 $0x1F80, v5  }
0x186: {  	v8 =	vadd.s32 s31, v1;
	v62 =	vshll.u32 v7, $0x1;
	v5 =	vor.u32 v6, v5  }
0x187: {  	s0 =	sshrl.u32 s4, $0x6;
	vm2 =	vlt.s32 v7, s5;
	v7 =	vand.u32 $0x3F, v7;
	v6 =	vand.u32 $0x1F80, v62  }
0x188: {  	v63 =	vshll.u32 v8, $0x1;
	s4 =	ssub.s32 s0, s8;
	v6 =	vor.u32 v7, v6  }
0x189: {  	vm3 =	vlt.s32 v8, s5;
	v8 =	vand.u32 $0x3F, v8;
	s4 =	sadd.s32 $0x1, s4;
	v7 =	vand.u32 $0x1F80, v63;
	[tilespmem:v4+s23+$0x0] =	vst.idx.msk vm0, v2  }
0x18a: {  	s4 =	sshrl.u32 s4, $0x1;
	[tilespmem:v4+s22+$0x0] =	vst.idx.msk vm0, v3;
	v4 =	vor.u32 v8, v7  }
0x18b: {  	p0 =	seq.s32 s4, $0x0;
	[tilespmem:v5+s23+$0x0] =	vst.idx.msk vm1, v2  }
.Ltmp12:
0x18c: {  	[tilespmem:v5+s22+$0x0] =	vst.idx.msk vm1, v3;
	(pc) =	sbr.rel @p0 .LBB2_18-.Ltmp12, $4  }
0x18d: {  	[tilespmem:v6+s23+$0x0] =	vst.idx.msk vm2, v2  }
0x18e: {  	[tilespmem:v6+s22+$0x0] =	vst.idx.msk vm2, v3  }
0x18f: {  	[tilespmem:v4+s23+$0x0] =	vst.idx.msk vm3, v2  }
0x190: {  	s14 =	rddreg [dreg:$0x8];
	[tilespmem:v4+s22+$0x0] =	vst.idx.msk vm3, v3  }
0x191: {  	s5 =	sshll.u32 s8, $0x9  }
0x192: {  	s13 =	sadd.s32 $0x1, s8;
	s11 =	sshll.u32 s8, $0x7;
	s8 =	sadd.s32 $0xFFFFFFFF, s4  }
0x193: {  	p2 =	sne.s32 s8, $0x0  }
.Ltmp13:
0x194: {  	s9 =	sadd.s32 $0x200, s5;
	p0 =	sge.s32 s13, s0;
	(pc) =	sbr.rel @!p2 .LBB2_17-.Ltmp13, $4  }
0x195: {  	s5 =	sshrl.u32 @!p0 s9, $0x2  }
0x196: {  	p1 =	por $0x0, $0x0;
	s4 =	sand.u32 $0x1F80, s11;
	s5 =	sand.u32 @!p0 $0x1F80, s5  }
0x197: {  	s10 =	sadd.s32 @!p0 $0x1800, s5;
	s5 =	sadd.s32 @!p0 $0x3800, s5;
	p0 =	por p0, p0  }
0x198: {  	s15 =	sadd.s32 $0x2, s13;
	s9 =	sadd.s32 $0x400, s9;
	s16 =	simm.s32 @p0 $0x1  }
0x199: {  	s13 =	sadd.s32 $0x1800, s4  }
0x19a: {  	[tilespmem:s28], [sflag:$0x1] =	stream.indirect.gather [hbm4b:s6+s25], $0x80, s13, s25, $0xb8;
	[tilespmem:$0x1A800] =	vst v63  }
0x19b: {  	_ =	swait.ge @p0 [sflag:s16], $0x2000  }
0x19c: {  	s14 =	sadd.s32 @p0 $0x3800, s4;
	[sflag:s16] =	ssyncset.done @p0 $0x0  }
0x19d: {  	s13 =	simm.s32 @p0 $0x5800;
	[sflag:s16] =	ssyncadd.s32 @p0 $0xFFFFE000;
	s16 =	simm.s32 @p0 $0x40  }
0x19e: {  	[spmem:s3] =	stream.indirect.scatter.add.f32 @p0 [tilespmem:s13], [sflag:$0x2], $0x80, s14, s16, $0xb8;
	[tilespmem:$0x1A800] =	vst v63  }
0x19f: {  	s13 =	simm.s32 @!p0 $0x1;
	s14 =	simm.s32 @!p0 $0x40;
	s16 =	simm.s32 @!p0 $0x7800  }
0x1a0: {  	[tilespmem:s16], [sflag:$0x1] =	stream.indirect.gather @!p0 [hbm4b:s6+s14], $0x80, s10, s14, $0xb8;
	[tilespmem:$0x1A800] =	vst v63  }
0x1a1: {  	_ =	swait.ge @!p0 [sflag:s13], $0x2000  }
0x1a2: {  	[sflag:s13] =	ssyncset.done @!p0 $0x0  }
0x1a3: {  	s4 =	sadd.s32 @!p0 $0x3800, s4;
	s10 =	simm.s32 @!p0 $0x5800;
	[sflag:s13] =	ssyncadd.s32 @!p0 $0xFFFFE000  }
0x1a4: {  	[spmem:s3] =	stream.indirect.scatter.add.f32 @!p0 [tilespmem:s10], [sflag:$0x2], $0x80, s4, s14, $0xb8;
	[tilespmem:$0x1A800] =	vst v63  }
0x1a5: {  	_ =	swait.ge @!p0 [sflag:s13], $0x2000  }
0x1a6: {  	p1 =	sge.s32 s15, s0;
	[sflag:s13] =	ssyncset.done @!p0 $0x0  }
0x1a7: {  	s8 =	sadd.s32 $0xFFFFFFFF, s8;
	s15 =	sadd.s32 $0x2, s15;
	[sflag:s13] =	ssyncadd.s32 @!p0 $0xFFFFE000  }
0x1a8: {  	[spmem:s3] =	stream.indirect.scatter.add.f32 @!p0 [tilespmem:s16], [sflag:$0x2], $0x80, s5, s14, $0xb8;
	[tilespmem:$0x1A800] =	vst v63  }
0x1a9: {  	p2 =	sne.s32 s8, $0x0;
	s4 =	simm.s32 @!p0 $0x2;
	s5 =	sshrl.u32 @!p1 s9, $0x2  }
.Ltmp14:
0x1aa: {  	s14 =	sadd.s32 $0x100, s11;
	_ =	swait.ge @!p0 [sflag:s4], $0x2000;
	(pc) =	sbr.rel @!p2 .LBB2_14-.Ltmp14, $4  }
0x1ab: {  	s11 =	sadd.s32 $0x400, s9;
	s5 =	sand.u32 @!p1 $0x1F80, s5;
	[sflag:s4] =	ssyncset.done @!p0 $0x0  }
0x1ac: {  	s10 =	sadd.s32 @!p1 $0x1800, s5;
	s5 =	sadd.s32 @!p1 $0x3800, s5;
	[sflag:s4] =	ssyncadd.s32 @!p0 $0xFFFFE000  }
0x1ad: {  	p0 =	por p1, p1;
	s4 =	sand.u32 $0x1F80, s14;
	_ =	swait.ge [sflag:s29], $0x2000  }
0x1ae: {  	p1 =	por $0x1, $0x1;
	s16 =	simm.s32 @p0 $0x1;
	[sflag:s29] =	ssyncset.done $0x0  }
.LBB2_15:
0x1af: {  	p2 =	sge.s32 s15, s0;
	s9 =	sadd.s32 $0x1800, s4;
	[sflag:s29] =	ssyncadd.s32 $0xFFFFE000  }
0x1b0: {  	[tilespmem:s28], [sflag:$0x1] =	stream.indirect.gather [hbm4b:s6+s25], $0x80, s9, s25, $0xb8;
	[tilespmem:$0x1A800] =	vst v63  }
0x1b1: {  	s13 =	simm.s32 @!p0 $0x1;
	s9 =	sshrl.u32 @!p2 s11, $0x2;
	_ =	swait.ge @p0 [sflag:s16], $0x2000  }
0x1b2: {  	s17 =	simm.s32 @p0 $0x5800;
	s9 =	sand.u32 @!p2 $0x1F80, s9;
	[sflag:s16] =	ssyncset.done @p0 $0x0  }
0x1b3: {  	s18 =	simm.s32 @p0 $0x40;
	[sflag:s16] =	ssyncadd.s32 @p0 $0xFFFFE000;
	s16 =	sadd.s32 @p0 $0x3800, s4  }
0x1b4: {  	[spmem:s3] =	stream.indirect.scatter.add.f32 @p0 [tilespmem:s17], [sflag:$0x2], $0x80, s16, s18, $0xb8;
	[tilespmem:$0x1A800] =	vst v63  }
0x1b5: {  	s16 =	sadd.s32 @!p2 $0x1800, s9;
	s17 =	simm.s32 @!p0 $0x40;
	s18 =	simm.s32 @!p0 $0x7800  }
0x1b6: {  	[tilespmem:s18], [sflag:$0x1] =	stream.indirect.gather @!p0 [hbm4b:s6+s17], $0x80, s10, s17, $0xb8;
	[tilespmem:$0x1A800] =	vst v63  }
0x1b7: {  	s8 =	sadd.s32 $0xFFFFFFFF, s8;
	s9 =	sadd.s32 @!p2 $0x3800, s9;
	_ =	swait.ge @!p0 [sflag:s13], $0x2000  }
0x1b8: {  	p3 =	sne.s32 s8, $0x0;
	s10 =	smov.u32 s16;
	[sflag:s13] =	ssyncset.done @!p0 $0x0  }
0x1b9: {  	s4 =	sadd.s32 @!p0 $0x3800, s4;
	s16 =	simm.s32 @!p0 $0x5800;
	[sflag:s13] =	ssyncadd.s32 @!p0 $0xFFFFE000  }
0x1ba: {  	[spmem:s3] =	stream.indirect.scatter.add.f32 @!p0 [tilespmem:s16], [sflag:$0x2], $0x80, s4, s17, $0xb8;
	[tilespmem:$0x1A800] =	vst v63  }
0x1bb: {  	_ =	swait.ge @!p0 [sflag:s13], $0x2000  }
0x1bc: {  	[sflag:s13] =	ssyncset.done @!p0 $0x0  }
0x1bd: {  	s4 =	simm.s32 @!p0 $0x2;
	[sflag:s13] =	ssyncadd.s32 @!p0 $0xFFFFE000  }
0x1be: {  	[spmem:s3] =	stream.indirect.scatter.add.f32 @!p0 [tilespmem:s18], [sflag:$0x2], $0x80, s5, s17, $0xb8;
	[tilespmem:$0x1A800] =	vst v63  }
.Ltmp15:
0x1bf: {  	s5 =	smov.u32 s9;
	_ =	swait.ge @!p0 [sflag:s4], $0x2000;
	(pc) =	sbr.rel @p3 .LBB2_15-.Ltmp15, $4  }
0x1c0: {  	[sflag:s4] =	ssyncset.done @!p0 $0x0  }
0x1c1: {  	s14 =	sadd.s32 $0x100, s14;
	[sflag:s4] =	ssyncadd.s32 @!p0 $0xFFFFE000;
	p0 =	por p2, p2  }
0x1c2: {  	s11 =	sadd.s32 $0x400, s11;
	s16 =	simm.s32 @p0 $0x1;
	_ =	swait.ge [sflag:s29], $0x2000  }
0x1c3: {  	s15 =	sadd.s32 $0x2, s15;
	s4 =	sand.u32 $0x1F80, s14;
	[sflag:s29] =	ssyncset.done $0x0  }
.Ltmp16:
0x1c4: {  	(pc) =	sbr.rel .LBB2_17-.Ltmp16, $2  }
0x1c5: {  	_ =	sdelay $0x2  }
0x1c6: {  	s14 =	rddreg [dreg:$0x8]  }
.LBB2_20:
0x1c7: {  	_ =	sfence.sel $0x180000  }
0x1c8: {  	[bflag:$0x0] =	sbarrier.arrive $0xFFFF  }
0x1c9: {  	_ =	strace $0x9000004D  }
0x1ca: {  	s0 =	stileid.u32;
	[bflag:$0x2] =	sbarrier.arrive $0xFFFF  }
0x1cb: {  	p0 =	sne.s32 s0, $0x0;
	s0 =	rddreg [dreg:$0x4]  }
0x1cc: {  	s0 =	sadd.s32 @!p0 $0x100000, s0  }
0x1cd: {  	[sflag:s0] =	ssyncadd.tile.s32 @!p0 $0x1;
	_ =	shalt  }
.Lfunc_end2:
_tile_overlayer_lowered:
.L_overlay_start_2:
0x1ce: {  	(tag) =	ssettag $0x2  }
0x1cf: {  	s0 =	rddreg [dreg:$0x0];
	s2 =	stileid.u32  }
0x1d0: {  	s1 =	rddreg [dreg:$0x1];
	p0 =	sne.s32 s2, $0x0  }
0x1d1: {  	s3 =	rddreg [dreg:$0x2];
	[bflag:$0x3] =	sbarrier.arrive $0xFFFF;
	s2 =	simm.s32 @!p0 $0x1C03  }
0x1d2: {  	[timem:s3], [sflag:s2] =	dma.local @!p0 [hbm:s0], s1  }
0x1d3: {  	s0 =	simm.s32 @!p0 $0x3  }
0x1d4: {  	_ =	swait.ge @!p0 [sflag:s0], s1  }
0x1d5: {  	s1 =	ssub.s32 @!p0 $0x0, s1;
	[sflag:s0] =	ssyncset.done @!p0 $0x0  }
0x1d6: {  	[sflag:s0] =	ssyncadd.s32 @!p0 s1  }
0x1d7: {  	[bflag:$0x3] =	sbarrier.arrive $0xFFFF  }
0x1d8: {  	_ =	shalt  }

// kernel: kernel.7.cloned.1.call-start
scs
__scs_entry_jumppad:
0x0: {  	(pc) =	sbr.rel $0x88, $3  }
0x1: {  	(tag) =	ssettag $0x0;
	lr =	simm.s32 $0x1  }
0x2: {  	[smem:$0x3F98] =	sst lr;
	_ =	strace $0xD0000000  }
0x3: {  	_ = 	snop  }
0x4: {  	_ = 	snop  }
0x5: {  	_ = 	snop  }
0x6: {  	_ = 	snop  }
0x7: {  	_ = 	snop  }
__scs_overlays_trampoline_lowered:
0x8: {  	[smem:$0x3FA7] =	sst s0  }
0x9: {  	[smem:$0x3FA8] =	sst s1  }
0xa: {  	[smem:$0x3FA9] =	sst s2  }
0xb: {  	[smem:$0x3FAA] =	sst s3  }
0xc: {  	[smem:$0x3FAB] =	sst s4  }
0xd: {  	[smem:$0x3FAC] =	sst s5  }
0xe: {  	[smem:$0x3FAD] =	sst s6  }
0xf: {  	[smem:$0x3FAE] =	sst s7  }
0x10: {  	[smem:$0x3FAF] =	sst s8  }
0x11: {  	[smem:$0x3FB0] =	sst s9;
	s0 =	simm.s32 @!p0 $0x0  }
0x12: {  	s1 =	sld [smem:$0x3F96];
	s0 =	simm.s32 @p0 $0x1  }
0x13: {  	[smem:$0x3FB1] =	sst s0;
	s0 =	simm.s32 @!p1 $0x0  }
0x14: {  	s2 =	sld [smem:$0x3F95];
	s0 =	simm.s32 @p1 $0x1  }
0x15: {  	[smem:$0x3FB2] =	sst s0;
	s0 =	simm.s32 @!p2 $0x0  }
0x16: {  	s3 =	sld [smem:$0x3FDB];
	s0 =	simm.s32 @p2 $0x1  }
0x17: {  	s4 =	simm.s32 $0x1BF5;
	[smem:$0x3FB4] =	sst s0  }
0x18: {  	s0 =	sld [smem:$0x3F97];
	_ =	swait.ge [sflag:s4], $0x0  }
0x19: {  	s7 =	sld [smem:$0x3F98]  }
0x1a: {  	s8 =	sadd.s32 $0xFFFFE003, lr  }
0x1b: {  	s9 =	sadd.s32 $0xFFFFFEF7, lr;
	s5 =	simm.s32 $0xFFFFFFFF;
	p2 =	slt.u32 s8, $0xFFFFF086  }
0x1c: {  	p1 =	slt.u32 s9, $0xF7A;
	s5 =	simm.s32 @!p2 $0x0  }
0x1d: {  	s5 =	simm.s32 @p1 $0x1;
	p0 =	seq.s32 s7, s2  }
0x1e: {  	s7 =	smul.u32 @!p0 $0xF7A, s2;
	p2 =	seq.s32 @!p0 s5, $0x0  }
0x1f: {  	s9 =	smul.u32 $0xF7A, s1;
	s8 =	simm.s32 @!p0 $0x1BF5;
	p2 =	por !p2, p0  }
0x20: {  	[sflag:s8] =	ssyncset.s32 @!p0 $0xFFFFF086;
	s6 =	sadd.s32 @!p0 s3, s7;
	s7 =	simm.s32 @!p0 $0x108  }
0x21: {  	s3 =	sadd.s32 s3, s9;
	s6 =	sadd.s32 @!p0 $0x88, s6;
	s7 =	simm.s32 @p2 $0x1082  }
0x22: {  	[simem:s7], [sflag:s8] =	dma.local @!p0 [hbm:s6], $0xF7A  }
0x23: {  	s9 =	sor.u32 $0xD0000000, s2;
	s6 =	simm.s32 $0x108;
	_ =	swait.ge @!p0 [sflag:s8], $0x0  }
0x24: {  	s3 =	sadd.s32 $0x88, s3;
	s6 =	simm.s32 @!p1 $0x1082;
	[sflag:s4] =	ssyncset.s32 $0xFFFFF086  }
0x25: {  	[simem:s6], [sflag:s4] =	dma.local [hbm:s3], $0xF7A  }
0x26: {  	[smem:$0x3F98] =	sst s1;
	(tag) =	ssettag s2;
	_ =	strace s9  }
0x27: {  	s1 =	sld [smem:$0x3FA8]  }
0x28: {  	s2 =	sld [smem:$0x3FA9]  }
0x29: {  	s4 =	sld [smem:$0x3FAB]  }
0x2a: {  	p0 =	seq.s32 s5, $0x0;
	s5 =	sld [smem:$0x3FAC]  }
0x2b: {  	s6 =	sld [smem:$0x3FAD]  }
0x2c: {  	s7 =	sld [smem:$0x3FAE]  }
0x2d: {  	s3 =	simm.s32 $0x108;
	s8 =	sld [smem:$0x3FAF]  }
0x2e: {  	s3 =	simm.s32 @!p0 $0x1082;
	s9 =	sld [smem:$0x3FB0]  }
0x2f: {  	lr =	sadd.s32 s0, s3;
	s0 =	sld [smem:$0x3FA7]  }
0x30: {  	s3 =	sld [smem:$0x3FAA]  }
0x31: {  	[smem:$0x3FB3] =	sst s10  }
0x32: {  	s10 =	sld [smem:$0x3FB1];
	_ =	sdelay $0x3  }
0x33: {  	p0 =	seq.s32 s10, $0x1;
	s10 =	sld [smem:$0x3FB3];
	_ =	sdelay $0x3  }
0x34: {  	[smem:$0x3FB3] =	sst s10  }
0x35: {  	s10 =	sld [smem:$0x3FB2];
	_ =	sdelay $0x3  }
0x36: {  	p1 =	seq.s32 s10, $0x1;
	s10 =	sld [smem:$0x3FB3];
	_ =	sdelay $0x3  }
0x37: {  	[smem:$0x3FB3] =	sst s10  }
0x38: {  	s10 =	sld [smem:$0x3FB4]  }
0x39: {  	_ = 	snop;
	(pc) =	sbr.ind lr, $3  }
0x3a: {  	_ = 	snop  }
0x3b: {  	_ = 	snop  }
0x3c: {  	p2 =	seq.s32 s10, $0x1;
	s10 =	sld [smem:$0x3FB3]  }
0x3d: {  	_ =	shalt  }
0x3e: {  	_ =	shalt  }
0x3f: {  	_ =	shalt  }
0x40: {  	_ =	shalt  }
0x41: {  	_ =	shalt  }
0x42: {  	_ =	shalt  }
0x43: {  	_ =	shalt  }
0x44: {  	_ =	shalt  }
0x45: {  	_ =	shalt  }
0x46: {  	_ =	shalt  }
0x47: {  	_ =	shalt  }
0x48: {  	_ =	shalt  }
0x49: {  	_ =	shalt  }
0x4a: {  	_ =	shalt  }
0x4b: {  	_ =	shalt  }
0x4c: {  	_ =	shalt  }
0x4d: {  	_ =	shalt  }
0x4e: {  	_ =	shalt  }
0x4f: {  	_ =	shalt  }
0x50: {  	_ =	shalt  }
0x51: {  	_ =	shalt  }
0x52: {  	_ =	shalt  }
0x53: {  	_ =	shalt  }
0x54: {  	_ =	shalt  }
0x55: {  	_ =	shalt  }
0x56: {  	_ =	shalt  }
0x57: {  	_ =	shalt  }
0x58: {  	_ =	shalt  }
0x59: {  	_ =	shalt  }
0x5a: {  	_ =	shalt  }
0x5b: {  	_ =	shalt  }
0x5c: {  	_ =	shalt  }
0x5d: {  	_ =	shalt  }
0x5e: {  	_ =	shalt  }
0x5f: {  	_ =	shalt  }
0x60: {  	_ =	shalt  }
0x61: {  	_ =	shalt  }
0x62: {  	_ =	shalt  }
0x63: {  	_ =	shalt  }
0x64: {  	_ =	shalt  }
0x65: {  	_ =	shalt  }
0x66: {  	_ =	shalt  }
0x67: {  	_ =	shalt  }
0x68: {  	_ =	shalt  }
0x69: {  	_ =	shalt  }
0x6a: {  	_ =	shalt  }
0x6b: {  	_ =	shalt  }
0x6c: {  	_ =	shalt  }
0x6d: {  	_ =	shalt  }
0x6e: {  	_ =	shalt  }
0x6f: {  	_ =	shalt  }
0x70: {  	_ =	shalt  }
0x71: {  	_ =	shalt  }
0x72: {  	_ =	shalt  }
0x73: {  	_ =	shalt  }
0x74: {  	_ =	shalt  }
0x75: {  	_ =	shalt  }
0x76: {  	_ =	shalt  }
0x77: {  	_ =	shalt  }
0x78: {  	_ =	shalt  }
0x79: {  	_ =	shalt  }
0x7a: {  	_ =	shalt  }
0x7b: {  	_ =	shalt  }
0x7c: {  	_ =	shalt  }
0x7d: {  	_ =	shalt  }
0x7e: {  	_ =	shalt  }
0x7f: {  	_ =	shalt  }
0x80: {  	_ =	shalt  }
0x81: {  	_ =	shalt  }
0x82: {  	_ =	shalt  }
0x83: {  	_ =	shalt  }
0x84: {  	_ =	shalt  }
0x85: {  	_ =	shalt  }
0x86: {  	_ =	shalt  }
0x87: {  	_ =	shalt  }
.Lfunc_end0:
.L_simem_size_0:
called_computation_lowered:
.L_overlay_start_0:
0x88: {  	s2 =	sld [smem:$0x3FD9]  }
0x89: {  	s3 =	sld [smem:$0x3FFE];
	_ =	sdelay $0x1  }
0x8a: {  	s1 =	srdreg.scid  }
0x8b: {  	s0 =	sand.u32 $0x1, s1  }
0x8c: {  	s17 =	sshll.u32 s0, $0xA;
	s2 =	sadd.s32 s3, s2  }
0x8d: {  	s2 =	sadd.s32 s2, s17  }
0x8e: {  	[smem:$0x3FBF] =	sst s2  }
0x8f: {  	_ = 	snop  }
0x90: {  	s2 =	sld [smem:$0x3FC7]  }
0x91: {  	s18 =	sld [smem:$0x3FD0];
	(tm) =	ssettm $0x1  }
0x92: {  	s4 =	sld [smem:$0x3FFB];
	_ =	sdelay $0x3  }
0x93: {  	_ =	strace s4  }
0x94: {  	s4 =	sld [smem:$0x3FFC];
	_ =	sdelay $0x3  }
0x95: {  	_ =	strace s4  }
0x96: {  	s4 =	sld [smem:$0x3FFD];
	_ =	sdelay $0x3  }
0x97: {  	_ =	strace s4  }
0x98: {  	_ =	strace $0x8FFFFFFF  }
0x99: {  	s19 =	sld [smem:$0x3FDB];
	_ =	sdelay $0x1  }
0x9a: {  	s5 =	simm.s32 $_scs_section_size  }
0x9b: {  	s6 =	simm.s32 $_size__tile_overlayer_lowered;
	s7 =	simm.s32 $_tile_overlayer_lowered  }
0x9c: {  	s22 =	simm.s32 $0x1BFF;
	s21 =	sshll.u32 s7, $0x1;
	s4 =	sadd.s32 s5, s19  }
0x9d: {  	s8 =	simm.s32 $0x0;
	s20 =	sshll.u32 s6, $0x1;
	s6 =	sadd.s32 s21, s4  }
0x9e: {  	[timem:s8], [sflag:s22] =	dma.local [hbm:s6], s20  }
0x9f: {  	_ =	swait.ge [sflag:s22], s20  }
0xa0: {  	s5 =	ssub.s32 $0x0, s20;
	[sflag:s22] =	ssyncset.done $0x0  }
0xa1: {  	[sflag:s22] =	ssyncadd.s32 s5;
	_ =	sdelay $0x1  }
0xa2: {  	s23 =	simm.s32 $0x1B8B  }
0xa3: {  	_ =	swait.ge [sflag:s23], $0x1  }
0xa4: {  	[sflag:s23] =	ssyncset.done $0x0  }
0xa5: {  	s25 =	simm.s32 $0x1B8E;
	s24 =	sld [smem:$0x3FFE];
	[sflag:s23] =	ssyncadd.s32 $0xFFFFFFFF  }
0xa6: {  	s26 =	simm.s32 $execute0_lowered;
	[smem:$0x3FD2] =	sst s25  }
0xa7: {  	s6 =	sshll.u32 s26, $0x1;
	_ =	strace $0x80000046;
	[dreg:$0x1] =	wrdreg $0xFFFFFFFF  }
0xa8: {  	s28 =	simm.s32 $_size_execute0_lowered;
	s4 =	sadd.s32 s4, s6;
	[dreg:$0x0] =	wrdreg $0x0  }
0xa9: {  	s6 =	sshll.u32 s28, $0x1;
	[dreg:$0x2] =	wrdreg s4  }
0xaa: {  	[dreg:$0x3] =	wrdreg s6  }
0xab: {  	[dreg:$0x4] =	wrdreg $0xC0  }
0xac: {  	_ =	task [dreg:s8], $0x5FFFF  }
0xad: {  	[dreg:$0x1] =	wrdreg $0xFFFFFFFF  }
0xae: {  	[dreg:$0x0] =	wrdreg $0x60  }
0xaf: {  	[dreg:$0x2] =	wrdreg s24  }
0xb0: {  	[dreg:$0x3] =	wrdreg s18  }
0xb1: {  	[dreg:$0x4] =	wrdreg s2  }
0xb2: {  	[dreg:$0x5] =	wrdreg $0xA8000  }
0xb3: {  	[dreg:$0x6] =	wrdreg $0x9  }
0xb4: {  	_ =	task.clear_ibuf [dreg:s8], $0x7FFFF;
	_ =	strace $0x90000046  }
0xb5: {  	s29 =	simm.s32 $0x9;
	_ =	strace $0x80000048  }
0xb6: {  	_ =	swait.ge [sflag:s29], $0x1  }
0xb7: {  	[sflag:s29] =	ssyncadd.s32 $0xFFFFFFFF  }
0xb8: {  	_ =	strace $0x90000048  }
0xb9: {  	_ =	sfence  }
0xba: {  	s30 =	sld [smem:$0x0];
	_ =	sdelay $0x2  }
0xbb: {  	s31 =	sshll.u32 s1, $0xD;
	s1 =	sshrl.u32 s1, $0x2  }
0xbc: {  	s3 =	sand.u32 $0x4000, s31;
	s1 =	sadd.s32 s1, s30  }
0xbd: {  	s0 =	sor.u32 s3, s0;
	s1 =	sshll.u32 s1, $0x11  }
0xbe: {  	s0 =	sor.u32 s1, s0  }
0xbf: {  	s0 =	sadd.s32 $0x8F2B, s0  }
0xc0: {  	[sflag:s0] =	ssyncadd.remote.s32 $0x1  }
0xc1: {  	_ =	sfence.sel $0xFFFF  }
0xc2: {  	[dreg:$0x0] =	wrdreg $0xFFFFFFFF;
	(pc) =	sbr.abs _section_cstart, $3  }
0xc3: {  	[dreg:$0x1] =	wrdreg $0xFFFFFFFF  }
0xc4: {  	_ =	task.clear_ibuf [dreg:s8], $0x2FFFF;
	_ =	strace $0x9FFFFFFF  }
0xc5: {  	(tm) =	ssettm $0x7FFFFFFF  }
tec
execute0_lowered:
.L_overlay_start_1:
0x0: {  	(tag) =	ssettag $0x1  }
0x1: {  	s0 =	rddreg [dreg:$0x0]  }
0x2: {  	s1 =	rddreg [dreg:$0x1]  }
0x3: {  	s2 =	rddreg [dreg:$0x2]  }
0x4: {  	s3 =	rddreg [dreg:$0x3];
	s4 =	simm.s32 $0x0;
	s16 =	srdreg.scid  }
0x5: {  	s8 =	stileid.u32;
	[smem:$0x7FF] =	sst s4;
	s4 =	sand.u32 $0x1, s16  }
0x6: {  	s6 =	sadd.s32 $0x28E00, s0;
	s5 =	sadd.s32 $0x33400, s0;
	s7 =	sadd.s32 $0x32C00, s0  }
0x7: {  	s19 =	sshll.u32 s8, $0x10;
	_ =	strace $0x80000047;
	[dreg:$0x5] =	wrdreg s5  }
0x8: {  	s22 =	sshll.u32 s8, $0xD;
	s17 =	ssub.s32 $0x2, s4;
	[dreg:$0x6] =	wrdreg s7  }
0x9: {  	s4 =	smul.u32 $0x5, s4;
	s10 =	sadd.s32 s19, s3;
	[dreg:$0xa] =	wrdreg s22  }
0xa: {  	s9 =	sadd.s32 $0x33600, s0;
	s20 =	sshll.u32 s8, $0x9;
	[dreg:$0x8] =	wrdreg s10  }
0xb: {  	s21 =	sor.u32 $0x80, s20;
	s7 =	sadd.s32 $0x1000, s10;
	[dreg:$0x7] =	wrdreg s4  }
0xc: {  	s13 =	sadd.s32 $0x33A00, s0;
	s0 =	sshll.u32 s21, $0x4;
	[dreg:$0xb] =	wrdreg s7  }
0xd: {  	s16 =	sadd.s32 $0x3000, s10;
	[dreg:$0xd] =	wrdreg s0  }
0xe: {  	s28 =	simm.s32 $0x2;
	s19 =	sadd.s32 $0x6000, s10;
	[dreg:$0x16] =	wrdreg s16  }
0xf: {  	s23 =	sshll.u32 s21, $0x7;
	s21 =	sadd.s32 $0x8000, s10;
	[dreg:$0x19] =	wrdreg s19  }
0x10: {  	s25 =	sor.u32 $0x100, s20;
	s22 =	sadd.s32 $0x9000, s10;
	[dreg:$0x1b] =	wrdreg s21  }
0x11: {  	s26 =	sshll.u32 s25, $0x7;
	s24 =	sadd.s32 s23, s3;
	[dreg:$0x1c] =	wrdreg s22  }
0x12: {  	s18 =	sshrl.u32 s17, $0x1;
	s29 =	sadd.s32 s26, s3;
	[dreg:$0xc] =	wrdreg s24  }
0x13: {  	s5 =	ssub.s32 s17, s18;
	s17 =	sadd.s32 $0x4000, s10;
	[dreg:$0xe] =	wrdreg s29  }
0x14: {  	s31 =	simm.s32 $0x0;
	s18 =	sadd.s32 $0x5000, s10;
	[dreg:$0x17] =	wrdreg s17  }
0x15: {  	s4 =	sor.u32 $0x180, s20;
	s20 =	sadd.s32 $0x7000, s10;
	[dreg:$0x18] =	wrdreg s18  }
0x16: {  	s12 =	smul.u32 $0x4E20, s8;
	s23 =	sadd.s32 $0xA000, s10;
	[dreg:$0x1a] =	wrdreg s20  }
0x17: {  	s26 =	sadd.s32 $0xD000, s10;
	s19 =	simm.s32 $0x5800;
	[dreg:$0x1d] =	wrdreg s23  }
0x18: {  	s21 =	simm.s32 $0x1000;
	s5 =	smax.u32 s5, $0x1;
	[smem:$0x7FB] =	sst s26  }
0x19: {  	s30 =	sshll.u32 s4, $0x7;
	s4 =	sshll.u32 s4, $0x4;
	[dreg:$0x9] =	wrdreg s5  }
0x1a: {  	s7 =	sadd.s32 $0x2000, s24;
	s24 =	sadd.s32 $0xB000, s10;
	[dreg:$0x11] =	wrdreg s4  }
0x1b: {  	s11 =	sadd.s32 $0x2000, s29;
	s29 =	sadd.s32 $0xE000, s10;
	[dreg:$0x1e] =	wrdreg s24  }
0x1c: {  	s22 =	simm.s32 $0x1800;
	s5 =	sshll.u32 s25, $0x4;
	[smem:$0x7FC] =	sst s29  }
0x1d: {  	s17 =	simm.s32 $0x9800;
	s0 =	sadd.s32 s30, s3;
	[dreg:$0xf] =	wrdreg s5  }
0x1e: {  	s18 =	simm.s32 $0x3;
	s14 =	sshrl.u32 s7, $0x3;
	[dreg:$0x10] =	wrdreg s0  }
0x1f: {  	s20 =	simm.s32 $0x800;
	s15 =	sshrl.u32 s11, $0x3;
	[dreg:$0x12] =	wrdreg s14  }
.Ltmp0:
0x20: {  	s25 =	sadd.s32 $0xC000, s10;
	[dreg:$0x13] =	wrdreg s15;
	(pc) =	sbr.rel .LBB2_1-.Ltmp0, $4  }
0x21: {  	s23 =	simm.s32 $0x3800;
	s30 =	sadd.s32 $0xF000, s10;
	[dreg:$0x1f] =	wrdreg s25  }
0x22: {  	s11 =	sadd.s32 $0x2000, s10;
	s0 =	sadd.s32 $0x2000, s0;
	[smem:$0x7FD] =	sst s30  }
0x23: {  	v0 =	vimm.s32 $0x0;
	s24 =	simm.s32 $0x1;
	[dreg:$0x15] =	wrdreg s11;
	s0 =	sshrl.u32 s0, $0x3  }
0x24: {  	v1 =	vlaneseq.u32;
	v2 =	vimm.s32 $0x1FA4;
	v3 =	vimm.s32 $0x3E8;
	s4 =	simm.s32 $0x0;
	s25 =	simm.s32 $0x40;
	[dreg:$0x14] =	wrdreg s0  }
.LBB2_17:
0x25: {  	s4 =	sld [smem:$0x7FA];
	_ =	sdelay $0x2  }
0x26: {  	s0 =	rddreg [dreg:$0x9];
	s4 =	sadd.s32 $0x1, s4  }
0x27: {  	p0 =	sne.s32 s4, s0  }
.Ltmp1:
0x28: {  	_ = 	snop;
	(pc) =	sbr.rel @!p0 .LBB2_18-.Ltmp1, $1  }
0x29: {  	_ =	sdelay $0x3  }
.LBB2_1:
0x2a: {  	[smem:$0x7FA] =	sst s4  }
.Ltmp2:
0x2b: {  	s0 =	simm.s32 $0x0;
	s30 =	rddreg [dreg:$0x5];
	(pc) =	sbr.rel .LBB2_2-.Ltmp2, $4  }
0x2c: {  	[tilespmem:s17], [sflag:$0x3] =	stream.linear.gather [hbm4b:s30+s0], $0x1000, $0x38;
	[tilespmem:$0x1A800] =	vst v63  }
0x2d: {  	_ =	swait.ge [sflag:s18], $0x1000  }
0x2e: {  	[sflag:s18] =	ssyncset.done $0x0  }
0x2f: {  	s29 =	simm.s32 $0x0;
	[sflag:s18] =	ssyncadd.s32 $0xFFFFF000  }
.LBB2_15:
0x30: {  	p1 =	sge.s32 s4, s0;
	_ =	swait.ge @p0 [sflag:s28], $0x2000  }
0x31: {  	s26 =	sadd.s32 $0x3800, s8;
	s4 =	sadd.s32 @!p1 $0x80, s5;
	[sflag:s28] =	ssyncset.done @p0 $0x0  }
0x32: {  	s5 =	simm.s32 @!p1 $0x2;
	s4 =	sand.u32 @!p1 $0x1F80, s4;
	[sflag:s28] =	ssyncadd.s32 @p0 $0xFFFFE000  }
0x33: {  	[spmem:s3] =	stream.indirect.scatter.add.f32 [tilespmem:s19], [sflag:$0x2], $0x80, s26, s25, $0xb8;
	[tilespmem:$0x1A800] =	vst v63  }
0x34: {  	s7 =	simm.s32 @!p1 $0x5800;
	s0 =	sadd.s32 @!p1 $0x3800, s4;
	s4 =	simm.s32 @!p1 $0x40  }
0x35: {  	[spmem:s3] =	stream.indirect.scatter.add.f32 @!p1 [tilespmem:s7], [sflag:$0x2], $0x80, s0, s4, $0xb8;
	[tilespmem:$0x1A800] =	vst v63  }
0x36: {  	_ =	swait.ge @!p1 [sflag:s5], $0x2000  }
0x37: {  	[sflag:s5] =	ssyncset.done @!p1 $0x0  }
0x38: {  	[sflag:s5] =	ssyncadd.s32 @!p1 $0xFFFFE000  }
0x39: {  	_ =	swait.ge [sflag:s28], $0x2000  }
0x3a: {  	[sflag:s28] =	ssyncset.done $0x0  }
0x3b: {  	[sflag:s28] =	ssyncadd.s32 $0xFFFFE000  }
.LBB2_16:
0x3c: {  	[bflag:$0x0] =	sbarrier.arrive $0xFFFF  }
0x3d: {  	s0 =	sshll.u32 s30, $0x11;
	s5 =	stileid.u32;
	s4 =	rddreg [dreg:$0xa]  }
0x3e: {  	s5 =	sshll.u32 s5, $0x6;
	s10 =	rddreg [dreg:$0x8];
	s4 =	sor.u32 s0, s4  }
0x3f: {  	s5 =	sor.u32 $0x1C01, s5;
	s8 =	sshrl.u32 s10, $0x3;
	s7 =	sadd.s32 s9, s4  }
0x40: {  	[hbm:s7], [sflag:s5] =	dma.local [spmem:s8], $0x400  }
0x41: {  	s11 =	rddreg [dreg:$0x15]  }
0x42: {  	s4 =	sadd.s32 s4, s13;
	s15 =	sshrl.u32 s11, $0x3  }
0x43: {  	[hbm:s4], [sflag:s5] =	dma.local [spmem:s15], $0x400  }
0x44: {  	_ =	swait.ge [sflag:s24], $0x400  }
0x45: {  	[sflag:s24] =	ssyncset.done $0x0  }
0x46: {  	[sflag:s24] =	ssyncadd.s32 $0xFFFFFC00  }
0x47: {  	_ =	swait.ge [sflag:s24], $0x400  }
0x48: {  	s16 =	rddreg [dreg:$0xd]  }
0x49: {  	[sflag:s24] =	ssyncset.done $0x0;
	s30 =	rddreg [dreg:$0xc];
	s4 =	sor.u32 s0, s16  }
0x4a: {  	[sflag:s24] =	ssyncadd.s32 $0xFFFFFC00;
	s8 =	sshrl.u32 s30, $0x3;
	s26 =	sadd.s32 s9, s4  }
0x4b: {  	[hbm:s26], [sflag:s5] =	dma.local [spmem:s8], $0x400  }
0x4c: {  	s4 =	sadd.s32 s4, s13;
	s7 =	rddreg [dreg:$0x12]  }
0x4d: {  	[hbm:s4], [sflag:s5] =	dma.local [spmem:s7], $0x400  }
0x4e: {  	_ =	swait.ge [sflag:s24], $0x400  }
0x4f: {  	[sflag:s24] =	ssyncset.done $0x0  }
0x50: {  	[sflag:s24] =	ssyncadd.s32 $0xFFFFFC00  }
0x51: {  	_ =	swait.ge [sflag:s24], $0x400  }
0x52: {  	s14 =	rddreg [dreg:$0xf]  }
0x53: {  	[sflag:s24] =	ssyncset.done $0x0;
	s16 =	rddreg [dreg:$0xe];
	s4 =	sor.u32 s0, s14  }
0x54: {  	[sflag:s24] =	ssyncadd.s32 $0xFFFFFC00;
	s8 =	sshrl.u32 s16, $0x3;
	s15 =	sadd.s32 s9, s4  }
0x55: {  	[hbm:s15], [sflag:s5] =	dma.local [spmem:s8], $0x400  }
0x56: {  	s4 =	sadd.s32 s4, s13;
	s7 =	rddreg [dreg:$0x13]  }
0x57: {  	[hbm:s4], [sflag:s5] =	dma.local [spmem:s7], $0x400  }
0x58: {  	_ =	swait.ge [sflag:s24], $0x400  }
0x59: {  	[sflag:s24] =	ssyncset.done $0x0  }
0x5a: {  	[sflag:s24] =	ssyncadd.s32 $0xFFFFFC00  }
0x5b: {  	_ =	swait.ge [sflag:s24], $0x400  }
0x5c: {  	s26 =	rddreg [dreg:$0x11]  }
0x5d: {  	[sflag:s24] =	ssyncset.done $0x0;
	s30 =	rddreg [dreg:$0x10];
	s0 =	sor.u32 s0, s26  }
0x5e: {  	[sflag:s24] =	ssyncadd.s32 $0xFFFFFC00;
	s7 =	sshrl.u32 s30, $0x3;
	s4 =	sadd.s32 s9, s0  }
0x5f: {  	[hbm:s4], [sflag:s5] =	dma.local [spmem:s7], $0x400  }
0x60: {  	s29 =	sadd.s32 $0x1, s29;
	s0 =	sadd.s32 s0, s13;
	s4 =	rddreg [dreg:$0x14]  }
0x61: {  	[hbm:s0], [sflag:s5] =	dma.local [spmem:s4], $0x400  }
0x62: {  	p0 =	sne.s32 s29, $0x5;
	_ =	swait.ge [sflag:s24], $0x400  }
.Ltmp3:
0x63: {  	[sflag:s24] =	ssyncset.done $0x0;
	(pc) =	sbr.rel @!p0 .LBB2_17-.Ltmp3, $4  }
0x64: {  	[sflag:s24] =	ssyncadd.s32 $0xFFFFFC00  }
0x65: {  	_ =	swait.ge [sflag:s24], $0x400  }
0x66: {  	[sflag:s24] =	ssyncset.done $0x0  }
0x67: {  	[sflag:s24] =	ssyncadd.s32 $0xFFFFFC00  }
.LBB2_2:
0x68: {  	s0 =	rddreg [dreg:$0x6]  }
0x69: {  	[tilespmem:s19], [sflag:$0x3] =	stream.linear.gather [hbm4b:s0+s31], $0x4000, $0x38;
	[tilespmem:$0x1A800] =	vst v63  }
0x6a: {  	_ =	swait.ge [sflag:s18], $0x4000  }
0x6b: {  	[sflag:s18] =	ssyncset.done $0x0  }
0x6c: {  	[sflag:s18] =	ssyncadd.s32 $0xFFFFC000  }
0x6d: {  	[spmem:s10] =	stream.linear.scatter [tilespmem:s17], [sflag:$0x3], $0x1000, $0x38;
	[tilespmem:$0x1A800] =	vst v63  }
0x6e: {  	_ =	swait.ge [sflag:s18], $0x1000  }
0x6f: {  	[sflag:s18] =	ssyncset.done $0x0  }
0x70: {  	s10 =	rddreg [dreg:$0xb];
	[sflag:s18] =	ssyncadd.s32 $0xFFFFF000  }
0x71: {  	[spmem:s10] =	stream.linear.scatter [tilespmem:s17], [sflag:$0x3], $0x1000, $0x38;
	[tilespmem:$0x1A800] =	vst v63  }
0x72: {  	_ =	swait.ge [sflag:s18], $0x1000  }
0x73: {  	[sflag:s18] =	ssyncset.done $0x0  }
0x74: {  	[sflag:s18] =	ssyncadd.s32 $0xFFFFF000  }
0x75: {  	[spmem:s11] =	stream.linear.scatter [tilespmem:s17], [sflag:$0x3], $0x1000, $0x38;
	[tilespmem:$0x1A800] =	vst v63  }
0x76: {  	_ =	swait.ge [sflag:s18], $0x1000  }
0x77: {  	[sflag:s18] =	ssyncset.done $0x0  }
0x78: {  	s14 =	rddreg [dreg:$0x16];
	[sflag:s18] =	ssyncadd.s32 $0xFFFFF000  }
0x79: {  	[spmem:s14] =	stream.linear.scatter [tilespmem:s17], [sflag:$0x3], $0x1000, $0x38;
	[tilespmem:$0x1A800] =	vst v63  }
0x7a: {  	_ =	swait.ge [sflag:s18], $0x1000  }
0x7b: {  	[sflag:s18] =	ssyncset.done $0x0  }
0x7c: {  	s15 =	rddreg [dreg:$0x17];
	[sflag:s18] =	ssyncadd.s32 $0xFFFFF000  }
0x7d: {  	[spmem:s15] =	stream.linear.scatter [tilespmem:s17], [sflag:$0x3], $0x1000, $0x38;
	[tilespmem:$0x1A800] =	vst v63  }
0x7e: {  	_ =	swait.ge [sflag:s18], $0x1000  }
0x7f: {  	[sflag:s18] =	ssyncset.done $0x0  }
0x80: {  	s16 =	rddreg [dreg:$0x18];
	[sflag:s18] =	ssyncadd.s32 $0xFFFFF000  }
0x81: {  	[spmem:s16] =	stream.linear.scatter [tilespmem:s17], [sflag:$0x3], $0x1000, $0x38;
	[tilespmem:$0x1A800] =	vst v63  }
0x82: {  	_ =	swait.ge [sflag:s18], $0x1000  }
0x83: {  	[sflag:s18] =	ssyncset.done $0x0  }
0x84: {  	s26 =	rddreg [dreg:$0x19];
	[sflag:s18] =	ssyncadd.s32 $0xFFFFF000  }
0x85: {  	[spmem:s26] =	stream.linear.scatter [tilespmem:s17], [sflag:$0x3], $0x1000, $0x38;
	[tilespmem:$0x1A800] =	vst v63  }
0x86: {  	_ =	swait.ge [sflag:s18], $0x1000  }
0x87: {  	[sflag:s18] =	ssyncset.done $0x0  }
0x88: {  	s4 =	rddreg [dreg:$0x1a];
	[sflag:s18] =	ssyncadd.s32 $0xFFFFF000  }
0x89: {  	[spmem:s4] =	stream.linear.scatter [tilespmem:s17], [sflag:$0x3], $0x1000, $0x38;
	[tilespmem:$0x1A800] =	vst v63  }
0x8a: {  	_ =	swait.ge [sflag:s18], $0x1000  }
0x8b: {  	[sflag:s18] =	ssyncset.done $0x0  }
0x8c: {  	s5 =	rddreg [dreg:$0x1b];
	[sflag:s18] =	ssyncadd.s32 $0xFFFFF000  }
0x8d: {  	[spmem:s5] =	stream.linear.scatter [tilespmem:s17], [sflag:$0x3], $0x1000, $0x38;
	[tilespmem:$0x1A800] =	vst v63  }
0x8e: {  	_ =	swait.ge [sflag:s18], $0x1000  }
0x8f: {  	[sflag:s18] =	ssyncset.done $0x0  }
0x90: {  	s7 =	rddreg [dreg:$0x1c];
	[sflag:s18] =	ssyncadd.s32 $0xFFFFF000  }
0x91: {  	[spmem:s7] =	stream.linear.scatter [tilespmem:s17], [sflag:$0x3], $0x1000, $0x38;
	[tilespmem:$0x1A800] =	vst v63  }
0x92: {  	_ =	swait.ge [sflag:s18], $0x1000  }
0x93: {  	[sflag:s18] =	ssyncset.done $0x0  }
0x94: {  	s8 =	rddreg [dreg:$0x1d];
	[sflag:s18] =	ssyncadd.s32 $0xFFFFF000  }
0x95: {  	[spmem:s8] =	stream.linear.scatter [tilespmem:s17], [sflag:$0x3], $0x1000, $0x38;
	[tilespmem:$0x1A800] =	vst v63  }
0x96: {  	_ =	swait.ge [sflag:s18], $0x1000  }
0x97: {  	[sflag:s18] =	ssyncset.done $0x0  }
0x98: {  	s10 =	rddreg [dreg:$0x1e];
	[sflag:s18] =	ssyncadd.s32 $0xFFFFF000  }
0x99: {  	[spmem:s10] =	stream.linear.scatter [tilespmem:s17], [sflag:$0x3], $0x1000, $0x38;
	[tilespmem:$0x1A800] =	vst v63  }
0x9a: {  	_ =	swait.ge [sflag:s18], $0x1000  }
0x9b: {  	[sflag:s18] =	ssyncset.done $0x0  }
0x9c: {  	s11 =	rddreg [dreg:$0x1f];
	[sflag:s18] =	ssyncadd.s32 $0xFFFFF000  }
0x9d: {  	[spmem:s11] =	stream.linear.scatter [tilespmem:s17], [sflag:$0x3], $0x1000, $0x38;
	[tilespmem:$0x1A800] =	vst v63  }
0x9e: {  	_ =	swait.ge [sflag:s18], $0x1000  }
0x9f: {  	s14 =	sld [smem:$0x7FB]  }
0xa0: {  	[sflag:s18] =	ssyncset.done $0x0  }
0xa1: {  	[sflag:s18] =	ssyncadd.s32 $0xFFFFF000  }
0xa2: {  	[spmem:s14] =	stream.linear.scatter [tilespmem:s17], [sflag:$0x3], $0x1000, $0x38;
	[tilespmem:$0x1A800] =	vst v63  }
0xa3: {  	_ =	swait.ge [sflag:s18], $0x1000  }
0xa4: {  	s15 =	sld [smem:$0x7FC]  }
0xa5: {  	[sflag:s18] =	ssyncset.done $0x0  }
0xa6: {  	[sflag:s18] =	ssyncadd.s32 $0xFFFFF000  }
0xa7: {  	[spmem:s15] =	stream.linear.scatter [tilespmem:s17], [sflag:$0x3], $0x1000, $0x38;
	[tilespmem:$0x1A800] =	vst v63  }
0xa8: {  	_ =	swait.ge [sflag:s18], $0x1000  }
0xa9: {  	s16 =	sld [smem:$0x7FD]  }
0xaa: {  	[sflag:s18] =	ssyncset.done $0x0  }
0xab: {  	[sflag:s18] =	ssyncadd.s32 $0xFFFFF000  }
0xac: {  	[spmem:s16] =	stream.linear.scatter [tilespmem:s17], [sflag:$0x3], $0x1000, $0x38;
	[tilespmem:$0x1A800] =	vst v63  }
0xad: {  	_ =	swait.ge [sflag:s18], $0x1000  }
.Ltmp4:
0xae: {  	s26 =	rddreg [dreg:$0x7];
	(pc) =	sbr.rel .LBB2_3-.Ltmp4, $4  }
0xaf: {  	[sflag:s18] =	ssyncset.done $0x0;
	s30 =	sadd.s32 s26, s29  }
0xb0: {  	[sflag:s18] =	ssyncadd.s32 $0xFFFFF000;
	s0 =	smul.u32 $0x3E8, s30  }
0xb1: {  	[bflag:$0x0] =	sbarrier.arrive $0xFFFF  }
0xb2: {  	v5 =	vimm.s32 $0x0;
	s4 =	simm.s32 $0x0;
	s7 =	simm.s32 $0x0;
	v4 =	vmov s0;
	s0 =	simm.s32 $0x0  }
.LBB2_9:
0xb3: {  	p1 =	sge.s32 s14, s4;
	_ =	swait.ge @p0 [sflag:s28], $0x2000  }
0xb4: {  	s8 =	sadd.s32 $0x3800, s10;
	s7 =	sadd.s32 @!p1 $0x80, s7;
	[sflag:s28] =	ssyncset.done @p0 $0x0  }
0xb5: {  	s10 =	simm.s32 @!p1 $0x2;
	s7 =	sand.u32 @!p1 $0x1F80, s7;
	[sflag:s28] =	ssyncadd.s32 @p0 $0xFFFFE000  }
0xb6: {  	[spmem:s3] =	stream.indirect.scatter.add.f32 [tilespmem:s19], [sflag:$0x2], $0x80, s8, s25, $0xb8;
	[tilespmem:$0x1A800] =	vst v63  }
0xb7: {  	s11 =	simm.s32 @!p1 $0x5800;
	s7 =	sadd.s32 @!p1 $0x3800, s7;
	s8 =	simm.s32 @!p1 $0x40  }
0xb8: {  	[spmem:s3] =	stream.indirect.scatter.add.f32 @!p1 [tilespmem:s11], [sflag:$0x2], $0x80, s7, s8, $0xb8;
	[tilespmem:$0x1A800] =	vst v63  }
0xb9: {  	_ =	swait.ge @!p1 [sflag:s10], $0x2000  }
0xba: {  	[sflag:s10] =	ssyncset.done @!p1 $0x0  }
0xbb: {  	[sflag:s10] =	ssyncadd.s32 @!p1 $0xFFFFE000  }
0xbc: {  	_ =	swait.ge [sflag:s28], $0x2000  }
0xbd: {  	[sflag:s28] =	ssyncset.done $0x0  }
0xbe: {  	[sflag:s28] =	ssyncadd.s32 $0xFFFFE000  }
.LBB2_10:
0xbf: {  	s0 =	sadd.s32 $0x1, s0  }
0xc0: {  	p0 =	sne.s32 s0, $0xA  }
.Ltmp5:
0xc1: {  	_ = 	snop;
	(pc) =	sbr.rel @!p0 .LBB2_11-.Ltmp5, $2  }
0xc2: {  	_ =	sdelay $0x2  }
0xc3: {  	s7 =	ssub.s32 $0x0, s4  }
.LBB2_3:
0xc4: {  	s5 =	smul.u32 $0x7D0, s0;
	_ =	sdelay $0x1  }
0xc5: {  	s5 =	sadd.s32 s12, s5  }
0xc6: {  	s5 =	sshrl.u32 s5, $0x3  }
0xc7: {  	s8 =	sadd.s32 s6, s5  }
0xc8: {  	[tilespmem:s31], [sflag:$0x3] =	stream.linear.gather [hbm4b:s8+s31], $0x7D0, $0x38;
	[tilespmem:$0x1A800] =	vst v63  }
0xc9: {  	_ =	swait.ge [sflag:s18], $0x7D0  }
0xca: {  	[sflag:s18] =	ssyncset.done $0x0  }
0xcb: {  	s26 =	sadd.s32 s1, s5;
	[sflag:s18] =	ssyncadd.s32 $0xFFFFF830  }
0xcc: {  	[tilespmem:s20], [sflag:$0x3] =	stream.linear.gather [hbm4b:s26+s31], $0x7D0, $0x38;
	[tilespmem:$0x1A800] =	vst v63  }
0xcd: {  	_ =	swait.ge [sflag:s18], $0x7D0  }
0xce: {  	[sflag:s18] =	ssyncset.done $0x0  }
0xcf: {  	s5 =	sadd.s32 s2, s5;
	[sflag:s18] =	ssyncadd.s32 $0xFFFFF830  }
0xd0: {  	[tilespmem:s21], [sflag:$0x3] =	stream.linear.gather [hbm4b:s5+s31], $0x7D0, $0x38;
	[tilespmem:$0x1A800] =	vst v63  }
0xd1: {  	_ =	swait.ge [sflag:s18], $0x7D0  }
0xd2: {  	[sflag:s18] =	ssyncset.done $0x0  }
0xd3: {  	s14 =	smov.u32 s4;
	s4 =	simm.s32 $0x0;
	[sflag:s18] =	ssyncadd.s32 $0xFFFFF830  }
.LBB2_4:
0xd4: {  	s5 =	sshra.s32 s4, $0x2  }
0xd5: {  	v6 =	vld [tilespmem:s5+$0x800];
	_ =	sdelay $0x4  }
0xd6: {  	v6 =	vsub.s32 v6, v4  }
0xd7: {  	vm0 =	vlt.u32 v6, $0x3E8  }
0xd8: {  	v7 =	vsel vm0, $0x1, v0  }
0xd9: {  	(xrf0) =	vadd.scan.msk.s32 $0xffff, v7;
	_ =	sdelay $0x5  }
0xda: {  	v7, _, _ =	vpop (xrf0)  }
0xdb: {  	v7 =	vadd.s32 v7, v5  }
0xdc: {  	v7 =	vadd.s32 $0xFFFFFFFF, v7  }
0xdd: {  	v8 =	vshll.u32 v7, $0x1  }
0xde: {  	v9 =	vld [tilespmem:s5+$0x0];
	v7 =	vand.u32 $0x3F, v7;
	v8 =	vand.u32 $0x1F80, v8  }
0xdf: {  	v10 =	vld [tilespmem:s5+$0x1000];
	v7 =	vor.u32 v7, v8;
	_ =	sdelay $0x3  }
0xe0: {  	v6 =	vshll.u32 v6, $0x3  }
0xe1: {  	v6 =	vadd.s32 v10, v6;
	[tilespmem:v7+s22+$0x0] =	vst.idx.msk vm0, v9  }
0xe2: {  	[tilespmem:v7+s23+$0x0] =	vst.idx.msk vm0, v6  }
0xe3: {  	v6 =	vld [tilespmem:s5+$0x810];
	_ =	sdelay $0x4  }
0xe4: {  	v6 =	vsub.s32 v6, v4  }
0xe5: {  	vm1 =	vlt.u32 v6, $0x3E8  }
0xe6: {  	v7 =	vsel vm1, $0x1, v0  }
0xe7: {  	(xrf0) =	vadd.scan.msk.s32 $0xffff, v7;
	_ =	sdelay $0x1  }
0xe8: {  	v7 =	vmpcnt.ones.xlane vm0;
	_ =	sdelay $0x3  }
0xe9: {  	v5 =	vadd.s32 v5, v7;
	v7, _, _ =	vpop (xrf0)  }
0xea: {  	v7 =	vadd.s32 v7, v5  }
0xeb: {  	v7 =	vadd.s32 $0xFFFFFFFF, v7  }
0xec: {  	v55 =	vshll.u32 v7, $0x1  }
0xed: {  	v9 =	vld [tilespmem:s5+$0x10];
	v7 =	vand.u32 $0x3F, v7;
	v8 =	vand.u32 $0x1F80, v55  }
0xee: {  	v56 =	vld [tilespmem:s5+$0x1010];
	v7 =	vor.u32 v7, v8;
	_ =	sdelay $0x3  }
0xef: {  	v6 =	vshll.u32 v6, $0x3  }
0xf0: {  	v6 =	vadd.s32 v56, v6;
	[tilespmem:v7+s22+$0x0] =	vst.idx.msk vm1, v9  }
0xf1: {  	[tilespmem:v7+s23+$0x0] =	vst.idx.msk vm1, v6  }
0xf2: {  	v6 =	vld [tilespmem:s5+$0x820];
	_ =	sdelay $0x4  }
0xf3: {  	v6 =	vsub.s32 v6, v4  }
0xf4: {  	vm13 =	vlt.u32 v6, $0x3E8  }
0xf5: {  	v7 =	vsel vm13, $0x1, v0  }
0xf6: {  	(xrf0) =	vadd.scan.msk.s32 $0xffff, v7;
	_ =	sdelay $0x1  }
0xf7: {  	v7 =	vmpcnt.ones.xlane vm1;
	_ =	sdelay $0x3  }
0xf8: {  	v5 =	vadd.s32 v5, v7;
	v7, _, _ =	vpop (xrf0)  }
0xf9: {  	v7 =	vadd.s32 v7, v5  }
0xfa: {  	v7 =	vadd.s32 $0xFFFFFFFF, v7  }
0xfb: {  	v57 =	vshll.u32 v7, $0x1  }
0xfc: {  	v9 =	vld [tilespmem:s5+$0x20];
	v7 =	vand.u32 $0x3F, v7;
	v8 =	vand.u32 $0x1F80, v57  }
0xfd: {  	v58 =	vld [tilespmem:s5+$0x1020];
	v7 =	vor.u32 v7, v8;
	_ =	sdelay $0x3  }
0xfe: {  	v6 =	vshll.u32 v6, $0x3  }
0xff: {  	v6 =	vadd.s32 v58, v6;
	[tilespmem:v7+s22+$0x0] =	vst.idx.msk vm13, v9  }
0x100: {  	[tilespmem:v7+s23+$0x0] =	vst.idx.msk vm13, v6  }
0x101: {  	v6 =	vld [tilespmem:s5+$0x830];
	_ =	sdelay $0x4  }
0x102: {  	v6 =	vsub.s32 v6, v4  }
0x103: {  	vm14 =	vlt.u32 v6, $0x3E8  }
0x104: {  	v7 =	vsel vm14, $0x1, v0  }
0x105: {  	(xrf0) =	vadd.scan.msk.s32 $0xffff, v7;
	_ =	sdelay $0x1  }
0x106: {  	v7 =	vmpcnt.ones.xlane vm13;
	_ =	sdelay $0x3  }
0x107: {  	v5 =	vadd.s32 v5, v7;
	v7, _, _ =	vpop (xrf0)  }
0x108: {  	v7 =	vadd.s32 v7, v5  }
0x109: {  	v7 =	vadd.s32 $0xFFFFFFFF, v7  }
0x10a: {  	v59 =	vshll.u32 v7, $0x1  }
0x10b: {  	v9 =	vld [tilespmem:s5+$0x30];
	v7 =	vand.u32 $0x3F, v7;
	v8 =	vand.u32 $0x1F80, v59  }
0x10c: {  	v60 =	vld [tilespmem:s5+$0x1030];
	v7 =	vor.u32 v7, v8;
	_ =	sdelay $0x3  }
0x10d: {  	v6 =	vshll.u32 v6, $0x3  }
0x10e: {  	v6 =	vadd.s32 v60, v6;
	[tilespmem:v7+s22+$0x0] =	vst.idx.msk vm14, v9  }
0x10f: {  	[tilespmem:v7+s23+$0x0] =	vst.idx.msk vm14, v6  }
0x110: {  	v6 =	vld [tilespmem:s5+$0x840];
	_ =	sdelay $0x4  }
0x111: {  	v6 =	vsub.s32 v6, v4  }
0x112: {  	vm15 =	vlt.u32 v6, $0x3E8  }
0x113: {  	v7 =	vsel vm15, $0x1, v0  }
0x114: {  	(xrf0) =	vadd.scan.msk.s32 $0xffff, v7;
	_ =	sdelay $0x1  }
0x115: {  	v7 =	vmpcnt.ones.xlane vm14;
	_ =	sdelay $0x3  }
0x116: {  	v5 =	vadd.s32 v5, v7;
	v7, _, _ =	vpop (xrf0)  }
0x117: {  	v7 =	vadd.s32 v7, v5  }
0x118: {  	v7 =	vadd.s32 $0xFFFFFFFF, v7  }
0x119: {  	v61 =	vshll.u32 v7, $0x1  }
0x11a: {  	v9 =	vld [tilespmem:s5+$0x40];
	v7 =	vand.u32 $0x3F, v7;
	v8 =	vand.u32 $0x1F80, v61  }
0x11b: {  	v62 =	vld [tilespmem:s5+$0x1040];
	v7 =	vor.u32 v7, v8  }
0x11c: {  	p0 =	sne.s32 s4, $0x1E00  }
.Ltmp6:
0x11d: {  	_ = 	snop;
	(pc) =	sbr.rel @p0 .LBB2_4-.Ltmp6, $4  }
0x11e: {  	_ = 	snop  }
0x11f: {  	v6 =	vshll.u32 v6, $0x3;
	v63 =	vmpcnt.ones.xlane vm15  }
0x120: {  	v6 =	vadd.s32 v62, v6;
	[tilespmem:v7+s22+$0x0] =	vst.idx.msk vm15, v9  }
0x121: {  	s4 =	sadd.s32 $0x140, s4;
	v5 =	vadd.s32 v5, v63;
	[tilespmem:v7+s23+$0x0] =	vst.idx.msk vm15, v6  }
0x122: {  	v6 =	vxor.u32 $0x80000000, v5  }
0x123: {  	(xrf0) =	vmax.scan.msk.u32 $0xffff, v6;
	_ =	sdelay $0x5  }
0x124: {  	v6, _, _ =	vpop (xrf0)  }
0x125: {  	(v2sf) =	vpush v6, $0xF;
	_ =	sdelay $0xe  }
0x126: {  	s5 =	spop (v2sf)  }
0x127: {  	s4 =	sshrl.u32 s5, $0x6  }
0x128: {  	s4 =	sxor.u32 $0x2000000, s4  }
0x129: {  	s7 =	sadd.s32 s4, s7  }
0x12a: {  	s7 =	sadd.s32 $0x1, s7  }
0x12b: {  	s7 =	sshrl.u32 s7, $0x1  }
0x12c: {  	p0 =	seq.s32 s7, $0x0  }
.Ltmp7:
0x12d: {  	_ = 	snop;
	(pc) =	sbr.rel @p0 .LBB2_10-.Ltmp7, $1  }
0x12e: {  	_ =	sdelay $0x3  }
0x12f: {  	s8 =	sadd.s32 $0xFFFFFFFF, s7  }
0x130: {  	p1 =	sne.s32 s8, $0x0  }
.Ltmp8:
0x131: {  	_ = 	snop;
	(pc) =	sbr.rel @!p1 .LBB2_9-.Ltmp8, $3  }
0x132: {  	_ =	sdelay $0x1  }
0x133: {  	s7 =	sshll.u32 s14, $0x7  }
0x134: {  	s14 =	sadd.s32 $0x1, s14;
	p0 =	por $0x0, $0x0;
	s10 =	sand.u32 $0x1F80, s7  }
0x135: {  	p0 =	sge.s32 s14, s4;
	s10 =	sadd.s32 $0x3800, s10  }
0x136: {  	s8 =	sadd.s32 $0xFFFFFFFF, s8;
	s15 =	sadd.s32 @!p0 $0x80, s7;
	s16 =	simm.s32 @!p0 $0x2  }
0x137: {  	[spmem:s3] =	stream.indirect.scatter.add.f32 [tilespmem:s19], [sflag:$0x2], $0x80, s10, s25, $0xb8;
	[tilespmem:$0x1A800] =	vst v63  }
0x138: {  	s11 =	simm.s32 @!p0 $0x5800;
	p1 =	sne.s32 s8, $0x0;
	s15 =	sand.u32 @!p0 $0x1F80, s15  }
.Ltmp9:
0x139: {  	s10 =	sadd.s32 @!p0 $0x3800, s15;
	s15 =	simm.s32 @!p0 $0x40;
	(pc) =	sbr.rel @!p1 .LBB2_9-.Ltmp9, $4  }
0x13a: {  	[spmem:s3] =	stream.indirect.scatter.add.f32 @!p0 [tilespmem:s11], [sflag:$0x2], $0x80, s10, s15, $0xb8;
	[tilespmem:$0x1A800] =	vst v63  }
0x13b: {  	_ =	swait.ge @!p0 [sflag:s16], $0x2000  }
0x13c: {  	s14 =	sadd.s32 $0x2, s14;
	s7 =	sadd.s32 $0x100, s7;
	[sflag:s16] =	ssyncset.done @!p0 $0x0  }
0x13d: {  	s10 =	sand.u32 $0x1F80, s7;
	[sflag:s16] =	ssyncadd.s32 @!p0 $0xFFFFE000;
	p0 =	por $0x1, $0x1  }
.LBB2_8:
0x13e: {  	s8 =	sadd.s32 $0xFFFFFFFF, s8  }
0x13f: {  	p1 =	sge.s32 s14, s4;
	_ =	swait.ge [sflag:s28], $0x2000;
	s10 =	sadd.s32 $0x3800, s10  }
0x140: {  	s11 =	sadd.s32 @!p1 $0x80, s7;
	[sflag:s28] =	ssyncset.done $0x0;
	s15 =	simm.s32 @!p1 $0x2  }
0x141: {  	s16 =	simm.s32 @!p1 $0x40;
	s11 =	sand.u32 @!p1 $0x1F80, s11;
	[sflag:s28] =	ssyncadd.s32 $0xFFFFE000  }
0x142: {  	s26 =	simm.s32 @!p1 $0x5800;
	p2 =	sne.s32 s8, $0x0;
	s11 =	sadd.s32 @!p1 $0x3800, s11  }
0x143: {  	[spmem:s3] =	stream.indirect.scatter.add.f32 [tilespmem:s19], [sflag:$0x2], $0x80, s10, s25, $0xb8;
	[tilespmem:$0x1A800] =	vst v63  }
.Ltmp10:
0x144: {  	(pc) =	sbr.rel @p2 .LBB2_8-.Ltmp10, $4  }
0x145: {  	[spmem:s3] =	stream.indirect.scatter.add.f32 @!p1 [tilespmem:s26], [sflag:$0x2], $0x80, s11, s16, $0xb8;
	[tilespmem:$0x1A800] =	vst v63  }
0x146: {  	_ =	swait.ge @!p1 [sflag:s15], $0x2000  }
0x147: {  	s7 =	sadd.s32 $0x100, s7;
	[sflag:s15] =	ssyncset.done @!p1 $0x0  }
0x148: {  	s14 =	sadd.s32 $0x2, s14;
	s10 =	sand.u32 $0x1F80, s7;
	[sflag:s15] =	ssyncadd.s32 @!p1 $0xFFFFE000  }
.Ltmp11:
0x149: {  	_ = 	snop;
	(pc) =	sbr.rel .LBB2_9-.Ltmp11, $1  }
0x14a: {  	_ =	sdelay $0x3  }
.LBB2_11:
0x14b: {  	s0 =	sxor.u32 $0x80000000, s5  }
0x14c: {  	s7 =	sadd.s32 $0x8000003F, s5;
	s14 =	sadd.s32 $0x80000010, s5;
	v4 =	vadd.s32 s0, v1  }
0x14d: {  	s8 =	sand.u32 $0xFFFFFFC0, s7;
	v6 =	vadd.s32 s14, v1;
	v5 =	vshll.u32 v4, $0x1  }
0x14e: {  	s15 =	sadd.s32 $0x80000020, s5;
	vm0 =	vlt.s32 v4, s8;
	v4 =	vand.u32 $0x3F, v4;
	v5 =	vand.u32 $0x1F80, v5  }
0x14f: {  	v7 =	vadd.s32 s15, v1;
	v4 =	vor.u32 v4, v5;
	v5 =	vshll.u32 v6, $0x1  }
0x150: {  	s16 =	sadd.s32 $0x80000030, s5;
	vm1 =	vlt.s32 v6, s8;
	v6 =	vand.u32 $0x3F, v6;
	v5 =	vand.u32 $0x1F80, v5  }
0x151: {  	v8 =	vadd.s32 s16, v1;
	v62 =	vshll.u32 v7, $0x1;
	v5 =	vor.u32 v6, v5  }
0x152: {  	s0 =	sshrl.u32 s7, $0x6;
	vm2 =	vlt.s32 v7, s8;
	v7 =	vand.u32 $0x3F, v7;
	v6 =	vand.u32 $0x1F80, v62  }
0x153: {  	v63 =	vshll.u32 v8, $0x1;
	s26 =	ssub.s32 s0, s4;
	v6 =	vor.u32 v7, v6  }
0x154: {  	vm3 =	vlt.s32 v8, s8;
	v8 =	vand.u32 $0x3F, v8;
	s5 =	sadd.s32 $0x1, s26;
	v7 =	vand.u32 $0x1F80, v63;
	[tilespmem:v4+s23+$0x0] =	vst.idx.msk vm0, v2  }
0x155: {  	s5 =	sshrl.u32 s5, $0x1;
	[tilespmem:v4+s22+$0x0] =	vst.idx.msk vm0, v3;
	v4 =	vor.u32 v8, v7  }
0x156: {  	p0 =	seq.s32 s5, $0x0;
	[tilespmem:v5+s23+$0x0] =	vst.idx.msk vm1, v2  }
.Ltmp12:
0x157: {  	[tilespmem:v5+s22+$0x0] =	vst.idx.msk vm1, v3;
	(pc) =	sbr.rel @p0 .LBB2_16-.Ltmp12, $4  }
0x158: {  	[tilespmem:v6+s23+$0x0] =	vst.idx.msk vm2, v2  }
0x159: {  	[tilespmem:v6+s22+$0x0] =	vst.idx.msk vm2, v3  }
0x15a: {  	[tilespmem:v4+s23+$0x0] =	vst.idx.msk vm3, v2  }
0x15b: {  	[tilespmem:v4+s22+$0x0] =	vst.idx.msk vm3, v3  }
0x15c: {  	s7 =	sadd.s32 $0xFFFFFFFF, s5  }
0x15d: {  	p1 =	sne.s32 s7, $0x0  }
.Ltmp13:
0x15e: {  	_ = 	snop;
	(pc) =	sbr.rel @!p1 .LBB2_15-.Ltmp13, $3  }
0x15f: {  	_ =	sdelay $0x1  }
0x160: {  	s5 =	sshll.u32 s4, $0x7  }
0x161: {  	s4 =	sadd.s32 $0x1, s4;
	p0 =	por $0x0, $0x0;
	s8 =	sand.u32 $0x1F80, s5  }
0x162: {  	p0 =	sge.s32 s4, s0;
	s8 =	sadd.s32 $0x3800, s8  }
0x163: {  	s7 =	sadd.s32 $0xFFFFFFFF, s7;
	s10 =	sadd.s32 @!p0 $0x80, s5;
	s11 =	simm.s32 @!p0 $0x2  }
0x164: {  	[spmem:s3] =	stream.indirect.scatter.add.f32 [tilespmem:s19], [sflag:$0x2], $0x80, s8, s25, $0xb8;
	[tilespmem:$0x1A800] =	vst v63  }
0x165: {  	s14 =	simm.s32 @!p0 $0x5800;
	p1 =	sne.s32 s7, $0x0;
	s10 =	sand.u32 @!p0 $0x1F80, s10  }
.Ltmp14:
0x166: {  	s8 =	sadd.s32 @!p0 $0x3800, s10;
	s10 =	simm.s32 @!p0 $0x40;
	(pc) =	sbr.rel @!p1 .LBB2_15-.Ltmp14, $4  }
0x167: {  	[spmem:s3] =	stream.indirect.scatter.add.f32 @!p0 [tilespmem:s14], [sflag:$0x2], $0x80, s8, s10, $0xb8;
	[tilespmem:$0x1A800] =	vst v63  }
0x168: {  	_ =	swait.ge @!p0 [sflag:s11], $0x2000  }
0x169: {  	s4 =	sadd.s32 $0x2, s4;
	s5 =	sadd.s32 $0x100, s5;
	[sflag:s11] =	ssyncset.done @!p0 $0x0  }
0x16a: {  	s8 =	sand.u32 $0x1F80, s5;
	[sflag:s11] =	ssyncadd.s32 @!p0 $0xFFFFE000;
	p0 =	por $0x1, $0x1  }
.LBB2_14:
0x16b: {  	s7 =	sadd.s32 $0xFFFFFFFF, s7  }
0x16c: {  	p1 =	sge.s32 s4, s0;
	_ =	swait.ge [sflag:s28], $0x2000;
	s8 =	sadd.s32 $0x3800, s8  }
0x16d: {  	s10 =	sadd.s32 @!p1 $0x80, s5;
	[sflag:s28] =	ssyncset.done $0x0;
	s11 =	simm.s32 @!p1 $0x2  }
0x16e: {  	s14 =	simm.s32 @!p1 $0x40;
	s10 =	sand.u32 @!p1 $0x1F80, s10;
	[sflag:s28] =	ssyncadd.s32 $0xFFFFE000  }
0x16f: {  	s15 =	simm.s32 @!p1 $0x5800;
	p2 =	sne.s32 s7, $0x0;
	s10 =	sadd.s32 @!p1 $0x3800, s10  }
0x170: {  	[spmem:s3] =	stream.indirect.scatter.add.f32 [tilespmem:s19], [sflag:$0x2], $0x80, s8, s25, $0xb8;
	[tilespmem:$0x1A800] =	vst v63  }
.Ltmp15:
0x171: {  	(pc) =	sbr.rel @p2 .LBB2_14-.Ltmp15, $4  }
0x172: {  	[spmem:s3] =	stream.indirect.scatter.add.f32 @!p1 [tilespmem:s15], [sflag:$0x2], $0x80, s10, s14, $0xb8;
	[tilespmem:$0x1A800] =	vst v63  }
0x173: {  	_ =	swait.ge @!p1 [sflag:s11], $0x2000  }
0x174: {  	s5 =	sadd.s32 $0x100, s5;
	[sflag:s11] =	ssyncset.done @!p1 $0x0  }
0x175: {  	s4 =	sadd.s32 $0x2, s4;
	s8 =	sand.u32 $0x1F80, s5;
	[sflag:s11] =	ssyncadd.s32 @!p1 $0xFFFFE000  }
.Ltmp16:
0x176: {  	_ = 	snop;
	(pc) =	sbr.rel .LBB2_15-.Ltmp16, $1  }
0x177: {  	_ =	sdelay $0x3  }
.LBB2_18:
0x178: {  	_ =	sfence.sel $0x180000  }
0x179: {  	[bflag:$0x0] =	sbarrier.arrive $0xFFFF  }
0x17a: {  	_ =	strace $0x90000047  }
0x17b: {  	s0 =	stileid.u32;
	[bflag:$0x2] =	sbarrier.arrive $0xFFFF  }
0x17c: {  	p0 =	sne.s32 s0, $0x0;
	s0 =	rddreg [dreg:$0x4]  }
0x17d: {  	s0 =	sadd.s32 @!p0 $0x100000, s0  }
0x17e: {  	[sflag:s0] =	ssyncadd.tile.s32 @!p0 $0x1;
	_ =	shalt  }
.Lfunc_end2:
_tile_overlayer_lowered:
.L_overlay_start_2:
0x17f: {  	(tag) =	ssettag $0x2  }
0x180: {  	s0 =	rddreg [dreg:$0x0];
	s2 =	stileid.u32  }
0x181: {  	s1 =	rddreg [dreg:$0x1];
	p0 =	sne.s32 s2, $0x0  }
0x182: {  	s3 =	rddreg [dreg:$0x2];
	[bflag:$0x3] =	sbarrier.arrive $0xFFFF;
	s2 =	simm.s32 @!p0 $0x1C03  }
0x183: {  	[timem:s3], [sflag:s2] =	dma.local @!p0 [hbm:s0], s1  }
0x184: {  	s0 =	simm.s32 @!p0 $0x3  }
0x185: {  	_ =	swait.ge @!p0 [sflag:s0], s1  }
0x186: {  	s1 =	ssub.s32 @!p0 $0x0, s1;
	[sflag:s0] =	ssyncset.done @!p0 $0x0  }
0x187: {  	[sflag:s0] =	ssyncadd.s32 @!p0 s1  }
0x188: {  	[bflag:$0x3] =	sbarrier.arrive $0xFFFF  }
0x189: {  	_ =	shalt  }

</sc_bundles>
